<compile_context>
chip_gen: v7x
topology: tpu7x:2x2x1
jax: 0.10.2.dev20260603
libtpu: 0.0.44.dev20260713+nightly
codegen_flags: <defaults>
</compile_context>

<pallas_src>
import jax
import jax.numpy as jnp
from jax import lax
from jax.experimental import pallas as pl
from jax.experimental.pallas import tpu as pltpu
from jax.experimental.pallas import tpu_sc as plsc

N = 10000
E = 320000
D = 128
H = 16
NC, NS, L = 2, 16, 16
NW = NC * NS
B = 128
KCH = 80
KMAIN = 78
NXTRA = 4
CROWS = 2500
SUP = 10
NSUP = KCH // SUP
DUMMY = N
TBL = N + 16
NP = N // 8
TP = TBL // 8
R = 10240
RP = R // 8
RPT = R // NS

_mesh = plsc.VectorSubcoreMesh(
    core_axis_name="c", subcore_axis_name="s", num_cores=NC, num_subcores=NS)


def _stage_indices(ei_hbm, src_v, dst_v, w):
    for row in (KMAIN, KMAIN + 1):
        def fill_dummy(i, carry, row=row):
            src_v[row, pl.ds(i * L, L)] = jnp.full((L,), DUMMY, jnp.int32)
            dst_v[row, pl.ds(i * L, L)] = jnp.full((L,), DUMMY, jnp.int32)
            return carry
        lax.fori_loop(0, B // L, fill_dummy, 0)
    pltpu.sync_copy(ei_hbm.at[0, pl.ds(w * KMAIN, KMAIN)],
                    src_v.at[pl.ds(0, KMAIN)])
    pltpu.sync_copy(ei_hbm.at[1, pl.ds(w * KMAIN, KMAIN)],
                    dst_v.at[pl.ds(0, KMAIN)])

    @pl.when(w < NXTRA)
    def _():
        pltpu.sync_copy(ei_hbm.at[0, CROWS - NXTRA + w], src_v.at[KMAIN])
        pltpu.sync_copy(ei_hbm.at[1, CROWS - NXTRA + w], dst_v.at[KMAIN])


def _deg_body(ei_hbm, out_hbm, dego_s, degi_s, src_v, dst_v, ones_v, zeros_v,
              sem_o, sem_i):
    c = lax.axis_index("c")
    s = lax.axis_index("s")
    w = c * NS + s

    def fill_ones(i, carry):
        ones_v[pl.ds(i * L, L)] = jnp.ones((L,), jnp.float32)
        return carry

    lax.fori_loop(0, B // L, fill_ones, 0)

    def fill_zeros(i, carry):
        zeros_v[pl.ds(i * L, L)] = jnp.zeros((L,), jnp.float32)
        return carry

    lax.fori_loop(0, RPT // L, fill_zeros, 0)
    pltpu.sync_copy(zeros_v, dego_s.at[pl.ds(s * RPT, RPT)])
    pltpu.sync_copy(zeros_v, degi_s.at[pl.ds(s * RPT, RPT)])
    _stage_indices(ei_hbm, src_v, dst_v, w)
    plsc.subcore_barrier()

    def add_src(j, carry):
        pltpu.async_copy(ones_v, dego_s.at[src_v.at[j]], sem_o, add=True)
        return carry

    lax.fori_loop(0, KCH, add_src, 0)

    def add_dst(j, carry):
        pltpu.async_copy(ones_v, degi_s.at[dst_v.at[j]], sem_i, add=True)
        return carry

    lax.fori_loop(0, KCH, add_dst, 0)

    def drain_o(j, carry):
        pltpu.make_async_copy(ones_v, dego_s.at[src_v.at[0]], sem_o).wait()
        return carry

    lax.fori_loop(0, KCH, drain_o, 0)

    def drain_i(j, carry):
        pltpu.make_async_copy(ones_v, degi_s.at[dst_v.at[0]], sem_i).wait()
        return carry

    lax.fori_loop(0, KCH, drain_i, 0)
    plsc.subcore_barrier()

    pltpu.sync_copy(dego_s.at[pl.ds(s * RPT, RPT)],
                    out_hbm.at[c, 0, pl.ds(s * RPT, RPT)])
    pltpu.sync_copy(degi_s.at[pl.ds(s * RPT, RPT)],
                    out_hbm.at[c, 1, pl.ds(s * RPT, RPT)])


_deg_kernel = pl.kernel(
    _deg_body,
    out_type=jax.ShapeDtypeStruct((NC, 2, R), jnp.float32),
    mesh=_mesh,
    scratch_types=[
        pltpu.VMEM_SHARED((R,), jnp.float32),
        pltpu.VMEM_SHARED((R,), jnp.float32),
        pltpu.VMEM((KCH, B), jnp.int32),
        pltpu.VMEM((KCH, B), jnp.int32),
        pltpu.VMEM((B,), jnp.float32),
        pltpu.VMEM((RPT,), jnp.float32),
        pltpu.SemaphoreType.DMA,
        pltpu.SemaphoreType.DMA,
    ],
    compiler_params=pltpu.CompilerParams(use_tc_tiling_on_sc=False),
)


def _edge_body(tbl_hbm, ei_hbm, out_hbm, acc_s, tbl_s, src_v, dst_v,
               buf_a, buf_b, buf_c, sem_ga, sem_gb, sem_gc,
               sem_sa, sem_sb, sem_sc):
    c = lax.axis_index("c")
    s = lax.axis_index("s")
    w = c * NS + s

    def fill_zeros(i, carry):
        buf_a[0, i, :] = jnp.zeros((L,), jnp.float32)
        return carry

    lax.fori_loop(0, B, fill_zeros, 0)
    for k in range(RPT // B):
        pltpu.sync_copy(buf_a.at[0], acc_s.at[pl.ds(s * RPT + k * B, B)])
    pltpu.sync_copy(tbl_hbm.at[pl.ds(s * (TBL // NS), TBL // NS)],
                    tbl_s.at[pl.ds(s * (TBL // NS), TBL // NS)])
    _stage_indices(ei_hbm, src_v, dst_v, w)
    plsc.subcore_barrier()

    bufs = (buf_a, buf_b, buf_c)
    gsems = (sem_ga, sem_gb, sem_gc)
    ssems = (sem_sa, sem_sb, sem_sc)

    def fire_gathers(g, buf, sem):
        def fire(i, carry):
            pltpu.async_copy(tbl_s.at[src_v.at[g * SUP + i]], buf.at[i], sem)
            return carry
        lax.fori_loop(0, SUP, fire, 0)

    def drain(descr_fn, n):
        def one(i, carry):
            descr_fn().wait()
            return carry
        lax.fori_loop(0, n, one, 0)

    def fire_scatters(g, buf, sem):
        def fire(i, carry):
            pltpu.async_copy(buf.at[i], acc_s.at[dst_v.at[g * SUP + i]], sem,
                             add=True)
            return carry
        lax.fori_loop(0, SUP, fire, 0)

    def drain_gathers(b):
        drain(lambda: pltpu.make_async_copy(
            tbl_s.at[src_v.at[0]], bufs[b].at[0], gsems[b]), SUP)

    def drain_scatters(b):
        drain(lambda: pltpu.make_async_copy(
            bufs[b].at[0], acc_s.at[dst_v.at[0]], ssems[b]), SUP)

    fire_gathers(0, bufs[0], gsems[0])
    fire_gathers(1, bufs[1], gsems[1])
    for g in range(NSUP):
        pb = g % 3
        drain_gathers(pb)
        if g + 2 < NSUP:
            nb = (g + 2) % 3
            if g >= 1:
                drain_scatters(nb)
            fire_gathers(g + 2, bufs[nb], gsems[nb])
        fire_scatters(g, bufs[pb], ssems[pb])
    for g in range(max(NSUP - 3, 0), NSUP):
        drain_scatters(g % 3)
    plsc.subcore_barrier()

    pltpu.sync_copy(acc_s.at[pl.ds(s * RPT, RPT)],
                    out_hbm.at[c, pl.ds(s * RPT, RPT)])


_edge_kernel = pl.kernel(
    _edge_body,
    out_type=jax.ShapeDtypeStruct((NC, R, H), jnp.float32),
    mesh=_mesh,
    scratch_types=[
        pltpu.VMEM_SHARED((R, H), jnp.float32),
        pltpu.VMEM_SHARED((TBL, H), jnp.float32),
        pltpu.VMEM((KCH, B), jnp.int32),
        pltpu.VMEM((KCH, B), jnp.int32),
        pltpu.VMEM((SUP, B, H), jnp.float32),
        pltpu.VMEM((SUP, B, H), jnp.float32),
        pltpu.VMEM((SUP, B, H), jnp.float32),
        pltpu.SemaphoreType.DMA,
        pltpu.SemaphoreType.DMA,
        pltpu.SemaphoreType.DMA,
        pltpu.SemaphoreType.DMA,
        pltpu.SemaphoreType.DMA,
        pltpu.SemaphoreType.DMA,
    ],
    compiler_params=pltpu.CompilerParams(use_tc_tiling_on_sc=False),
)


def _mm1_body(nf_ref, w1_ref, xw_ref):
    xw_ref[...] = jnp.dot(nf_ref[...], w1_ref[...],
                          preferred_element_type=jnp.float32)


_tc_mm1 = pl.pallas_call(
    _mm1_body,
    out_shape=jax.ShapeDtypeStruct((N, H), jnp.float32),
)


def _rep_matrix():
    ri = lax.broadcasted_iota(jnp.int32, (8, 8 * H), 0)
    ci = lax.broadcasted_iota(jnp.int32, (8, 8 * H), 1)
    return jnp.where(ri == ci // H, 1.0, 0.0).astype(jnp.float32)


def _scale1_body(xw_ref, degs_ref, t1s_ref, dego_ref, degi_ref):
    d = degs_ref[...]
    rep = _rep_matrix()
    dego8 = lax.rsqrt(jnp.clip(d[0, 0] + d[1, 0], 1.0, None))
    degi8 = lax.rsqrt(jnp.clip(d[0, 1] + d[1, 1], 1.0, None))
    dego = jnp.dot(dego8, rep, preferred_element_type=jnp.float32)
    degi = jnp.dot(degi8, rep, preferred_element_type=jnp.float32)
    dego_ref[...] = dego
    degi_ref[...] = degi
    t1s_ref[:NP, :] = xw_ref[...] * dego[:NP, :]
    t1s_ref[NP:, :] = jnp.zeros((TP - NP, 8 * H), jnp.float32)


_tc_scale1 = pl.pallas_call(
    _scale1_body,
    out_shape=(
        jax.ShapeDtypeStruct((TP, 8 * H), jnp.float32),
        jax.ShapeDtypeStruct((RP, 8 * H), jnp.float32),
        jax.ShapeDtypeStruct((RP, 8 * H), jnp.float32),
    ),
)


def _blockdiag(w_ref):
    wt = jnp.tile(w_ref[...], (8, 8))
    ri = lax.broadcasted_iota(jnp.int32, (8 * H, 8 * H), 0)
    ci = lax.broadcasted_iota(jnp.int32, (8 * H, 8 * H), 1)
    return jnp.where(ri // H == ci // H, wt, 0.0)


def _tc2_body(p_ref, degi_ref, b1_ref, w2_ref, dego_ref, h_ref, t2s_ref):
    agg = p_ref[0, :NP, :] + p_ref[1, :NP, :]
    b1t = jnp.tile(b1_ref[...], (8,))
    h = jnp.maximum(agg * degi_ref[:NP, :] + b1t[None, :], 0.0)
    h_ref[...] = h
    w2t = _blockdiag(w2_ref)
    t2 = jnp.dot(h, w2t, preferred_element_type=jnp.float32)
    t2s_ref[:NP, :] = t2 * dego_ref[:NP, :]
    t2s_ref[NP:, :] = jnp.zeros((TP - NP, 8 * H), jnp.float32)


_tc2 = pl.pallas_call(
    _tc2_body,
    out_shape=(
        jax.ShapeDtypeStruct((NP, 8 * H), jnp.float32),
        jax.ShapeDtypeStruct((TP, 8 * H), jnp.float32),
    ),
)


def _tc3_body(p_ref, degi_ref, b2_ref, out_ref):
    b2t = jnp.tile(b2_ref[...], (8,))
    x = (p_ref[0, :NP, :] + p_ref[1, :NP, :]) * degi_ref[:NP, :] + b2t[None, :]
    m = jnp.max(x, axis=1, keepdims=True)
    e = jnp.exp(x - m)
    ri = lax.broadcasted_iota(jnp.int32, (8 * H, 8 * H), 0)
    ci = lax.broadcasted_iota(jnp.int32, (8 * H, 8 * H), 1)
    g = jnp.where(ri // H == ci // H, 1.0, 0.0).astype(jnp.float32)
    ssum = jnp.dot(e, g, preferred_element_type=jnp.float32)
    out_ref[...] = (x - m) - jnp.log(ssum)


_tc3 = pl.pallas_call(
    _tc3_body,
    out_shape=jax.ShapeDtypeStruct((NP, 8 * H), jnp.float32),
)


def kernel(n_feats, edge_index, W1, b1, W2, b2):
    ei3 = edge_index.reshape(2, CROWS, B)

    degs = _deg_kernel(ei3)
    degs_p = degs.reshape(NC, 2, RP, 8)
    xw = _tc_mm1(n_feats, W1).reshape(NP, 8 * H)
    t1s, dego_p, degi_p = _tc_scale1(xw, degs_p)
    parts1 = _edge_kernel(t1s.reshape(TBL, H), ei3)
    h_p, t2s = _tc2(parts1.reshape(NC, RP, 8 * H), degi_p, b1, W2, dego_p)
    parts2 = _edge_kernel(t2s.reshape(TBL, H), ei3)
    out_p = _tc3(parts2.reshape(NC, RP, 8 * H), degi_p, b2)
    return (h_p.reshape(N, H), out_p.reshape(N, H))

# --- scband reference (transcript-rebuilt; emitter-appended) ---
"""Pipeline reference for scband-gcn-50096498541255 (READ-ONLY COPY).

The authoritative reference and input builder live on the scoring server;
editing this copy changes nothing except your own understanding.
"""

import jax, jax.numpy as jnp
import numpy as np

N_NODES = 10000
N_EDGES = 320000
D_FEAT = 128
HIDDEN = 16
NUM_CLASSES = 16


def _graph_conv(x, src, dst, W, b, n_nodes):
    # DGL GraphConv with norm='both':
    # x <- x * D_out^{-1/2}; x <- x W; agg = scatter-add over edges (src -> dst);
    # agg <- agg * D_in^{-1/2}; agg + b
    ones = jnp.ones((src.shape[0],), x.dtype)
    deg_out = jnp.clip(jnp.zeros((n_nodes,), x.dtype).at[src].add(ones), 1.0, None)
    deg_in = jnp.clip(jnp.zeros((n_nodes,), x.dtype).at[dst].add(ones), 1.0, None)
    x = x * (deg_out ** -0.5)[:, None]
    x = x @ W
    msgs = jnp.take(x, src, axis=0)
    agg = jnp.zeros((n_nodes, W.shape[1]), x.dtype).at[dst].add(msgs)
    agg = agg * (deg_in ** -0.5)[:, None]
    return agg + b


def setup_inputs(seed: int = 0) -> dict:
    key = jax.random.key(seed)
    k1, k2, k3, k4 = jax.random.split(key, 4)
    n_feats = jax.random.normal(k1, (N_NODES, D_FEAT), dtype=jnp.float32)
    edge_index = jax.random.randint(k2, (2, N_EDGES), 0, N_NODES, dtype=jnp.int32)
    W1 = jax.random.normal(k3, (D_FEAT, HIDDEN), dtype=jnp.float32) * (1.0 / np.sqrt(D_FEAT))
    b1 = jnp.zeros((HIDDEN,), dtype=jnp.float32)
    W2 = jax.random.normal(k4, (HIDDEN, NUM_CLASSES), dtype=jnp.float32) * (1.0 / np.sqrt(HIDDEN))
    b2 = jnp.zeros((NUM_CLASSES,), dtype=jnp.float32)
    return {"n_feats": n_feats, "edge_index": edge_index, "W1": W1, "b1": b1, "W2": W2, "b2": b2}


def reference(n_feats, edge_index, W1, b1, W2, b2):
    src = edge_index[0]
    dst = edge_index[1]
    n_nodes = n_feats.shape[0]
    # conv1 with ReLU activation
    h = jax.nn.relu(_graph_conv(n_feats, src, dst, W1, b1, n_nodes))
    # dropout in eval mode = identity
    x = _graph_conv(h, src, dst, W2, b2, n_nodes)
    return (h, jax.nn.log_softmax(x, axis=1))

if __name__ == "__main__":
    import jax
    _d = setup_inputs()
    print(jax.jit(kernel)(*tuple(_d.values())))

</pallas_src>

<mosaic_0001>
#map = affine_map<(d0, d1) -> (0, 0)>
#map1 = affine_map<(d0, d1) -> (0, 0, 0)>
module attributes {stable_mosaic.version = 14 : i64} {
  func.func @_edge_body(%arg0: i32, %arg1: i32, %arg2: memref<10016x16xf32, #tpu.memory_space<hbm>>, %arg3: memref<2x2500x128xi32, #tpu.memory_space<hbm>>, %arg4: memref<2x10240x16xf32, #tpu.memory_space<hbm>>, %arg5: memref<10240x16xf32, #tpu.memory_space<vmem_shared>>, %arg6: memref<10016x16xf32, #tpu.memory_space<vmem_shared>>, %arg7: memref<80x128xi32, #tpu.memory_space<vmem>>, %arg8: memref<80x128xi32, #tpu.memory_space<vmem>>, %arg9: memref<10x128x16xf32, #tpu.memory_space<vmem>>, %arg10: memref<10x128x16xf32, #tpu.memory_space<vmem>>, %arg11: memref<10x128x16xf32, #tpu.memory_space<vmem>>, %arg12: memref<!tpu.dma_semaphore, #tpu.memory_space<semaphore_mem>>, %arg13: memref<!tpu.dma_semaphore, #tpu.memory_space<semaphore_mem>>, %arg14: memref<!tpu.dma_semaphore, #tpu.memory_space<semaphore_mem>>, %arg15: memref<!tpu.dma_semaphore, #tpu.memory_space<semaphore_mem>>, %arg16: memref<!tpu.dma_semaphore, #tpu.memory_space<semaphore_mem>>, %arg17: memref<!tpu.dma_semaphore, #tpu.memory_space<semaphore_mem>>) attributes {dimension_semantics = [#tpu.dimension_semantics<core_parallel>, #tpu.dimension_semantics<subcore_parallel>], iteration_bounds = array<i64: 2, 16>, scalar_prefetch = 0 : i64, scratch_operands = 13 : i64, tpu.core_type = #tpu.core_type<sc_vector_subcore>, window_params = [{transform_indices = #map}, {transform_indices = #map1}, {transform_indices = #map1}]} {
    %mul3A = arith.constant 16 : i32
    %mul3A_0 = arith.muli %arg0, %mul3A : i32
    %add3A = arith.addi %mul3A_0, %arg1 : i32
    %scan3A = arith.constant 0 : i32
    %scan3A_1 = arith.constant 0 : i32
    %scan3A_2 = arith.constant 128 : i32
    %scan3A_3 = arith.addi %scan3A_1, %scan3A_2 : i32
    %scan3A_4 = arith.constant 1 : i32
    scf.for %scan3A_251 = %scan3A_1 to %scan3A_3 step %scan3A_4  : i32 {
      %broadcast_in_dim3A = arith.constant 0.000000e+00 : f32
      %broadcast_in_dim3A_252 = vector.broadcast %broadcast_in_dim3A : f32 to vector<16xf32>
      %swap3A = arith.constant 0 : i32
      %swap3A_253 = arith.index_cast %swap3A : i32 to index
      %swap3A_254 = arith.index_cast %scan3A_251 : i32 to index
      %swap3A_255 = arith.constant 0 : index
      %swap3A_256 = tpu.vector_load %arg9[%swap3A_253, %swap3A_254, %swap3A_255] {strides = array<i32>} : memref<10x128x16xf32, #tpu.memory_space<vmem>>, vector<1x1x16xf32>,
      %swap3A_257 = vector.shape_cast %swap3A_256 : vector<1x1x16xf32> to vector<16xf32>
      %swap3A_258 = vector.shape_cast %broadcast_in_dim3A_252 : vector<16xf32> to vector<1x1x16xf32>
      tpu.vector_store %arg9[%swap3A_253, %swap3A_254, %swap3A_255], %swap3A_258 {strides = array<i32>} : memref<10x128x16xf32, #tpu.memory_space<vmem>>, vector<1x1x16xf32>,
    }
    %scan3A_5 = arith.constant 128 : i32
    %mul3A_6 = arith.constant 640 : i32
    %mul3A_7 = arith.muli %arg1, %mul3A_6 : i32
    %add3A_8 = arith.constant 0 : i32
    %add3A_9 = arith.addi %mul3A_7, %add3A_8 : i32
    %run_scoped3A = arith.constant 0 : i32
    "tpu.region"() ({
      %run_scoped3A_251 = tpu.sem_alloc : memref<!tpu.dma_semaphore, #tpu.memory_space<semaphore_mem>>
      %dma_start3A = arith.constant 0 : i32
      %dma_start3A_252 = arith.constant 0 : i32
      %dma_start3A_253 = tpu.memref_slice %arg9[%run_scoped3A, %dma_start3A, %dma_start3A_252] : memref<10x128x16xf32, #tpu.memory_space<vmem>> -> memref<1x128x16xf32, #tpu.memory_space<vmem>>
      %dma_start3A_254 = tpu.memref_squeeze %dma_start3A_253 : memref<1x128x16xf32, #tpu.memory_space<vmem>> -> memref<128x16xf32, #tpu.memory_space<vmem>>
      %dma_start3A_255 = arith.constant 0 : i32
      %dma_start3A_256 = tpu.memref_slice %arg5[%add3A_9, %dma_start3A_255] : memref<10240x16xf32, #tpu.memory_space<vmem_shared>> -> memref<128x16xf32, #tpu.memory_space<vmem_shared>>
      %dma_start3A_257 = arith.constant 0 : i32
      %dma_start3A_258 = tpu.memref_slice %arg5[%add3A_9, %dma_start3A_257] : memref<10240x16xf32, #tpu.memory_space<vmem_shared>> -> memref<128x16xf32, #tpu.memory_space<vmem_shared>>
      %dma_start3A_259 = arith.constant 0 : i32
      %dma_start3A_260 = arith.constant 0 : i32
      %dma_start3A_261 = tpu.memref_slice %arg9[%run_scoped3A, %dma_start3A_259, %dma_start3A_260] : memref<10x128x16xf32, #tpu.memory_space<vmem>> -> memref<1x128x16xf32, #tpu.memory_space<vmem>>
      %dma_start3A_262 = tpu.memref_squeeze %dma_start3A_261 : memref<1x128x16xf32, #tpu.memory_space<vmem>> -> memref<128x16xf32, #tpu.memory_space<vmem>>
      tpu.enqueue_dma source(%dma_start3A_262 : memref<128x16xf32, #tpu.memory_space<vmem>>) target(%dma_start3A_258 : memref<128x16xf32, #tpu.memory_space<vmem_shared>>) target_semaphore(%run_scoped3A_251 : memref<!tpu.dma_semaphore, #tpu.memory_space<semaphore_mem>>)
      %dma_wait3A = arith.constant 0 : i32
      %dma_wait3A_263 = arith.constant 0 : i32
      %dma_wait3A_264 = tpu.memref_slice %arg9[%run_scoped3A, %dma_wait3A, %dma_wait3A_263] : memref<10x128x16xf32, #tpu.memory_space<vmem>> -> memref<1x128x16xf32, #tpu.memory_space<vmem>>
      %dma_wait3A_265 = tpu.memref_squeeze %dma_wait3A_264 : memref<1x128x16xf32, #tpu.memory_space<vmem>> -> memref<128x16xf32, #tpu.memory_space<vmem>>
      %dma_wait3A_266 = arith.constant 0 : i32
      %dma_wait3A_267 = tpu.memref_slice %arg5[%add3A_9, %dma_wait3A_266] : memref<10240x16xf32, #tpu.memory_space<vmem_shared>> -> memref<128x16xf32, #tpu.memory_space<vmem_shared>>
      %dma_wait3A_268 = arith.constant 0 : i32
      %dma_wait3A_269 = tpu.memref_slice %arg5[%add3A_9, %dma_wait3A_268] : memref<10240x16xf32, #tpu.memory_space<vmem_shared>> -> memref<128x16xf32, #tpu.memory_space<vmem_shared>>
      %dma_wait3A_270 = arith.constant 0 : i32
      %dma_wait3A_271 = arith.constant 0 : i32
      %dma_wait3A_272 = tpu.memref_slice %arg9[%run_scoped3A, %dma_wait3A_270, %dma_wait3A_271] : memref<10x128x16xf32, #tpu.memory_space<vmem>> -> memref<1x128x16xf32, #tpu.memory_space<vmem>>
      %dma_wait3A_273 = tpu.memref_squeeze %dma_wait3A_272 : memref<1x128x16xf32, #tpu.memory_space<vmem>> -> memref<128x16xf32, #tpu.memory_space<vmem>>
      tpu.wait_dma2 semaphore(%run_scoped3A_251 : memref<!tpu.dma_semaphore, #tpu.memory_space<semaphore_mem>>) src(%dma_wait3A_273 : memref<128x16xf32, #tpu.memory_space<vmem>>) dst(%dma_wait3A_269 : memref<128x16xf32, #tpu.memory_space<vmem_shared>>)
      tpu.yield
    }) : () -> ()
    %mul3A_10 = arith.constant 640 : i32
    %mul3A_11 = arith.muli %arg1, %mul3A_10 : i32
    %add3A_12 = arith.constant 128 : i32
    %add3A_13 = arith.addi %mul3A_11, %add3A_12 : i32
    %run_scoped3A_14 = arith.constant 0 : i32
    "tpu.region"() ({
      %run_scoped3A_251 = tpu.sem_alloc : memref<!tpu.dma_semaphore, #tpu.memory_space<semaphore_mem>>
      %dma_start3A = arith.constant 0 : i32
      %dma_start3A_252 = arith.constant 0 : i32
      %dma_start3A_253 = tpu.memref_slice %arg9[%run_scoped3A_14, %dma_start3A, %dma_start3A_252] : memref<10x128x16xf32, #tpu.memory_space<vmem>> -> memref<1x128x16xf32, #tpu.memory_space<vmem>>
      %dma_start3A_254 = tpu.memref_squeeze %dma_start3A_253 : memref<1x128x16xf32, #tpu.memory_space<vmem>> -> memref<128x16xf32, #tpu.memory_space<vmem>>
      %dma_start3A_255 = arith.constant 0 : i32
      %dma_start3A_256 = tpu.memref_slice %arg5[%add3A_13, %dma_start3A_255] : memref<10240x16xf32, #tpu.memory_space<vmem_shared>> -> memref<128x16xf32, #tpu.memory_space<vmem_shared>>
      %dma_start3A_257 = arith.constant 0 : i32
      %dma_start3A_258 = tpu.memref_slice %arg5[%add3A_13, %dma_start3A_257] : memref<10240x16xf32, #tpu.memory_space<vmem_shared>> -> memref<128x16xf32, #tpu.memory_space<vmem_shared>>
      %dma_start3A_259 = arith.constant 0 : i32
      %dma_start3A_260 = arith.constant 0 : i32
      %dma_start3A_261 = tpu.memref_slice %arg9[%run_scoped3A_14, %dma_start3A_259, %dma_start3A_260] : memref<10x128x16xf32, #tpu.memory_space<vmem>> -> memref<1x128x16xf32, #tpu.memory_space<vmem>>
      %dma_start3A_262 = tpu.memref_squeeze %dma_start3A_261 : memref<1x128x16xf32, #tpu.memory_space<vmem>> -> memref<128x16xf32, #tpu.memory_space<vmem>>
      tpu.enqueue_dma source(%dma_start3A_262 : memref<128x16xf32, #tpu.memory_space<vmem>>) target(%dma_start3A_258 : memref<128x16xf32, #tpu.memory_space<vmem_shared>>) target_semaphore(%run_scoped3A_251 : memref<!tpu.dma_semaphore, #tpu.memory_space<semaphore_mem>>)
      %dma_wait3A = arith.constant 0 : i32
      %dma_wait3A_263 = arith.constant 0 : i32
      %dma_wait3A_264 = tpu.memref_slice %arg9[%run_scoped3A_14, %dma_wait3A, %dma_wait3A_263] : memref<10x128x16xf32, #tpu.memory_space<vmem>> -> memref<1x128x16xf32, #tpu.memory_space<vmem>>
      %dma_wait3A_265 = tpu.memref_squeeze %dma_wait3A_264 : memref<1x128x16xf32, #tpu.memory_space<vmem>> -> memref<128x16xf32, #tpu.memory_space<vmem>>
      %dma_wait3A_266 = arith.constant 0 : i32
      %dma_wait3A_267 = tpu.memref_slice %arg5[%add3A_13, %dma_wait3A_266] : memref<10240x16xf32, #tpu.memory_space<vmem_shared>> -> memref<128x16xf32, #tpu.memory_space<vmem_shared>>
      %dma_wait3A_268 = arith.constant 0 : i32
      %dma_wait3A_269 = tpu.memref_slice %arg5[%add3A_13, %dma_wait3A_268] : memref<10240x16xf32, #tpu.memory_space<vmem_shared>> -> memref<128x16xf32, #tpu.memory_space<vmem_shared>>
      %dma_wait3A_270 = arith.constant 0 : i32
      %dma_wait3A_271 = arith.constant 0 : i32
      %dma_wait3A_272 = tpu.memref_slice %arg9[%run_scoped3A_14, %dma_wait3A_270, %dma_wait3A_271] : memref<10x128x16xf32, #tpu.memory_space<vmem>> -> memref<1x128x16xf32, #tpu.memory_space<vmem>>
      %dma_wait3A_273 = tpu.memref_squeeze %dma_wait3A_272 : memref<1x128x16xf32, #tpu.memory_space<vmem>> -> memref<128x16xf32, #tpu.memory_space<vmem>>
      tpu.wait_dma2 semaphore(%run_scoped3A_251 : memref<!tpu.dma_semaphore, #tpu.memory_space<semaphore_mem>>) src(%dma_wait3A_273 : memref<128x16xf32, #tpu.memory_space<vmem>>) dst(%dma_wait3A_269 : memref<128x16xf32, #tpu.memory_space<vmem_shared>>)
      tpu.yield
    }) : () -> ()
    %mul3A_15 = arith.constant 640 : i32
    %mul3A_16 = arith.muli %arg1, %mul3A_15 : i32
    %add3A_17 = arith.constant 256 : i32
    %add3A_18 = arith.addi %mul3A_16, %add3A_17 : i32
    %run_scoped3A_19 = arith.constant 0 : i32
    "tpu.region"() ({
      %run_scoped3A_251 = tpu.sem_alloc : memref<!tpu.dma_semaphore, #tpu.memory_space<semaphore_mem>>
      %dma_start3A = arith.constant 0 : i32
      %dma_start3A_252 = arith.constant 0 : i32
      %dma_start3A_253 = tpu.memref_slice %arg9[%run_scoped3A_19, %dma_start3A, %dma_start3A_252] : memref<10x128x16xf32, #tpu.memory_space<vmem>> -> memref<1x128x16xf32, #tpu.memory_space<vmem>>
      %dma_start3A_254 = tpu.memref_squeeze %dma_start3A_253 : memref<1x128x16xf32, #tpu.memory_space<vmem>> -> memref<128x16xf32, #tpu.memory_space<vmem>>
      %dma_start3A_255 = arith.constant 0 : i32
      %dma_start3A_256 = tpu.memref_slice %arg5[%add3A_18, %dma_start3A_255] : memref<10240x16xf32, #tpu.memory_space<vmem_shared>> -> memref<128x16xf32, #tpu.memory_space<vmem_shared>>
      %dma_start3A_257 = arith.constant 0 : i32
      %dma_start3A_258 = tpu.memref_slice %arg5[%add3A_18, %dma_start3A_257] : memref<10240x16xf32, #tpu.memory_space<vmem_shared>> -> memref<128x16xf32, #tpu.memory_space<vmem_shared>>
      %dma_start3A_259 = arith.constant 0 : i32
      %dma_start3A_260 = arith.constant 0 : i32
      %dma_start3A_261 = tpu.memref_slice %arg9[%run_scoped3A_19, %dma_start3A_259, %dma_start3A_260] : memref<10x128x16xf32, #tpu.memory_space<vmem>> -> memref<1x128x16xf32, #tpu.memory_space<vmem>>
      %dma_start3A_262 = tpu.memref_squeeze %dma_start3A_261 : memref<1x128x16xf32, #tpu.memory_space<vmem>> -> memref<128x16xf32, #tpu.memory_space<vmem>>
      tpu.enqueue_dma source(%dma_start3A_262 : memref<128x16xf32, #tpu.memory_space<vmem>>) target(%dma_start3A_258 : memref<128x16xf32, #tpu.memory_space<vmem_shared>>) target_semaphore(%run_scoped3A_251 : memref<!tpu.dma_semaphore, #tpu.memory_space<semaphore_mem>>)
      %dma_wait3A = arith.constant 0 : i32
      %dma_wait3A_263 = arith.constant 0 : i32
      %dma_wait3A_264 = tpu.memref_slice %arg9[%run_scoped3A_19, %dma_wait3A, %dma_wait3A_263] : memref<10x128x16xf32, #tpu.memory_space<vmem>> -> memref<1x128x16xf32, #tpu.memory_space<vmem>>
      %dma_wait3A_265 = tpu.memref_squeeze %dma_wait3A_264 : memref<1x128x16xf32, #tpu.memory_space<vmem>> -> memref<128x16xf32, #tpu.memory_space<vmem>>
      %dma_wait3A_266 = arith.constant 0 : i32
      %dma_wait3A_267 = tpu.memref_slice %arg5[%add3A_18, %dma_wait3A_266] : memref<10240x16xf32, #tpu.memory_space<vmem_shared>> -> memref<128x16xf32, #tpu.memory_space<vmem_shared>>
      %dma_wait3A_268 = arith.constant 0 : i32
      %dma_wait3A_269 = tpu.memref_slice %arg5[%add3A_18, %dma_wait3A_268] : memref<10240x16xf32, #tpu.memory_space<vmem_shared>> -> memref<128x16xf32, #tpu.memory_space<vmem_shared>>
      %dma_wait3A_270 = arith.constant 0 : i32
      %dma_wait3A_271 = arith.constant 0 : i32
      %dma_wait3A_272 = tpu.memref_slice %arg9[%run_scoped3A_19, %dma_wait3A_270, %dma_wait3A_271] : memref<10x128x16xf32, #tpu.memory_space<vmem>> -> memref<1x128x16xf32, #tpu.memory_space<vmem>>
      %dma_wait3A_273 = tpu.memref_squeeze %dma_wait3A_272 : memref<1x128x16xf32, #tpu.memory_space<vmem>> -> memref<128x16xf32, #tpu.memory_space<vmem>>
      tpu.wait_dma2 semaphore(%run_scoped3A_251 : memref<!tpu.dma_semaphore, #tpu.memory_space<semaphore_mem>>) src(%dma_wait3A_273 : memref<128x16xf32, #tpu.memory_space<vmem>>) dst(%dma_wait3A_269 : memref<128x16xf32, #tpu.memory_space<vmem_shared>>)
      tpu.yield
    }) : () -> ()
    %mul3A_20 = arith.constant 640 : i32
    %mul3A_21 = arith.muli %arg1, %mul3A_20 : i32
    %add3A_22 = arith.constant 384 : i32
    %add3A_23 = arith.addi %mul3A_21, %add3A_22 : i32
    %run_scoped3A_24 = arith.constant 0 : i32
    "tpu.region"() ({
      %run_scoped3A_251 = tpu.sem_alloc : memref<!tpu.dma_semaphore, #tpu.memory_space<semaphore_mem>>
      %dma_start3A = arith.constant 0 : i32
      %dma_start3A_252 = arith.constant 0 : i32
      %dma_start3A_253 = tpu.memref_slice %arg9[%run_scoped3A_24, %dma_start3A, %dma_start3A_252] : memref<10x128x16xf32, #tpu.memory_space<vmem>> -> memref<1x128x16xf32, #tpu.memory_space<vmem>>
      %dma_start3A_254 = tpu.memref_squeeze %dma_start3A_253 : memref<1x128x16xf32, #tpu.memory_space<vmem>> -> memref<128x16xf32, #tpu.memory_space<vmem>>
      %dma_start3A_255 = arith.constant 0 : i32
      %dma_start3A_256 = tpu.memref_slice %arg5[%add3A_23, %dma_start3A_255] : memref<10240x16xf32, #tpu.memory_space<vmem_shared>> -> memref<128x16xf32, #tpu.memory_space<vmem_shared>>
      %dma_start3A_257 = arith.constant 0 : i32
      %dma_start3A_258 = tpu.memref_slice %arg5[%add3A_23, %dma_start3A_257] : memref<10240x16xf32, #tpu.memory_space<vmem_shared>> -> memref<128x16xf32, #tpu.memory_space<vmem_shared>>
      %dma_start3A_259 = arith.constant 0 : i32
      %dma_start3A_260 = arith.constant 0 : i32
      %dma_start3A_261 = tpu.memref_slice %arg9[%run_scoped3A_24, %dma_start3A_259, %dma_start3A_260] : memref<10x128x16xf32, #tpu.memory_space<vmem>> -> memref<1x128x16xf32, #tpu.memory_space<vmem>>
      %dma_start3A_262 = tpu.memref_squeeze %dma_start3A_261 : memref<1x128x16xf32, #tpu.memory_space<vmem>> -> memref<128x16xf32, #tpu.memory_space<vmem>>
      tpu.enqueue_dma source(%dma_start3A_262 : memref<128x16xf32, #tpu.memory_space<vmem>>) target(%dma_start3A_258 : memref<128x16xf32, #tpu.memory_space<vmem_shared>>) target_semaphore(%run_scoped3A_251 : memref<!tpu.dma_semaphore, #tpu.memory_space<semaphore_mem>>)
      %dma_wait3A = arith.constant 0 : i32
      %dma_wait3A_263 = arith.constant 0 : i32
      %dma_wait3A_264 = tpu.memref_slice %arg9[%run_scoped3A_24, %dma_wait3A, %dma_wait3A_263] : memref<10x128x16xf32, #tpu.memory_space<vmem>> -> memref<1x128x16xf32, #tpu.memory_space<vmem>>
      %dma_wait3A_265 = tpu.memref_squeeze %dma_wait3A_264 : memref<1x128x16xf32, #tpu.memory_space<vmem>> -> memref<128x16xf32, #tpu.memory_space<vmem>>
      %dma_wait3A_266 = arith.constant 0 : i32
      %dma_wait3A_267 = tpu.memref_slice %arg5[%add3A_23, %dma_wait3A_266] : memref<10240x16xf32, #tpu.memory_space<vmem_shared>> -> memref<128x16xf32, #tpu.memory_space<vmem_shared>>
      %dma_wait3A_268 = arith.constant 0 : i32
      %dma_wait3A_269 = tpu.memref_slice %arg5[%add3A_23, %dma_wait3A_268] : memref<10240x16xf32, #tpu.memory_space<vmem_shared>> -> memref<128x16xf32, #tpu.memory_space<vmem_shared>>
      %dma_wait3A_270 = arith.constant 0 : i32
      %dma_wait3A_271 = arith.constant 0 : i32
      %dma_wait3A_272 = tpu.memref_slice %arg9[%run_scoped3A_24, %dma_wait3A_270, %dma_wait3A_271] : memref<10x128x16xf32, #tpu.memory_space<vmem>> -> memref<1x128x16xf32, #tpu.memory_space<vmem>>
      %dma_wait3A_273 = tpu.memref_squeeze %dma_wait3A_272 : memref<1x128x16xf32, #tpu.memory_space<vmem>> -> memref<128x16xf32, #tpu.memory_space<vmem>>
      tpu.wait_dma2 semaphore(%run_scoped3A_251 : memref<!tpu.dma_semaphore, #tpu.memory_space<semaphore_mem>>) src(%dma_wait3A_273 : memref<128x16xf32, #tpu.memory_space<vmem>>) dst(%dma_wait3A_269 : memref<128x16xf32, #tpu.memory_space<vmem_shared>>)
      tpu.yield
    }) : () -> ()
    %mul3A_25 = arith.constant 640 : i32
    %mul3A_26 = arith.muli %arg1, %mul3A_25 : i32
    %add3A_27 = arith.constant 512 : i32
    %add3A_28 = arith.addi %mul3A_26, %add3A_27 : i32
    %run_scoped3A_29 = arith.constant 0 : i32
    "tpu.region"() ({
      %run_scoped3A_251 = tpu.sem_alloc : memref<!tpu.dma_semaphore, #tpu.memory_space<semaphore_mem>>
      %dma_start3A = arith.constant 0 : i32
      %dma_start3A_252 = arith.constant 0 : i32
      %dma_start3A_253 = tpu.memref_slice %arg9[%run_scoped3A_29, %dma_start3A, %dma_start3A_252] : memref<10x128x16xf32, #tpu.memory_space<vmem>> -> memref<1x128x16xf32, #tpu.memory_space<vmem>>
      %dma_start3A_254 = tpu.memref_squeeze %dma_start3A_253 : memref<1x128x16xf32, #tpu.memory_space<vmem>> -> memref<128x16xf32, #tpu.memory_space<vmem>>
      %dma_start3A_255 = arith.constant 0 : i32
      %dma_start3A_256 = tpu.memref_slice %arg5[%add3A_28, %dma_start3A_255] : memref<10240x16xf32, #tpu.memory_space<vmem_shared>> -> memref<128x16xf32, #tpu.memory_space<vmem_shared>>
      %dma_start3A_257 = arith.constant 0 : i32
      %dma_start3A_258 = tpu.memref_slice %arg5[%add3A_28, %dma_start3A_257] : memref<10240x16xf32, #tpu.memory_space<vmem_shared>> -> memref<128x16xf32, #tpu.memory_space<vmem_shared>>
      %dma_start3A_259 = arith.constant 0 : i32
      %dma_start3A_260 = arith.constant 0 : i32
      %dma_start3A_261 = tpu.memref_slice %arg9[%run_scoped3A_29, %dma_start3A_259, %dma_start3A_260] : memref<10x128x16xf32, #tpu.memory_space<vmem>> -> memref<1x128x16xf32, #tpu.memory_space<vmem>>
      %dma_start3A_262 = tpu.memref_squeeze %dma_start3A_261 : memref<1x128x16xf32, #tpu.memory_space<vmem>> -> memref<128x16xf32, #tpu.memory_space<vmem>>
      tpu.enqueue_dma source(%dma_start3A_262 : memref<128x16xf32, #tpu.memory_space<vmem>>) target(%dma_start3A_258 : memref<128x16xf32, #tpu.memory_space<vmem_shared>>) target_semaphore(%run_scoped3A_251 : memref<!tpu.dma_semaphore, #tpu.memory_space<semaphore_mem>>)
      %dma_wait3A = arith.constant 0 : i32
      %dma_wait3A_263 = arith.constant 0 : i32
      %dma_wait3A_264 = tpu.memref_slice %arg9[%run_scoped3A_29, %dma_wait3A, %dma_wait3A_263] : memref<10x128x16xf32, #tpu.memory_space<vmem>> -> memref<1x128x16xf32, #tpu.memory_space<vmem>>
      %dma_wait3A_265 = tpu.memref_squeeze %dma_wait3A_264 : memref<1x128x16xf32, #tpu.memory_space<vmem>> -> memref<128x16xf32, #tpu.memory_space<vmem>>
      %dma_wait3A_266 = arith.constant 0 : i32
      %dma_wait3A_267 = tpu.memref_slice %arg5[%add3A_28, %dma_wait3A_266] : memref<10240x16xf32, #tpu.memory_space<vmem_shared>> -> memref<128x16xf32, #tpu.memory_space<vmem_shared>>
      %dma_wait3A_268 = arith.constant 0 : i32
      %dma_wait3A_269 = tpu.memref_slice %arg5[%add3A_28, %dma_wait3A_268] : memref<10240x16xf32, #tpu.memory_space<vmem_shared>> -> memref<128x16xf32, #tpu.memory_space<vmem_shared>>
      %dma_wait3A_270 = arith.constant 0 : i32
      %dma_wait3A_271 = arith.constant 0 : i32
      %dma_wait3A_272 = tpu.memref_slice %arg9[%run_scoped3A_29, %dma_wait3A_270, %dma_wait3A_271] : memref<10x128x16xf32, #tpu.memory_space<vmem>> -> memref<1x128x16xf32, #tpu.memory_space<vmem>>
      %dma_wait3A_273 = tpu.memref_squeeze %dma_wait3A_272 : memref<1x128x16xf32, #tpu.memory_space<vmem>> -> memref<128x16xf32, #tpu.memory_space<vmem>>
      tpu.wait_dma2 semaphore(%run_scoped3A_251 : memref<!tpu.dma_semaphore, #tpu.memory_space<semaphore_mem>>) src(%dma_wait3A_273 : memref<128x16xf32, #tpu.memory_space<vmem>>) dst(%dma_wait3A_269 : memref<128x16xf32, #tpu.memory_space<vmem_shared>>)
      tpu.yield
    }) : () -> ()
    %mul3A_30 = arith.constant 626 : i32
    %mul3A_31 = arith.muli %arg1, %mul3A_30 : i32
    %mul3A_32 = arith.constant 626 : i32
    %mul3A_33 = arith.muli %arg1, %mul3A_32 : i32
    "tpu.region"() ({
      %run_scoped3A_251 = tpu.sem_alloc : memref<!tpu.dma_semaphore, #tpu.memory_space<semaphore_mem>>
      %dma_start3A = arith.constant 0 : i32
      %dma_start3A_252 = tpu.memref_slice %arg6[%mul3A_33, %dma_start3A] : memref<10016x16xf32, #tpu.memory_space<vmem_shared>> -> memref<626x16xf32, #tpu.memory_space<vmem_shared>>
      %dma_start3A_253 = arith.constant 0 : i32
      %dma_start3A_254 = tpu.memref_slice %arg2[%mul3A_31, %dma_start3A_253] : memref<10016x16xf32, #tpu.memory_space<hbm>> -> memref<626x16xf32, #tpu.memory_space<hbm>>
      tpu.enqueue_dma source(%dma_start3A_254 : memref<626x16xf32, #tpu.memory_space<hbm>>) target(%dma_start3A_252 : memref<626x16xf32, #tpu.memory_space<vmem_shared>>) target_semaphore(%run_scoped3A_251 : memref<!tpu.dma_semaphore, #tpu.memory_space<semaphore_mem>>)
      %dma_wait3A = arith.constant 0 : i32
      %dma_wait3A_255 = tpu.memref_slice %arg6[%mul3A_33, %dma_wait3A] : memref<10016x16xf32, #tpu.memory_space<vmem_shared>> -> memref<626x16xf32, #tpu.memory_space<vmem_shared>>
      %dma_wait3A_256 = arith.constant 0 : i32
      %dma_wait3A_257 = tpu.memref_slice %arg2[%mul3A_31, %dma_wait3A_256] : memref<10016x16xf32, #tpu.memory_space<hbm>> -> memref<626x16xf32, #tpu.memory_space<hbm>>
      tpu.wait_dma2 semaphore(%run_scoped3A_251 : memref<!tpu.dma_semaphore, #tpu.memory_space<semaphore_mem>>) src(%dma_wait3A_257 : memref<626x16xf32, #tpu.memory_space<hbm>>) dst(%dma_wait3A_255 : memref<626x16xf32, #tpu.memory_space<vmem_shared>>)
      tpu.yield
    }) : () -> ()
    %scan3A_34 = arith.constant 0 : i32
    %scan3A_35 = arith.constant 0 : i32
    %scan3A_36 = arith.constant 8 : i32
    %scan3A_37 = arith.addi %scan3A_35, %scan3A_36 : i32
    %scan3A_38 = arith.constant 1 : i32
    scf.for %scan3A_251 = %scan3A_35 to %scan3A_37 step %scan3A_38  : i32 {
      %broadcast_in_dim3A = arith.constant 10000 : i32
      %broadcast_in_dim3A_252 = vector.broadcast %broadcast_in_dim3A : i32 to vector<16xi32>
      %mul3A_253 = arith.constant 16 : i32
      %mul3A_254 = arith.muli %scan3A_251, %mul3A_253 : i32
      %swap3A = arith.constant 78 : i32
      %swap3A_255 = arith.index_cast %swap3A : i32 to index
      %swap3A_256 = arith.index_cast %mul3A_254 : i32 to index
      %swap3A_257 = tpu.vector_load %arg7[%swap3A_255, %swap3A_256] {strides = array<i32>} : memref<80x128xi32, #tpu.memory_space<vmem>>, vector<1x16xi32>,
      %swap3A_258 = vector.shape_cast %swap3A_257 : vector<1x16xi32> to vector<16xi32>
      %swap3A_259 = vector.shape_cast %broadcast_in_dim3A_252 : vector<16xi32> to vector<1x16xi32>
      tpu.vector_store %arg7[%swap3A_255, %swap3A_256], %swap3A_259 {strides = array<i32>} : memref<80x128xi32, #tpu.memory_space<vmem>>, vector<1x16xi32>,
      %broadcast_in_dim3A_260 = arith.constant 10000 : i32
      %broadcast_in_dim3A_261 = vector.broadcast %broadcast_in_dim3A_260 : i32 to vector<16xi32>
      %mul3A_262 = arith.constant 16 : i32
      %mul3A_263 = arith.muli %scan3A_251, %mul3A_262 : i32
      %swap3A_264 = arith.constant 78 : i32
      %swap3A_265 = arith.index_cast %swap3A_264 : i32 to index
      %swap3A_266 = arith.index_cast %mul3A_263 : i32 to index
      %swap3A_267 = tpu.vector_load %arg8[%swap3A_265, %swap3A_266] {strides = array<i32>} : memref<80x128xi32, #tpu.memory_space<vmem>>, vector<1x16xi32>,
      %swap3A_268 = vector.shape_cast %swap3A_267 : vector<1x16xi32> to vector<16xi32>
      %swap3A_269 = vector.shape_cast %broadcast_in_dim3A_261 : vector<16xi32> to vector<1x16xi32>
      tpu.vector_store %arg8[%swap3A_265, %swap3A_266], %swap3A_269 {strides = array<i32>} : memref<80x128xi32, #tpu.memory_space<vmem>>, vector<1x16xi32>,
    }
    %scan3A_39 = arith.constant 8 : i32
    %scan3A_40 = arith.constant 0 : i32
    %scan3A_41 = arith.constant 0 : i32
    %scan3A_42 = arith.constant 8 : i32
    %scan3A_43 = arith.addi %scan3A_41, %scan3A_42 : i32
    %scan3A_44 = arith.constant 1 : i32
    scf.for %scan3A_251 = %scan3A_41 to %scan3A_43 step %scan3A_44  : i32 {
      %broadcast_in_dim3A = arith.constant 10000 : i32
      %broadcast_in_dim3A_252 = vector.broadcast %broadcast_in_dim3A : i32 to vector<16xi32>
      %mul3A_253 = arith.constant 16 : i32
      %mul3A_254 = arith.muli %scan3A_251, %mul3A_253 : i32
      %swap3A = arith.constant 79 : i32
      %swap3A_255 = arith.index_cast %swap3A : i32 to index
      %swap3A_256 = arith.index_cast %mul3A_254 : i32 to index
      %swap3A_257 = tpu.vector_load %arg7[%swap3A_255, %swap3A_256] {strides = array<i32>} : memref<80x128xi32, #tpu.memory_space<vmem>>, vector<1x16xi32>,
      %swap3A_258 = vector.shape_cast %swap3A_257 : vector<1x16xi32> to vector<16xi32>
      %swap3A_259 = vector.shape_cast %broadcast_in_dim3A_252 : vector<16xi32> to vector<1x16xi32>
      tpu.vector_store %arg7[%swap3A_255, %swap3A_256], %swap3A_259 {strides = array<i32>} : memref<80x128xi32, #tpu.memory_space<vmem>>, vector<1x16xi32>,
      %broadcast_in_dim3A_260 = arith.constant 10000 : i32
      %broadcast_in_dim3A_261 = vector.broadcast %broadcast_in_dim3A_260 : i32 to vector<16xi32>
      %mul3A_262 = arith.constant 16 : i32
      %mul3A_263 = arith.muli %scan3A_251, %mul3A_262 : i32
      %swap3A_264 = arith.constant 79 : i32
      %swap3A_265 = arith.index_cast %swap3A_264 : i32 to index
      %swap3A_266 = arith.index_cast %mul3A_263 : i32 to index
      %swap3A_267 = tpu.vector_load %arg8[%swap3A_265, %swap3A_266] {strides = array<i32>} : memref<80x128xi32, #tpu.memory_space<vmem>>, vector<1x16xi32>,
      %swap3A_268 = vector.shape_cast %swap3A_267 : vector<1x16xi32> to vector<16xi32>
      %swap3A_269 = vector.shape_cast %broadcast_in_dim3A_261 : vector<16xi32> to vector<1x16xi32>
      tpu.vector_store %arg8[%swap3A_265, %swap3A_266], %swap3A_269 {strides = array<i32>} : memref<80x128xi32, #tpu.memory_space<vmem>>, vector<1x16xi32>,
    }
    %scan3A_45 = arith.constant 8 : i32
    %mul3A_46 = arith.constant 78 : i32
    %mul3A_47 = arith.muli %add3A, %mul3A_46 : i32
    %run_scoped3A_48 = arith.constant 0 : i32
    "tpu.region"() ({
      %run_scoped3A_251 = tpu.sem_alloc : memref<!tpu.dma_semaphore, #tpu.memory_space<semaphore_mem>>
      %dma_start3A = arith.constant 0 : i32
      %dma_start3A_252 = arith.constant 0 : i32
      %dma_start3A_253 = tpu.memref_slice %arg7[%dma_start3A, %dma_start3A_252] : memref<80x128xi32, #tpu.memory_space<vmem>> -> memref<78x128xi32, #tpu.memory_space<vmem>>
      %dma_start3A_254 = arith.constant 0 : i32
      %dma_start3A_255 = tpu.memref_slice %arg3[%run_scoped3A_48, %mul3A_47, %dma_start3A_254] : memref<2x2500x128xi32, #tpu.memory_space<hbm>> -> memref<1x78x128xi32, #tpu.memory_space<hbm>>
      %dma_start3A_256 = tpu.memref_squeeze %dma_start3A_255 : memref<1x78x128xi32, #tpu.memory_space<hbm>> -> memref<78x128xi32, #tpu.memory_space<hbm>>
      %dma_start3A_257 = arith.constant 0 : i32
      %dma_start3A_258 = arith.constant 0 : i32
      %dma_start3A_259 = tpu.memref_slice %arg7[%dma_start3A_257, %dma_start3A_258] : memref<80x128xi32, #tpu.memory_space<vmem>> -> memref<78x128xi32, #tpu.memory_space<vmem>>
      %dma_start3A_260 = arith.constant 0 : i32
      %dma_start3A_261 = tpu.memref_slice %arg3[%run_scoped3A_48, %mul3A_47, %dma_start3A_260] : memref<2x2500x128xi32, #tpu.memory_space<hbm>> -> memref<1x78x128xi32, #tpu.memory_space<hbm>>
      %dma_start3A_262 = tpu.memref_squeeze %dma_start3A_261 : memref<1x78x128xi32, #tpu.memory_space<hbm>> -> memref<78x128xi32, #tpu.memory_space<hbm>>
      tpu.enqueue_dma source(%dma_start3A_262 : memref<78x128xi32, #tpu.memory_space<hbm>>) target(%dma_start3A_259 : memref<78x128xi32, #tpu.memory_space<vmem>>) target_semaphore(%run_scoped3A_251 : memref<!tpu.dma_semaphore, #tpu.memory_space<semaphore_mem>>)
      %dma_wait3A = arith.constant 0 : i32
      %dma_wait3A_263 = arith.constant 0 : i32
      %dma_wait3A_264 = tpu.memref_slice %arg7[%dma_wait3A, %dma_wait3A_263] : memref<80x128xi32, #tpu.memory_space<vmem>> -> memref<78x128xi32, #tpu.memory_space<vmem>>
      %dma_wait3A_265 = arith.constant 0 : i32
      %dma_wait3A_266 = tpu.memref_slice %arg3[%run_scoped3A_48, %mul3A_47, %dma_wait3A_265] : memref<2x2500x128xi32, #tpu.memory_space<hbm>> -> memref<1x78x128xi32, #tpu.memory_space<hbm>>
      %dma_wait3A_267 = tpu.memref_squeeze %dma_wait3A_266 : memref<1x78x128xi32, #tpu.memory_space<hbm>> -> memref<78x128xi32, #tpu.memory_space<hbm>>
      %dma_wait3A_268 = arith.constant 0 : i32
      %dma_wait3A_269 = arith.constant 0 : i32
      %dma_wait3A_270 = tpu.memref_slice %arg7[%dma_wait3A_268, %dma_wait3A_269] : memref<80x128xi32, #tpu.memory_space<vmem>> -> memref<78x128xi32, #tpu.memory_space<vmem>>
      %dma_wait3A_271 = arith.constant 0 : i32
      %dma_wait3A_272 = tpu.memref_slice %arg3[%run_scoped3A_48, %mul3A_47, %dma_wait3A_271] : memref<2x2500x128xi32, #tpu.memory_space<hbm>> -> memref<1x78x128xi32, #tpu.memory_space<hbm>>
      %dma_wait3A_273 = tpu.memref_squeeze %dma_wait3A_272 : memref<1x78x128xi32, #tpu.memory_space<hbm>> -> memref<78x128xi32, #tpu.memory_space<hbm>>
      tpu.wait_dma2 semaphore(%run_scoped3A_251 : memref<!tpu.dma_semaphore, #tpu.memory_space<semaphore_mem>>) src(%dma_wait3A_273 : memref<78x128xi32, #tpu.memory_space<hbm>>) dst(%dma_wait3A_270 : memref<78x128xi32, #tpu.memory_space<vmem>>)
      tpu.yield
    }) : () -> ()
    %mul3A_49 = arith.constant 78 : i32
    %mul3A_50 = arith.muli %add3A, %mul3A_49 : i32
    %run_scoped3A_51 = arith.constant 1 : i32
    "tpu.region"() ({
      %run_scoped3A_251 = tpu.sem_alloc : memref<!tpu.dma_semaphore, #tpu.memory_space<semaphore_mem>>
      %dma_start3A = arith.constant 0 : i32
      %dma_start3A_252 = arith.constant 0 : i32
      %dma_start3A_253 = tpu.memref_slice %arg8[%dma_start3A, %dma_start3A_252] : memref<80x128xi32, #tpu.memory_space<vmem>> -> memref<78x128xi32, #tpu.memory_space<vmem>>
      %dma_start3A_254 = arith.constant 0 : i32
      %dma_start3A_255 = tpu.memref_slice %arg3[%run_scoped3A_51, %mul3A_50, %dma_start3A_254] : memref<2x2500x128xi32, #tpu.memory_space<hbm>> -> memref<1x78x128xi32, #tpu.memory_space<hbm>>
      %dma_start3A_256 = tpu.memref_squeeze %dma_start3A_255 : memref<1x78x128xi32, #tpu.memory_space<hbm>> -> memref<78x128xi32, #tpu.memory_space<hbm>>
      %dma_start3A_257 = arith.constant 0 : i32
      %dma_start3A_258 = arith.constant 0 : i32
      %dma_start3A_259 = tpu.memref_slice %arg8[%dma_start3A_257, %dma_start3A_258] : memref<80x128xi32, #tpu.memory_space<vmem>> -> memref<78x128xi32, #tpu.memory_space<vmem>>
      %dma_start3A_260 = arith.constant 0 : i32
      %dma_start3A_261 = tpu.memref_slice %arg3[%run_scoped3A_51, %mul3A_50, %dma_start3A_260] : memref<2x2500x128xi32, #tpu.memory_space<hbm>> -> memref<1x78x128xi32, #tpu.memory_space<hbm>>
      %dma_start3A_262 = tpu.memref_squeeze %dma_start3A_261 : memref<1x78x128xi32, #tpu.memory_space<hbm>> -> memref<78x128xi32, #tpu.memory_space<hbm>>
      tpu.enqueue_dma source(%dma_start3A_262 : memref<78x128xi32, #tpu.memory_space<hbm>>) target(%dma_start3A_259 : memref<78x128xi32, #tpu.memory_space<vmem>>) target_semaphore(%run_scoped3A_251 : memref<!tpu.dma_semaphore, #tpu.memory_space<semaphore_mem>>)
      %dma_wait3A = arith.constant 0 : i32
      %dma_wait3A_263 = arith.constant 0 : i32
      %dma_wait3A_264 = tpu.memref_slice %arg8[%dma_wait3A, %dma_wait3A_263] : memref<80x128xi32, #tpu.memory_space<vmem>> -> memref<78x128xi32, #tpu.memory_space<vmem>>
      %dma_wait3A_265 = arith.constant 0 : i32
      %dma_wait3A_266 = tpu.memref_slice %arg3[%run_scoped3A_51, %mul3A_50, %dma_wait3A_265] : memref<2x2500x128xi32, #tpu.memory_space<hbm>> -> memref<1x78x128xi32, #tpu.memory_space<hbm>>
      %dma_wait3A_267 = tpu.memref_squeeze %dma_wait3A_266 : memref<1x78x128xi32, #tpu.memory_space<hbm>> -> memref<78x128xi32, #tpu.memory_space<hbm>>
      %dma_wait3A_268 = arith.constant 0 : i32
      %dma_wait3A_269 = arith.constant 0 : i32
      %dma_wait3A_270 = tpu.memref_slice %arg8[%dma_wait3A_268, %dma_wait3A_269] : memref<80x128xi32, #tpu.memory_space<vmem>> -> memref<78x128xi32, #tpu.memory_space<vmem>>
      %dma_wait3A_271 = arith.constant 0 : i32
      %dma_wait3A_272 = tpu.memref_slice %arg3[%run_scoped3A_51, %mul3A_50, %dma_wait3A_271] : memref<2x2500x128xi32, #tpu.memory_space<hbm>> -> memref<1x78x128xi32, #tpu.memory_space<hbm>>
      %dma_wait3A_273 = tpu.memref_squeeze %dma_wait3A_272 : memref<1x78x128xi32, #tpu.memory_space<hbm>> -> memref<78x128xi32, #tpu.memory_space<hbm>>
      tpu.wait_dma2 semaphore(%run_scoped3A_251 : memref<!tpu.dma_semaphore, #tpu.memory_space<semaphore_mem>>) src(%dma_wait3A_273 : memref<78x128xi32, #tpu.memory_space<hbm>>) dst(%dma_wait3A_270 : memref<78x128xi32, #tpu.memory_space<vmem>>)
      tpu.yield
    }) : () -> ()
    %lt3A = arith.constant 4 : i32
    %lt3A_52 = arith.cmpi slt, %add3A, %lt3A : i32
    %convert_element_type3A = arith.extui %lt3A_52 : i1 to i32
    %cond3A = arith.constant 0 : i32
    %cond3A_53 = arith.cmpi ne, %convert_element_type3A, %cond3A : i32
    scf.if %cond3A_53 {
      %add3A_251 = arith.constant 2496 : i32
      %add3A_252 = arith.addi %add3A_251, %add3A : i32
      %run_scoped3A_253 = arith.constant 0 : i32
      %run_scoped3A_254 = arith.constant 78 : i32
      "tpu.region"() ({
        %run_scoped3A_259 = tpu.sem_alloc : memref<!tpu.dma_semaphore, #tpu.memory_space<semaphore_mem>>
        %dma_start3A = arith.constant 0 : i32
        %dma_start3A_260 = tpu.memref_slice %arg7[%run_scoped3A_254, %dma_start3A] : memref<80x128xi32, #tpu.memory_space<vmem>> -> memref<1x128xi32, #tpu.memory_space<vmem>>
        %dma_start3A_261 = tpu.memref_squeeze %dma_start3A_260 : memref<1x128xi32, #tpu.memory_space<vmem>> -> memref<128xi32, #tpu.memory_space<vmem>>
        %dma_start3A_262 = arith.constant 0 : i32
        %dma_start3A_263 = tpu.memref_slice %arg3[%run_scoped3A_253, %add3A_252, %dma_start3A_262] : memref<2x2500x128xi32, #tpu.memory_space<hbm>> -> memref<1x1x128xi32, #tpu.memory_space<hbm>>
        %dma_start3A_264 = tpu.memref_squeeze %dma_start3A_263 : memref<1x1x128xi32, #tpu.memory_space<hbm>> -> memref<128xi32, #tpu.memory_space<hbm>>
        %dma_start3A_265 = arith.constant 0 : i32
        %dma_start3A_266 = tpu.memref_slice %arg7[%run_scoped3A_254, %dma_start3A_265] : memref<80x128xi32, #tpu.memory_space<vmem>> -> memref<1x128xi32, #tpu.memory_space<vmem>>
        %dma_start3A_267 = tpu.memref_squeeze %dma_start3A_266 : memref<1x128xi32, #tpu.memory_space<vmem>> -> memref<128xi32, #tpu.memory_space<vmem>>
        %dma_start3A_268 = arith.constant 0 : i32
        %dma_start3A_269 = tpu.memref_slice %arg3[%run_scoped3A_253, %add3A_252, %dma_start3A_268] : memref<2x2500x128xi32, #tpu.memory_space<hbm>> -> memref<1x1x128xi32, #tpu.memory_space<hbm>>
        %dma_start3A_270 = tpu.memref_squeeze %dma_start3A_269 : memref<1x1x128xi32, #tpu.memory_space<hbm>> -> memref<128xi32, #tpu.memory_space<hbm>>
        tpu.enqueue_dma source(%dma_start3A_270 : memref<128xi32, #tpu.memory_space<hbm>>) target(%dma_start3A_267 : memref<128xi32, #tpu.memory_space<vmem>>) target_semaphore(%run_scoped3A_259 : memref<!tpu.dma_semaphore, #tpu.memory_space<semaphore_mem>>)
        %dma_wait3A = arith.constant 0 : i32
        %dma_wait3A_271 = tpu.memref_slice %arg7[%run_scoped3A_254, %dma_wait3A] : memref<80x128xi32, #tpu.memory_space<vmem>> -> memref<1x128xi32, #tpu.memory_space<vmem>>
        %dma_wait3A_272 = tpu.memref_squeeze %dma_wait3A_271 : memref<1x128xi32, #tpu.memory_space<vmem>> -> memref<128xi32, #tpu.memory_space<vmem>>
        %dma_wait3A_273 = arith.constant 0 : i32
        %dma_wait3A_274 = tpu.memref_slice %arg3[%run_scoped3A_253, %add3A_252, %dma_wait3A_273] : memref<2x2500x128xi32, #tpu.memory_space<hbm>> -> memref<1x1x128xi32, #tpu.memory_space<hbm>>
        %dma_wait3A_275 = tpu.memref_squeeze %dma_wait3A_274 : memref<1x1x128xi32, #tpu.memory_space<hbm>> -> memref<128xi32, #tpu.memory_space<hbm>>
        %dma_wait3A_276 = arith.constant 0 : i32
        %dma_wait3A_277 = tpu.memref_slice %arg7[%run_scoped3A_254, %dma_wait3A_276] : memref<80x128xi32, #tpu.memory_space<vmem>> -> memref<1x128xi32, #tpu.memory_space<vmem>>
        %dma_wait3A_278 = tpu.memref_squeeze %dma_wait3A_277 : memref<1x128xi32, #tpu.memory_space<vmem>> -> memref<128xi32, #tpu.memory_space<vmem>>
        %dma_wait3A_279 = arith.constant 0 : i32
        %dma_wait3A_280 = tpu.memref_slice %arg3[%run_scoped3A_253, %add3A_252, %dma_wait3A_279] : memref<2x2500x128xi32, #tpu.memory_space<hbm>> -> memref<1x1x128xi32, #tpu.memory_space<hbm>>
        %dma_wait3A_281 = tpu.memref_squeeze %dma_wait3A_280 : memref<1x1x128xi32, #tpu.memory_space<hbm>> -> memref<128xi32, #tpu.memory_space<hbm>>
        tpu.wait_dma2 semaphore(%run_scoped3A_259 : memref<!tpu.dma_semaphore, #tpu.memory_space<semaphore_mem>>) src(%dma_wait3A_281 : memref<128xi32, #tpu.memory_space<hbm>>) dst(%dma_wait3A_278 : memref<128xi32, #tpu.memory_space<vmem>>)
        tpu.yield
      }) : () -> ()
      %add3A_255 = arith.constant 2496 : i32
      %add3A_256 = arith.addi %add3A_255, %add3A : i32
      %run_scoped3A_257 = arith.constant 1 : i32
      %run_scoped3A_258 = arith.constant 78 : i32
      "tpu.region"() ({
        %run_scoped3A_259 = tpu.sem_alloc : memref<!tpu.dma_semaphore, #tpu.memory_space<semaphore_mem>>
        %dma_start3A = arith.constant 0 : i32
        %dma_start3A_260 = tpu.memref_slice %arg8[%run_scoped3A_258, %dma_start3A] : memref<80x128xi32, #tpu.memory_space<vmem>> -> memref<1x128xi32, #tpu.memory_space<vmem>>
        %dma_start3A_261 = tpu.memref_squeeze %dma_start3A_260 : memref<1x128xi32, #tpu.memory_space<vmem>> -> memref<128xi32, #tpu.memory_space<vmem>>
        %dma_start3A_262 = arith.constant 0 : i32
        %dma_start3A_263 = tpu.memref_slice %arg3[%run_scoped3A_257, %add3A_256, %dma_start3A_262] : memref<2x2500x128xi32, #tpu.memory_space<hbm>> -> memref<1x1x128xi32, #tpu.memory_space<hbm>>
        %dma_start3A_264 = tpu.memref_squeeze %dma_start3A_263 : memref<1x1x128xi32, #tpu.memory_space<hbm>> -> memref<128xi32, #tpu.memory_space<hbm>>
        %dma_start3A_265 = arith.constant 0 : i32
        %dma_start3A_266 = tpu.memref_slice %arg8[%run_scoped3A_258, %dma_start3A_265] : memref<80x128xi32, #tpu.memory_space<vmem>> -> memref<1x128xi32, #tpu.memory_space<vmem>>
        %dma_start3A_267 = tpu.memref_squeeze %dma_start3A_266 : memref<1x128xi32, #tpu.memory_space<vmem>> -> memref<128xi32, #tpu.memory_space<vmem>>
        %dma_start3A_268 = arith.constant 0 : i32
        %dma_start3A_269 = tpu.memref_slice %arg3[%run_scoped3A_257, %add3A_256, %dma_start3A_268] : memref<2x2500x128xi32, #tpu.memory_space<hbm>> -> memref<1x1x128xi32, #tpu.memory_space<hbm>>
        %dma_start3A_270 = tpu.memref_squeeze %dma_start3A_269 : memref<1x1x128xi32, #tpu.memory_space<hbm>> -> memref<128xi32, #tpu.memory_space<hbm>>
        tpu.enqueue_dma source(%dma_start3A_270 : memref<128xi32, #tpu.memory_space<hbm>>) target(%dma_start3A_267 : memref<128xi32, #tpu.memory_space<vmem>>) target_semaphore(%run_scoped3A_259 : memref<!tpu.dma_semaphore, #tpu.memory_space<semaphore_mem>>)
        %dma_wait3A = arith.constant 0 : i32
        %dma_wait3A_271 = tpu.memref_slice %arg8[%run_scoped3A_258, %dma_wait3A] : memref<80x128xi32, #tpu.memory_space<vmem>> -> memref<1x128xi32, #tpu.memory_space<vmem>>
        %dma_wait3A_272 = tpu.memref_squeeze %dma_wait3A_271 : memref<1x128xi32, #tpu.memory_space<vmem>> -> memref<128xi32, #tpu.memory_space<vmem>>
        %dma_wait3A_273 = arith.constant 0 : i32
        %dma_wait3A_274 = tpu.memref_slice %arg3[%run_scoped3A_257, %add3A_256, %dma_wait3A_273] : memref<2x2500x128xi32, #tpu.memory_space<hbm>> -> memref<1x1x128xi32, #tpu.memory_space<hbm>>
        %dma_wait3A_275 = tpu.memref_squeeze %dma_wait3A_274 : memref<1x1x128xi32, #tpu.memory_space<hbm>> -> memref<128xi32, #tpu.memory_space<hbm>>
        %dma_wait3A_276 = arith.constant 0 : i32
        %dma_wait3A_277 = tpu.memref_slice %arg8[%run_scoped3A_258, %dma_wait3A_276] : memref<80x128xi32, #tpu.memory_space<vmem>> -> memref<1x128xi32, #tpu.memory_space<vmem>>
        %dma_wait3A_278 = tpu.memref_squeeze %dma_wait3A_277 : memref<1x128xi32, #tpu.memory_space<vmem>> -> memref<128xi32, #tpu.memory_space<vmem>>
        %dma_wait3A_279 = arith.constant 0 : i32
        %dma_wait3A_280 = tpu.memref_slice %arg3[%run_scoped3A_257, %add3A_256, %dma_wait3A_279] : memref<2x2500x128xi32, #tpu.memory_space<hbm>> -> memref<1x1x128xi32, #tpu.memory_space<hbm>>
        %dma_wait3A_281 = tpu.memref_squeeze %dma_wait3A_280 : memref<1x1x128xi32, #tpu.memory_space<hbm>> -> memref<128xi32, #tpu.memory_space<hbm>>
        tpu.wait_dma2 semaphore(%run_scoped3A_259 : memref<!tpu.dma_semaphore, #tpu.memory_space<semaphore_mem>>) src(%dma_wait3A_281 : memref<128xi32, #tpu.memory_space<hbm>>) dst(%dma_wait3A_278 : memref<128xi32, #tpu.memory_space<vmem>>)
        tpu.yield
      }) : () -> ()
    } else {
    }
    %barrier3A = arith.constant 0 : index
    tpu.barrier barrier_id(%barrier3A)
    %scan3A_54 = arith.constant 0 : i32
    %scan3A_55 = arith.constant 0 : i32
    %scan3A_56 = arith.constant 10 : i32
    %scan3A_57 = arith.addi %scan3A_55, %scan3A_56 : i32
    %scan3A_58 = arith.constant 1 : i32
    scf.for %scan3A_251 = %scan3A_55 to %scan3A_57 step %scan3A_58  : i32 {
      %add3A_252 = arith.constant 0 : i32
      %add3A_253 = arith.addi %add3A_252, %scan3A_251 : i32
      %dma_start3A = arith.constant 0 : i32
      %dma_start3A_254 = arith.constant 0 : i32
      %dma_start3A_255 = tpu.memref_slice %arg9[%scan3A_251, %dma_start3A, %dma_start3A_254] : memref<10x128x16xf32, #tpu.memory_space<vmem>> -> memref<1x128x16xf32, #tpu.memory_space<vmem>>
      %dma_start3A_256 = tpu.memref_squeeze %dma_start3A_255 : memref<1x128x16xf32, #tpu.memory_space<vmem>> -> memref<128x16xf32, #tpu.memory_space<vmem>>
      %dma_start3A_257 = arith.constant 0 : i32
      %dma_start3A_258 = tpu.memref_slice %arg7[%add3A_253, %dma_start3A_257] : memref<80x128xi32, #tpu.memory_space<vmem>> -> memref<1x128xi32, #tpu.memory_space<vmem>>
      %dma_start3A_259 = tpu.memref_squeeze %dma_start3A_258 : memref<1x128xi32, #tpu.memory_space<vmem>> -> memref<128xi32, #tpu.memory_space<vmem>>
      %dma_start3A_260 = arith.constant 0 : i32
      %dma_start3A_261 = arith.constant 0 : i32
      %dma_start3A_262 = tpu.memref_slice %arg6[%dma_start3A_260, %dma_start3A_261] : memref<10016x16xf32, #tpu.memory_space<vmem_shared>> -> memref<10016x16xf32, #tpu.memory_space<vmem_shared>>
      tpu.enqueue_indirect_dma source(%dma_start3A_262 : memref<10016x16xf32, #tpu.memory_space<vmem_shared>>) target(%dma_start3A_256 : memref<128x16xf32, #tpu.memory_space<vmem>>) offsets(%dma_start3A_259 : memref<128xi32, #tpu.memory_space<vmem>>) semaphore(%arg12 : memref<!tpu.dma_semaphore, #tpu.memory_space<semaphore_mem>>)
    }
    %scan3A_59 = arith.constant 10 : i32
    %scan3A_60 = arith.constant 0 : i32
    %scan3A_61 = arith.constant 0 : i32
    %scan3A_62 = arith.constant 10 : i32
    %scan3A_63 = arith.addi %scan3A_61, %scan3A_62 : i32
    %scan3A_64 = arith.constant 1 : i32
    scf.for %scan3A_251 = %scan3A_61 to %scan3A_63 step %scan3A_64  : i32 {
      %add3A_252 = arith.constant 10 : i32
      %add3A_253 = arith.addi %add3A_252, %scan3A_251 : i32
      %dma_start3A = arith.constant 0 : i32
      %dma_start3A_254 = arith.constant 0 : i32
      %dma_start3A_255 = tpu.memref_slice %arg10[%scan3A_251, %dma_start3A, %dma_start3A_254] : memref<10x128x16xf32, #tpu.memory_space<vmem>> -> memref<1x128x16xf32, #tpu.memory_space<vmem>>
      %dma_start3A_256 = tpu.memref_squeeze %dma_start3A_255 : memref<1x128x16xf32, #tpu.memory_space<vmem>> -> memref<128x16xf32, #tpu.memory_space<vmem>>
      %dma_start3A_257 = arith.constant 0 : i32
      %dma_start3A_258 = tpu.memref_slice %arg7[%add3A_253, %dma_start3A_257] : memref<80x128xi32, #tpu.memory_space<vmem>> -> memref<1x128xi32, #tpu.memory_space<vmem>>
      %dma_start3A_259 = tpu.memref_squeeze %dma_start3A_258 : memref<1x128xi32, #tpu.memory_space<vmem>> -> memref<128xi32, #tpu.memory_space<vmem>>
      %dma_start3A_260 = arith.constant 0 : i32
      %dma_start3A_261 = arith.constant 0 : i32
      %dma_start3A_262 = tpu.memref_slice %arg6[%dma_start3A_260, %dma_start3A_261] : memref<10016x16xf32, #tpu.memory_space<vmem_shared>> -> memref<10016x16xf32, #tpu.memory_space<vmem_shared>>
      tpu.enqueue_indirect_dma source(%dma_start3A_262 : memref<10016x16xf32, #tpu.memory_space<vmem_shared>>) target(%dma_start3A_256 : memref<128x16xf32, #tpu.memory_space<vmem>>) offsets(%dma_start3A_259 : memref<128xi32, #tpu.memory_space<vmem>>) semaphore(%arg13 : memref<!tpu.dma_semaphore, #tpu.memory_space<semaphore_mem>>)
    }
    %scan3A_65 = arith.constant 10 : i32
    %scan3A_66 = arith.constant 0 : i32
    %scan3A_67 = arith.constant 0 : i32
    %scan3A_68 = arith.constant 10 : i32
    %scan3A_69 = arith.addi %scan3A_67, %scan3A_68 : i32
    %scan3A_70 = arith.constant 1 : i32
    scf.for %scan3A_251 = %scan3A_67 to %scan3A_69 step %scan3A_70  : i32 {
      %dma_wait3A = arith.constant 0 : i32
      %dma_wait3A_252 = arith.constant 0 : i32
      %dma_wait3A_253 = arith.constant 0 : i32
      %dma_wait3A_254 = arith.constant 0 : i32
      %dma_wait3A_255 = tpu.memref_slice %arg9[%dma_wait3A_252, %dma_wait3A_253, %dma_wait3A_254] : memref<10x128x16xf32, #tpu.memory_space<vmem>> -> memref<1x128x16xf32, #tpu.memory_space<vmem>>
      %dma_wait3A_256 = tpu.memref_squeeze %dma_wait3A_255 : memref<1x128x16xf32, #tpu.memory_space<vmem>> -> memref<128x16xf32, #tpu.memory_space<vmem>>
      %dma_wait3A_257 = arith.constant 0 : i32
      %dma_wait3A_258 = tpu.memref_slice %arg7[%dma_wait3A, %dma_wait3A_257] : memref<80x128xi32, #tpu.memory_space<vmem>> -> memref<1x128xi32, #tpu.memory_space<vmem>>
      %dma_wait3A_259 = tpu.memref_squeeze %dma_wait3A_258 : memref<1x128xi32, #tpu.memory_space<vmem>> -> memref<128xi32, #tpu.memory_space<vmem>>
      %dma_wait3A_260 = arith.constant 0 : i32
      %dma_wait3A_261 = arith.constant 0 : i32
      %dma_wait3A_262 = tpu.memref_slice %arg6[%dma_wait3A_260, %dma_wait3A_261] : memref<10016x16xf32, #tpu.memory_space<vmem_shared>> -> memref<10016x16xf32, #tpu.memory_space<vmem_shared>>
      tpu.wait_indirect_dma semaphore(%arg12 : memref<!tpu.dma_semaphore, #tpu.memory_space<semaphore_mem>>) src(%dma_wait3A_262 : memref<10016x16xf32, #tpu.memory_space<vmem_shared>>) dst(%dma_wait3A_256 : memref<128x16xf32, #tpu.memory_space<vmem>>)
    }
    %scan3A_71 = arith.constant 10 : i32
    %scan3A_72 = arith.constant 0 : i32
    %scan3A_73 = arith.constant 0 : i32
    %scan3A_74 = arith.constant 10 : i32
    %scan3A_75 = arith.addi %scan3A_73, %scan3A_74 : i32
    %scan3A_76 = arith.constant 1 : i32
    scf.for %scan3A_251 = %scan3A_73 to %scan3A_75 step %scan3A_76  : i32 {
      %add3A_252 = arith.constant 20 : i32
      %add3A_253 = arith.addi %add3A_252, %scan3A_251 : i32
      %dma_start3A = arith.constant 0 : i32
      %dma_start3A_254 = arith.constant 0 : i32
      %dma_start3A_255 = tpu.memref_slice %arg11[%scan3A_251, %dma_start3A, %dma_start3A_254] : memref<10x128x16xf32, #tpu.memory_space<vmem>> -> memref<1x128x16xf32, #tpu.memory_space<vmem>>
      %dma_start3A_256 = tpu.memref_squeeze %dma_start3A_255 : memref<1x128x16xf32, #tpu.memory_space<vmem>> -> memref<128x16xf32, #tpu.memory_space<vmem>>
      %dma_start3A_257 = arith.constant 0 : i32
      %dma_start3A_258 = tpu.memref_slice %arg7[%add3A_253, %dma_start3A_257] : memref<80x128xi32, #tpu.memory_space<vmem>> -> memref<1x128xi32, #tpu.memory_space<vmem>>
      %dma_start3A_259 = tpu.memref_squeeze %dma_start3A_258 : memref<1x128xi32, #tpu.memory_space<vmem>> -> memref<128xi32, #tpu.memory_space<vmem>>
      %dma_start3A_260 = arith.constant 0 : i32
      %dma_start3A_261 = arith.constant 0 : i32
      %dma_start3A_262 = tpu.memref_slice %arg6[%dma_start3A_260, %dma_start3A_261] : memref<10016x16xf32, #tpu.memory_space<vmem_shared>> -> memref<10016x16xf32, #tpu.memory_space<vmem_shared>>
      tpu.enqueue_indirect_dma source(%dma_start3A_262 : memref<10016x16xf32, #tpu.memory_space<vmem_shared>>) target(%dma_start3A_256 : memref<128x16xf32, #tpu.memory_space<vmem>>) offsets(%dma_start3A_259 : memref<128xi32, #tpu.memory_space<vmem>>) semaphore(%arg14 : memref<!tpu.dma_semaphore, #tpu.memory_space<semaphore_mem>>)
    }
    %scan3A_77 = arith.constant 10 : i32
    %scan3A_78 = arith.constant 0 : i32
    %scan3A_79 = arith.constant 0 : i32
    %scan3A_80 = arith.constant 10 : i32
    %scan3A_81 = arith.addi %scan3A_79, %scan3A_80 : i32
    %scan3A_82 = arith.constant 1 : i32
    scf.for %scan3A_251 = %scan3A_79 to %scan3A_81 step %scan3A_82  : i32 {
      %add3A_252 = arith.constant 0 : i32
      %add3A_253 = arith.addi %add3A_252, %scan3A_251 : i32
      %dma_start3A = arith.constant 0 : i32
      %dma_start3A_254 = arith.constant 0 : i32
      %dma_start3A_255 = tpu.memref_slice %arg9[%scan3A_251, %dma_start3A, %dma_start3A_254] : memref<10x128x16xf32, #tpu.memory_space<vmem>> -> memref<1x128x16xf32, #tpu.memory_space<vmem>>
      %dma_start3A_256 = tpu.memref_squeeze %dma_start3A_255 : memref<1x128x16xf32, #tpu.memory_space<vmem>> -> memref<128x16xf32, #tpu.memory_space<vmem>>
      %dma_start3A_257 = arith.constant 0 : i32
      %dma_start3A_258 = tpu.memref_slice %arg8[%add3A_253, %dma_start3A_257] : memref<80x128xi32, #tpu.memory_space<vmem>> -> memref<1x128xi32, #tpu.memory_space<vmem>>
      %dma_start3A_259 = tpu.memref_squeeze %dma_start3A_258 : memref<1x128xi32, #tpu.memory_space<vmem>> -> memref<128xi32, #tpu.memory_space<vmem>>
      %dma_start3A_260 = arith.constant 0 : i32
      %dma_start3A_261 = arith.constant 0 : i32
      %dma_start3A_262 = tpu.memref_slice %arg5[%dma_start3A_260, %dma_start3A_261] : memref<10240x16xf32, #tpu.memory_space<vmem_shared>> -> memref<10240x16xf32, #tpu.memory_space<vmem_shared>>
      tpu.enqueue_indirect_dma source(%dma_start3A_256 : memref<128x16xf32, #tpu.memory_space<vmem>>) target(%dma_start3A_262 : memref<10240x16xf32, #tpu.memory_space<vmem_shared>>) offsets(%dma_start3A_259 : memref<128xi32, #tpu.memory_space<vmem>>) semaphore(%arg15 : memref<!tpu.dma_semaphore, #tpu.memory_space<semaphore_mem>>) {add = true}
    }
    %scan3A_83 = arith.constant 10 : i32
    %scan3A_84 = arith.constant 0 : i32
    %scan3A_85 = arith.constant 0 : i32
    %scan3A_86 = arith.constant 10 : i32
    %scan3A_87 = arith.addi %scan3A_85, %scan3A_86 : i32
    %scan3A_88 = arith.constant 1 : i32
    scf.for %scan3A_251 = %scan3A_85 to %scan3A_87 step %scan3A_88  : i32 {
      %dma_wait3A = arith.constant 0 : i32
      %dma_wait3A_252 = arith.constant 0 : i32
      %dma_wait3A_253 = arith.constant 0 : i32
      %dma_wait3A_254 = arith.constant 0 : i32
      %dma_wait3A_255 = tpu.memref_slice %arg10[%dma_wait3A_252, %dma_wait3A_253, %dma_wait3A_254] : memref<10x128x16xf32, #tpu.memory_space<vmem>> -> memref<1x128x16xf32, #tpu.memory_space<vmem>>
      %dma_wait3A_256 = tpu.memref_squeeze %dma_wait3A_255 : memref<1x128x16xf32, #tpu.memory_space<vmem>> -> memref<128x16xf32, #tpu.memory_space<vmem>>
      %dma_wait3A_257 = arith.constant 0 : i32
      %dma_wait3A_258 = tpu.memref_slice %arg7[%dma_wait3A, %dma_wait3A_257] : memref<80x128xi32, #tpu.memory_space<vmem>> -> memref<1x128xi32, #tpu.memory_space<vmem>>
      %dma_wait3A_259 = tpu.memref_squeeze %dma_wait3A_258 : memref<1x128xi32, #tpu.memory_space<vmem>> -> memref<128xi32, #tpu.memory_space<vmem>>
      %dma_wait3A_260 = arith.constant 0 : i32
      %dma_wait3A_261 = arith.constant 0 : i32
      %dma_wait3A_262 = tpu.memref_slice %arg6[%dma_wait3A_260, %dma_wait3A_261] : memref<10016x16xf32, #tpu.memory_space<vmem_shared>> -> memref<10016x16xf32, #tpu.memory_space<vmem_shared>>
      tpu.wait_indirect_dma semaphore(%arg13 : memref<!tpu.dma_semaphore, #tpu.memory_space<semaphore_mem>>) src(%dma_wait3A_262 : memref<10016x16xf32, #tpu.memory_space<vmem_shared>>) dst(%dma_wait3A_256 : memref<128x16xf32, #tpu.memory_space<vmem>>)
    }
    %scan3A_89 = arith.constant 10 : i32
    %scan3A_90 = arith.constant 0 : i32
    %scan3A_91 = arith.constant 0 : i32
    %scan3A_92 = arith.constant 10 : i32
    %scan3A_93 = arith.addi %scan3A_91, %scan3A_92 : i32
    %scan3A_94 = arith.constant 1 : i32
    scf.for %scan3A_251 = %scan3A_91 to %scan3A_93 step %scan3A_94  : i32 {
      %dma_wait3A = arith.constant 0 : i32
      %dma_wait3A_252 = arith.constant 0 : i32
      %dma_wait3A_253 = arith.constant 0 : i32
      %dma_wait3A_254 = arith.constant 0 : i32
      %dma_wait3A_255 = tpu.memref_slice %arg9[%dma_wait3A, %dma_wait3A_253, %dma_wait3A_254] : memref<10x128x16xf32, #tpu.memory_space<vmem>> -> memref<1x128x16xf32, #tpu.memory_space<vmem>>
      %dma_wait3A_256 = tpu.memref_squeeze %dma_wait3A_255 : memref<1x128x16xf32, #tpu.memory_space<vmem>> -> memref<128x16xf32, #tpu.memory_space<vmem>>
      %dma_wait3A_257 = arith.constant 0 : i32
      %dma_wait3A_258 = tpu.memref_slice %arg8[%dma_wait3A_252, %dma_wait3A_257] : memref<80x128xi32, #tpu.memory_space<vmem>> -> memref<1x128xi32, #tpu.memory_space<vmem>>
      %dma_wait3A_259 = tpu.memref_squeeze %dma_wait3A_258 : memref<1x128xi32, #tpu.memory_space<vmem>> -> memref<128xi32, #tpu.memory_space<vmem>>
      %dma_wait3A_260 = arith.constant 0 : i32
      %dma_wait3A_261 = arith.constant 0 : i32
      %dma_wait3A_262 = tpu.memref_slice %arg5[%dma_wait3A_260, %dma_wait3A_261] : memref<10240x16xf32, #tpu.memory_space<vmem_shared>> -> memref<10240x16xf32, #tpu.memory_space<vmem_shared>>
      tpu.wait_indirect_dma semaphore(%arg15 : memref<!tpu.dma_semaphore, #tpu.memory_space<semaphore_mem>>) src(%dma_wait3A_256 : memref<128x16xf32, #tpu.memory_space<vmem>>) dst(%dma_wait3A_262 : memref<10240x16xf32, #tpu.memory_space<vmem_shared>>)
    }
    %scan3A_95 = arith.constant 10 : i32
    %scan3A_96 = arith.constant 0 : i32
    %scan3A_97 = arith.constant 0 : i32
    %scan3A_98 = arith.constant 10 : i32
    %scan3A_99 = arith.addi %scan3A_97, %scan3A_98 : i32
    %scan3A_100 = arith.constant 1 : i32
    scf.for %scan3A_251 = %scan3A_97 to %scan3A_99 step %scan3A_100  : i32 {
      %add3A_252 = arith.constant 30 : i32
      %add3A_253 = arith.addi %add3A_252, %scan3A_251 : i32
      %dma_start3A = arith.constant 0 : i32
      %dma_start3A_254 = arith.constant 0 : i32
      %dma_start3A_255 = tpu.memref_slice %arg9[%scan3A_251, %dma_start3A, %dma_start3A_254] : memref<10x128x16xf32, #tpu.memory_space<vmem>> -> memref<1x128x16xf32, #tpu.memory_space<vmem>>
      %dma_start3A_256 = tpu.memref_squeeze %dma_start3A_255 : memref<1x128x16xf32, #tpu.memory_space<vmem>> -> memref<128x16xf32, #tpu.memory_space<vmem>>
      %dma_start3A_257 = arith.constant 0 : i32
      %dma_start3A_258 = tpu.memref_slice %arg7[%add3A_253, %dma_start3A_257] : memref<80x128xi32, #tpu.memory_space<vmem>> -> memref<1x128xi32, #tpu.memory_space<vmem>>
      %dma_start3A_259 = tpu.memref_squeeze %dma_start3A_258 : memref<1x128xi32, #tpu.memory_space<vmem>> -> memref<128xi32, #tpu.memory_space<vmem>>
      %dma_start3A_260 = arith.constant 0 : i32
      %dma_start3A_261 = arith.constant 0 : i32
      %dma_start3A_262 = tpu.memref_slice %arg6[%dma_start3A_260, %dma_start3A_261] : memref<10016x16xf32, #tpu.memory_space<vmem_shared>> -> memref<10016x16xf32, #tpu.memory_space<vmem_shared>>
      tpu.enqueue_indirect_dma source(%dma_start3A_262 : memref<10016x16xf32, #tpu.memory_space<vmem_shared>>) target(%dma_start3A_256 : memref<128x16xf32, #tpu.memory_space<vmem>>) offsets(%dma_start3A_259 : memref<128xi32, #tpu.memory_space<vmem>>) semaphore(%arg12 : memref<!tpu.dma_semaphore, #tpu.memory_space<semaphore_mem>>)
    }
    %scan3A_101 = arith.constant 10 : i32
    %scan3A_102 = arith.constant 0 : i32
    %scan3A_103 = arith.constant 0 : i32
    %scan3A_104 = arith.constant 10 : i32
    %scan3A_105 = arith.addi %scan3A_103, %scan3A_104 : i32
    %scan3A_106 = arith.constant 1 : i32
    scf.for %scan3A_251 = %scan3A_103 to %scan3A_105 step %scan3A_106  : i32 {
      %add3A_252 = arith.constant 10 : i32
      %add3A_253 = arith.addi %add3A_252, %scan3A_251 : i32
      %dma_start3A = arith.constant 0 : i32
      %dma_start3A_254 = arith.constant 0 : i32
      %dma_start3A_255 = tpu.memref_slice %arg10[%scan3A_251, %dma_start3A, %dma_start3A_254] : memref<10x128x16xf32, #tpu.memory_space<vmem>> -> memref<1x128x16xf32, #tpu.memory_space<vmem>>
      %dma_start3A_256 = tpu.memref_squeeze %dma_start3A_255 : memref<1x128x16xf32, #tpu.memory_space<vmem>> -> memref<128x16xf32, #tpu.memory_space<vmem>>
      %dma_start3A_257 = arith.constant 0 : i32
      %dma_start3A_258 = tpu.memref_slice %arg8[%add3A_253, %dma_start3A_257] : memref<80x128xi32, #tpu.memory_space<vmem>> -> memref<1x128xi32, #tpu.memory_space<vmem>>
      %dma_start3A_259 = tpu.memref_squeeze %dma_start3A_258 : memref<1x128xi32, #tpu.memory_space<vmem>> -> memref<128xi32, #tpu.memory_space<vmem>>
      %dma_start3A_260 = arith.constant 0 : i32
      %dma_start3A_261 = arith.constant 0 : i32
      %dma_start3A_262 = tpu.memref_slice %arg5[%dma_start3A_260, %dma_start3A_261] : memref<10240x16xf32, #tpu.memory_space<vmem_shared>> -> memref<10240x16xf32, #tpu.memory_space<vmem_shared>>
      tpu.enqueue_indirect_dma source(%dma_start3A_256 : memref<128x16xf32, #tpu.memory_space<vmem>>) target(%dma_start3A_262 : memref<10240x16xf32, #tpu.memory_space<vmem_shared>>) offsets(%dma_start3A_259 : memref<128xi32, #tpu.memory_space<vmem>>) semaphore(%arg16 : memref<!tpu.dma_semaphore, #tpu.memory_space<semaphore_mem>>) {add = true}
    }
    %scan3A_107 = arith.constant 10 : i32
    %scan3A_108 = arith.constant 0 : i32
    %scan3A_109 = arith.constant 0 : i32
    %scan3A_110 = arith.constant 10 : i32
    %scan3A_111 = arith.addi %scan3A_109, %scan3A_110 : i32
    %scan3A_112 = arith.constant 1 : i32
    scf.for %scan3A_251 = %scan3A_109 to %scan3A_111 step %scan3A_112  : i32 {
      %dma_wait3A = arith.constant 0 : i32
      %dma_wait3A_252 = arith.constant 0 : i32
      %dma_wait3A_253 = arith.constant 0 : i32
      %dma_wait3A_254 = arith.constant 0 : i32
      %dma_wait3A_255 = tpu.memref_slice %arg11[%dma_wait3A_252, %dma_wait3A_253, %dma_wait3A_254] : memref<10x128x16xf32, #tpu.memory_space<vmem>> -> memref<1x128x16xf32, #tpu.memory_space<vmem>>
      %dma_wait3A_256 = tpu.memref_squeeze %dma_wait3A_255 : memref<1x128x16xf32, #tpu.memory_space<vmem>> -> memref<128x16xf32, #tpu.memory_space<vmem>>
      %dma_wait3A_257 = arith.constant 0 : i32
      %dma_wait3A_258 = tpu.memref_slice %arg7[%dma_wait3A, %dma_wait3A_257] : memref<80x128xi32, #tpu.memory_space<vmem>> -> memref<1x128xi32, #tpu.memory_space<vmem>>
      %dma_wait3A_259 = tpu.memref_squeeze %dma_wait3A_258 : memref<1x128xi32, #tpu.memory_space<vmem>> -> memref<128xi32, #tpu.memory_space<vmem>>
      %dma_wait3A_260 = arith.constant 0 : i32
      %dma_wait3A_261 = arith.constant 0 : i32
      %dma_wait3A_262 = tpu.memref_slice %arg6[%dma_wait3A_260, %dma_wait3A_261] : memref<10016x16xf32, #tpu.memory_space<vmem_shared>> -> memref<10016x16xf32, #tpu.memory_space<vmem_shared>>
      tpu.wait_indirect_dma semaphore(%arg14 : memref<!tpu.dma_semaphore, #tpu.memory_space<semaphore_mem>>) src(%dma_wait3A_262 : memref<10016x16xf32, #tpu.memory_space<vmem_shared>>) dst(%dma_wait3A_256 : memref<128x16xf32, #tpu.memory_space<vmem>>)
    }
    %scan3A_113 = arith.constant 10 : i32
    %scan3A_114 = arith.constant 0 : i32
    %scan3A_115 = arith.constant 0 : i32
    %scan3A_116 = arith.constant 10 : i32
    %scan3A_117 = arith.addi %scan3A_115, %scan3A_116 : i32
    %scan3A_118 = arith.constant 1 : i32
    scf.for %scan3A_251 = %scan3A_115 to %scan3A_117 step %scan3A_118  : i32 {
      %dma_wait3A = arith.constant 0 : i32
      %dma_wait3A_252 = arith.constant 0 : i32
      %dma_wait3A_253 = arith.constant 0 : i32
      %dma_wait3A_254 = arith.constant 0 : i32
      %dma_wait3A_255 = tpu.memref_slice %arg10[%dma_wait3A, %dma_wait3A_253, %dma_wait3A_254] : memref<10x128x16xf32, #tpu.memory_space<vmem>> -> memref<1x128x16xf32, #tpu.memory_space<vmem>>
      %dma_wait3A_256 = tpu.memref_squeeze %dma_wait3A_255 : memref<1x128x16xf32, #tpu.memory_space<vmem>> -> memref<128x16xf32, #tpu.memory_space<vmem>>
      %dma_wait3A_257 = arith.constant 0 : i32
      %dma_wait3A_258 = tpu.memref_slice %arg8[%dma_wait3A_252, %dma_wait3A_257] : memref<80x128xi32, #tpu.memory_space<vmem>> -> memref<1x128xi32, #tpu.memory_space<vmem>>
      %dma_wait3A_259 = tpu.memref_squeeze %dma_wait3A_258 : memref<1x128xi32, #tpu.memory_space<vmem>> -> memref<128xi32, #tpu.memory_space<vmem>>
      %dma_wait3A_260 = arith.constant 0 : i32
      %dma_wait3A_261 = arith.constant 0 : i32
      %dma_wait3A_262 = tpu.memref_slice %arg5[%dma_wait3A_260, %dma_wait3A_261] : memref<10240x16xf32, #tpu.memory_space<vmem_shared>> -> memref<10240x16xf32, #tpu.memory_space<vmem_shared>>
      tpu.wait_indirect_dma semaphore(%arg16 : memref<!tpu.dma_semaphore, #tpu.memory_space<semaphore_mem>>) src(%dma_wait3A_256 : memref<128x16xf32, #tpu.memory_space<vmem>>) dst(%dma_wait3A_262 : memref<10240x16xf32, #tpu.memory_space<vmem_shared>>)
    }
    %scan3A_119 = arith.constant 10 : i32
    %scan3A_120 = arith.constant 0 : i32
    %scan3A_121 = arith.constant 0 : i32
    %scan3A_122 = arith.constant 10 : i32
    %scan3A_123 = arith.addi %scan3A_121, %scan3A_122 : i32
    %scan3A_124 = arith.constant 1 : i32
    scf.for %scan3A_251 = %scan3A_121 to %scan3A_123 step %scan3A_124  : i32 {
      %add3A_252 = arith.constant 40 : i32
      %add3A_253 = arith.addi %add3A_252, %scan3A_251 : i32
      %dma_start3A = arith.constant 0 : i32
      %dma_start3A_254 = arith.constant 0 : i32
      %dma_start3A_255 = tpu.memref_slice %arg10[%scan3A_251, %dma_start3A, %dma_start3A_254] : memref<10x128x16xf32, #tpu.memory_space<vmem>> -> memref<1x128x16xf32, #tpu.memory_space<vmem>>
      %dma_start3A_256 = tpu.memref_squeeze %dma_start3A_255 : memref<1x128x16xf32, #tpu.memory_space<vmem>> -> memref<128x16xf32, #tpu.memory_space<vmem>>
      %dma_start3A_257 = arith.constant 0 : i32
      %dma_start3A_258 = tpu.memref_slice %arg7[%add3A_253, %dma_start3A_257] : memref<80x128xi32, #tpu.memory_space<vmem>> -> memref<1x128xi32, #tpu.memory_space<vmem>>
      %dma_start3A_259 = tpu.memref_squeeze %dma_start3A_258 : memref<1x128xi32, #tpu.memory_space<vmem>> -> memref<128xi32, #tpu.memory_space<vmem>>
      %dma_start3A_260 = arith.constant 0 : i32
      %dma_start3A_261 = arith.constant 0 : i32
      %dma_start3A_262 = tpu.memref_slice %arg6[%dma_start3A_260, %dma_start3A_261] : memref<10016x16xf32, #tpu.memory_space<vmem_shared>> -> memref<10016x16xf32, #tpu.memory_space<vmem_shared>>
      tpu.enqueue_indirect_dma source(%dma_start3A_262 : memref<10016x16xf32, #tpu.memory_space<vmem_shared>>) target(%dma_start3A_256 : memref<128x16xf32, #tpu.memory_space<vmem>>) offsets(%dma_start3A_259 : memref<128xi32, #tpu.memory_space<vmem>>) semaphore(%arg13 : memref<!tpu.dma_semaphore, #tpu.memory_space<semaphore_mem>>)
    }
    %scan3A_125 = arith.constant 10 : i32
    %scan3A_126 = arith.constant 0 : i32
    %scan3A_127 = arith.constant 0 : i32
    %scan3A_128 = arith.constant 10 : i32
    %scan3A_129 = arith.addi %scan3A_127, %scan3A_128 : i32
    %scan3A_130 = arith.constant 1 : i32
    scf.for %scan3A_251 = %scan3A_127 to %scan3A_129 step %scan3A_130  : i32 {
      %add3A_252 = arith.constant 20 : i32
      %add3A_253 = arith.addi %add3A_252, %scan3A_251 : i32
      %dma_start3A = arith.constant 0 : i32
      %dma_start3A_254 = arith.constant 0 : i32
      %dma_start3A_255 = tpu.memref_slice %arg11[%scan3A_251, %dma_start3A, %dma_start3A_254] : memref<10x128x16xf32, #tpu.memory_space<vmem>> -> memref<1x128x16xf32, #tpu.memory_space<vmem>>
      %dma_start3A_256 = tpu.memref_squeeze %dma_start3A_255 : memref<1x128x16xf32, #tpu.memory_space<vmem>> -> memref<128x16xf32, #tpu.memory_space<vmem>>
      %dma_start3A_257 = arith.constant 0 : i32
      %dma_start3A_258 = tpu.memref_slice %arg8[%add3A_253, %dma_start3A_257] : memref<80x128xi32, #tpu.memory_space<vmem>> -> memref<1x128xi32, #tpu.memory_space<vmem>>
      %dma_start3A_259 = tpu.memref_squeeze %dma_start3A_258 : memref<1x128xi32, #tpu.memory_space<vmem>> -> memref<128xi32, #tpu.memory_space<vmem>>
      %dma_start3A_260 = arith.constant 0 : i32
      %dma_start3A_261 = arith.constant 0 : i32
      %dma_start3A_262 = tpu.memref_slice %arg5[%dma_start3A_260, %dma_start3A_261] : memref<10240x16xf32, #tpu.memory_space<vmem_shared>> -> memref<10240x16xf32, #tpu.memory_space<vmem_shared>>
      tpu.enqueue_indirect_dma source(%dma_start3A_256 : memref<128x16xf32, #tpu.memory_space<vmem>>) target(%dma_start3A_262 : memref<10240x16xf32, #tpu.memory_space<vmem_shared>>) offsets(%dma_start3A_259 : memref<128xi32, #tpu.memory_space<vmem>>) semaphore(%arg17 : memref<!tpu.dma_semaphore, #tpu.memory_space<semaphore_mem>>) {add = true}
    }
    %scan3A_131 = arith.constant 10 : i32
    %scan3A_132 = arith.constant 0 : i32
    %scan3A_133 = arith.constant 0 : i32
    %scan3A_134 = arith.constant 10 : i32
    %scan3A_135 = arith.addi %scan3A_133, %scan3A_134 : i32
    %scan3A_136 = arith.constant 1 : i32
    scf.for %scan3A_251 = %scan3A_133 to %scan3A_135 step %scan3A_136  : i32 {
      %dma_wait3A = arith.constant 0 : i32
      %dma_wait3A_252 = arith.constant 0 : i32
      %dma_wait3A_253 = arith.constant 0 : i32
      %dma_wait3A_254 = arith.constant 0 : i32
      %dma_wait3A_255 = tpu.memref_slice %arg9[%dma_wait3A_252, %dma_wait3A_253, %dma_wait3A_254] : memref<10x128x16xf32, #tpu.memory_space<vmem>> -> memref<1x128x16xf32, #tpu.memory_space<vmem>>
      %dma_wait3A_256 = tpu.memref_squeeze %dma_wait3A_255 : memref<1x128x16xf32, #tpu.memory_space<vmem>> -> memref<128x16xf32, #tpu.memory_space<vmem>>
      %dma_wait3A_257 = arith.constant 0 : i32
      %dma_wait3A_258 = tpu.memref_slice %arg7[%dma_wait3A, %dma_wait3A_257] : memref<80x128xi32, #tpu.memory_space<vmem>> -> memref<1x128xi32, #tpu.memory_space<vmem>>
      %dma_wait3A_259 = tpu.memref_squeeze %dma_wait3A_258 : memref<1x128xi32, #tpu.memory_space<vmem>> -> memref<128xi32, #tpu.memory_space<vmem>>
      %dma_wait3A_260 = arith.constant 0 : i32
      %dma_wait3A_261 = arith.constant 0 : i32
      %dma_wait3A_262 = tpu.memref_slice %arg6[%dma_wait3A_260, %dma_wait3A_261] : memref<10016x16xf32, #tpu.memory_space<vmem_shared>> -> memref<10016x16xf32, #tpu.memory_space<vmem_shared>>
      tpu.wait_indirect_dma semaphore(%arg12 : memref<!tpu.dma_semaphore, #tpu.memory_space<semaphore_mem>>) src(%dma_wait3A_262 : memref<10016x16xf32, #tpu.memory_space<vmem_shared>>) dst(%dma_wait3A_256 : memref<128x16xf32, #tpu.memory_space<vmem>>)
    }
    %scan3A_137 = arith.constant 10 : i32
    %scan3A_138 = arith.constant 0 : i32
    %scan3A_139 = arith.constant 0 : i32
    %scan3A_140 = arith.constant 10 : i32
    %scan3A_141 = arith.addi %scan3A_139, %scan3A_140 : i32
    %scan3A_142 = arith.constant 1 : i32
    scf.for %scan3A_251 = %scan3A_139 to %scan3A_141 step %scan3A_142  : i32 {
      %dma_wait3A = arith.constant 0 : i32
      %dma_wait3A_252 = arith.constant 0 : i32
      %dma_wait3A_253 = arith.constant 0 : i32
      %dma_wait3A_254 = arith.constant 0 : i32
      %dma_wait3A_255 = tpu.memref_slice %arg11[%dma_wait3A, %dma_wait3A_253, %dma_wait3A_254] : memref<10x128x16xf32, #tpu.memory_space<vmem>> -> memref<1x128x16xf32, #tpu.memory_space<vmem>>
      %dma_wait3A_256 = tpu.memref_squeeze %dma_wait3A_255 : memref<1x128x16xf32, #tpu.memory_space<vmem>> -> memref<128x16xf32, #tpu.memory_space<vmem>>
      %dma_wait3A_257 = arith.constant 0 : i32
      %dma_wait3A_258 = tpu.memref_slice %arg8[%dma_wait3A_252, %dma_wait3A_257] : memref<80x128xi32, #tpu.memory_space<vmem>> -> memref<1x128xi32, #tpu.memory_space<vmem>>
      %dma_wait3A_259 = tpu.memref_squeeze %dma_wait3A_258 : memref<1x128xi32, #tpu.memory_space<vmem>> -> memref<128xi32, #tpu.memory_space<vmem>>
      %dma_wait3A_260 = arith.constant 0 : i32
      %dma_wait3A_261 = arith.constant 0 : i32
      %dma_wait3A_262 = tpu.memref_slice %arg5[%dma_wait3A_260, %dma_wait3A_261] : memref<10240x16xf32, #tpu.memory_space<vmem_shared>> -> memref<10240x16xf32, #tpu.memory_space<vmem_shared>>
      tpu.wait_indirect_dma semaphore(%arg17 : memref<!tpu.dma_semaphore, #tpu.memory_space<semaphore_mem>>) src(%dma_wait3A_256 : memref<128x16xf32, #tpu.memory_space<vmem>>) dst(%dma_wait3A_262 : memref<10240x16xf32, #tpu.memory_space<vmem_shared>>)
    }
    %scan3A_143 = arith.constant 10 : i32
    %scan3A_144 = arith.constant 0 : i32
    %scan3A_145 = arith.constant 0 : i32
    %scan3A_146 = arith.constant 10 : i32
    %scan3A_147 = arith.addi %scan3A_145, %scan3A_146 : i32
    %scan3A_148 = arith.constant 1 : i32
    scf.for %scan3A_251 = %scan3A_145 to %scan3A_147 step %scan3A_148  : i32 {
      %add3A_252 = arith.constant 50 : i32
      %add3A_253 = arith.addi %add3A_252, %scan3A_251 : i32
      %dma_start3A = arith.constant 0 : i32
      %dma_start3A_254 = arith.constant 0 : i32
      %dma_start3A_255 = tpu.memref_slice %arg11[%scan3A_251, %dma_start3A, %dma_start3A_254] : memref<10x128x16xf32, #tpu.memory_space<vmem>> -> memref<1x128x16xf32, #tpu.memory_space<vmem>>
      %dma_start3A_256 = tpu.memref_squeeze %dma_start3A_255 : memref<1x128x16xf32, #tpu.memory_space<vmem>> -> memref<128x16xf32, #tpu.memory_space<vmem>>
      %dma_start3A_257 = arith.constant 0 : i32
      %dma_start3A_258 = tpu.memref_slice %arg7[%add3A_253, %dma_start3A_257] : memref<80x128xi32, #tpu.memory_space<vmem>> -> memref<1x128xi32, #tpu.memory_space<vmem>>
      %dma_start3A_259 = tpu.memref_squeeze %dma_start3A_258 : memref<1x128xi32, #tpu.memory_space<vmem>> -> memref<128xi32, #tpu.memory_space<vmem>>
      %dma_start3A_260 = arith.constant 0 : i32
      %dma_start3A_261 = arith.constant 0 : i32
      %dma_start3A_262 = tpu.memref_slice %arg6[%dma_start3A_260, %dma_start3A_261] : memref<10016x16xf32, #tpu.memory_space<vmem_shared>> -> memref<10016x16xf32, #tpu.memory_space<vmem_shared>>
      tpu.enqueue_indirect_dma source(%dma_start3A_262 : memref<10016x16xf32, #tpu.memory_space<vmem_shared>>) target(%dma_start3A_256 : memref<128x16xf32, #tpu.memory_space<vmem>>) offsets(%dma_start3A_259 : memref<128xi32, #tpu.memory_space<vmem>>) semaphore(%arg14 : memref<!tpu.dma_semaphore, #tpu.memory_space<semaphore_mem>>)
    }
    %scan3A_149 = arith.constant 10 : i32
    %scan3A_150 = arith.constant 0 : i32
    %scan3A_151 = arith.constant 0 : i32
    %scan3A_152 = arith.constant 10 : i32
    %scan3A_153 = arith.addi %scan3A_151, %scan3A_152 : i32
    %scan3A_154 = arith.constant 1 : i32
    scf.for %scan3A_251 = %scan3A_151 to %scan3A_153 step %scan3A_154  : i32 {
      %add3A_252 = arith.constant 30 : i32
      %add3A_253 = arith.addi %add3A_252, %scan3A_251 : i32
      %dma_start3A = arith.constant 0 : i32
      %dma_start3A_254 = arith.constant 0 : i32
      %dma_start3A_255 = tpu.memref_slice %arg9[%scan3A_251, %dma_start3A, %dma_start3A_254] : memref<10x128x16xf32, #tpu.memory_space<vmem>> -> memref<1x128x16xf32, #tpu.memory_space<vmem>>
      %dma_start3A_256 = tpu.memref_squeeze %dma_start3A_255 : memref<1x128x16xf32, #tpu.memory_space<vmem>> -> memref<128x16xf32, #tpu.memory_space<vmem>>
      %dma_start3A_257 = arith.constant 0 : i32
      %dma_start3A_258 = tpu.memref_slice %arg8[%add3A_253, %dma_start3A_257] : memref<80x128xi32, #tpu.memory_space<vmem>> -> memref<1x128xi32, #tpu.memory_space<vmem>>
      %dma_start3A_259 = tpu.memref_squeeze %dma_start3A_258 : memref<1x128xi32, #tpu.memory_space<vmem>> -> memref<128xi32, #tpu.memory_space<vmem>>
      %dma_start3A_260 = arith.constant 0 : i32
      %dma_start3A_261 = arith.constant 0 : i32
      %dma_start3A_262 = tpu.memref_slice %arg5[%dma_start3A_260, %dma_start3A_261] : memref<10240x16xf32, #tpu.memory_space<vmem_shared>> -> memref<10240x16xf32, #tpu.memory_space<vmem_shared>>
      tpu.enqueue_indirect_dma source(%dma_start3A_256 : memref<128x16xf32, #tpu.memory_space<vmem>>) target(%dma_start3A_262 : memref<10240x16xf32, #tpu.memory_space<vmem_shared>>) offsets(%dma_start3A_259 : memref<128xi32, #tpu.memory_space<vmem>>) semaphore(%arg15 : memref<!tpu.dma_semaphore, #tpu.memory_space<semaphore_mem>>) {add = true}
    }
    %scan3A_155 = arith.constant 10 : i32
    %scan3A_156 = arith.constant 0 : i32
    %scan3A_157 = arith.constant 0 : i32
    %scan3A_158 = arith.constant 10 : i32
    %scan3A_159 = arith.addi %scan3A_157, %scan3A_158 : i32
    %scan3A_160 = arith.constant 1 : i32
    scf.for %scan3A_251 = %scan3A_157 to %scan3A_159 step %scan3A_160  : i32 {
      %dma_wait3A = arith.constant 0 : i32
      %dma_wait3A_252 = arith.constant 0 : i32
      %dma_wait3A_253 = arith.constant 0 : i32
      %dma_wait3A_254 = arith.constant 0 : i32
      %dma_wait3A_255 = tpu.memref_slice %arg10[%dma_wait3A_252, %dma_wait3A_253, %dma_wait3A_254] : memref<10x128x16xf32, #tpu.memory_space<vmem>> -> memref<1x128x16xf32, #tpu.memory_space<vmem>>
      %dma_wait3A_256 = tpu.memref_squeeze %dma_wait3A_255 : memref<1x128x16xf32, #tpu.memory_space<vmem>> -> memref<128x16xf32, #tpu.memory_space<vmem>>
      %dma_wait3A_257 = arith.constant 0 : i32
      %dma_wait3A_258 = tpu.memref_slice %arg7[%dma_wait3A, %dma_wait3A_257] : memref<80x128xi32, #tpu.memory_space<vmem>> -> memref<1x128xi32, #tpu.memory_space<vmem>>
      %dma_wait3A_259 = tpu.memref_squeeze %dma_wait3A_258 : memref<1x128xi32, #tpu.memory_space<vmem>> -> memref<128xi32, #tpu.memory_space<vmem>>
      %dma_wait3A_260 = arith.constant 0 : i32
      %dma_wait3A_261 = arith.constant 0 : i32
      %dma_wait3A_262 = tpu.memref_slice %arg6[%dma_wait3A_260, %dma_wait3A_261] : memref<10016x16xf32, #tpu.memory_space<vmem_shared>> -> memref<10016x16xf32, #tpu.memory_space<vmem_shared>>
      tpu.wait_indirect_dma semaphore(%arg13 : memref<!tpu.dma_semaphore, #tpu.memory_space<semaphore_mem>>) src(%dma_wait3A_262 : memref<10016x16xf32, #tpu.memory_space<vmem_shared>>) dst(%dma_wait3A_256 : memref<128x16xf32, #tpu.memory_space<vmem>>)
    }
    %scan3A_161 = arith.constant 10 : i32
    %scan3A_162 = arith.constant 0 : i32
    %scan3A_163 = arith.constant 0 : i32
    %scan3A_164 = arith.constant 10 : i32
    %scan3A_165 = arith.addi %scan3A_163, %scan3A_164 : i32
    %scan3A_166 = arith.constant 1 : i32
    scf.for %scan3A_251 = %scan3A_163 to %scan3A_165 step %scan3A_166  : i32 {
      %dma_wait3A = arith.constant 0 : i32
      %dma_wait3A_252 = arith.constant 0 : i32
      %dma_wait3A_253 = arith.constant 0 : i32
      %dma_wait3A_254 = arith.constant 0 : i32
      %dma_wait3A_255 = tpu.memref_slice %arg9[%dma_wait3A, %dma_wait3A_253, %dma_wait3A_254] : memref<10x128x16xf32, #tpu.memory_space<vmem>> -> memref<1x128x16xf32, #tpu.memory_space<vmem>>
      %dma_wait3A_256 = tpu.memref_squeeze %dma_wait3A_255 : memref<1x128x16xf32, #tpu.memory_space<vmem>> -> memref<128x16xf32, #tpu.memory_space<vmem>>
      %dma_wait3A_257 = arith.constant 0 : i32
      %dma_wait3A_258 = tpu.memref_slice %arg8[%dma_wait3A_252, %dma_wait3A_257] : memref<80x128xi32, #tpu.memory_space<vmem>> -> memref<1x128xi32, #tpu.memory_space<vmem>>
      %dma_wait3A_259 = tpu.memref_squeeze %dma_wait3A_258 : memref<1x128xi32, #tpu.memory_space<vmem>> -> memref<128xi32, #tpu.memory_space<vmem>>
      %dma_wait3A_260 = arith.constant 0 : i32
      %dma_wait3A_261 = arith.constant 0 : i32
      %dma_wait3A_262 = tpu.memref_slice %arg5[%dma_wait3A_260, %dma_wait3A_261] : memref<10240x16xf32, #tpu.memory_space<vmem_shared>> -> memref<10240x16xf32, #tpu.memory_space<vmem_shared>>
      tpu.wait_indirect_dma semaphore(%arg15 : memref<!tpu.dma_semaphore, #tpu.memory_space<semaphore_mem>>) src(%dma_wait3A_256 : memref<128x16xf32, #tpu.memory_space<vmem>>) dst(%dma_wait3A_262 : memref<10240x16xf32, #tpu.memory_space<vmem_shared>>)
    }
    %scan3A_167 = arith.constant 10 : i32
    %scan3A_168 = arith.constant 0 : i32
    %scan3A_169 = arith.constant 0 : i32
    %scan3A_170 = arith.constant 10 : i32
    %scan3A_171 = arith.addi %scan3A_169, %scan3A_170 : i32
    %scan3A_172 = arith.constant 1 : i32
    scf.for %scan3A_251 = %scan3A_169 to %scan3A_171 step %scan3A_172  : i32 {
      %add3A_252 = arith.constant 60 : i32
      %add3A_253 = arith.addi %add3A_252, %scan3A_251 : i32
      %dma_start3A = arith.constant 0 : i32
      %dma_start3A_254 = arith.constant 0 : i32
      %dma_start3A_255 = tpu.memref_slice %arg9[%scan3A_251, %dma_start3A, %dma_start3A_254] : memref<10x128x16xf32, #tpu.memory_space<vmem>> -> memref<1x128x16xf32, #tpu.memory_space<vmem>>
      %dma_start3A_256 = tpu.memref_squeeze %dma_start3A_255 : memref<1x128x16xf32, #tpu.memory_space<vmem>> -> memref<128x16xf32, #tpu.memory_space<vmem>>
      %dma_start3A_257 = arith.constant 0 : i32
      %dma_start3A_258 = tpu.memref_slice %arg7[%add3A_253, %dma_start3A_257] : memref<80x128xi32, #tpu.memory_space<vmem>> -> memref<1x128xi32, #tpu.memory_space<vmem>>
      %dma_start3A_259 = tpu.memref_squeeze %dma_start3A_258 : memref<1x128xi32, #tpu.memory_space<vmem>> -> memref<128xi32, #tpu.memory_space<vmem>>
      %dma_start3A_260 = arith.constant 0 : i32
      %dma_start3A_261 = arith.constant 0 : i32
      %dma_start3A_262 = tpu.memref_slice %arg6[%dma_start3A_260, %dma_start3A_261] : memref<10016x16xf32, #tpu.memory_space<vmem_shared>> -> memref<10016x16xf32, #tpu.memory_space<vmem_shared>>
      tpu.enqueue_indirect_dma source(%dma_start3A_262 : memref<10016x16xf32, #tpu.memory_space<vmem_shared>>) target(%dma_start3A_256 : memref<128x16xf32, #tpu.memory_space<vmem>>) offsets(%dma_start3A_259 : memref<128xi32, #tpu.memory_space<vmem>>) semaphore(%arg12 : memref<!tpu.dma_semaphore, #tpu.memory_space<semaphore_mem>>)
    }
    %scan3A_173 = arith.constant 10 : i32
    %scan3A_174 = arith.constant 0 : i32
    %scan3A_175 = arith.constant 0 : i32
    %scan3A_176 = arith.constant 10 : i32
    %scan3A_177 = arith.addi %scan3A_175, %scan3A_176 : i32
    %scan3A_178 = arith.constant 1 : i32
    scf.for %scan3A_251 = %scan3A_175 to %scan3A_177 step %scan3A_178  : i32 {
      %add3A_252 = arith.constant 40 : i32
      %add3A_253 = arith.addi %add3A_252, %scan3A_251 : i32
      %dma_start3A = arith.constant 0 : i32
      %dma_start3A_254 = arith.constant 0 : i32
      %dma_start3A_255 = tpu.memref_slice %arg10[%scan3A_251, %dma_start3A, %dma_start3A_254] : memref<10x128x16xf32, #tpu.memory_space<vmem>> -> memref<1x128x16xf32, #tpu.memory_space<vmem>>
      %dma_start3A_256 = tpu.memref_squeeze %dma_start3A_255 : memref<1x128x16xf32, #tpu.memory_space<vmem>> -> memref<128x16xf32, #tpu.memory_space<vmem>>
      %dma_start3A_257 = arith.constant 0 : i32
      %dma_start3A_258 = tpu.memref_slice %arg8[%add3A_253, %dma_start3A_257] : memref<80x128xi32, #tpu.memory_space<vmem>> -> memref<1x128xi32, #tpu.memory_space<vmem>>
      %dma_start3A_259 = tpu.memref_squeeze %dma_start3A_258 : memref<1x128xi32, #tpu.memory_space<vmem>> -> memref<128xi32, #tpu.memory_space<vmem>>
      %dma_start3A_260 = arith.constant 0 : i32
      %dma_start3A_261 = arith.constant 0 : i32
      %dma_start3A_262 = tpu.memref_slice %arg5[%dma_start3A_260, %dma_start3A_261] : memref<10240x16xf32, #tpu.memory_space<vmem_shared>> -> memref<10240x16xf32, #tpu.memory_space<vmem_shared>>
      tpu.enqueue_indirect_dma source(%dma_start3A_256 : memref<128x16xf32, #tpu.memory_space<vmem>>) target(%dma_start3A_262 : memref<10240x16xf32, #tpu.memory_space<vmem_shared>>) offsets(%dma_start3A_259 : memref<128xi32, #tpu.memory_space<vmem>>) semaphore(%arg16 : memref<!tpu.dma_semaphore, #tpu.memory_space<semaphore_mem>>) {add = true}
    }
    %scan3A_179 = arith.constant 10 : i32
    %scan3A_180 = arith.constant 0 : i32
    %scan3A_181 = arith.constant 0 : i32
    %scan3A_182 = arith.constant 10 : i32
    %scan3A_183 = arith.addi %scan3A_181, %scan3A_182 : i32
    %scan3A_184 = arith.constant 1 : i32
    scf.for %scan3A_251 = %scan3A_181 to %scan3A_183 step %scan3A_184  : i32 {
      %dma_wait3A = arith.constant 0 : i32
      %dma_wait3A_252 = arith.constant 0 : i32
      %dma_wait3A_253 = arith.constant 0 : i32
      %dma_wait3A_254 = arith.constant 0 : i32
      %dma_wait3A_255 = tpu.memref_slice %arg11[%dma_wait3A_252, %dma_wait3A_253, %dma_wait3A_254] : memref<10x128x16xf32, #tpu.memory_space<vmem>> -> memref<1x128x16xf32, #tpu.memory_space<vmem>>
      %dma_wait3A_256 = tpu.memref_squeeze %dma_wait3A_255 : memref<1x128x16xf32, #tpu.memory_space<vmem>> -> memref<128x16xf32, #tpu.memory_space<vmem>>
      %dma_wait3A_257 = arith.constant 0 : i32
      %dma_wait3A_258 = tpu.memref_slice %arg7[%dma_wait3A, %dma_wait3A_257] : memref<80x128xi32, #tpu.memory_space<vmem>> -> memref<1x128xi32, #tpu.memory_space<vmem>>
      %dma_wait3A_259 = tpu.memref_squeeze %dma_wait3A_258 : memref<1x128xi32, #tpu.memory_space<vmem>> -> memref<128xi32, #tpu.memory_space<vmem>>
      %dma_wait3A_260 = arith.constant 0 : i32
      %dma_wait3A_261 = arith.constant 0 : i32
      %dma_wait3A_262 = tpu.memref_slice %arg6[%dma_wait3A_260, %dma_wait3A_261] : memref<10016x16xf32, #tpu.memory_space<vmem_shared>> -> memref<10016x16xf32, #tpu.memory_space<vmem_shared>>
      tpu.wait_indirect_dma semaphore(%arg14 : memref<!tpu.dma_semaphore, #tpu.memory_space<semaphore_mem>>) src(%dma_wait3A_262 : memref<10016x16xf32, #tpu.memory_space<vmem_shared>>) dst(%dma_wait3A_256 : memref<128x16xf32, #tpu.memory_space<vmem>>)
    }
    %scan3A_185 = arith.constant 10 : i32
    %scan3A_186 = arith.constant 0 : i32
    %scan3A_187 = arith.constant 0 : i32
    %scan3A_188 = arith.constant 10 : i32
    %scan3A_189 = arith.addi %scan3A_187, %scan3A_188 : i32
    %scan3A_190 = arith.constant 1 : i32
    scf.for %scan3A_251 = %scan3A_187 to %scan3A_189 step %scan3A_190  : i32 {
      %dma_wait3A = arith.constant 0 : i32
      %dma_wait3A_252 = arith.constant 0 : i32
      %dma_wait3A_253 = arith.constant 0 : i32
      %dma_wait3A_254 = arith.constant 0 : i32
      %dma_wait3A_255 = tpu.memref_slice %arg10[%dma_wait3A, %dma_wait3A_253, %dma_wait3A_254] : memref<10x128x16xf32, #tpu.memory_space<vmem>> -> memref<1x128x16xf32, #tpu.memory_space<vmem>>
      %dma_wait3A_256 = tpu.memref_squeeze %dma_wait3A_255 : memref<1x128x16xf32, #tpu.memory_space<vmem>> -> memref<128x16xf32, #tpu.memory_space<vmem>>
      %dma_wait3A_257 = arith.constant 0 : i32
      %dma_wait3A_258 = tpu.memref_slice %arg8[%dma_wait3A_252, %dma_wait3A_257] : memref<80x128xi32, #tpu.memory_space<vmem>> -> memref<1x128xi32, #tpu.memory_space<vmem>>
      %dma_wait3A_259 = tpu.memref_squeeze %dma_wait3A_258 : memref<1x128xi32, #tpu.memory_space<vmem>> -> memref<128xi32, #tpu.memory_space<vmem>>
      %dma_wait3A_260 = arith.constant 0 : i32
      %dma_wait3A_261 = arith.constant 0 : i32
      %dma_wait3A_262 = tpu.memref_slice %arg5[%dma_wait3A_260, %dma_wait3A_261] : memref<10240x16xf32, #tpu.memory_space<vmem_shared>> -> memref<10240x16xf32, #tpu.memory_space<vmem_shared>>
      tpu.wait_indirect_dma semaphore(%arg16 : memref<!tpu.dma_semaphore, #tpu.memory_space<semaphore_mem>>) src(%dma_wait3A_256 : memref<128x16xf32, #tpu.memory_space<vmem>>) dst(%dma_wait3A_262 : memref<10240x16xf32, #tpu.memory_space<vmem_shared>>)
    }
    %scan3A_191 = arith.constant 10 : i32
    %scan3A_192 = arith.constant 0 : i32
    %scan3A_193 = arith.constant 0 : i32
    %scan3A_194 = arith.constant 10 : i32
    %scan3A_195 = arith.addi %scan3A_193, %scan3A_194 : i32
    %scan3A_196 = arith.constant 1 : i32
    scf.for %scan3A_251 = %scan3A_193 to %scan3A_195 step %scan3A_196  : i32 {
      %add3A_252 = arith.constant 70 : i32
      %add3A_253 = arith.addi %add3A_252, %scan3A_251 : i32
      %dma_start3A = arith.constant 0 : i32
      %dma_start3A_254 = arith.constant 0 : i32
      %dma_start3A_255 = tpu.memref_slice %arg10[%scan3A_251, %dma_start3A, %dma_start3A_254] : memref<10x128x16xf32, #tpu.memory_space<vmem>> -> memref<1x128x16xf32, #tpu.memory_space<vmem>>
      %dma_start3A_256 = tpu.memref_squeeze %dma_start3A_255 : memref<1x128x16xf32, #tpu.memory_space<vmem>> -> memref<128x16xf32, #tpu.memory_space<vmem>>
      %dma_start3A_257 = arith.constant 0 : i32
      %dma_start3A_258 = tpu.memref_slice %arg7[%add3A_253, %dma_start3A_257] : memref<80x128xi32, #tpu.memory_space<vmem>> -> memref<1x128xi32, #tpu.memory_space<vmem>>
      %dma_start3A_259 = tpu.memref_squeeze %dma_start3A_258 : memref<1x128xi32, #tpu.memory_space<vmem>> -> memref<128xi32, #tpu.memory_space<vmem>>
      %dma_start3A_260 = arith.constant 0 : i32
      %dma_start3A_261 = arith.constant 0 : i32
      %dma_start3A_262 = tpu.memref_slice %arg6[%dma_start3A_260, %dma_start3A_261] : memref<10016x16xf32, #tpu.memory_space<vmem_shared>> -> memref<10016x16xf32, #tpu.memory_space<vmem_shared>>
      tpu.enqueue_indirect_dma source(%dma_start3A_262 : memref<10016x16xf32, #tpu.memory_space<vmem_shared>>) target(%dma_start3A_256 : memref<128x16xf32, #tpu.memory_space<vmem>>) offsets(%dma_start3A_259 : memref<128xi32, #tpu.memory_space<vmem>>) semaphore(%arg13 : memref<!tpu.dma_semaphore, #tpu.memory_space<semaphore_mem>>)
    }
    %scan3A_197 = arith.constant 10 : i32
    %scan3A_198 = arith.constant 0 : i32
    %scan3A_199 = arith.constant 0 : i32
    %scan3A_200 = arith.constant 10 : i32
    %scan3A_201 = arith.addi %scan3A_199, %scan3A_200 : i32
    %scan3A_202 = arith.constant 1 : i32
    scf.for %scan3A_251 = %scan3A_199 to %scan3A_201 step %scan3A_202  : i32 {
      %add3A_252 = arith.constant 50 : i32
      %add3A_253 = arith.addi %add3A_252, %scan3A_251 : i32
      %dma_start3A = arith.constant 0 : i32
      %dma_start3A_254 = arith.constant 0 : i32
      %dma_start3A_255 = tpu.memref_slice %arg11[%scan3A_251, %dma_start3A, %dma_start3A_254] : memref<10x128x16xf32, #tpu.memory_space<vmem>> -> memref<1x128x16xf32, #tpu.memory_space<vmem>>
      %dma_start3A_256 = tpu.memref_squeeze %dma_start3A_255 : memref<1x128x16xf32, #tpu.memory_space<vmem>> -> memref<128x16xf32, #tpu.memory_space<vmem>>
      %dma_start3A_257 = arith.constant 0 : i32
      %dma_start3A_258 = tpu.memref_slice %arg8[%add3A_253, %dma_start3A_257] : memref<80x128xi32, #tpu.memory_space<vmem>> -> memref<1x128xi32, #tpu.memory_space<vmem>>
      %dma_start3A_259 = tpu.memref_squeeze %dma_start3A_258 : memref<1x128xi32, #tpu.memory_space<vmem>> -> memref<128xi32, #tpu.memory_space<vmem>>
      %dma_start3A_260 = arith.constant 0 : i32
      %dma_start3A_261 = arith.constant 0 : i32
      %dma_start3A_262 = tpu.memref_slice %arg5[%dma_start3A_260, %dma_start3A_261] : memref<10240x16xf32, #tpu.memory_space<vmem_shared>> -> memref<10240x16xf32, #tpu.memory_space<vmem_shared>>
      tpu.enqueue_indirect_dma source(%dma_start3A_256 : memref<128x16xf32, #tpu.memory_space<vmem>>) target(%dma_start3A_262 : memref<10240x16xf32, #tpu.memory_space<vmem_shared>>) offsets(%dma_start3A_259 : memref<128xi32, #tpu.memory_space<vmem>>) semaphore(%arg17 : memref<!tpu.dma_semaphore, #tpu.memory_space<semaphore_mem>>) {add = true}
    }
    %scan3A_203 = arith.constant 10 : i32
    %scan3A_204 = arith.constant 0 : i32
    %scan3A_205 = arith.constant 0 : i32
    %scan3A_206 = arith.constant 10 : i32
    %scan3A_207 = arith.addi %scan3A_205, %scan3A_206 : i32
    %scan3A_208 = arith.constant 1 : i32
    scf.for %scan3A_251 = %scan3A_205 to %scan3A_207 step %scan3A_208  : i32 {
      %dma_wait3A = arith.constant 0 : i32
      %dma_wait3A_252 = arith.constant 0 : i32
      %dma_wait3A_253 = arith.constant 0 : i32
      %dma_wait3A_254 = arith.constant 0 : i32
      %dma_wait3A_255 = tpu.memref_slice %arg9[%dma_wait3A_252, %dma_wait3A_253, %dma_wait3A_254] : memref<10x128x16xf32, #tpu.memory_space<vmem>> -> memref<1x128x16xf32, #tpu.memory_space<vmem>>
      %dma_wait3A_256 = tpu.memref_squeeze %dma_wait3A_255 : memref<1x128x16xf32, #tpu.memory_space<vmem>> -> memref<128x16xf32, #tpu.memory_space<vmem>>
      %dma_wait3A_257 = arith.constant 0 : i32
      %dma_wait3A_258 = tpu.memref_slice %arg7[%dma_wait3A, %dma_wait3A_257] : memref<80x128xi32, #tpu.memory_space<vmem>> -> memref<1x128xi32, #tpu.memory_space<vmem>>
      %dma_wait3A_259 = tpu.memref_squeeze %dma_wait3A_258 : memref<1x128xi32, #tpu.memory_space<vmem>> -> memref<128xi32, #tpu.memory_space<vmem>>
      %dma_wait3A_260 = arith.constant 0 : i32
      %dma_wait3A_261 = arith.constant 0 : i32
      %dma_wait3A_262 = tpu.memref_slice %arg6[%dma_wait3A_260, %dma_wait3A_261] : memref<10016x16xf32, #tpu.memory_space<vmem_shared>> -> memref<10016x16xf32, #tpu.memory_space<vmem_shared>>
      tpu.wait_indirect_dma semaphore(%arg12 : memref<!tpu.dma_semaphore, #tpu.memory_space<semaphore_mem>>) src(%dma_wait3A_262 : memref<10016x16xf32, #tpu.memory_space<vmem_shared>>) dst(%dma_wait3A_256 : memref<128x16xf32, #tpu.memory_space<vmem>>)
    }
    %scan3A_209 = arith.constant 10 : i32
    %scan3A_210 = arith.constant 0 : i32
    %scan3A_211 = arith.constant 0 : i32
    %scan3A_212 = arith.constant 10 : i32
    %scan3A_213 = arith.addi %scan3A_211, %scan3A_212 : i32
    %scan3A_214 = arith.constant 1 : i32
    scf.for %scan3A_251 = %scan3A_211 to %scan3A_213 step %scan3A_214  : i32 {
      %add3A_252 = arith.constant 60 : i32
      %add3A_253 = arith.addi %add3A_252, %scan3A_251 : i32
      %dma_start3A = arith.constant 0 : i32
      %dma_start3A_254 = arith.constant 0 : i32
      %dma_start3A_255 = tpu.memref_slice %arg9[%scan3A_251, %dma_start3A, %dma_start3A_254] : memref<10x128x16xf32, #tpu.memory_space<vmem>> -> memref<1x128x16xf32, #tpu.memory_space<vmem>>
      %dma_start3A_256 = tpu.memref_squeeze %dma_start3A_255 : memref<1x128x16xf32, #tpu.memory_space<vmem>> -> memref<128x16xf32, #tpu.memory_space<vmem>>
      %dma_start3A_257 = arith.constant 0 : i32
      %dma_start3A_258 = tpu.memref_slice %arg8[%add3A_253, %dma_start3A_257] : memref<80x128xi32, #tpu.memory_space<vmem>> -> memref<1x128xi32, #tpu.memory_space<vmem>>
      %dma_start3A_259 = tpu.memref_squeeze %dma_start3A_258 : memref<1x128xi32, #tpu.memory_space<vmem>> -> memref<128xi32, #tpu.memory_space<vmem>>
      %dma_start3A_260 = arith.constant 0 : i32
      %dma_start3A_261 = arith.constant 0 : i32
      %dma_start3A_262 = tpu.memref_slice %arg5[%dma_start3A_260, %dma_start3A_261] : memref<10240x16xf32, #tpu.memory_space<vmem_shared>> -> memref<10240x16xf32, #tpu.memory_space<vmem_shared>>
      tpu.enqueue_indirect_dma source(%dma_start3A_256 : memref<128x16xf32, #tpu.memory_space<vmem>>) target(%dma_start3A_262 : memref<10240x16xf32, #tpu.memory_space<vmem_shared>>) offsets(%dma_start3A_259 : memref<128xi32, #tpu.memory_space<vmem>>) semaphore(%arg15 : memref<!tpu.dma_semaphore, #tpu.memory_space<semaphore_mem>>) {add = true}
    }
    %scan3A_215 = arith.constant 10 : i32
    %scan3A_216 = arith.constant 0 : i32
    %scan3A_217 = arith.constant 0 : i32
    %scan3A_218 = arith.constant 10 : i32
    %scan3A_219 = arith.addi %scan3A_217, %scan3A_218 : i32
    %scan3A_220 = arith.constant 1 : i32
    scf.for %scan3A_251 = %scan3A_217 to %scan3A_219 step %scan3A_220  : i32 {
      %dma_wait3A = arith.constant 0 : i32
      %dma_wait3A_252 = arith.constant 0 : i32
      %dma_wait3A_253 = arith.constant 0 : i32
      %dma_wait3A_254 = arith.constant 0 : i32
      %dma_wait3A_255 = tpu.memref_slice %arg10[%dma_wait3A_252, %dma_wait3A_253, %dma_wait3A_254] : memref<10x128x16xf32, #tpu.memory_space<vmem>> -> memref<1x128x16xf32, #tpu.memory_space<vmem>>
      %dma_wait3A_256 = tpu.memref_squeeze %dma_wait3A_255 : memref<1x128x16xf32, #tpu.memory_space<vmem>> -> memref<128x16xf32, #tpu.memory_space<vmem>>
      %dma_wait3A_257 = arith.constant 0 : i32
      %dma_wait3A_258 = tpu.memref_slice %arg7[%dma_wait3A, %dma_wait3A_257] : memref<80x128xi32, #tpu.memory_space<vmem>> -> memref<1x128xi32, #tpu.memory_space<vmem>>
      %dma_wait3A_259 = tpu.memref_squeeze %dma_wait3A_258 : memref<1x128xi32, #tpu.memory_space<vmem>> -> memref<128xi32, #tpu.memory_space<vmem>>
      %dma_wait3A_260 = arith.constant 0 : i32
      %dma_wait3A_261 = arith.constant 0 : i32
      %dma_wait3A_262 = tpu.memref_slice %arg6[%dma_wait3A_260, %dma_wait3A_261] : memref<10016x16xf32, #tpu.memory_space<vmem_shared>> -> memref<10016x16xf32, #tpu.memory_space<vmem_shared>>
      tpu.wait_indirect_dma semaphore(%arg13 : memref<!tpu.dma_semaphore, #tpu.memory_space<semaphore_mem>>) src(%dma_wait3A_262 : memref<10016x16xf32, #tpu.memory_space<vmem_shared>>) dst(%dma_wait3A_256 : memref<128x16xf32, #tpu.memory_space<vmem>>)
    }
    %scan3A_221 = arith.constant 10 : i32
    %scan3A_222 = arith.constant 0 : i32
    %scan3A_223 = arith.constant 0 : i32
    %scan3A_224 = arith.constant 10 : i32
    %scan3A_225 = arith.addi %scan3A_223, %scan3A_224 : i32
    %scan3A_226 = arith.constant 1 : i32
    scf.for %scan3A_251 = %scan3A_223 to %scan3A_225 step %scan3A_226  : i32 {
      %add3A_252 = arith.constant 70 : i32
      %add3A_253 = arith.addi %add3A_252, %scan3A_251 : i32
      %dma_start3A = arith.constant 0 : i32
      %dma_start3A_254 = arith.constant 0 : i32
      %dma_start3A_255 = tpu.memref_slice %arg10[%scan3A_251, %dma_start3A, %dma_start3A_254] : memref<10x128x16xf32, #tpu.memory_space<vmem>> -> memref<1x128x16xf32, #tpu.memory_space<vmem>>
      %dma_start3A_256 = tpu.memref_squeeze %dma_start3A_255 : memref<1x128x16xf32, #tpu.memory_space<vmem>> -> memref<128x16xf32, #tpu.memory_space<vmem>>
      %dma_start3A_257 = arith.constant 0 : i32
      %dma_start3A_258 = tpu.memref_slice %arg8[%add3A_253, %dma_start3A_257] : memref<80x128xi32, #tpu.memory_space<vmem>> -> memref<1x128xi32, #tpu.memory_space<vmem>>
      %dma_start3A_259 = tpu.memref_squeeze %dma_start3A_258 : memref<1x128xi32, #tpu.memory_space<vmem>> -> memref<128xi32, #tpu.memory_space<vmem>>
      %dma_start3A_260 = arith.constant 0 : i32
      %dma_start3A_261 = arith.constant 0 : i32
      %dma_start3A_262 = tpu.memref_slice %arg5[%dma_start3A_260, %dma_start3A_261] : memref<10240x16xf32, #tpu.memory_space<vmem_shared>> -> memref<10240x16xf32, #tpu.memory_space<vmem_shared>>
      tpu.enqueue_indirect_dma source(%dma_start3A_256 : memref<128x16xf32, #tpu.memory_space<vmem>>) target(%dma_start3A_262 : memref<10240x16xf32, #tpu.memory_space<vmem_shared>>) offsets(%dma_start3A_259 : memref<128xi32, #tpu.memory_space<vmem>>) semaphore(%arg16 : memref<!tpu.dma_semaphore, #tpu.memory_space<semaphore_mem>>) {add = true}
    }
    %scan3A_227 = arith.constant 10 : i32
    %scan3A_228 = arith.constant 0 : i32
    %scan3A_229 = arith.constant 0 : i32
    %scan3A_230 = arith.constant 10 : i32
    %scan3A_231 = arith.addi %scan3A_229, %scan3A_230 : i32
    %scan3A_232 = arith.constant 1 : i32
    scf.for %scan3A_251 = %scan3A_229 to %scan3A_231 step %scan3A_232  : i32 {
      %dma_wait3A = arith.constant 0 : i32
      %dma_wait3A_252 = arith.constant 0 : i32
      %dma_wait3A_253 = arith.constant 0 : i32
      %dma_wait3A_254 = arith.constant 0 : i32
      %dma_wait3A_255 = tpu.memref_slice %arg11[%dma_wait3A, %dma_wait3A_253, %dma_wait3A_254] : memref<10x128x16xf32, #tpu.memory_space<vmem>> -> memref<1x128x16xf32, #tpu.memory_space<vmem>>
      %dma_wait3A_256 = tpu.memref_squeeze %dma_wait3A_255 : memref<1x128x16xf32, #tpu.memory_space<vmem>> -> memref<128x16xf32, #tpu.memory_space<vmem>>
      %dma_wait3A_257 = arith.constant 0 : i32
      %dma_wait3A_258 = tpu.memref_slice %arg8[%dma_wait3A_252, %dma_wait3A_257] : memref<80x128xi32, #tpu.memory_space<vmem>> -> memref<1x128xi32, #tpu.memory_space<vmem>>
      %dma_wait3A_259 = tpu.memref_squeeze %dma_wait3A_258 : memref<1x128xi32, #tpu.memory_space<vmem>> -> memref<128xi32, #tpu.memory_space<vmem>>
      %dma_wait3A_260 = arith.constant 0 : i32
      %dma_wait3A_261 = arith.constant 0 : i32
      %dma_wait3A_262 = tpu.memref_slice %arg5[%dma_wait3A_260, %dma_wait3A_261] : memref<10240x16xf32, #tpu.memory_space<vmem_shared>> -> memref<10240x16xf32, #tpu.memory_space<vmem_shared>>
      tpu.wait_indirect_dma semaphore(%arg17 : memref<!tpu.dma_semaphore, #tpu.memory_space<semaphore_mem>>) src(%dma_wait3A_256 : memref<128x16xf32, #tpu.memory_space<vmem>>) dst(%dma_wait3A_262 : memref<10240x16xf32, #tpu.memory_space<vmem_shared>>)
    }
    %scan3A_233 = arith.constant 10 : i32
    %scan3A_234 = arith.constant 0 : i32
    %scan3A_235 = arith.constant 0 : i32
    %scan3A_236 = arith.constant 10 : i32
    %scan3A_237 = arith.addi %scan3A_235, %scan3A_236 : i32
    %scan3A_238 = arith.constant 1 : i32
    scf.for %scan3A_251 = %scan3A_235 to %scan3A_237 step %scan3A_238  : i32 {
      %dma_wait3A = arith.constant 0 : i32
      %dma_wait3A_252 = arith.constant 0 : i32
      %dma_wait3A_253 = arith.constant 0 : i32
      %dma_wait3A_254 = arith.constant 0 : i32
      %dma_wait3A_255 = tpu.memref_slice %arg9[%dma_wait3A, %dma_wait3A_253, %dma_wait3A_254] : memref<10x128x16xf32, #tpu.memory_space<vmem>> -> memref<1x128x16xf32, #tpu.memory_space<vmem>>
      %dma_wait3A_256 = tpu.memref_squeeze %dma_wait3A_255 : memref<1x128x16xf32, #tpu.memory_space<vmem>> -> memref<128x16xf32, #tpu.memory_space<vmem>>
      %dma_wait3A_257 = arith.constant 0 : i32
      %dma_wait3A_258 = tpu.memref_slice %arg8[%dma_wait3A_252, %dma_wait3A_257] : memref<80x128xi32, #tpu.memory_space<vmem>> -> memref<1x128xi32, #tpu.memory_space<vmem>>
      %dma_wait3A_259 = tpu.memref_squeeze %dma_wait3A_258 : memref<1x128xi32, #tpu.memory_space<vmem>> -> memref<128xi32, #tpu.memory_space<vmem>>
      %dma_wait3A_260 = arith.constant 0 : i32
      %dma_wait3A_261 = arith.constant 0 : i32
      %dma_wait3A_262 = tpu.memref_slice %arg5[%dma_wait3A_260, %dma_wait3A_261] : memref<10240x16xf32, #tpu.memory_space<vmem_shared>> -> memref<10240x16xf32, #tpu.memory_space<vmem_shared>>
      tpu.wait_indirect_dma semaphore(%arg15 : memref<!tpu.dma_semaphore, #tpu.memory_space<semaphore_mem>>) src(%dma_wait3A_256 : memref<128x16xf32, #tpu.memory_space<vmem>>) dst(%dma_wait3A_262 : memref<10240x16xf32, #tpu.memory_space<vmem_shared>>)
    }
    %scan3A_239 = arith.constant 10 : i32
    %scan3A_240 = arith.constant 0 : i32
    %scan3A_241 = arith.constant 0 : i32
    %scan3A_242 = arith.constant 10 : i32
    %scan3A_243 = arith.addi %scan3A_241, %scan3A_242 : i32
    %scan3A_244 = arith.constant 1 : i32
    scf.for %scan3A_251 = %scan3A_241 to %scan3A_243 step %scan3A_244  : i32 {
      %dma_wait3A = arith.constant 0 : i32
      %dma_wait3A_252 = arith.constant 0 : i32
      %dma_wait3A_253 = arith.constant 0 : i32
      %dma_wait3A_254 = arith.constant 0 : i32
      %dma_wait3A_255 = tpu.memref_slice %arg10[%dma_wait3A, %dma_wait3A_253, %dma_wait3A_254] : memref<10x128x16xf32, #tpu.memory_space<vmem>> -> memref<1x128x16xf32, #tpu.memory_space<vmem>>
      %dma_wait3A_256 = tpu.memref_squeeze %dma_wait3A_255 : memref<1x128x16xf32, #tpu.memory_space<vmem>> -> memref<128x16xf32, #tpu.memory_space<vmem>>
      %dma_wait3A_257 = arith.constant 0 : i32
      %dma_wait3A_258 = tpu.memref_slice %arg8[%dma_wait3A_252, %dma_wait3A_257] : memref<80x128xi32, #tpu.memory_space<vmem>> -> memref<1x128xi32, #tpu.memory_space<vmem>>
      %dma_wait3A_259 = tpu.memref_squeeze %dma_wait3A_258 : memref<1x128xi32, #tpu.memory_space<vmem>> -> memref<128xi32, #tpu.memory_space<vmem>>
      %dma_wait3A_260 = arith.constant 0 : i32
      %dma_wait3A_261 = arith.constant 0 : i32
      %dma_wait3A_262 = tpu.memref_slice %arg5[%dma_wait3A_260, %dma_wait3A_261] : memref<10240x16xf32, #tpu.memory_space<vmem_shared>> -> memref<10240x16xf32, #tpu.memory_space<vmem_shared>>
      tpu.wait_indirect_dma semaphore(%arg16 : memref<!tpu.dma_semaphore, #tpu.memory_space<semaphore_mem>>) src(%dma_wait3A_256 : memref<128x16xf32, #tpu.memory_space<vmem>>) dst(%dma_wait3A_262 : memref<10240x16xf32, #tpu.memory_space<vmem_shared>>)
    }
    %scan3A_245 = arith.constant 10 : i32
    %barrier3A_246 = arith.constant 0 : index
    tpu.barrier barrier_id(%barrier3A_246)
    %mul3A_247 = arith.constant 640 : i32
    %mul3A_248 = arith.muli %arg1, %mul3A_247 : i32
    %mul3A_249 = arith.constant 640 : i32
    %mul3A_250 = arith.muli %arg1, %mul3A_249 : i32
    "tpu.region"() ({
      %run_scoped3A_251 = tpu.sem_alloc : memref<!tpu.dma_semaphore, #tpu.memory_space<semaphore_mem>>
      %dma_start3A = arith.constant 0 : i32
      %dma_start3A_252 = tpu.memref_slice %arg4[%arg0, %mul3A_250, %dma_start3A] : memref<2x10240x16xf32, #tpu.memory_space<hbm>> -> memref<1x640x16xf32, #tpu.memory_space<hbm>>
      %dma_start3A_253 = tpu.memref_squeeze %dma_start3A_252 : memref<1x640x16xf32, #tpu.memory_space<hbm>> -> memref<640x16xf32, #tpu.memory_space<hbm>>
      %dma_start3A_254 = arith.constant 0 : i32
      %dma_start3A_255 = tpu.memref_slice %arg5[%mul3A_248, %dma_start3A_254] : memref<10240x16xf32, #tpu.memory_space<vmem_shared>> -> memref<640x16xf32, #tpu.memory_space<vmem_shared>>
      tpu.enqueue_dma source(%dma_start3A_255 : memref<640x16xf32, #tpu.memory_space<vmem_shared>>) target(%dma_start3A_253 : memref<640x16xf32, #tpu.memory_space<hbm>>) target_semaphore(%run_scoped3A_251 : memref<!tpu.dma_semaphore, #tpu.memory_space<semaphore_mem>>)
      %dma_wait3A = arith.constant 0 : i32
      %dma_wait3A_256 = tpu.memref_slice %arg4[%arg0, %mul3A_250, %dma_wait3A] : memref<2x10240x16xf32, #tpu.memory_space<hbm>> -> memref<1x640x16xf32, #tpu.memory_space<hbm>>
      %dma_wait3A_257 = tpu.memref_squeeze %dma_wait3A_256 : memref<1x640x16xf32, #tpu.memory_space<hbm>> -> memref<640x16xf32, #tpu.memory_space<hbm>>
      %dma_wait3A_258 = arith.constant 0 : i32
      %dma_wait3A_259 = tpu.memref_slice %arg5[%mul3A_248, %dma_wait3A_258] : memref<10240x16xf32, #tpu.memory_space<vmem_shared>> -> memref<640x16xf32, #tpu.memory_space<vmem_shared>>
      tpu.wait_dma2 semaphore(%run_scoped3A_251 : memref<!tpu.dma_semaphore, #tpu.memory_space<semaphore_mem>>) src(%dma_wait3A_259 : memref<640x16xf32, #tpu.memory_space<vmem_shared>>) dst(%dma_wait3A_257 : memref<640x16xf32, #tpu.memory_space<hbm>>)
      tpu.yield
    }) : () -> ()
    return
  }
}

#map = affine_map<(d0, d1) -> (0, 0, 0)>
module attributes {stable_mosaic.version = 14 : i64} {
  func.func @_deg_body(%arg0: i32, %arg1: i32, %arg2: memref<2x2500x128xi32, #tpu.memory_space<hbm>>, %arg3: memref<2x2x10240xf32, #tpu.memory_space<hbm>>, %arg4: memref<10240xf32, #tpu.memory_space<vmem_shared>>, %arg5: memref<10240xf32, #tpu.memory_space<vmem_shared>>, %arg6: memref<80x128xi32, #tpu.memory_space<vmem>>, %arg7: memref<80x128xi32, #tpu.memory_space<vmem>>, %arg8: memref<128xf32, #tpu.memory_space<vmem>>, %arg9: memref<640xf32, #tpu.memory_space<vmem>>, %arg10: memref<!tpu.dma_semaphore, #tpu.memory_space<semaphore_mem>>, %arg11: memref<!tpu.dma_semaphore, #tpu.memory_space<semaphore_mem>>) attributes {dimension_semantics = [#tpu.dimension_semantics<core_parallel>, #tpu.dimension_semantics<subcore_parallel>], iteration_bounds = array<i64: 2, 16>, scalar_prefetch = 0 : i64, scratch_operands = 8 : i64, tpu.core_type = #tpu.core_type<sc_vector_subcore>, window_params = [{transform_indices = #map}, {transform_indices = #map}]} {
    %mul3A = arith.constant 16 : i32
    %mul3A_0 = arith.muli %arg0, %mul3A : i32
    %add3A = arith.addi %mul3A_0, %arg1 : i32
    %scan3A = arith.constant 0 : i32
    %scan3A_1 = arith.constant 0 : i32
    %scan3A_2 = arith.constant 8 : i32
    %scan3A_3 = arith.addi %scan3A_1, %scan3A_2 : i32
    %scan3A_4 = arith.constant 1 : i32
    scf.for %scan3A_70 = %scan3A_1 to %scan3A_3 step %scan3A_4  : i32 {
      %broadcast_in_dim3A = arith.constant 1.000000e+00 : f32
      %broadcast_in_dim3A_71 = vector.broadcast %broadcast_in_dim3A : f32 to vector<16xf32>
      %mul3A_72 = arith.constant 16 : i32
      %mul3A_73 = arith.muli %scan3A_70, %mul3A_72 : i32
      %swap3A = arith.index_cast %mul3A_73 : i32 to index
      %swap3A_74 = tpu.vector_load %arg8[%swap3A] {strides = array<i32>} : memref<128xf32, #tpu.memory_space<vmem>>, vector<16xf32>,
      %swap3A_75 = vector.shape_cast %swap3A_74 : vector<16xf32> to vector<16xf32>
      %swap3A_76 = vector.shape_cast %broadcast_in_dim3A_71 : vector<16xf32> to vector<16xf32>
      tpu.vector_store %arg8[%swap3A], %swap3A_76 {strides = array<i32>} : memref<128xf32, #tpu.memory_space<vmem>>, vector<16xf32>,
    }
    %scan3A_5 = arith.constant 8 : i32
    %scan3A_6 = arith.constant 0 : i32
    %scan3A_7 = arith.constant 0 : i32
    %scan3A_8 = arith.constant 40 : i32
    %scan3A_9 = arith.addi %scan3A_7, %scan3A_8 : i32
    %scan3A_10 = arith.constant 1 : i32
    scf.for %scan3A_70 = %scan3A_7 to %scan3A_9 step %scan3A_10  : i32 {
      %broadcast_in_dim3A = arith.constant 0.000000e+00 : f32
      %broadcast_in_dim3A_71 = vector.broadcast %broadcast_in_dim3A : f32 to vector<16xf32>
      %mul3A_72 = arith.constant 16 : i32
      %mul3A_73 = arith.muli %scan3A_70, %mul3A_72 : i32
      %swap3A = arith.index_cast %mul3A_73 : i32 to index
      %swap3A_74 = tpu.vector_load %arg9[%swap3A] {strides = array<i32>} : memref<640xf32, #tpu.memory_space<vmem>>, vector<16xf32>,
      %swap3A_75 = vector.shape_cast %swap3A_74 : vector<16xf32> to vector<16xf32>
      %swap3A_76 = vector.shape_cast %broadcast_in_dim3A_71 : vector<16xf32> to vector<16xf32>
      tpu.vector_store %arg9[%swap3A], %swap3A_76 {strides = array<i32>} : memref<640xf32, #tpu.memory_space<vmem>>, vector<16xf32>,
    }
    %scan3A_11 = arith.constant 40 : i32
    %mul3A_12 = arith.constant 640 : i32
    %mul3A_13 = arith.muli %arg1, %mul3A_12 : i32
    "tpu.region"() ({
      %run_scoped3A_70 = tpu.sem_alloc : memref<!tpu.dma_semaphore, #tpu.memory_space<semaphore_mem>>
      %dma_start3A = tpu.memref_slice %arg4[%mul3A_13] : memref<10240xf32, #tpu.memory_space<vmem_shared>> -> memref<640xf32, #tpu.memory_space<vmem_shared>>
      %dma_start3A_71 = tpu.memref_slice %arg4[%mul3A_13] : memref<10240xf32, #tpu.memory_space<vmem_shared>> -> memref<640xf32, #tpu.memory_space<vmem_shared>>
      tpu.enqueue_dma source(%arg9 : memref<640xf32, #tpu.memory_space<vmem>>) target(%dma_start3A_71 : memref<640xf32, #tpu.memory_space<vmem_shared>>) target_semaphore(%run_scoped3A_70 : memref<!tpu.dma_semaphore, #tpu.memory_space<semaphore_mem>>)
      %dma_wait3A = tpu.memref_slice %arg4[%mul3A_13] : memref<10240xf32, #tpu.memory_space<vmem_shared>> -> memref<640xf32, #tpu.memory_space<vmem_shared>>
      %dma_wait3A_72 = tpu.memref_slice %arg4[%mul3A_13] : memref<10240xf32, #tpu.memory_space<vmem_shared>> -> memref<640xf32, #tpu.memory_space<vmem_shared>>
      tpu.wait_dma2 semaphore(%run_scoped3A_70 : memref<!tpu.dma_semaphore, #tpu.memory_space<semaphore_mem>>) src(%arg9 : memref<640xf32, #tpu.memory_space<vmem>>) dst(%dma_wait3A_72 : memref<640xf32, #tpu.memory_space<vmem_shared>>)
      tpu.yield
    }) : () -> ()
    %mul3A_14 = arith.constant 640 : i32
    %mul3A_15 = arith.muli %arg1, %mul3A_14 : i32
    "tpu.region"() ({
      %run_scoped3A_70 = tpu.sem_alloc : memref<!tpu.dma_semaphore, #tpu.memory_space<semaphore_mem>>
      %dma_start3A = tpu.memref_slice %arg5[%mul3A_15] : memref<10240xf32, #tpu.memory_space<vmem_shared>> -> memref<640xf32, #tpu.memory_space<vmem_shared>>
      %dma_start3A_71 = tpu.memref_slice %arg5[%mul3A_15] : memref<10240xf32, #tpu.memory_space<vmem_shared>> -> memref<640xf32, #tpu.memory_space<vmem_shared>>
      tpu.enqueue_dma source(%arg9 : memref<640xf32, #tpu.memory_space<vmem>>) target(%dma_start3A_71 : memref<640xf32, #tpu.memory_space<vmem_shared>>) target_semaphore(%run_scoped3A_70 : memref<!tpu.dma_semaphore, #tpu.memory_space<semaphore_mem>>)
      %dma_wait3A = tpu.memref_slice %arg5[%mul3A_15] : memref<10240xf32, #tpu.memory_space<vmem_shared>> -> memref<640xf32, #tpu.memory_space<vmem_shared>>
      %dma_wait3A_72 = tpu.memref_slice %arg5[%mul3A_15] : memref<10240xf32, #tpu.memory_space<vmem_shared>> -> memref<640xf32, #tpu.memory_space<vmem_shared>>
      tpu.wait_dma2 semaphore(%run_scoped3A_70 : memref<!tpu.dma_semaphore, #tpu.memory_space<semaphore_mem>>) src(%arg9 : memref<640xf32, #tpu.memory_space<vmem>>) dst(%dma_wait3A_72 : memref<640xf32, #tpu.memory_space<vmem_shared>>)
      tpu.yield
    }) : () -> ()
    %scan3A_16 = arith.constant 0 : i32
    %scan3A_17 = arith.constant 0 : i32
    %scan3A_18 = arith.constant 8 : i32
    %scan3A_19 = arith.addi %scan3A_17, %scan3A_18 : i32
    %scan3A_20 = arith.constant 1 : i32
    scf.for %scan3A_70 = %scan3A_17 to %scan3A_19 step %scan3A_20  : i32 {
      %broadcast_in_dim3A = arith.constant 10000 : i32
      %broadcast_in_dim3A_71 = vector.broadcast %broadcast_in_dim3A : i32 to vector<16xi32>
      %mul3A_72 = arith.constant 16 : i32
      %mul3A_73 = arith.muli %scan3A_70, %mul3A_72 : i32
      %swap3A = arith.constant 78 : i32
      %swap3A_74 = arith.index_cast %swap3A : i32 to index
      %swap3A_75 = arith.index_cast %mul3A_73 : i32 to index
      %swap3A_76 = tpu.vector_load %arg6[%swap3A_74, %swap3A_75] {strides = array<i32>} : memref<80x128xi32, #tpu.memory_space<vmem>>, vector<1x16xi32>,
      %swap3A_77 = vector.shape_cast %swap3A_76 : vector<1x16xi32> to vector<16xi32>
      %swap3A_78 = vector.shape_cast %broadcast_in_dim3A_71 : vector<16xi32> to vector<1x16xi32>
      tpu.vector_store %arg6[%swap3A_74, %swap3A_75], %swap3A_78 {strides = array<i32>} : memref<80x128xi32, #tpu.memory_space<vmem>>, vector<1x16xi32>,
      %broadcast_in_dim3A_79 = arith.constant 10000 : i32
      %broadcast_in_dim3A_80 = vector.broadcast %broadcast_in_dim3A_79 : i32 to vector<16xi32>
      %mul3A_81 = arith.constant 16 : i32
      %mul3A_82 = arith.muli %scan3A_70, %mul3A_81 : i32
      %swap3A_83 = arith.constant 78 : i32
      %swap3A_84 = arith.index_cast %swap3A_83 : i32 to index
      %swap3A_85 = arith.index_cast %mul3A_82 : i32 to index
      %swap3A_86 = tpu.vector_load %arg7[%swap3A_84, %swap3A_85] {strides = array<i32>} : memref<80x128xi32, #tpu.memory_space<vmem>>, vector<1x16xi32>,
      %swap3A_87 = vector.shape_cast %swap3A_86 : vector<1x16xi32> to vector<16xi32>
      %swap3A_88 = vector.shape_cast %broadcast_in_dim3A_80 : vector<16xi32> to vector<1x16xi32>
      tpu.vector_store %arg7[%swap3A_84, %swap3A_85], %swap3A_88 {strides = array<i32>} : memref<80x128xi32, #tpu.memory_space<vmem>>, vector<1x16xi32>,
    }
    %scan3A_21 = arith.constant 8 : i32
    %scan3A_22 = arith.constant 0 : i32
    %scan3A_23 = arith.constant 0 : i32
    %scan3A_24 = arith.constant 8 : i32
    %scan3A_25 = arith.addi %scan3A_23, %scan3A_24 : i32
    %scan3A_26 = arith.constant 1 : i32
    scf.for %scan3A_70 = %scan3A_23 to %scan3A_25 step %scan3A_26  : i32 {
      %broadcast_in_dim3A = arith.constant 10000 : i32
      %broadcast_in_dim3A_71 = vector.broadcast %broadcast_in_dim3A : i32 to vector<16xi32>
      %mul3A_72 = arith.constant 16 : i32
      %mul3A_73 = arith.muli %scan3A_70, %mul3A_72 : i32
      %swap3A = arith.constant 79 : i32
      %swap3A_74 = arith.index_cast %swap3A : i32 to index
      %swap3A_75 = arith.index_cast %mul3A_73 : i32 to index
      %swap3A_76 = tpu.vector_load %arg6[%swap3A_74, %swap3A_75] {strides = array<i32>} : memref<80x128xi32, #tpu.memory_space<vmem>>, vector<1x16xi32>,
      %swap3A_77 = vector.shape_cast %swap3A_76 : vector<1x16xi32> to vector<16xi32>
      %swap3A_78 = vector.shape_cast %broadcast_in_dim3A_71 : vector<16xi32> to vector<1x16xi32>
      tpu.vector_store %arg6[%swap3A_74, %swap3A_75], %swap3A_78 {strides = array<i32>} : memref<80x128xi32, #tpu.memory_space<vmem>>, vector<1x16xi32>,
      %broadcast_in_dim3A_79 = arith.constant 10000 : i32
      %broadcast_in_dim3A_80 = vector.broadcast %broadcast_in_dim3A_79 : i32 to vector<16xi32>
      %mul3A_81 = arith.constant 16 : i32
      %mul3A_82 = arith.muli %scan3A_70, %mul3A_81 : i32
      %swap3A_83 = arith.constant 79 : i32
      %swap3A_84 = arith.index_cast %swap3A_83 : i32 to index
      %swap3A_85 = arith.index_cast %mul3A_82 : i32 to index
      %swap3A_86 = tpu.vector_load %arg7[%swap3A_84, %swap3A_85] {strides = array<i32>} : memref<80x128xi32, #tpu.memory_space<vmem>>, vector<1x16xi32>,
      %swap3A_87 = vector.shape_cast %swap3A_86 : vector<1x16xi32> to vector<16xi32>
      %swap3A_88 = vector.shape_cast %broadcast_in_dim3A_80 : vector<16xi32> to vector<1x16xi32>
      tpu.vector_store %arg7[%swap3A_84, %swap3A_85], %swap3A_88 {strides = array<i32>} : memref<80x128xi32, #tpu.memory_space<vmem>>, vector<1x16xi32>,
    }
    %scan3A_27 = arith.constant 8 : i32
    %mul3A_28 = arith.constant 78 : i32
    %mul3A_29 = arith.muli %add3A, %mul3A_28 : i32
    %run_scoped3A = arith.constant 0 : i32
    "tpu.region"() ({
      %run_scoped3A_70 = tpu.sem_alloc : memref<!tpu.dma_semaphore, #tpu.memory_space<semaphore_mem>>
      %dma_start3A = arith.constant 0 : i32
      %dma_start3A_71 = arith.constant 0 : i32
      %dma_start3A_72 = tpu.memref_slice %arg6[%dma_start3A, %dma_start3A_71] : memref<80x128xi32, #tpu.memory_space<vmem>> -> memref<78x128xi32, #tpu.memory_space<vmem>>
      %dma_start3A_73 = arith.constant 0 : i32
      %dma_start3A_74 = tpu.memref_slice %arg2[%run_scoped3A, %mul3A_29, %dma_start3A_73] : memref<2x2500x128xi32, #tpu.memory_space<hbm>> -> memref<1x78x128xi32, #tpu.memory_space<hbm>>
      %dma_start3A_75 = tpu.memref_squeeze %dma_start3A_74 : memref<1x78x128xi32, #tpu.memory_space<hbm>> -> memref<78x128xi32, #tpu.memory_space<hbm>>
      %dma_start3A_76 = arith.constant 0 : i32
      %dma_start3A_77 = arith.constant 0 : i32
      %dma_start3A_78 = tpu.memref_slice %arg6[%dma_start3A_76, %dma_start3A_77] : memref<80x128xi32, #tpu.memory_space<vmem>> -> memref<78x128xi32, #tpu.memory_space<vmem>>
      %dma_start3A_79 = arith.constant 0 : i32
      %dma_start3A_80 = tpu.memref_slice %arg2[%run_scoped3A, %mul3A_29, %dma_start3A_79] : memref<2x2500x128xi32, #tpu.memory_space<hbm>> -> memref<1x78x128xi32, #tpu.memory_space<hbm>>
      %dma_start3A_81 = tpu.memref_squeeze %dma_start3A_80 : memref<1x78x128xi32, #tpu.memory_space<hbm>> -> memref<78x128xi32, #tpu.memory_space<hbm>>
      tpu.enqueue_dma source(%dma_start3A_81 : memref<78x128xi32, #tpu.memory_space<hbm>>) target(%dma_start3A_78 : memref<78x128xi32, #tpu.memory_space<vmem>>) target_semaphore(%run_scoped3A_70 : memref<!tpu.dma_semaphore, #tpu.memory_space<semaphore_mem>>)
      %dma_wait3A = arith.constant 0 : i32
      %dma_wait3A_82 = arith.constant 0 : i32
      %dma_wait3A_83 = tpu.memref_slice %arg6[%dma_wait3A, %dma_wait3A_82] : memref<80x128xi32, #tpu.memory_space<vmem>> -> memref<78x128xi32, #tpu.memory_space<vmem>>
      %dma_wait3A_84 = arith.constant 0 : i32
      %dma_wait3A_85 = tpu.memref_slice %arg2[%run_scoped3A, %mul3A_29, %dma_wait3A_84] : memref<2x2500x128xi32, #tpu.memory_space<hbm>> -> memref<1x78x128xi32, #tpu.memory_space<hbm>>
      %dma_wait3A_86 = tpu.memref_squeeze %dma_wait3A_85 : memref<1x78x128xi32, #tpu.memory_space<hbm>> -> memref<78x128xi32, #tpu.memory_space<hbm>>
      %dma_wait3A_87 = arith.constant 0 : i32
      %dma_wait3A_88 = arith.constant 0 : i32
      %dma_wait3A_89 = tpu.memref_slice %arg6[%dma_wait3A_87, %dma_wait3A_88] : memref<80x128xi32, #tpu.memory_space<vmem>> -> memref<78x128xi32, #tpu.memory_space<vmem>>
      %dma_wait3A_90 = arith.constant 0 : i32
      %dma_wait3A_91 = tpu.memref_slice %arg2[%run_scoped3A, %mul3A_29, %dma_wait3A_90] : memref<2x2500x128xi32, #tpu.memory_space<hbm>> -> memref<1x78x128xi32, #tpu.memory_space<hbm>>
      %dma_wait3A_92 = tpu.memref_squeeze %dma_wait3A_91 : memref<1x78x128xi32, #tpu.memory_space<hbm>> -> memref<78x128xi32, #tpu.memory_space<hbm>>
      tpu.wait_dma2 semaphore(%run_scoped3A_70 : memref<!tpu.dma_semaphore, #tpu.memory_space<semaphore_mem>>) src(%dma_wait3A_92 : memref<78x128xi32, #tpu.memory_space<hbm>>) dst(%dma_wait3A_89 : memref<78x128xi32, #tpu.memory_space<vmem>>)
      tpu.yield
    }) : () -> ()
    %mul3A_30 = arith.constant 78 : i32
    %mul3A_31 = arith.muli %add3A, %mul3A_30 : i32
    %run_scoped3A_32 = arith.constant 1 : i32
    "tpu.region"() ({
      %run_scoped3A_70 = tpu.sem_alloc : memref<!tpu.dma_semaphore, #tpu.memory_space<semaphore_mem>>
      %dma_start3A = arith.constant 0 : i32
      %dma_start3A_71 = arith.constant 0 : i32
      %dma_start3A_72 = tpu.memref_slice %arg7[%dma_start3A, %dma_start3A_71] : memref<80x128xi32, #tpu.memory_space<vmem>> -> memref<78x128xi32, #tpu.memory_space<vmem>>
      %dma_start3A_73 = arith.constant 0 : i32
      %dma_start3A_74 = tpu.memref_slice %arg2[%run_scoped3A_32, %mul3A_31, %dma_start3A_73] : memref<2x2500x128xi32, #tpu.memory_space<hbm>> -> memref<1x78x128xi32, #tpu.memory_space<hbm>>
      %dma_start3A_75 = tpu.memref_squeeze %dma_start3A_74 : memref<1x78x128xi32, #tpu.memory_space<hbm>> -> memref<78x128xi32, #tpu.memory_space<hbm>>
      %dma_start3A_76 = arith.constant 0 : i32
      %dma_start3A_77 = arith.constant 0 : i32
      %dma_start3A_78 = tpu.memref_slice %arg7[%dma_start3A_76, %dma_start3A_77] : memref<80x128xi32, #tpu.memory_space<vmem>> -> memref<78x128xi32, #tpu.memory_space<vmem>>
      %dma_start3A_79 = arith.constant 0 : i32
      %dma_start3A_80 = tpu.memref_slice %arg2[%run_scoped3A_32, %mul3A_31, %dma_start3A_79] : memref<2x2500x128xi32, #tpu.memory_space<hbm>> -> memref<1x78x128xi32, #tpu.memory_space<hbm>>
      %dma_start3A_81 = tpu.memref_squeeze %dma_start3A_80 : memref<1x78x128xi32, #tpu.memory_space<hbm>> -> memref<78x128xi32, #tpu.memory_space<hbm>>
      tpu.enqueue_dma source(%dma_start3A_81 : memref<78x128xi32, #tpu.memory_space<hbm>>) target(%dma_start3A_78 : memref<78x128xi32, #tpu.memory_space<vmem>>) target_semaphore(%run_scoped3A_70 : memref<!tpu.dma_semaphore, #tpu.memory_space<semaphore_mem>>)
      %dma_wait3A = arith.constant 0 : i32
      %dma_wait3A_82 = arith.constant 0 : i32
      %dma_wait3A_83 = tpu.memref_slice %arg7[%dma_wait3A, %dma_wait3A_82] : memref<80x128xi32, #tpu.memory_space<vmem>> -> memref<78x128xi32, #tpu.memory_space<vmem>>
      %dma_wait3A_84 = arith.constant 0 : i32
      %dma_wait3A_85 = tpu.memref_slice %arg2[%run_scoped3A_32, %mul3A_31, %dma_wait3A_84] : memref<2x2500x128xi32, #tpu.memory_space<hbm>> -> memref<1x78x128xi32, #tpu.memory_space<hbm>>
      %dma_wait3A_86 = tpu.memref_squeeze %dma_wait3A_85 : memref<1x78x128xi32, #tpu.memory_space<hbm>> -> memref<78x128xi32, #tpu.memory_space<hbm>>
      %dma_wait3A_87 = arith.constant 0 : i32
      %dma_wait3A_88 = arith.constant 0 : i32
      %dma_wait3A_89 = tpu.memref_slice %arg7[%dma_wait3A_87, %dma_wait3A_88] : memref<80x128xi32, #tpu.memory_space<vmem>> -> memref<78x128xi32, #tpu.memory_space<vmem>>
      %dma_wait3A_90 = arith.constant 0 : i32
      %dma_wait3A_91 = tpu.memref_slice %arg2[%run_scoped3A_32, %mul3A_31, %dma_wait3A_90] : memref<2x2500x128xi32, #tpu.memory_space<hbm>> -> memref<1x78x128xi32, #tpu.memory_space<hbm>>
      %dma_wait3A_92 = tpu.memref_squeeze %dma_wait3A_91 : memref<1x78x128xi32, #tpu.memory_space<hbm>> -> memref<78x128xi32, #tpu.memory_space<hbm>>
      tpu.wait_dma2 semaphore(%run_scoped3A_70 : memref<!tpu.dma_semaphore, #tpu.memory_space<semaphore_mem>>) src(%dma_wait3A_92 : memref<78x128xi32, #tpu.memory_space<hbm>>) dst(%dma_wait3A_89 : memref<78x128xi32, #tpu.memory_space<vmem>>)
      tpu.yield
    }) : () -> ()
    %lt3A = arith.constant 4 : i32
    %lt3A_33 = arith.cmpi slt, %add3A, %lt3A : i32
    %convert_element_type3A = arith.extui %lt3A_33 : i1 to i32
    %cond3A = arith.constant 0 : i32
    %cond3A_34 = arith.cmpi ne, %convert_element_type3A, %cond3A : i32
    scf.if %cond3A_34 {
      %add3A_70 = arith.constant 2496 : i32
      %add3A_71 = arith.addi %add3A_70, %add3A : i32
      %run_scoped3A_72 = arith.constant 0 : i32
      %run_scoped3A_73 = arith.constant 78 : i32
      "tpu.region"() ({
        %run_scoped3A_78 = tpu.sem_alloc : memref<!tpu.dma_semaphore, #tpu.memory_space<semaphore_mem>>
        %dma_start3A = arith.constant 0 : i32
        %dma_start3A_79 = tpu.memref_slice %arg6[%run_scoped3A_73, %dma_start3A] : memref<80x128xi32, #tpu.memory_space<vmem>> -> memref<1x128xi32, #tpu.memory_space<vmem>>
        %dma_start3A_80 = tpu.memref_squeeze %dma_start3A_79 : memref<1x128xi32, #tpu.memory_space<vmem>> -> memref<128xi32, #tpu.memory_space<vmem>>
        %dma_start3A_81 = arith.constant 0 : i32
        %dma_start3A_82 = tpu.memref_slice %arg2[%run_scoped3A_72, %add3A_71, %dma_start3A_81] : memref<2x2500x128xi32, #tpu.memory_space<hbm>> -> memref<1x1x128xi32, #tpu.memory_space<hbm>>
        %dma_start3A_83 = tpu.memref_squeeze %dma_start3A_82 : memref<1x1x128xi32, #tpu.memory_space<hbm>> -> memref<128xi32, #tpu.memory_space<hbm>>
        %dma_start3A_84 = arith.constant 0 : i32
        %dma_start3A_85 = tpu.memref_slice %arg6[%run_scoped3A_73, %dma_start3A_84] : memref<80x128xi32, #tpu.memory_space<vmem>> -> memref<1x128xi32, #tpu.memory_space<vmem>>
        %dma_start3A_86 = tpu.memref_squeeze %dma_start3A_85 : memref<1x128xi32, #tpu.memory_space<vmem>> -> memref<128xi32, #tpu.memory_space<vmem>>
        %dma_start3A_87 = arith.constant 0 : i32
        %dma_start3A_88 = tpu.memref_slice %arg2[%run_scoped3A_72, %add3A_71, %dma_start3A_87] : memref<2x2500x128xi32, #tpu.memory_space<hbm>> -> memref<1x1x128xi32, #tpu.memory_space<hbm>>
        %dma_start3A_89 = tpu.memref_squeeze %dma_start3A_88 : memref<1x1x128xi32, #tpu.memory_space<hbm>> -> memref<128xi32, #tpu.memory_space<hbm>>
        tpu.enqueue_dma source(%dma_start3A_89 : memref<128xi32, #tpu.memory_space<hbm>>) target(%dma_start3A_86 : memref<128xi32, #tpu.memory_space<vmem>>) target_semaphore(%run_scoped3A_78 : memref<!tpu.dma_semaphore, #tpu.memory_space<semaphore_mem>>)
        %dma_wait3A = arith.constant 0 : i32
        %dma_wait3A_90 = tpu.memref_slice %arg6[%run_scoped3A_73, %dma_wait3A] : memref<80x128xi32, #tpu.memory_space<vmem>> -> memref<1x128xi32, #tpu.memory_space<vmem>>
        %dma_wait3A_91 = tpu.memref_squeeze %dma_wait3A_90 : memref<1x128xi32, #tpu.memory_space<vmem>> -> memref<128xi32, #tpu.memory_space<vmem>>
        %dma_wait3A_92 = arith.constant 0 : i32
        %dma_wait3A_93 = tpu.memref_slice %arg2[%run_scoped3A_72, %add3A_71, %dma_wait3A_92] : memref<2x2500x128xi32, #tpu.memory_space<hbm>> -> memref<1x1x128xi32, #tpu.memory_space<hbm>>
        %dma_wait3A_94 = tpu.memref_squeeze %dma_wait3A_93 : memref<1x1x128xi32, #tpu.memory_space<hbm>> -> memref<128xi32, #tpu.memory_space<hbm>>
        %dma_wait3A_95 = arith.constant 0 : i32
        %dma_wait3A_96 = tpu.memref_slice %arg6[%run_scoped3A_73, %dma_wait3A_95] : memref<80x128xi32, #tpu.memory_space<vmem>> -> memref<1x128xi32, #tpu.memory_space<vmem>>
        %dma_wait3A_97 = tpu.memref_squeeze %dma_wait3A_96 : memref<1x128xi32, #tpu.memory_space<vmem>> -> memref<128xi32, #tpu.memory_space<vmem>>
        %dma_wait3A_98 = arith.constant 0 : i32
        %dma_wait3A_99 = tpu.memref_slice %arg2[%run_scoped3A_72, %add3A_71, %dma_wait3A_98] : memref<2x2500x128xi32, #tpu.memory_space<hbm>> -> memref<1x1x128xi32, #tpu.memory_space<hbm>>
        %dma_wait3A_100 = tpu.memref_squeeze %dma_wait3A_99 : memref<1x1x128xi32, #tpu.memory_space<hbm>> -> memref<128xi32, #tpu.memory_space<hbm>>
        tpu.wait_dma2 semaphore(%run_scoped3A_78 : memref<!tpu.dma_semaphore, #tpu.memory_space<semaphore_mem>>) src(%dma_wait3A_100 : memref<128xi32, #tpu.memory_space<hbm>>) dst(%dma_wait3A_97 : memref<128xi32, #tpu.memory_space<vmem>>)
        tpu.yield
      }) : () -> ()
      %add3A_74 = arith.constant 2496 : i32
      %add3A_75 = arith.addi %add3A_74, %add3A : i32
      %run_scoped3A_76 = arith.constant 1 : i32
      %run_scoped3A_77 = arith.constant 78 : i32
      "tpu.region"() ({
        %run_scoped3A_78 = tpu.sem_alloc : memref<!tpu.dma_semaphore, #tpu.memory_space<semaphore_mem>>
        %dma_start3A = arith.constant 0 : i32
        %dma_start3A_79 = tpu.memref_slice %arg7[%run_scoped3A_77, %dma_start3A] : memref<80x128xi32, #tpu.memory_space<vmem>> -> memref<1x128xi32, #tpu.memory_space<vmem>>
        %dma_start3A_80 = tpu.memref_squeeze %dma_start3A_79 : memref<1x128xi32, #tpu.memory_space<vmem>> -> memref<128xi32, #tpu.memory_space<vmem>>
        %dma_start3A_81 = arith.constant 0 : i32
        %dma_start3A_82 = tpu.memref_slice %arg2[%run_scoped3A_76, %add3A_75, %dma_start3A_81] : memref<2x2500x128xi32, #tpu.memory_space<hbm>> -> memref<1x1x128xi32, #tpu.memory_space<hbm>>
        %dma_start3A_83 = tpu.memref_squeeze %dma_start3A_82 : memref<1x1x128xi32, #tpu.memory_space<hbm>> -> memref<128xi32, #tpu.memory_space<hbm>>
        %dma_start3A_84 = arith.constant 0 : i32
        %dma_start3A_85 = tpu.memref_slice %arg7[%run_scoped3A_77, %dma_start3A_84] : memref<80x128xi32, #tpu.memory_space<vmem>> -> memref<1x128xi32, #tpu.memory_space<vmem>>
        %dma_start3A_86 = tpu.memref_squeeze %dma_start3A_85 : memref<1x128xi32, #tpu.memory_space<vmem>> -> memref<128xi32, #tpu.memory_space<vmem>>
        %dma_start3A_87 = arith.constant 0 : i32
        %dma_start3A_88 = tpu.memref_slice %arg2[%run_scoped3A_76, %add3A_75, %dma_start3A_87] : memref<2x2500x128xi32, #tpu.memory_space<hbm>> -> memref<1x1x128xi32, #tpu.memory_space<hbm>>
        %dma_start3A_89 = tpu.memref_squeeze %dma_start3A_88 : memref<1x1x128xi32, #tpu.memory_space<hbm>> -> memref<128xi32, #tpu.memory_space<hbm>>
        tpu.enqueue_dma source(%dma_start3A_89 : memref<128xi32, #tpu.memory_space<hbm>>) target(%dma_start3A_86 : memref<128xi32, #tpu.memory_space<vmem>>) target_semaphore(%run_scoped3A_78 : memref<!tpu.dma_semaphore, #tpu.memory_space<semaphore_mem>>)
        %dma_wait3A = arith.constant 0 : i32
        %dma_wait3A_90 = tpu.memref_slice %arg7[%run_scoped3A_77, %dma_wait3A] : memref<80x128xi32, #tpu.memory_space<vmem>> -> memref<1x128xi32, #tpu.memory_space<vmem>>
        %dma_wait3A_91 = tpu.memref_squeeze %dma_wait3A_90 : memref<1x128xi32, #tpu.memory_space<vmem>> -> memref<128xi32, #tpu.memory_space<vmem>>
        %dma_wait3A_92 = arith.constant 0 : i32
        %dma_wait3A_93 = tpu.memref_slice %arg2[%run_scoped3A_76, %add3A_75, %dma_wait3A_92] : memref<2x2500x128xi32, #tpu.memory_space<hbm>> -> memref<1x1x128xi32, #tpu.memory_space<hbm>>
        %dma_wait3A_94 = tpu.memref_squeeze %dma_wait3A_93 : memref<1x1x128xi32, #tpu.memory_space<hbm>> -> memref<128xi32, #tpu.memory_space<hbm>>
        %dma_wait3A_95 = arith.constant 0 : i32
        %dma_wait3A_96 = tpu.memref_slice %arg7[%run_scoped3A_77, %dma_wait3A_95] : memref<80x128xi32, #tpu.memory_space<vmem>> -> memref<1x128xi32, #tpu.memory_space<vmem>>
        %dma_wait3A_97 = tpu.memref_squeeze %dma_wait3A_96 : memref<1x128xi32, #tpu.memory_space<vmem>> -> memref<128xi32, #tpu.memory_space<vmem>>
        %dma_wait3A_98 = arith.constant 0 : i32
        %dma_wait3A_99 = tpu.memref_slice %arg2[%run_scoped3A_76, %add3A_75, %dma_wait3A_98] : memref<2x2500x128xi32, #tpu.memory_space<hbm>> -> memref<1x1x128xi32, #tpu.memory_space<hbm>>
        %dma_wait3A_100 = tpu.memref_squeeze %dma_wait3A_99 : memref<1x1x128xi32, #tpu.memory_space<hbm>> -> memref<128xi32, #tpu.memory_space<hbm>>
        tpu.wait_dma2 semaphore(%run_scoped3A_78 : memref<!tpu.dma_semaphore, #tpu.memory_space<semaphore_mem>>) src(%dma_wait3A_100 : memref<128xi32, #tpu.memory_space<hbm>>) dst(%dma_wait3A_97 : memref<128xi32, #tpu.memory_space<vmem>>)
        tpu.yield
      }) : () -> ()
    } else {
    }
    %barrier3A = arith.constant 0 : index
    tpu.barrier barrier_id(%barrier3A)
    %scan3A_35 = arith.constant 0 : i32
    %scan3A_36 = arith.constant 0 : i32
    %scan3A_37 = arith.constant 80 : i32
    %scan3A_38 = arith.addi %scan3A_36, %scan3A_37 : i32
    %scan3A_39 = arith.constant 1 : i32
    scf.for %scan3A_70 = %scan3A_36 to %scan3A_38 step %scan3A_39  : i32 {
      %dma_start3A = arith.constant 0 : i32
      %dma_start3A_71 = tpu.memref_slice %arg6[%scan3A_70, %dma_start3A] : memref<80x128xi32, #tpu.memory_space<vmem>> -> memref<1x128xi32, #tpu.memory_space<vmem>>
      %dma_start3A_72 = tpu.memref_squeeze %dma_start3A_71 : memref<1x128xi32, #tpu.memory_space<vmem>> -> memref<128xi32, #tpu.memory_space<vmem>>
      %dma_start3A_73 = arith.constant 0 : i32
      %dma_start3A_74 = tpu.memref_slice %arg4[%dma_start3A_73] : memref<10240xf32, #tpu.memory_space<vmem_shared>> -> memref<10240xf32, #tpu.memory_space<vmem_shared>>
      tpu.enqueue_indirect_dma source(%arg8 : memref<128xf32, #tpu.memory_space<vmem>>) target(%dma_start3A_74 : memref<10240xf32, #tpu.memory_space<vmem_shared>>) offsets(%dma_start3A_72 : memref<128xi32, #tpu.memory_space<vmem>>) semaphore(%arg10 : memref<!tpu.dma_semaphore, #tpu.memory_space<semaphore_mem>>) {add = true}
    }
    %scan3A_40 = arith.constant 80 : i32
    %scan3A_41 = arith.constant 0 : i32
    %scan3A_42 = arith.constant 0 : i32
    %scan3A_43 = arith.constant 80 : i32
    %scan3A_44 = arith.addi %scan3A_42, %scan3A_43 : i32
    %scan3A_45 = arith.constant 1 : i32
    scf.for %scan3A_70 = %scan3A_42 to %scan3A_44 step %scan3A_45  : i32 {
      %dma_start3A = arith.constant 0 : i32
      %dma_start3A_71 = tpu.memref_slice %arg7[%scan3A_70, %dma_start3A] : memref<80x128xi32, #tpu.memory_space<vmem>> -> memref<1x128xi32, #tpu.memory_space<vmem>>
      %dma_start3A_72 = tpu.memref_squeeze %dma_start3A_71 : memref<1x128xi32, #tpu.memory_space<vmem>> -> memref<128xi32, #tpu.memory_space<vmem>>
      %dma_start3A_73 = arith.constant 0 : i32
      %dma_start3A_74 = tpu.memref_slice %arg5[%dma_start3A_73] : memref<10240xf32, #tpu.memory_space<vmem_shared>> -> memref<10240xf32, #tpu.memory_space<vmem_shared>>
      tpu.enqueue_indirect_dma source(%arg8 : memref<128xf32, #tpu.memory_space<vmem>>) target(%dma_start3A_74 : memref<10240xf32, #tpu.memory_space<vmem_shared>>) offsets(%dma_start3A_72 : memref<128xi32, #tpu.memory_space<vmem>>) semaphore(%arg11 : memref<!tpu.dma_semaphore, #tpu.memory_space<semaphore_mem>>) {add = true}
    }
    %scan3A_46 = arith.constant 80 : i32
    %scan3A_47 = arith.constant 0 : i32
    %scan3A_48 = arith.constant 0 : i32
    %scan3A_49 = arith.constant 80 : i32
    %scan3A_50 = arith.addi %scan3A_48, %scan3A_49 : i32
    %scan3A_51 = arith.constant 1 : i32
    scf.for %scan3A_70 = %scan3A_48 to %scan3A_50 step %scan3A_51  : i32 {
      %dma_wait3A = arith.constant 0 : i32
      %dma_wait3A_71 = arith.constant 0 : i32
      %dma_wait3A_72 = tpu.memref_slice %arg6[%dma_wait3A, %dma_wait3A_71] : memref<80x128xi32, #tpu.memory_space<vmem>> -> memref<1x128xi32, #tpu.memory_space<vmem>>
      %dma_wait3A_73 = tpu.memref_squeeze %dma_wait3A_72 : memref<1x128xi32, #tpu.memory_space<vmem>> -> memref<128xi32, #tpu.memory_space<vmem>>
      %dma_wait3A_74 = arith.constant 0 : i32
      %dma_wait3A_75 = tpu.memref_slice %arg4[%dma_wait3A_74] : memref<10240xf32, #tpu.memory_space<vmem_shared>> -> memref<10240xf32, #tpu.memory_space<vmem_shared>>
      tpu.wait_indirect_dma semaphore(%arg10 : memref<!tpu.dma_semaphore, #tpu.memory_space<semaphore_mem>>) src(%arg8 : memref<128xf32, #tpu.memory_space<vmem>>) dst(%dma_wait3A_75 : memref<10240xf32, #tpu.memory_space<vmem_shared>>)
    }
    %scan3A_52 = arith.constant 80 : i32
    %scan3A_53 = arith.constant 0 : i32
    %scan3A_54 = arith.constant 0 : i32
    %scan3A_55 = arith.constant 80 : i32
    %scan3A_56 = arith.addi %scan3A_54, %scan3A_55 : i32
    %scan3A_57 = arith.constant 1 : i32
    scf.for %scan3A_70 = %scan3A_54 to %scan3A_56 step %scan3A_57  : i32 {
      %dma_wait3A = arith.constant 0 : i32
      %dma_wait3A_71 = arith.constant 0 : i32
      %dma_wait3A_72 = tpu.memref_slice %arg7[%dma_wait3A, %dma_wait3A_71] : memref<80x128xi32, #tpu.memory_space<vmem>> -> memref<1x128xi32, #tpu.memory_space<vmem>>
      %dma_wait3A_73 = tpu.memref_squeeze %dma_wait3A_72 : memref<1x128xi32, #tpu.memory_space<vmem>> -> memref<128xi32, #tpu.memory_space<vmem>>
      %dma_wait3A_74 = arith.constant 0 : i32
      %dma_wait3A_75 = tpu.memref_slice %arg5[%dma_wait3A_74] : memref<10240xf32, #tpu.memory_space<vmem_shared>> -> memref<10240xf32, #tpu.memory_space<vmem_shared>>
      tpu.wait_indirect_dma semaphore(%arg11 : memref<!tpu.dma_semaphore, #tpu.memory_space<semaphore_mem>>) src(%arg8 : memref<128xf32, #tpu.memory_space<vmem>>) dst(%dma_wait3A_75 : memref<10240xf32, #tpu.memory_space<vmem_shared>>)
    }
    %scan3A_58 = arith.constant 80 : i32
    %barrier3A_59 = arith.constant 0 : index
    tpu.barrier barrier_id(%barrier3A_59)
    %mul3A_60 = arith.constant 640 : i32
    %mul3A_61 = arith.muli %arg1, %mul3A_60 : i32
    %mul3A_62 = arith.constant 640 : i32
    %mul3A_63 = arith.muli %arg1, %mul3A_62 : i32
    %run_scoped3A_64 = arith.constant 0 : i32
    "tpu.region"() ({
      %run_scoped3A_70 = tpu.sem_alloc : memref<!tpu.dma_semaphore, #tpu.memory_space<semaphore_mem>>
      %dma_start3A = tpu.memref_slice %arg3[%arg0, %run_scoped3A_64, %mul3A_63] : memref<2x2x10240xf32, #tpu.memory_space<hbm>> -> memref<1x1x640xf32, #tpu.memory_space<hbm>>
      %dma_start3A_71 = tpu.memref_squeeze %dma_start3A : memref<1x1x640xf32, #tpu.memory_space<hbm>> -> memref<640xf32, #tpu.memory_space<hbm>>
      %dma_start3A_72 = tpu.memref_slice %arg4[%mul3A_61] : memref<10240xf32, #tpu.memory_space<vmem_shared>> -> memref<640xf32, #tpu.memory_space<vmem_shared>>
      tpu.enqueue_dma source(%dma_start3A_72 : memref<640xf32, #tpu.memory_space<vmem_shared>>) target(%dma_start3A_71 : memref<640xf32, #tpu.memory_space<hbm>>) target_semaphore(%run_scoped3A_70 : memref<!tpu.dma_semaphore, #tpu.memory_space<semaphore_mem>>)
      %dma_wait3A = tpu.memref_slice %arg3[%arg0, %run_scoped3A_64, %mul3A_63] : memref<2x2x10240xf32, #tpu.memory_space<hbm>> -> memref<1x1x640xf32, #tpu.memory_space<hbm>>
      %dma_wait3A_73 = tpu.memref_squeeze %dma_wait3A : memref<1x1x640xf32, #tpu.memory_space<hbm>> -> memref<640xf32, #tpu.memory_space<hbm>>
      %dma_wait3A_74 = tpu.memref_slice %arg4[%mul3A_61] : memref<10240xf32, #tpu.memory_space<vmem_shared>> -> memref<640xf32, #tpu.memory_space<vmem_shared>>
      tpu.wait_dma2 semaphore(%run_scoped3A_70 : memref<!tpu.dma_semaphore, #tpu.memory_space<semaphore_mem>>) src(%dma_wait3A_74 : memref<640xf32, #tpu.memory_space<vmem_shared>>) dst(%dma_wait3A_73 : memref<640xf32, #tpu.memory_space<hbm>>)
      tpu.yield
    }) : () -> ()
    %mul3A_65 = arith.constant 640 : i32
    %mul3A_66 = arith.muli %arg1, %mul3A_65 : i32
    %mul3A_67 = arith.constant 640 : i32
    %mul3A_68 = arith.muli %arg1, %mul3A_67 : i32
    %run_scoped3A_69 = arith.constant 1 : i32
    "tpu.region"() ({
      %run_scoped3A_70 = tpu.sem_alloc : memref<!tpu.dma_semaphore, #tpu.memory_space<semaphore_mem>>
      %dma_start3A = tpu.memref_slice %arg3[%arg0, %run_scoped3A_69, %mul3A_68] : memref<2x2x10240xf32, #tpu.memory_space<hbm>> -> memref<1x1x640xf32, #tpu.memory_space<hbm>>
      %dma_start3A_71 = tpu.memref_squeeze %dma_start3A : memref<1x1x640xf32, #tpu.memory_space<hbm>> -> memref<640xf32, #tpu.memory_space<hbm>>
      %dma_start3A_72 = tpu.memref_slice %arg5[%mul3A_66] : memref<10240xf32, #tpu.memory_space<vmem_shared>> -> memref<640xf32, #tpu.memory_space<vmem_shared>>
      tpu.enqueue_dma source(%dma_start3A_72 : memref<640xf32, #tpu.memory_space<vmem_shared>>) target(%dma_start3A_71 : memref<640xf32, #tpu.memory_space<hbm>>) target_semaphore(%run_scoped3A_70 : memref<!tpu.dma_semaphore, #tpu.memory_space<semaphore_mem>>)
      %dma_wait3A = tpu.memref_slice %arg3[%arg0, %run_scoped3A_69, %mul3A_68] : memref<2x2x10240xf32, #tpu.memory_space<hbm>> -> memref<1x1x640xf32, #tpu.memory_space<hbm>>
      %dma_wait3A_73 = tpu.memref_squeeze %dma_wait3A : memref<1x1x640xf32, #tpu.memory_space<hbm>> -> memref<640xf32, #tpu.memory_space<hbm>>
      %dma_wait3A_74 = tpu.memref_slice %arg5[%mul3A_66] : memref<10240xf32, #tpu.memory_space<vmem_shared>> -> memref<640xf32, #tpu.memory_space<vmem_shared>>
      tpu.wait_dma2 semaphore(%run_scoped3A_70 : memref<!tpu.dma_semaphore, #tpu.memory_space<semaphore_mem>>) src(%dma_wait3A_74 : memref<640xf32, #tpu.memory_space<vmem_shared>>) dst(%dma_wait3A_73 : memref<640xf32, #tpu.memory_space<hbm>>)
      tpu.yield
    }) : () -> ()
    return
  }
}

#map = affine_map<(d0, d1) -> (0, 0)>
#map1 = affine_map<(d0, d1) -> (0, 0, 0)>
module attributes {stable_mosaic.version = 14 : i64} {
  func.func @_edge_body(%arg0: i32, %arg1: i32, %arg2: memref<10016x16xf32, #tpu.memory_space<hbm>>, %arg3: memref<2x2500x128xi32, #tpu.memory_space<hbm>>, %arg4: memref<2x10240x16xf32, #tpu.memory_space<hbm>>, %arg5: memref<10240x16xf32, #tpu.memory_space<vmem_shared>>, %arg6: memref<10016x16xf32, #tpu.memory_space<vmem_shared>>, %arg7: memref<80x128xi32, #tpu.memory_space<vmem>>, %arg8: memref<80x128xi32, #tpu.memory_space<vmem>>, %arg9: memref<10x128x16xf32, #tpu.memory_space<vmem>>, %arg10: memref<10x128x16xf32, #tpu.memory_space<vmem>>, %arg11: memref<10x128x16xf32, #tpu.memory_space<vmem>>, %arg12: memref<!tpu.dma_semaphore, #tpu.memory_space<semaphore_mem>>, %arg13: memref<!tpu.dma_semaphore, #tpu.memory_space<semaphore_mem>>, %arg14: memref<!tpu.dma_semaphore, #tpu.memory_space<semaphore_mem>>, %arg15: memref<!tpu.dma_semaphore, #tpu.memory_space<semaphore_mem>>, %arg16: memref<!tpu.dma_semaphore, #tpu.memory_space<semaphore_mem>>, %arg17: memref<!tpu.dma_semaphore, #tpu.memory_space<semaphore_mem>>) attributes {dimension_semantics = [#tpu.dimension_semantics<core_parallel>, #tpu.dimension_semantics<subcore_parallel>], iteration_bounds = array<i64: 2, 16>, scalar_prefetch = 0 : i64, scratch_operands = 13 : i64, tpu.core_type = #tpu.core_type<sc_vector_subcore>, window_params = [{transform_indices = #map}, {transform_indices = #map1}, {transform_indices = #map1}]} {
    %mul3A = arith.constant 16 : i32
    %mul3A_0 = arith.muli %arg0, %mul3A : i32
    %add3A = arith.addi %mul3A_0, %arg1 : i32
    %scan3A = arith.constant 0 : i32
    %scan3A_1 = arith.constant 0 : i32
    %scan3A_2 = arith.constant 128 : i32
    %scan3A_3 = arith.addi %scan3A_1, %scan3A_2 : i32
    %scan3A_4 = arith.constant 1 : i32
    scf.for %scan3A_251 = %scan3A_1 to %scan3A_3 step %scan3A_4  : i32 {
      %broadcast_in_dim3A = arith.constant 0.000000e+00 : f32
      %broadcast_in_dim3A_252 = vector.broadcast %broadcast_in_dim3A : f32 to vector<16xf32>
      %swap3A = arith.constant 0 : i32
      %swap3A_253 = arith.index_cast %swap3A : i32 to index
      %swap3A_254 = arith.index_cast %scan3A_251 : i32 to index
      %swap3A_255 = arith.constant 0 : index
      %swap3A_256 = tpu.vector_load %arg9[%swap3A_253, %swap3A_254, %swap3A_255] {strides = array<i32>} : memref<10x128x16xf32, #tpu.memory_space<vmem>>, vector<1x1x16xf32>,
      %swap3A_257 = vector.shape_cast %swap3A_256 : vector<1x1x16xf32> to vector<16xf32>
      %swap3A_258 = vector.shape_cast %broadcast_in_dim3A_252 : vector<16xf32> to vector<1x1x16xf32>
      tpu.vector_store %arg9[%swap3A_253, %swap3A_254, %swap3A_255], %swap3A_258 {strides = array<i32>} : memref<10x128x16xf32, #tpu.memory_space<vmem>>, vector<1x1x16xf32>,
    }
    %scan3A_5 = arith.constant 128 : i32
    %mul3A_6 = arith.constant 640 : i32
    %mul3A_7 = arith.muli %arg1, %mul3A_6 : i32
    %add3A_8 = arith.constant 0 : i32
    %add3A_9 = arith.addi %mul3A_7, %add3A_8 : i32
    %run_scoped3A = arith.constant 0 : i32
    "tpu.region"() ({
      %run_scoped3A_251 = tpu.sem_alloc : memref<!tpu.dma_semaphore, #tpu.memory_space<semaphore_mem>>
      %dma_start3A = arith.constant 0 : i32
      %dma_start3A_252 = arith.constant 0 : i32
      %dma_start3A_253 = tpu.memref_slice %arg9[%run_scoped3A, %dma_start3A, %dma_start3A_252] : memref<10x128x16xf32, #tpu.memory_space<vmem>> -> memref<1x128x16xf32, #tpu.memory_space<vmem>>
      %dma_start3A_254 = tpu.memref_squeeze %dma_start3A_253 : memref<1x128x16xf32, #tpu.memory_space<vmem>> -> memref<128x16xf32, #tpu.memory_space<vmem>>
      %dma_start3A_255 = arith.constant 0 : i32
      %dma_start3A_256 = tpu.memref_slice %arg5[%add3A_9, %dma_start3A_255] : memref<10240x16xf32, #tpu.memory_space<vmem_shared>> -> memref<128x16xf32, #tpu.memory_space<vmem_shared>>
      %dma_start3A_257 = arith.constant 0 : i32
      %dma_start3A_258 = tpu.memref_slice %arg5[%add3A_9, %dma_start3A_257] : memref<10240x16xf32, #tpu.memory_space<vmem_shared>> -> memref<128x16xf32, #tpu.memory_space<vmem_shared>>
      %dma_start3A_259 = arith.constant 0 : i32
      %dma_start3A_260 = arith.constant 0 : i32
      %dma_start3A_261 = tpu.memref_slice %arg9[%run_scoped3A, %dma_start3A_259, %dma_start3A_260] : memref<10x128x16xf32, #tpu.memory_space<vmem>> -> memref<1x128x16xf32, #tpu.memory_space<vmem>>
      %dma_start3A_262 = tpu.memref_squeeze %dma_start3A_261 : memref<1x128x16xf32, #tpu.memory_space<vmem>> -> memref<128x16xf32, #tpu.memory_space<vmem>>
      tpu.enqueue_dma source(%dma_start3A_262 : memref<128x16xf32, #tpu.memory_space<vmem>>) target(%dma_start3A_258 : memref<128x16xf32, #tpu.memory_space<vmem_shared>>) target_semaphore(%run_scoped3A_251 : memref<!tpu.dma_semaphore, #tpu.memory_space<semaphore_mem>>)
      %dma_wait3A = arith.constant 0 : i32
      %dma_wait3A_263 = arith.constant 0 : i32
      %dma_wait3A_264 = tpu.memref_slice %arg9[%run_scoped3A, %dma_wait3A, %dma_wait3A_263] : memref<10x128x16xf32, #tpu.memory_space<vmem>> -> memref<1x128x16xf32, #tpu.memory_space<vmem>>
      %dma_wait3A_265 = tpu.memref_squeeze %dma_wait3A_264 : memref<1x128x16xf32, #tpu.memory_space<vmem>> -> memref<128x16xf32, #tpu.memory_space<vmem>>
      %dma_wait3A_266 = arith.constant 0 : i32
      %dma_wait3A_267 = tpu.memref_slice %arg5[%add3A_9, %dma_wait3A_266] : memref<10240x16xf32, #tpu.memory_space<vmem_shared>> -> memref<128x16xf32, #tpu.memory_space<vmem_shared>>
      %dma_wait3A_268 = arith.constant 0 : i32
      %dma_wait3A_269 = tpu.memref_slice %arg5[%add3A_9, %dma_wait3A_268] : memref<10240x16xf32, #tpu.memory_space<vmem_shared>> -> memref<128x16xf32, #tpu.memory_space<vmem_shared>>
      %dma_wait3A_270 = arith.constant 0 : i32
      %dma_wait3A_271 = arith.constant 0 : i32
      %dma_wait3A_272 = tpu.memref_slice %arg9[%run_scoped3A, %dma_wait3A_270, %dma_wait3A_271] : memref<10x128x16xf32, #tpu.memory_space<vmem>> -> memref<1x128x16xf32, #tpu.memory_space<vmem>>
      %dma_wait3A_273 = tpu.memref_squeeze %dma_wait3A_272 : memref<1x128x16xf32, #tpu.memory_space<vmem>> -> memref<128x16xf32, #tpu.memory_space<vmem>>
      tpu.wait_dma2 semaphore(%run_scoped3A_251 : memref<!tpu.dma_semaphore, #tpu.memory_space<semaphore_mem>>) src(%dma_wait3A_273 : memref<128x16xf32, #tpu.memory_space<vmem>>) dst(%dma_wait3A_269 : memref<128x16xf32, #tpu.memory_space<vmem_shared>>)
      tpu.yield
    }) : () -> ()
    %mul3A_10 = arith.constant 640 : i32
    %mul3A_11 = arith.muli %arg1, %mul3A_10 : i32
    %add3A_12 = arith.constant 128 : i32
    %add3A_13 = arith.addi %mul3A_11, %add3A_12 : i32
    %run_scoped3A_14 = arith.constant 0 : i32
    "tpu.region"() ({
      %run_scoped3A_251 = tpu.sem_alloc : memref<!tpu.dma_semaphore, #tpu.memory_space<semaphore_mem>>
      %dma_start3A = arith.constant 0 : i32
      %dma_start3A_252 = arith.constant 0 : i32
      %dma_start3A_253 = tpu.memref_slice %arg9[%run_scoped3A_14, %dma_start3A, %dma_start3A_252] : memref<10x128x16xf32, #tpu.memory_space<vmem>> -> memref<1x128x16xf32, #tpu.memory_space<vmem>>
      %dma_start3A_254 = tpu.memref_squeeze %dma_start3A_253 : memref<1x128x16xf32, #tpu.memory_space<vmem>> -> memref<128x16xf32, #tpu.memory_space<vmem>>
      %dma_start3A_255 = arith.constant 0 : i32
      %dma_start3A_256 = tpu.memref_slice %arg5[%add3A_13, %dma_start3A_255] : memref<10240x16xf32, #tpu.memory_space<vmem_shared>> -> memref<128x16xf32, #tpu.memory_space<vmem_shared>>
      %dma_start3A_257 = arith.constant 0 : i32
      %dma_start3A_258 = tpu.memref_slice %arg5[%add3A_13, %dma_start3A_257] : memref<10240x16xf32, #tpu.memory_space<vmem_shared>> -> memref<128x16xf32, #tpu.memory_space<vmem_shared>>
      %dma_start3A_259 = arith.constant 0 : i32
      %dma_start3A_260 = arith.constant 0 : i32
      %dma_start3A_261 = tpu.memref_slice %arg9[%run_scoped3A_14, %dma_start3A_259, %dma_start3A_260] : memref<10x128x16xf32, #tpu.memory_space<vmem>> -> memref<1x128x16xf32, #tpu.memory_space<vmem>>
      %dma_start3A_262 = tpu.memref_squeeze %dma_start3A_261 : memref<1x128x16xf32, #tpu.memory_space<vmem>> -> memref<128x16xf32, #tpu.memory_space<vmem>>
      tpu.enqueue_dma source(%dma_start3A_262 : memref<128x16xf32, #tpu.memory_space<vmem>>) target(%dma_start3A_258 : memref<128x16xf32, #tpu.memory_space<vmem_shared>>) target_semaphore(%run_scoped3A_251 : memref<!tpu.dma_semaphore, #tpu.memory_space<semaphore_mem>>)
      %dma_wait3A = arith.constant 0 : i32
      %dma_wait3A_263 = arith.constant 0 : i32
      %dma_wait3A_264 = tpu.memref_slice %arg9[%run_scoped3A_14, %dma_wait3A, %dma_wait3A_263] : memref<10x128x16xf32, #tpu.memory_space<vmem>> -> memref<1x128x16xf32, #tpu.memory_space<vmem>>
      %dma_wait3A_265 = tpu.memref_squeeze %dma_wait3A_264 : memref<1x128x16xf32, #tpu.memory_space<vmem>> -> memref<128x16xf32, #tpu.memory_space<vmem>>
      %dma_wait3A_266 = arith.constant 0 : i32
      %dma_wait3A_267 = tpu.memref_slice %arg5[%add3A_13, %dma_wait3A_266] : memref<10240x16xf32, #tpu.memory_space<vmem_shared>> -> memref<128x16xf32, #tpu.memory_space<vmem_shared>>
      %dma_wait3A_268 = arith.constant 0 : i32
      %dma_wait3A_269 = tpu.memref_slice %arg5[%add3A_13, %dma_wait3A_268] : memref<10240x16xf32, #tpu.memory_space<vmem_shared>> -> memref<128x16xf32, #tpu.memory_space<vmem_shared>>
      %dma_wait3A_270 = arith.constant 0 : i32
      %dma_wait3A_271 = arith.constant 0 : i32
      %dma_wait3A_272 = tpu.memref_slice %arg9[%run_scoped3A_14, %dma_wait3A_270, %dma_wait3A_271] : memref<10x128x16xf32, #tpu.memory_space<vmem>> -> memref<1x128x16xf32, #tpu.memory_space<vmem>>
      %dma_wait3A_273 = tpu.memref_squeeze %dma_wait3A_272 : memref<1x128x16xf32, #tpu.memory_space<vmem>> -> memref<128x16xf32, #tpu.memory_space<vmem>>
      tpu.wait_dma2 semaphore(%run_scoped3A_251 : memref<!tpu.dma_semaphore, #tpu.memory_space<semaphore_mem>>) src(%dma_wait3A_273 : memref<128x16xf32, #tpu.memory_space<vmem>>) dst(%dma_wait3A_269 : memref<128x16xf32, #tpu.memory_space<vmem_shared>>)
      tpu.yield
    }) : () -> ()
    %mul3A_15 = arith.constant 640 : i32
    %mul3A_16 = arith.muli %arg1, %mul3A_15 : i32
    %add3A_17 = arith.constant 256 : i32
    %add3A_18 = arith.addi %mul3A_16, %add3A_17 : i32
    %run_scoped3A_19 = arith.constant 0 : i32
    "tpu.region"() ({
      %run_scoped3A_251 = tpu.sem_alloc : memref<!tpu.dma_semaphore, #tpu.memory_space<semaphore_mem>>
      %dma_start3A = arith.constant 0 : i32
      %dma_start3A_252 = arith.constant 0 : i32
      %dma_start3A_253 = tpu.memref_slice %arg9[%run_scoped3A_19, %dma_start3A, %dma_start3A_252] : memref<10x128x16xf32, #tpu.memory_space<vmem>> -> memref<1x128x16xf32, #tpu.memory_space<vmem>>
      %dma_start3A_254 = tpu.memref_squeeze %dma_start3A_253 : memref<1x128x16xf32, #tpu.memory_space<vmem>> -> memref<128x16xf32, #tpu.memory_space<vmem>>
      %dma_start3A_255 = arith.constant 0 : i32
      %dma_start3A_256 = tpu.memref_slice %arg5[%add3A_18, %dma_start3A_255] : memref<10240x16xf32, #tpu.memory_space<vmem_shared>> -> memref<128x16xf32, #tpu.memory_space<vmem_shared>>
      %dma_start3A_257 = arith.constant 0 : i32
      %dma_start3A_258 = tpu.memref_slice %arg5[%add3A_18, %dma_start3A_257] : memref<10240x16xf32, #tpu.memory_space<vmem_shared>> -> memref<128x16xf32, #tpu.memory_space<vmem_shared>>
      %dma_start3A_259 = arith.constant 0 : i32
      %dma_start3A_260 = arith.constant 0 : i32
      %dma_start3A_261 = tpu.memref_slice %arg9[%run_scoped3A_19, %dma_start3A_259, %dma_start3A_260] : memref<10x128x16xf32, #tpu.memory_space<vmem>> -> memref<1x128x16xf32, #tpu.memory_space<vmem>>
      %dma_start3A_262 = tpu.memref_squeeze %dma_start3A_261 : memref<1x128x16xf32, #tpu.memory_space<vmem>> -> memref<128x16xf32, #tpu.memory_space<vmem>>
      tpu.enqueue_dma source(%dma_start3A_262 : memref<128x16xf32, #tpu.memory_space<vmem>>) target(%dma_start3A_258 : memref<128x16xf32, #tpu.memory_space<vmem_shared>>) target_semaphore(%run_scoped3A_251 : memref<!tpu.dma_semaphore, #tpu.memory_space<semaphore_mem>>)
      %dma_wait3A = arith.constant 0 : i32
      %dma_wait3A_263 = arith.constant 0 : i32
      %dma_wait3A_264 = tpu.memref_slice %arg9[%run_scoped3A_19, %dma_wait3A, %dma_wait3A_263] : memref<10x128x16xf32, #tpu.memory_space<vmem>> -> memref<1x128x16xf32, #tpu.memory_space<vmem>>
      %dma_wait3A_265 = tpu.memref_squeeze %dma_wait3A_264 : memref<1x128x16xf32, #tpu.memory_space<vmem>> -> memref<128x16xf32, #tpu.memory_space<vmem>>
      %dma_wait3A_266 = arith.constant 0 : i32
      %dma_wait3A_267 = tpu.memref_slice %arg5[%add3A_18, %dma_wait3A_266] : memref<10240x16xf32, #tpu.memory_space<vmem_shared>> -> memref<128x16xf32, #tpu.memory_space<vmem_shared>>
      %dma_wait3A_268 = arith.constant 0 : i32
      %dma_wait3A_269 = tpu.memref_slice %arg5[%add3A_18, %dma_wait3A_268] : memref<10240x16xf32, #tpu.memory_space<vmem_shared>> -> memref<128x16xf32, #tpu.memory_space<vmem_shared>>
      %dma_wait3A_270 = arith.constant 0 : i32
      %dma_wait3A_271 = arith.constant 0 : i32
      %dma_wait3A_272 = tpu.memref_slice %arg9[%run_scoped3A_19, %dma_wait3A_270, %dma_wait3A_271] : memref<10x128x16xf32, #tpu.memory_space<vmem>> -> memref<1x128x16xf32, #tpu.memory_space<vmem>>
      %dma_wait3A_273 = tpu.memref_squeeze %dma_wait3A_272 : memref<1x128x16xf32, #tpu.memory_space<vmem>> -> memref<128x16xf32, #tpu.memory_space<vmem>>
      tpu.wait_dma2 semaphore(%run_scoped3A_251 : memref<!tpu.dma_semaphore, #tpu.memory_space<semaphore_mem>>) src(%dma_wait3A_273 : memref<128x16xf32, #tpu.memory_space<vmem>>) dst(%dma_wait3A_269 : memref<128x16xf32, #tpu.memory_space<vmem_shared>>)
      tpu.yield
    }) : () -> ()
    %mul3A_20 = arith.constant 640 : i32
    %mul3A_21 = arith.muli %arg1, %mul3A_20 : i32
    %add3A_22 = arith.constant 384 : i32
    %add3A_23 = arith.addi %mul3A_21, %add3A_22 : i32
    %run_scoped3A_24 = arith.constant 0 : i32
    "tpu.region"() ({
      %run_scoped3A_251 = tpu.sem_alloc : memref<!tpu.dma_semaphore, #tpu.memory_space<semaphore_mem>>
      %dma_start3A = arith.constant 0 : i32
      %dma_start3A_252 = arith.constant 0 : i32
      %dma_start3A_253 = tpu.memref_slice %arg9[%run_scoped3A_24, %dma_start3A, %dma_start3A_252] : memref<10x128x16xf32, #tpu.memory_space<vmem>> -> memref<1x128x16xf32, #tpu.memory_space<vmem>>
      %dma_start3A_254 = tpu.memref_squeeze %dma_start3A_253 : memref<1x128x16xf32, #tpu.memory_space<vmem>> -> memref<128x16xf32, #tpu.memory_space<vmem>>
      %dma_start3A_255 = arith.constant 0 : i32
      %dma_start3A_256 = tpu.memref_slice %arg5[%add3A_23, %dma_start3A_255] : memref<10240x16xf32, #tpu.memory_space<vmem_shared>> -> memref<128x16xf32, #tpu.memory_space<vmem_shared>>
      %dma_start3A_257 = arith.constant 0 : i32
      %dma_start3A_258 = tpu.memref_slice %arg5[%add3A_23, %dma_start3A_257] : memref<10240x16xf32, #tpu.memory_space<vmem_shared>> -> memref<128x16xf32, #tpu.memory_space<vmem_shared>>
      %dma_start3A_259 = arith.constant 0 : i32
      %dma_start3A_260 = arith.constant 0 : i32
      %dma_start3A_261 = tpu.memref_slice %arg9[%run_scoped3A_24, %dma_start3A_259, %dma_start3A_260] : memref<10x128x16xf32, #tpu.memory_space<vmem>> -> memref<1x128x16xf32, #tpu.memory_space<vmem>>
      %dma_start3A_262 = tpu.memref_squeeze %dma_start3A_261 : memref<1x128x16xf32, #tpu.memory_space<vmem>> -> memref<128x16xf32, #tpu.memory_space<vmem>>
      tpu.enqueue_dma source(%dma_start3A_262 : memref<128x16xf32, #tpu.memory_space<vmem>>) target(%dma_start3A_258 : memref<128x16xf32, #tpu.memory_space<vmem_shared>>) target_semaphore(%run_scoped3A_251 : memref<!tpu.dma_semaphore, #tpu.memory_space<semaphore_mem>>)
      %dma_wait3A = arith.constant 0 : i32
      %dma_wait3A_263 = arith.constant 0 : i32
      %dma_wait3A_264 = tpu.memref_slice %arg9[%run_scoped3A_24, %dma_wait3A, %dma_wait3A_263] : memref<10x128x16xf32, #tpu.memory_space<vmem>> -> memref<1x128x16xf32, #tpu.memory_space<vmem>>
      %dma_wait3A_265 = tpu.memref_squeeze %dma_wait3A_264 : memref<1x128x16xf32, #tpu.memory_space<vmem>> -> memref<128x16xf32, #tpu.memory_space<vmem>>
      %dma_wait3A_266 = arith.constant 0 : i32
      %dma_wait3A_267 = tpu.memref_slice %arg5[%add3A_23, %dma_wait3A_266] : memref<10240x16xf32, #tpu.memory_space<vmem_shared>> -> memref<128x16xf32, #tpu.memory_space<vmem_shared>>
      %dma_wait3A_268 = arith.constant 0 : i32
      %dma_wait3A_269 = tpu.memref_slice %arg5[%add3A_23, %dma_wait3A_268] : memref<10240x16xf32, #tpu.memory_space<vmem_shared>> -> memref<128x16xf32, #tpu.memory_space<vmem_shared>>
      %dma_wait3A_270 = arith.constant 0 : i32
      %dma_wait3A_271 = arith.constant 0 : i32
      %dma_wait3A_272 = tpu.memref_slice %arg9[%run_scoped3A_24, %dma_wait3A_270, %dma_wait3A_271] : memref<10x128x16xf32, #tpu.memory_space<vmem>> -> memref<1x128x16xf32, #tpu.memory_space<vmem>>
      %dma_wait3A_273 = tpu.memref_squeeze %dma_wait3A_272 : memref<1x128x16xf32, #tpu.memory_space<vmem>> -> memref<128x16xf32, #tpu.memory_space<vmem>>
      tpu.wait_dma2 semaphore(%run_scoped3A_251 : memref<!tpu.dma_semaphore, #tpu.memory_space<semaphore_mem>>) src(%dma_wait3A_273 : memref<128x16xf32, #tpu.memory_space<vmem>>) dst(%dma_wait3A_269 : memref<128x16xf32, #tpu.memory_space<vmem_shared>>)
      tpu.yield
    }) : () -> ()
    %mul3A_25 = arith.constant 640 : i32
    %mul3A_26 = arith.muli %arg1, %mul3A_25 : i32
    %add3A_27 = arith.constant 512 : i32
    %add3A_28 = arith.addi %mul3A_26, %add3A_27 : i32
    %run_scoped3A_29 = arith.constant 0 : i32
    "tpu.region"() ({
      %run_scoped3A_251 = tpu.sem_alloc : memref<!tpu.dma_semaphore, #tpu.memory_space<semaphore_mem>>
      %dma_start3A = arith.constant 0 : i32
      %dma_start3A_252 = arith.constant 0 : i32
      %dma_start3A_253 = tpu.memref_slice %arg9[%run_scoped3A_29, %dma_start3A, %dma_start3A_252] : memref<10x128x16xf32, #tpu.memory_space<vmem>> -> memref<1x128x16xf32, #tpu.memory_space<vmem>>
      %dma_start3A_254 = tpu.memref_squeeze %dma_start3A_253 : memref<1x128x16xf32, #tpu.memory_space<vmem>> -> memref<128x16xf32, #tpu.memory_space<vmem>>
      %dma_start3A_255 = arith.constant 0 : i32
      %dma_start3A_256 = tpu.memref_slice %arg5[%add3A_28, %dma_start3A_255] : memref<10240x16xf32, #tpu.memory_space<vmem_shared>> -> memref<128x16xf32, #tpu.memory_space<vmem_shared>>
      %dma_start3A_257 = arith.constant 0 : i32
      %dma_start3A_258 = tpu.memref_slice %arg5[%add3A_28, %dma_start3A_257] : memref<10240x16xf32, #tpu.memory_space<vmem_shared>> -> memref<128x16xf32, #tpu.memory_space<vmem_shared>>
      %dma_start3A_259 = arith.constant 0 : i32
      %dma_start3A_260 = arith.constant 0 : i32
      %dma_start3A_261 = tpu.memref_slice %arg9[%run_scoped3A_29, %dma_start3A_259, %dma_start3A_260] : memref<10x128x16xf32, #tpu.memory_space<vmem>> -> memref<1x128x16xf32, #tpu.memory_space<vmem>>
      %dma_start3A_262 = tpu.memref_squeeze %dma_start3A_261 : memref<1x128x16xf32, #tpu.memory_space<vmem>> -> memref<128x16xf32, #tpu.memory_space<vmem>>
      tpu.enqueue_dma source(%dma_start3A_262 : memref<128x16xf32, #tpu.memory_space<vmem>>) target(%dma_start3A_258 : memref<128x16xf32, #tpu.memory_space<vmem_shared>>) target_semaphore(%run_scoped3A_251 : memref<!tpu.dma_semaphore, #tpu.memory_space<semaphore_mem>>)
      %dma_wait3A = arith.constant 0 : i32
      %dma_wait3A_263 = arith.constant 0 : i32
      %dma_wait3A_264 = tpu.memref_slice %arg9[%run_scoped3A_29, %dma_wait3A, %dma_wait3A_263] : memref<10x128x16xf32, #tpu.memory_space<vmem>> -> memref<1x128x16xf32, #tpu.memory_space<vmem>>
      %dma_wait3A_265 = tpu.memref_squeeze %dma_wait3A_264 : memref<1x128x16xf32, #tpu.memory_space<vmem>> -> memref<128x16xf32, #tpu.memory_space<vmem>>
      %dma_wait3A_266 = arith.constant 0 : i32
      %dma_wait3A_267 = tpu.memref_slice %arg5[%add3A_28, %dma_wait3A_266] : memref<10240x16xf32, #tpu.memory_space<vmem_shared>> -> memref<128x16xf32, #tpu.memory_space<vmem_shared>>
      %dma_wait3A_268 = arith.constant 0 : i32
      %dma_wait3A_269 = tpu.memref_slice %arg5[%add3A_28, %dma_wait3A_268] : memref<10240x16xf32, #tpu.memory_space<vmem_shared>> -> memref<128x16xf32, #tpu.memory_space<vmem_shared>>
      %dma_wait3A_270 = arith.constant 0 : i32
      %dma_wait3A_271 = arith.constant 0 : i32
      %dma_wait3A_272 = tpu.memref_slice %arg9[%run_scoped3A_29, %dma_wait3A_270, %dma_wait3A_271] : memref<10x128x16xf32, #tpu.memory_space<vmem>> -> memref<1x128x16xf32, #tpu.memory_space<vmem>>
      %dma_wait3A_273 = tpu.memref_squeeze %dma_wait3A_272 : memref<1x128x16xf32, #tpu.memory_space<vmem>> -> memref<128x16xf32, #tpu.memory_space<vmem>>
      tpu.wait_dma2 semaphore(%run_scoped3A_251 : memref<!tpu.dma_semaphore, #tpu.memory_space<semaphore_mem>>) src(%dma_wait3A_273 : memref<128x16xf32, #tpu.memory_space<vmem>>) dst(%dma_wait3A_269 : memref<128x16xf32, #tpu.memory_space<vmem_shared>>)
      tpu.yield
    }) : () -> ()
    %mul3A_30 = arith.constant 626 : i32
    %mul3A_31 = arith.muli %arg1, %mul3A_30 : i32
    %mul3A_32 = arith.constant 626 : i32
    %mul3A_33 = arith.muli %arg1, %mul3A_32 : i32
    "tpu.region"() ({
      %run_scoped3A_251 = tpu.sem_alloc : memref<!tpu.dma_semaphore, #tpu.memory_space<semaphore_mem>>
      %dma_start3A = arith.constant 0 : i32
      %dma_start3A_252 = tpu.memref_slice %arg6[%mul3A_33, %dma_start3A] : memref<10016x16xf32, #tpu.memory_space<vmem_shared>> -> memref<626x16xf32, #tpu.memory_space<vmem_shared>>
      %dma_start3A_253 = arith.constant 0 : i32
      %dma_start3A_254 = tpu.memref_slice %arg2[%mul3A_31, %dma_start3A_253] : memref<10016x16xf32, #tpu.memory_space<hbm>> -> memref<626x16xf32, #tpu.memory_space<hbm>>
      tpu.enqueue_dma source(%dma_start3A_254 : memref<626x16xf32, #tpu.memory_space<hbm>>) target(%dma_start3A_252 : memref<626x16xf32, #tpu.memory_space<vmem_shared>>) target_semaphore(%run_scoped3A_251 : memref<!tpu.dma_semaphore, #tpu.memory_space<semaphore_mem>>)
      %dma_wait3A = arith.constant 0 : i32
      %dma_wait3A_255 = tpu.memref_slice %arg6[%mul3A_33, %dma_wait3A] : memref<10016x16xf32, #tpu.memory_space<vmem_shared>> -> memref<626x16xf32, #tpu.memory_space<vmem_shared>>
      %dma_wait3A_256 = arith.constant 0 : i32
      %dma_wait3A_257 = tpu.memref_slice %arg2[%mul3A_31, %dma_wait3A_256] : memref<10016x16xf32, #tpu.memory_space<hbm>> -> memref<626x16xf32, #tpu.memory_space<hbm>>
      tpu.wait_dma2 semaphore(%run_scoped3A_251 : memref<!tpu.dma_semaphore, #tpu.memory_space<semaphore_mem>>) src(%dma_wait3A_257 : memref<626x16xf32, #tpu.memory_space<hbm>>) dst(%dma_wait3A_255 : memref<626x16xf32, #tpu.memory_space<vmem_shared>>)
      tpu.yield
    }) : () -> ()
    %scan3A_34 = arith.constant 0 : i32
    %scan3A_35 = arith.constant 0 : i32
    %scan3A_36 = arith.constant 8 : i32
    %scan3A_37 = arith.addi %scan3A_35, %scan3A_36 : i32
    %scan3A_38 = arith.constant 1 : i32
    scf.for %scan3A_251 = %scan3A_35 to %scan3A_37 step %scan3A_38  : i32 {
      %broadcast_in_dim3A = arith.constant 10000 : i32
      %broadcast_in_dim3A_252 = vector.broadcast %broadcast_in_dim3A : i32 to vector<16xi32>
      %mul3A_253 = arith.constant 16 : i32
      %mul3A_254 = arith.muli %scan3A_251, %mul3A_253 : i32
      %swap3A = arith.constant 78 : i32
      %swap3A_255 = arith.index_cast %swap3A : i32 to index
      %swap3A_256 = arith.index_cast %mul3A_254 : i32 to index
      %swap3A_257 = tpu.vector_load %arg7[%swap3A_255, %swap3A_256] {strides = array<i32>} : memref<80x128xi32, #tpu.memory_space<vmem>>, vector<1x16xi32>,
      %swap3A_258 = vector.shape_cast %swap3A_257 : vector<1x16xi32> to vector<16xi32>
      %swap3A_259 = vector.shape_cast %broadcast_in_dim3A_252 : vector<16xi32> to vector<1x16xi32>
      tpu.vector_store %arg7[%swap3A_255, %swap3A_256], %swap3A_259 {strides = array<i32>} : memref<80x128xi32, #tpu.memory_space<vmem>>, vector<1x16xi32>,
      %broadcast_in_dim3A_260 = arith.constant 10000 : i32
      %broadcast_in_dim3A_261 = vector.broadcast %broadcast_in_dim3A_260 : i32 to vector<16xi32>
      %mul3A_262 = arith.constant 16 : i32
      %mul3A_263 = arith.muli %scan3A_251, %mul3A_262 : i32
      %swap3A_264 = arith.constant 78 : i32
      %swap3A_265 = arith.index_cast %swap3A_264 : i32 to index
      %swap3A_266 = arith.index_cast %mul3A_263 : i32 to index
      %swap3A_267 = tpu.vector_load %arg8[%swap3A_265, %swap3A_266] {strides = array<i32>} : memref<80x128xi32, #tpu.memory_space<vmem>>, vector<1x16xi32>,
      %swap3A_268 = vector.shape_cast %swap3A_267 : vector<1x16xi32> to vector<16xi32>
      %swap3A_269 = vector.shape_cast %broadcast_in_dim3A_261 : vector<16xi32> to vector<1x16xi32>
      tpu.vector_store %arg8[%swap3A_265, %swap3A_266], %swap3A_269 {strides = array<i32>} : memref<80x128xi32, #tpu.memory_space<vmem>>, vector<1x16xi32>,
    }
    %scan3A_39 = arith.constant 8 : i32
    %scan3A_40 = arith.constant 0 : i32
    %scan3A_41 = arith.constant 0 : i32
    %scan3A_42 = arith.constant 8 : i32
    %scan3A_43 = arith.addi %scan3A_41, %scan3A_42 : i32
    %scan3A_44 = arith.constant 1 : i32
    scf.for %scan3A_251 = %scan3A_41 to %scan3A_43 step %scan3A_44  : i32 {
      %broadcast_in_dim3A = arith.constant 10000 : i32
      %broadcast_in_dim3A_252 = vector.broadcast %broadcast_in_dim3A : i32 to vector<16xi32>
      %mul3A_253 = arith.constant 16 : i32
      %mul3A_254 = arith.muli %scan3A_251, %mul3A_253 : i32
      %swap3A = arith.constant 79 : i32
      %swap3A_255 = arith.index_cast %swap3A : i32 to index
      %swap3A_256 = arith.index_cast %mul3A_254 : i32 to index
      %swap3A_257 = tpu.vector_load %arg7[%swap3A_255, %swap3A_256] {strides = array<i32>} : memref<80x128xi32, #tpu.memory_space<vmem>>, vector<1x16xi32>,
      %swap3A_258 = vector.shape_cast %swap3A_257 : vector<1x16xi32> to vector<16xi32>
      %swap3A_259 = vector.shape_cast %broadcast_in_dim3A_252 : vector<16xi32> to vector<1x16xi32>
      tpu.vector_store %arg7[%swap3A_255, %swap3A_256], %swap3A_259 {strides = array<i32>} : memref<80x128xi32, #tpu.memory_space<vmem>>, vector<1x16xi32>,
      %broadcast_in_dim3A_260 = arith.constant 10000 : i32
      %broadcast_in_dim3A_261 = vector.broadcast %broadcast_in_dim3A_260 : i32 to vector<16xi32>
      %mul3A_262 = arith.constant 16 : i32
      %mul3A_263 = arith.muli %scan3A_251, %mul3A_262 : i32
      %swap3A_264 = arith.constant 79 : i32
      %swap3A_265 = arith.index_cast %swap3A_264 : i32 to index
      %swap3A_266 = arith.index_cast %mul3A_263 : i32 to index
      %swap3A_267 = tpu.vector_load %arg8[%swap3A_265, %swap3A_266] {strides = array<i32>} : memref<80x128xi32, #tpu.memory_space<vmem>>, vector<1x16xi32>,
      %swap3A_268 = vector.shape_cast %swap3A_267 : vector<1x16xi32> to vector<16xi32>
      %swap3A_269 = vector.shape_cast %broadcast_in_dim3A_261 : vector<16xi32> to vector<1x16xi32>
      tpu.vector_store %arg8[%swap3A_265, %swap3A_266], %swap3A_269 {strides = array<i32>} : memref<80x128xi32, #tpu.memory_space<vmem>>, vector<1x16xi32>,
    }
    %scan3A_45 = arith.constant 8 : i32
    %mul3A_46 = arith.constant 78 : i32
    %mul3A_47 = arith.muli %add3A, %mul3A_46 : i32
    %run_scoped3A_48 = arith.constant 0 : i32
    "tpu.region"() ({
      %run_scoped3A_251 = tpu.sem_alloc : memref<!tpu.dma_semaphore, #tpu.memory_space<semaphore_mem>>
      %dma_start3A = arith.constant 0 : i32
      %dma_start3A_252 = arith.constant 0 : i32
      %dma_start3A_253 = tpu.memref_slice %arg7[%dma_start3A, %dma_start3A_252] : memref<80x128xi32, #tpu.memory_space<vmem>> -> memref<78x128xi32, #tpu.memory_space<vmem>>
      %dma_start3A_254 = arith.constant 0 : i32
      %dma_start3A_255 = tpu.memref_slice %arg3[%run_scoped3A_48, %mul3A_47, %dma_start3A_254] : memref<2x2500x128xi32, #tpu.memory_space<hbm>> -> memref<1x78x128xi32, #tpu.memory_space<hbm>>
      %dma_start3A_256 = tpu.memref_squeeze %dma_start3A_255 : memref<1x78x128xi32, #tpu.memory_space<hbm>> -> memref<78x128xi32, #tpu.memory_space<hbm>>
      %dma_start3A_257 = arith.constant 0 : i32
      %dma_start3A_258 = arith.constant 0 : i32
      %dma_start3A_259 = tpu.memref_slice %arg7[%dma_start3A_257, %dma_start3A_258] : memref<80x128xi32, #tpu.memory_space<vmem>> -> memref<78x128xi32, #tpu.memory_space<vmem>>
      %dma_start3A_260 = arith.constant 0 : i32
      %dma_start3A_261 = tpu.memref_slice %arg3[%run_scoped3A_48, %mul3A_47, %dma_start3A_260] : memref<2x2500x128xi32, #tpu.memory_space<hbm>> -> memref<1x78x128xi32, #tpu.memory_space<hbm>>
      %dma_start3A_262 = tpu.memref_squeeze %dma_start3A_261 : memref<1x78x128xi32, #tpu.memory_space<hbm>> -> memref<78x128xi32, #tpu.memory_space<hbm>>
      tpu.enqueue_dma source(%dma_start3A_262 : memref<78x128xi32, #tpu.memory_space<hbm>>) target(%dma_start3A_259 : memref<78x128xi32, #tpu.memory_space<vmem>>) target_semaphore(%run_scoped3A_251 : memref<!tpu.dma_semaphore, #tpu.memory_space<semaphore_mem>>)
      %dma_wait3A = arith.constant 0 : i32
      %dma_wait3A_263 = arith.constant 0 : i32
      %dma_wait3A_264 = tpu.memref_slice %arg7[%dma_wait3A, %dma_wait3A_263] : memref<80x128xi32, #tpu.memory_space<vmem>> -> memref<78x128xi32, #tpu.memory_space<vmem>>
      %dma_wait3A_265 = arith.constant 0 : i32
      %dma_wait3A_266 = tpu.memref_slice %arg3[%run_scoped3A_48, %mul3A_47, %dma_wait3A_265] : memref<2x2500x128xi32, #tpu.memory_space<hbm>> -> memref<1x78x128xi32, #tpu.memory_space<hbm>>
      %dma_wait3A_267 = tpu.memref_squeeze %dma_wait3A_266 : memref<1x78x128xi32, #tpu.memory_space<hbm>> -> memref<78x128xi32, #tpu.memory_space<hbm>>
      %dma_wait3A_268 = arith.constant 0 : i32
      %dma_wait3A_269 = arith.constant 0 : i32
      %dma_wait3A_270 = tpu.memref_slice %arg7[%dma_wait3A_268, %dma_wait3A_269] : memref<80x128xi32, #tpu.memory_space<vmem>> -> memref<78x128xi32, #tpu.memory_space<vmem>>
      %dma_wait3A_271 = arith.constant 0 : i32
      %dma_wait3A_272 = tpu.memref_slice %arg3[%run_scoped3A_48, %mul3A_47, %dma_wait3A_271] : memref<2x2500x128xi32, #tpu.memory_space<hbm>> -> memref<1x78x128xi32, #tpu.memory_space<hbm>>
      %dma_wait3A_273 = tpu.memref_squeeze %dma_wait3A_272 : memref<1x78x128xi32, #tpu.memory_space<hbm>> -> memref<78x128xi32, #tpu.memory_space<hbm>>
      tpu.wait_dma2 semaphore(%run_scoped3A_251 : memref<!tpu.dma_semaphore, #tpu.memory_space<semaphore_mem>>) src(%dma_wait3A_273 : memref<78x128xi32, #tpu.memory_space<hbm>>) dst(%dma_wait3A_270 : memref<78x128xi32, #tpu.memory_space<vmem>>)
      tpu.yield
    }) : () -> ()
    %mul3A_49 = arith.constant 78 : i32
    %mul3A_50 = arith.muli %add3A, %mul3A_49 : i32
    %run_scoped3A_51 = arith.constant 1 : i32
    "tpu.region"() ({
      %run_scoped3A_251 = tpu.sem_alloc : memref<!tpu.dma_semaphore, #tpu.memory_space<semaphore_mem>>
      %dma_start3A = arith.constant 0 : i32
      %dma_start3A_252 = arith.constant 0 : i32
      %dma_start3A_253 = tpu.memref_slice %arg8[%dma_start3A, %dma_start3A_252] : memref<80x128xi32, #tpu.memory_space<vmem>> -> memref<78x128xi32, #tpu.memory_space<vmem>>
      %dma_start3A_254 = arith.constant 0 : i32
      %dma_start3A_255 = tpu.memref_slice %arg3[%run_scoped3A_51, %mul3A_50, %dma_start3A_254] : memref<2x2500x128xi32, #tpu.memory_space<hbm>> -> memref<1x78x128xi32, #tpu.memory_space<hbm>>
      %dma_start3A_256 = tpu.memref_squeeze %dma_start3A_255 : memref<1x78x128xi32, #tpu.memory_space<hbm>> -> memref<78x128xi32, #tpu.memory_space<hbm>>
      %dma_start3A_257 = arith.constant 0 : i32
      %dma_start3A_258 = arith.constant 0 : i32
      %dma_start3A_259 = tpu.memref_slice %arg8[%dma_start3A_257, %dma_start3A_258] : memref<80x128xi32, #tpu.memory_space<vmem>> -> memref<78x128xi32, #tpu.memory_space<vmem>>
      %dma_start3A_260 = arith.constant 0 : i32
      %dma_start3A_261 = tpu.memref_slice %arg3[%run_scoped3A_51, %mul3A_50, %dma_start3A_260] : memref<2x2500x128xi32, #tpu.memory_space<hbm>> -> memref<1x78x128xi32, #tpu.memory_space<hbm>>
      %dma_start3A_262 = tpu.memref_squeeze %dma_start3A_261 : memref<1x78x128xi32, #tpu.memory_space<hbm>> -> memref<78x128xi32, #tpu.memory_space<hbm>>
      tpu.enqueue_dma source(%dma_start3A_262 : memref<78x128xi32, #tpu.memory_space<hbm>>) target(%dma_start3A_259 : memref<78x128xi32, #tpu.memory_space<vmem>>) target_semaphore(%run_scoped3A_251 : memref<!tpu.dma_semaphore, #tpu.memory_space<semaphore_mem>>)
      %dma_wait3A = arith.constant 0 : i32
      %dma_wait3A_263 = arith.constant 0 : i32
      %dma_wait3A_264 = tpu.memref_slice %arg8[%dma_wait3A, %dma_wait3A_263] : memref<80x128xi32, #tpu.memory_space<vmem>> -> memref<78x128xi32, #tpu.memory_space<vmem>>
      %dma_wait3A_265 = arith.constant 0 : i32
      %dma_wait3A_266 = tpu.memref_slice %arg3[%run_scoped3A_51, %mul3A_50, %dma_wait3A_265] : memref<2x2500x128xi32, #tpu.memory_space<hbm>> -> memref<1x78x128xi32, #tpu.memory_space<hbm>>
      %dma_wait3A_267 = tpu.memref_squeeze %dma_wait3A_266 : memref<1x78x128xi32, #tpu.memory_space<hbm>> -> memref<78x128xi32, #tpu.memory_space<hbm>>
      %dma_wait3A_268 = arith.constant 0 : i32
      %dma_wait3A_269 = arith.constant 0 : i32
      %dma_wait3A_270 = tpu.memref_slice %arg8[%dma_wait3A_268, %dma_wait3A_269] : memref<80x128xi32, #tpu.memory_space<vmem>> -> memref<78x128xi32, #tpu.memory_space<vmem>>
      %dma_wait3A_271 = arith.constant 0 : i32
      %dma_wait3A_272 = tpu.memref_slice %arg3[%run_scoped3A_51, %mul3A_50, %dma_wait3A_271] : memref<2x2500x128xi32, #tpu.memory_space<hbm>> -> memref<1x78x128xi32, #tpu.memory_space<hbm>>
      %dma_wait3A_273 = tpu.memref_squeeze %dma_wait3A_272 : memref<1x78x128xi32, #tpu.memory_space<hbm>> -> memref<78x128xi32, #tpu.memory_space<hbm>>
      tpu.wait_dma2 semaphore(%run_scoped3A_251 : memref<!tpu.dma_semaphore, #tpu.memory_space<semaphore_mem>>) src(%dma_wait3A_273 : memref<78x128xi32, #tpu.memory_space<hbm>>) dst(%dma_wait3A_270 : memref<78x128xi32, #tpu.memory_space<vmem>>)
      tpu.yield
    }) : () -> ()
    %lt3A = arith.constant 4 : i32
    %lt3A_52 = arith.cmpi slt, %add3A, %lt3A : i32
    %convert_element_type3A = arith.extui %lt3A_52 : i1 to i32
    %cond3A = arith.constant 0 : i32
    %cond3A_53 = arith.cmpi ne, %convert_element_type3A, %cond3A : i32
    scf.if %cond3A_53 {
      %add3A_251 = arith.constant 2496 : i32
      %add3A_252 = arith.addi %add3A_251, %add3A : i32
      %run_scoped3A_253 = arith.constant 0 : i32
      %run_scoped3A_254 = arith.constant 78 : i32
      "tpu.region"() ({
        %run_scoped3A_259 = tpu.sem_alloc : memref<!tpu.dma_semaphore, #tpu.memory_space<semaphore_mem>>
        %dma_start3A = arith.constant 0 : i32
        %dma_start3A_260 = tpu.memref_slice %arg7[%run_scoped3A_254, %dma_start3A] : memref<80x128xi32, #tpu.memory_space<vmem>> -> memref<1x128xi32, #tpu.memory_space<vmem>>
        %dma_start3A_261 = tpu.memref_squeeze %dma_start3A_260 : memref<1x128xi32, #tpu.memory_space<vmem>> -> memref<128xi32, #tpu.memory_space<vmem>>
        %dma_start3A_262 = arith.constant 0 : i32
        %dma_start3A_263 = tpu.memref_slice %arg3[%run_scoped3A_253, %add3A_252, %dma_start3A_262] : memref<2x2500x128xi32, #tpu.memory_space<hbm>> -> memref<1x1x128xi32, #tpu.memory_space<hbm>>
        %dma_start3A_264 = tpu.memref_squeeze %dma_start3A_263 : memref<1x1x128xi32, #tpu.memory_space<hbm>> -> memref<128xi32, #tpu.memory_space<hbm>>
        %dma_start3A_265 = arith.constant 0 : i32
        %dma_start3A_266 = tpu.memref_slice %arg7[%run_scoped3A_254, %dma_start3A_265] : memref<80x128xi32, #tpu.memory_space<vmem>> -> memref<1x128xi32, #tpu.memory_space<vmem>>
        %dma_start3A_267 = tpu.memref_squeeze %dma_start3A_266 : memref<1x128xi32, #tpu.memory_space<vmem>> -> memref<128xi32, #tpu.memory_space<vmem>>
        %dma_start3A_268 = arith.constant 0 : i32
        %dma_start3A_269 = tpu.memref_slice %arg3[%run_scoped3A_253, %add3A_252, %dma_start3A_268] : memref<2x2500x128xi32, #tpu.memory_space<hbm>> -> memref<1x1x128xi32, #tpu.memory_space<hbm>>
        %dma_start3A_270 = tpu.memref_squeeze %dma_start3A_269 : memref<1x1x128xi32, #tpu.memory_space<hbm>> -> memref<128xi32, #tpu.memory_space<hbm>>
        tpu.enqueue_dma source(%dma_start3A_270 : memref<128xi32, #tpu.memory_space<hbm>>) target(%dma_start3A_267 : memref<128xi32, #tpu.memory_space<vmem>>) target_semaphore(%run_scoped3A_259 : memref<!tpu.dma_semaphore, #tpu.memory_space<semaphore_mem>>)
        %dma_wait3A = arith.constant 0 : i32
        %dma_wait3A_271 = tpu.memref_slice %arg7[%run_scoped3A_254, %dma_wait3A] : memref<80x128xi32, #tpu.memory_space<vmem>> -> memref<1x128xi32, #tpu.memory_space<vmem>>
        %dma_wait3A_272 = tpu.memref_squeeze %dma_wait3A_271 : memref<1x128xi32, #tpu.memory_space<vmem>> -> memref<128xi32, #tpu.memory_space<vmem>>
        %dma_wait3A_273 = arith.constant 0 : i32
        %dma_wait3A_274 = tpu.memref_slice %arg3[%run_scoped3A_253, %add3A_252, %dma_wait3A_273] : memref<2x2500x128xi32, #tpu.memory_space<hbm>> -> memref<1x1x128xi32, #tpu.memory_space<hbm>>
        %dma_wait3A_275 = tpu.memref_squeeze %dma_wait3A_274 : memref<1x1x128xi32, #tpu.memory_space<hbm>> -> memref<128xi32, #tpu.memory_space<hbm>>
        %dma_wait3A_276 = arith.constant 0 : i32
        %dma_wait3A_277 = tpu.memref_slice %arg7[%run_scoped3A_254, %dma_wait3A_276] : memref<80x128xi32, #tpu.memory_space<vmem>> -> memref<1x128xi32, #tpu.memory_space<vmem>>
        %dma_wait3A_278 = tpu.memref_squeeze %dma_wait3A_277 : memref<1x128xi32, #tpu.memory_space<vmem>> -> memref<128xi32, #tpu.memory_space<vmem>>
        %dma_wait3A_279 = arith.constant 0 : i32
        %dma_wait3A_280 = tpu.memref_slice %arg3[%run_scoped3A_253, %add3A_252, %dma_wait3A_279] : memref<2x2500x128xi32, #tpu.memory_space<hbm>> -> memref<1x1x128xi32, #tpu.memory_space<hbm>>
        %dma_wait3A_281 = tpu.memref_squeeze %dma_wait3A_280 : memref<1x1x128xi32, #tpu.memory_space<hbm>> -> memref<128xi32, #tpu.memory_space<hbm>>
        tpu.wait_dma2 semaphore(%run_scoped3A_259 : memref<!tpu.dma_semaphore, #tpu.memory_space<semaphore_mem>>) src(%dma_wait3A_281 : memref<128xi32, #tpu.memory_space<hbm>>) dst(%dma_wait3A_278 : memref<128xi32, #tpu.memory_space<vmem>>)
        tpu.yield
      }) : () -> ()
      %add3A_255 = arith.constant 2496 : i32
      %add3A_256 = arith.addi %add3A_255, %add3A : i32
      %run_scoped3A_257 = arith.constant 1 : i32
      %run_scoped3A_258 = arith.constant 78 : i32
      "tpu.region"() ({
        %run_scoped3A_259 = tpu.sem_alloc : memref<!tpu.dma_semaphore, #tpu.memory_space<semaphore_mem>>
        %dma_start3A = arith.constant 0 : i32
        %dma_start3A_260 = tpu.memref_slice %arg8[%run_scoped3A_258, %dma_start3A] : memref<80x128xi32, #tpu.memory_space<vmem>> -> memref<1x128xi32, #tpu.memory_space<vmem>>
        %dma_start3A_261 = tpu.memref_squeeze %dma_start3A_260 : memref<1x128xi32, #tpu.memory_space<vmem>> -> memref<128xi32, #tpu.memory_space<vmem>>
        %dma_start3A_262 = arith.constant 0 : i32
        %dma_start3A_263 = tpu.memref_slice %arg3[%run_scoped3A_257, %add3A_256, %dma_start3A_262] : memref<2x2500x128xi32, #tpu.memory_space<hbm>> -> memref<1x1x128xi32, #tpu.memory_space<hbm>>
        %dma_start3A_264 = tpu.memref_squeeze %dma_start3A_263 : memref<1x1x128xi32, #tpu.memory_space<hbm>> -> memref<128xi32, #tpu.memory_space<hbm>>
        %dma_start3A_265 = arith.constant 0 : i32
        %dma_start3A_266 = tpu.memref_slice %arg8[%run_scoped3A_258, %dma_start3A_265] : memref<80x128xi32, #tpu.memory_space<vmem>> -> memref<1x128xi32, #tpu.memory_space<vmem>>
        %dma_start3A_267 = tpu.memref_squeeze %dma_start3A_266 : memref<1x128xi32, #tpu.memory_space<vmem>> -> memref<128xi32, #tpu.memory_space<vmem>>
        %dma_start3A_268 = arith.constant 0 : i32
        %dma_start3A_269 = tpu.memref_slice %arg3[%run_scoped3A_257, %add3A_256, %dma_start3A_268] : memref<2x2500x128xi32, #tpu.memory_space<hbm>> -> memref<1x1x128xi32, #tpu.memory_space<hbm>>
        %dma_start3A_270 = tpu.memref_squeeze %dma_start3A_269 : memref<1x1x128xi32, #tpu.memory_space<hbm>> -> memref<128xi32, #tpu.memory_space<hbm>>
        tpu.enqueue_dma source(%dma_start3A_270 : memref<128xi32, #tpu.memory_space<hbm>>) target(%dma_start3A_267 : memref<128xi32, #tpu.memory_space<vmem>>) target_semaphore(%run_scoped3A_259 : memref<!tpu.dma_semaphore, #tpu.memory_space<semaphore_mem>>)
        %dma_wait3A = arith.constant 0 : i32
        %dma_wait3A_271 = tpu.memref_slice %arg8[%run_scoped3A_258, %dma_wait3A] : memref<80x128xi32, #tpu.memory_space<vmem>> -> memref<1x128xi32, #tpu.memory_space<vmem>>
        %dma_wait3A_272 = tpu.memref_squeeze %dma_wait3A_271 : memref<1x128xi32, #tpu.memory_space<vmem>> -> memref<128xi32, #tpu.memory_space<vmem>>
        %dma_wait3A_273 = arith.constant 0 : i32
        %dma_wait3A_274 = tpu.memref_slice %arg3[%run_scoped3A_257, %add3A_256, %dma_wait3A_273] : memref<2x2500x128xi32, #tpu.memory_space<hbm>> -> memref<1x1x128xi32, #tpu.memory_space<hbm>>
        %dma_wait3A_275 = tpu.memref_squeeze %dma_wait3A_274 : memref<1x1x128xi32, #tpu.memory_space<hbm>> -> memref<128xi32, #tpu.memory_space<hbm>>
        %dma_wait3A_276 = arith.constant 0 : i32
        %dma_wait3A_277 = tpu.memref_slice %arg8[%run_scoped3A_258, %dma_wait3A_276] : memref<80x128xi32, #tpu.memory_space<vmem>> -> memref<1x128xi32, #tpu.memory_space<vmem>>
        %dma_wait3A_278 = tpu.memref_squeeze %dma_wait3A_277 : memref<1x128xi32, #tpu.memory_space<vmem>> -> memref<128xi32, #tpu.memory_space<vmem>>
        %dma_wait3A_279 = arith.constant 0 : i32
        %dma_wait3A_280 = tpu.memref_slice %arg3[%run_scoped3A_257, %add3A_256, %dma_wait3A_279] : memref<2x2500x128xi32, #tpu.memory_space<hbm>> -> memref<1x1x128xi32, #tpu.memory_space<hbm>>
        %dma_wait3A_281 = tpu.memref_squeeze %dma_wait3A_280 : memref<1x1x128xi32, #tpu.memory_space<hbm>> -> memref<128xi32, #tpu.memory_space<hbm>>
        tpu.wait_dma2 semaphore(%run_scoped3A_259 : memref<!tpu.dma_semaphore, #tpu.memory_space<semaphore_mem>>) src(%dma_wait3A_281 : memref<128xi32, #tpu.memory_space<hbm>>) dst(%dma_wait3A_278 : memref<128xi32, #tpu.memory_space<vmem>>)
        tpu.yield
      }) : () -> ()
    } else {
    }
    %barrier3A = arith.constant 0 : index
    tpu.barrier barrier_id(%barrier3A)
    %scan3A_54 = arith.constant 0 : i32
    %scan3A_55 = arith.constant 0 : i32
    %scan3A_56 = arith.constant 10 : i32
    %scan3A_57 = arith.addi %scan3A_55, %scan3A_56 : i32
    %scan3A_58 = arith.constant 1 : i32
    scf.for %scan3A_251 = %scan3A_55 to %scan3A_57 step %scan3A_58  : i32 {
      %add3A_252 = arith.constant 0 : i32
      %add3A_253 = arith.addi %add3A_252, %scan3A_251 : i32
      %dma_start3A = arith.constant 0 : i32
      %dma_start3A_254 = arith.constant 0 : i32
      %dma_start3A_255 = tpu.memref_slice %arg9[%scan3A_251, %dma_start3A, %dma_start3A_254] : memref<10x128x16xf32, #tpu.memory_space<vmem>> -> memref<1x128x16xf32, #tpu.memory_space<vmem>>
      %dma_start3A_256 = tpu.memref_squeeze %dma_start3A_255 : memref<1x128x16xf32, #tpu.memory_space<vmem>> -> memref<128x16xf32, #tpu.memory_space<vmem>>
      %dma_start3A_257 = arith.constant 0 : i32
      %dma_start3A_258 = tpu.memref_slice %arg7[%add3A_253, %dma_start3A_257] : memref<80x128xi32, #tpu.memory_space<vmem>> -> memref<1x128xi32, #tpu.memory_space<vmem>>
      %dma_start3A_259 = tpu.memref_squeeze %dma_start3A_258 : memref<1x128xi32, #tpu.memory_space<vmem>> -> memref<128xi32, #tpu.memory_space<vmem>>
      %dma_start3A_260 = arith.constant 0 : i32
      %dma_start3A_261 = arith.constant 0 : i32
      %dma_start3A_262 = tpu.memref_slice %arg6[%dma_start3A_260, %dma_start3A_261] : memref<10016x16xf32, #tpu.memory_space<vmem_shared>> -> memref<10016x16xf32, #tpu.memory_space<vmem_shared>>
      tpu.enqueue_indirect_dma source(%dma_start3A_262 : memref<10016x16xf32, #tpu.memory_space<vmem_shared>>) target(%dma_start3A_256 : memref<128x16xf32, #tpu.memory_space<vmem>>) offsets(%dma_start3A_259 : memref<128xi32, #tpu.memory_space<vmem>>) semaphore(%arg12 : memref<!tpu.dma_semaphore, #tpu.memory_space<semaphore_mem>>)
    }
    %scan3A_59 = arith.constant 10 : i32
    %scan3A_60 = arith.constant 0 : i32
    %scan3A_61 = arith.constant 0 : i32
    %scan3A_62 = arith.constant 10 : i32
    %scan3A_63 = arith.addi %scan3A_61, %scan3A_62 : i32
    %scan3A_64 = arith.constant 1 : i32
    scf.for %scan3A_251 = %scan3A_61 to %scan3A_63 step %scan3A_64  : i32 {
      %add3A_252 = arith.constant 10 : i32
      %add3A_253 = arith.addi %add3A_252, %scan3A_251 : i32
      %dma_start3A = arith.constant 0 : i32
      %dma_start3A_254 = arith.constant 0 : i32
      %dma_start3A_255 = tpu.memref_slice %arg10[%scan3A_251, %dma_start3A, %dma_start3A_254] : memref<10x128x16xf32, #tpu.memory_space<vmem>> -> memref<1x128x16xf32, #tpu.memory_space<vmem>>
      %dma_start3A_256 = tpu.memref_squeeze %dma_start3A_255 : memref<1x128x16xf32, #tpu.memory_space<vmem>> -> memref<128x16xf32, #tpu.memory_space<vmem>>
      %dma_start3A_257 = arith.constant 0 : i32
      %dma_start3A_258 = tpu.memref_slice %arg7[%add3A_253, %dma_start3A_257] : memref<80x128xi32, #tpu.memory_space<vmem>> -> memref<1x128xi32, #tpu.memory_space<vmem>>
      %dma_start3A_259 = tpu.memref_squeeze %dma_start3A_258 : memref<1x128xi32, #tpu.memory_space<vmem>> -> memref<128xi32, #tpu.memory_space<vmem>>
      %dma_start3A_260 = arith.constant 0 : i32
      %dma_start3A_261 = arith.constant 0 : i32
      %dma_start3A_262 = tpu.memref_slice %arg6[%dma_start3A_260, %dma_start3A_261] : memref<10016x16xf32, #tpu.memory_space<vmem_shared>> -> memref<10016x16xf32, #tpu.memory_space<vmem_shared>>
      tpu.enqueue_indirect_dma source(%dma_start3A_262 : memref<10016x16xf32, #tpu.memory_space<vmem_shared>>) target(%dma_start3A_256 : memref<128x16xf32, #tpu.memory_space<vmem>>) offsets(%dma_start3A_259 : memref<128xi32, #tpu.memory_space<vmem>>) semaphore(%arg13 : memref<!tpu.dma_semaphore, #tpu.memory_space<semaphore_mem>>)
    }
    %scan3A_65 = arith.constant 10 : i32
    %scan3A_66 = arith.constant 0 : i32
    %scan3A_67 = arith.constant 0 : i32
    %scan3A_68 = arith.constant 10 : i32
    %scan3A_69 = arith.addi %scan3A_67, %scan3A_68 : i32
    %scan3A_70 = arith.constant 1 : i32
    scf.for %scan3A_251 = %scan3A_67 to %scan3A_69 step %scan3A_70  : i32 {
      %dma_wait3A = arith.constant 0 : i32
      %dma_wait3A_252 = arith.constant 0 : i32
      %dma_wait3A_253 = arith.constant 0 : i32
      %dma_wait3A_254 = arith.constant 0 : i32
      %dma_wait3A_255 = tpu.memref_slice %arg9[%dma_wait3A_252, %dma_wait3A_253, %dma_wait3A_254] : memref<10x128x16xf32, #tpu.memory_space<vmem>> -> memref<1x128x16xf32, #tpu.memory_space<vmem>>
      %dma_wait3A_256 = tpu.memref_squeeze %dma_wait3A_255 : memref<1x128x16xf32, #tpu.memory_space<vmem>> -> memref<128x16xf32, #tpu.memory_space<vmem>>
      %dma_wait3A_257 = arith.constant 0 : i32
      %dma_wait3A_258 = tpu.memref_slice %arg7[%dma_wait3A, %dma_wait3A_257] : memref<80x128xi32, #tpu.memory_space<vmem>> -> memref<1x128xi32, #tpu.memory_space<vmem>>
      %dma_wait3A_259 = tpu.memref_squeeze %dma_wait3A_258 : memref<1x128xi32, #tpu.memory_space<vmem>> -> memref<128xi32, #tpu.memory_space<vmem>>
      %dma_wait3A_260 = arith.constant 0 : i32
      %dma_wait3A_261 = arith.constant 0 : i32
      %dma_wait3A_262 = tpu.memref_slice %arg6[%dma_wait3A_260, %dma_wait3A_261] : memref<10016x16xf32, #tpu.memory_space<vmem_shared>> -> memref<10016x16xf32, #tpu.memory_space<vmem_shared>>
      tpu.wait_indirect_dma semaphore(%arg12 : memref<!tpu.dma_semaphore, #tpu.memory_space<semaphore_mem>>) src(%dma_wait3A_262 : memref<10016x16xf32, #tpu.memory_space<vmem_shared>>) dst(%dma_wait3A_256 : memref<128x16xf32, #tpu.memory_space<vmem>>)
    }
    %scan3A_71 = arith.constant 10 : i32
    %scan3A_72 = arith.constant 0 : i32
    %scan3A_73 = arith.constant 0 : i32
    %scan3A_74 = arith.constant 10 : i32
    %scan3A_75 = arith.addi %scan3A_73, %scan3A_74 : i32
    %scan3A_76 = arith.constant 1 : i32
    scf.for %scan3A_251 = %scan3A_73 to %scan3A_75 step %scan3A_76  : i32 {
      %add3A_252 = arith.constant 20 : i32
      %add3A_253 = arith.addi %add3A_252, %scan3A_251 : i32
      %dma_start3A = arith.constant 0 : i32
      %dma_start3A_254 = arith.constant 0 : i32
      %dma_start3A_255 = tpu.memref_slice %arg11[%scan3A_251, %dma_start3A, %dma_start3A_254] : memref<10x128x16xf32, #tpu.memory_space<vmem>> -> memref<1x128x16xf32, #tpu.memory_space<vmem>>
      %dma_start3A_256 = tpu.memref_squeeze %dma_start3A_255 : memref<1x128x16xf32, #tpu.memory_space<vmem>> -> memref<128x16xf32, #tpu.memory_space<vmem>>
      %dma_start3A_257 = arith.constant 0 : i32
      %dma_start3A_258 = tpu.memref_slice %arg7[%add3A_253, %dma_start3A_257] : memref<80x128xi32, #tpu.memory_space<vmem>> -> memref<1x128xi32, #tpu.memory_space<vmem>>
      %dma_start3A_259 = tpu.memref_squeeze %dma_start3A_258 : memref<1x128xi32, #tpu.memory_space<vmem>> -> memref<128xi32, #tpu.memory_space<vmem>>
      %dma_start3A_260 = arith.constant 0 : i32
      %dma_start3A_261 = arith.constant 0 : i32
      %dma_start3A_262 = tpu.memref_slice %arg6[%dma_start3A_260, %dma_start3A_261] : memref<10016x16xf32, #tpu.memory_space<vmem_shared>> -> memref<10016x16xf32, #tpu.memory_space<vmem_shared>>
      tpu.enqueue_indirect_dma source(%dma_start3A_262 : memref<10016x16xf32, #tpu.memory_space<vmem_shared>>) target(%dma_start3A_256 : memref<128x16xf32, #tpu.memory_space<vmem>>) offsets(%dma_start3A_259 : memref<128xi32, #tpu.memory_space<vmem>>) semaphore(%arg14 : memref<!tpu.dma_semaphore, #tpu.memory_space<semaphore_mem>>)
    }
    %scan3A_77 = arith.constant 10 : i32
    %scan3A_78 = arith.constant 0 : i32
    %scan3A_79 = arith.constant 0 : i32
    %scan3A_80 = arith.constant 10 : i32
    %scan3A_81 = arith.addi %scan3A_79, %scan3A_80 : i32
    %scan3A_82 = arith.constant 1 : i32
    scf.for %scan3A_251 = %scan3A_79 to %scan3A_81 step %scan3A_82  : i32 {
      %add3A_252 = arith.constant 0 : i32
      %add3A_253 = arith.addi %add3A_252, %scan3A_251 : i32
      %dma_start3A = arith.constant 0 : i32
      %dma_start3A_254 = arith.constant 0 : i32
      %dma_start3A_255 = tpu.memref_slice %arg9[%scan3A_251, %dma_start3A, %dma_start3A_254] : memref<10x128x16xf32, #tpu.memory_space<vmem>> -> memref<1x128x16xf32, #tpu.memory_space<vmem>>
      %dma_start3A_256 = tpu.memref_squeeze %dma_start3A_255 : memref<1x128x16xf32, #tpu.memory_space<vmem>> -> memref<128x16xf32, #tpu.memory_space<vmem>>
      %dma_start3A_257 = arith.constant 0 : i32
      %dma_start3A_258 = tpu.memref_slice %arg8[%add3A_253, %dma_start3A_257] : memref<80x128xi32, #tpu.memory_space<vmem>> -> memref<1x128xi32, #tpu.memory_space<vmem>>
      %dma_start3A_259 = tpu.memref_squeeze %dma_start3A_258 : memref<1x128xi32, #tpu.memory_space<vmem>> -> memref<128xi32, #tpu.memory_space<vmem>>
      %dma_start3A_260 = arith.constant 0 : i32
      %dma_start3A_261 = arith.constant 0 : i32
      %dma_start3A_262 = tpu.memref_slice %arg5[%dma_start3A_260, %dma_start3A_261] : memref<10240x16xf32, #tpu.memory_space<vmem_shared>> -> memref<10240x16xf32, #tpu.memory_space<vmem_shared>>
      tpu.enqueue_indirect_dma source(%dma_start3A_256 : memref<128x16xf32, #tpu.memory_space<vmem>>) target(%dma_start3A_262 : memref<10240x16xf32, #tpu.memory_space<vmem_shared>>) offsets(%dma_start3A_259 : memref<128xi32, #tpu.memory_space<vmem>>) semaphore(%arg15 : memref<!tpu.dma_semaphore, #tpu.memory_space<semaphore_mem>>) {add = true}
    }
    %scan3A_83 = arith.constant 10 : i32
    %scan3A_84 = arith.constant 0 : i32
    %scan3A_85 = arith.constant 0 : i32
    %scan3A_86 = arith.constant 10 : i32
    %scan3A_87 = arith.addi %scan3A_85, %scan3A_86 : i32
    %scan3A_88 = arith.constant 1 : i32
    scf.for %scan3A_251 = %scan3A_85 to %scan3A_87 step %scan3A_88  : i32 {
      %dma_wait3A = arith.constant 0 : i32
      %dma_wait3A_252 = arith.constant 0 : i32
      %dma_wait3A_253 = arith.constant 0 : i32
      %dma_wait3A_254 = arith.constant 0 : i32
      %dma_wait3A_255 = tpu.memref_slice %arg10[%dma_wait3A_252, %dma_wait3A_253, %dma_wait3A_254] : memref<10x128x16xf32, #tpu.memory_space<vmem>> -> memref<1x128x16xf32, #tpu.memory_space<vmem>>
      %dma_wait3A_256 = tpu.memref_squeeze %dma_wait3A_255 : memref<1x128x16xf32, #tpu.memory_space<vmem>> -> memref<128x16xf32, #tpu.memory_space<vmem>>
      %dma_wait3A_257 = arith.constant 0 : i32
      %dma_wait3A_258 = tpu.memref_slice %arg7[%dma_wait3A, %dma_wait3A_257] : memref<80x128xi32, #tpu.memory_space<vmem>> -> memref<1x128xi32, #tpu.memory_space<vmem>>
      %dma_wait3A_259 = tpu.memref_squeeze %dma_wait3A_258 : memref<1x128xi32, #tpu.memory_space<vmem>> -> memref<128xi32, #tpu.memory_space<vmem>>
      %dma_wait3A_260 = arith.constant 0 : i32
      %dma_wait3A_261 = arith.constant 0 : i32
      %dma_wait3A_262 = tpu.memref_slice %arg6[%dma_wait3A_260, %dma_wait3A_261] : memref<10016x16xf32, #tpu.memory_space<vmem_shared>> -> memref<10016x16xf32, #tpu.memory_space<vmem_shared>>
      tpu.wait_indirect_dma semaphore(%arg13 : memref<!tpu.dma_semaphore, #tpu.memory_space<semaphore_mem>>) src(%dma_wait3A_262 : memref<10016x16xf32, #tpu.memory_space<vmem_shared>>) dst(%dma_wait3A_256 : memref<128x16xf32, #tpu.memory_space<vmem>>)
    }
    %scan3A_89 = arith.constant 10 : i32
    %scan3A_90 = arith.constant 0 : i32
    %scan3A_91 = arith.constant 0 : i32
    %scan3A_92 = arith.constant 10 : i32
    %scan3A_93 = arith.addi %scan3A_91, %scan3A_92 : i32
    %scan3A_94 = arith.constant 1 : i32
    scf.for %scan3A_251 = %scan3A_91 to %scan3A_93 step %scan3A_94  : i32 {
      %dma_wait3A = arith.constant 0 : i32
      %dma_wait3A_252 = arith.constant 0 : i32
      %dma_wait3A_253 = arith.constant 0 : i32
      %dma_wait3A_254 = arith.constant 0 : i32
      %dma_wait3A_255 = tpu.memref_slice %arg9[%dma_wait3A, %dma_wait3A_253, %dma_wait3A_254] : memref<10x128x16xf32, #tpu.memory_space<vmem>> -> memref<1x128x16xf32, #tpu.memory_space<vmem>>
      %dma_wait3A_256 = tpu.memref_squeeze %dma_wait3A_255 : memref<1x128x16xf32, #tpu.memory_space<vmem>> -> memref<128x16xf32, #tpu.memory_space<vmem>>
      %dma_wait3A_257 = arith.constant 0 : i32
      %dma_wait3A_258 = tpu.memref_slice %arg8[%dma_wait3A_252, %dma_wait3A_257] : memref<80x128xi32, #tpu.memory_space<vmem>> -> memref<1x128xi32, #tpu.memory_space<vmem>>
      %dma_wait3A_259 = tpu.memref_squeeze %dma_wait3A_258 : memref<1x128xi32, #tpu.memory_space<vmem>> -> memref<128xi32, #tpu.memory_space<vmem>>
      %dma_wait3A_260 = arith.constant 0 : i32
      %dma_wait3A_261 = arith.constant 0 : i32
      %dma_wait3A_262 = tpu.memref_slice %arg5[%dma_wait3A_260, %dma_wait3A_261] : memref<10240x16xf32, #tpu.memory_space<vmem_shared>> -> memref<10240x16xf32, #tpu.memory_space<vmem_shared>>
      tpu.wait_indirect_dma semaphore(%arg15 : memref<!tpu.dma_semaphore, #tpu.memory_space<semaphore_mem>>) src(%dma_wait3A_256 : memref<128x16xf32, #tpu.memory_space<vmem>>) dst(%dma_wait3A_262 : memref<10240x16xf32, #tpu.memory_space<vmem_shared>>)
    }
    %scan3A_95 = arith.constant 10 : i32
    %scan3A_96 = arith.constant 0 : i32
    %scan3A_97 = arith.constant 0 : i32
    %scan3A_98 = arith.constant 10 : i32
    %scan3A_99 = arith.addi %scan3A_97, %scan3A_98 : i32
    %scan3A_100 = arith.constant 1 : i32
    scf.for %scan3A_251 = %scan3A_97 to %scan3A_99 step %scan3A_100  : i32 {
      %add3A_252 = arith.constant 30 : i32
      %add3A_253 = arith.addi %add3A_252, %scan3A_251 : i32
      %dma_start3A = arith.constant 0 : i32
      %dma_start3A_254 = arith.constant 0 : i32
      %dma_start3A_255 = tpu.memref_slice %arg9[%scan3A_251, %dma_start3A, %dma_start3A_254] : memref<10x128x16xf32, #tpu.memory_space<vmem>> -> memref<1x128x16xf32, #tpu.memory_space<vmem>>
      %dma_start3A_256 = tpu.memref_squeeze %dma_start3A_255 : memref<1x128x16xf32, #tpu.memory_space<vmem>> -> memref<128x16xf32, #tpu.memory_space<vmem>>
      %dma_start3A_257 = arith.constant 0 : i32
      %dma_start3A_258 = tpu.memref_slice %arg7[%add3A_253, %dma_start3A_257] : memref<80x128xi32, #tpu.memory_space<vmem>> -> memref<1x128xi32, #tpu.memory_space<vmem>>
      %dma_start3A_259 = tpu.memref_squeeze %dma_start3A_258 : memref<1x128xi32, #tpu.memory_space<vmem>> -> memref<128xi32, #tpu.memory_space<vmem>>
      %dma_start3A_260 = arith.constant 0 : i32
      %dma_start3A_261 = arith.constant 0 : i32
      %dma_start3A_262 = tpu.memref_slice %arg6[%dma_start3A_260, %dma_start3A_261] : memref<10016x16xf32, #tpu.memory_space<vmem_shared>> -> memref<10016x16xf32, #tpu.memory_space<vmem_shared>>
      tpu.enqueue_indirect_dma source(%dma_start3A_262 : memref<10016x16xf32, #tpu.memory_space<vmem_shared>>) target(%dma_start3A_256 : memref<128x16xf32, #tpu.memory_space<vmem>>) offsets(%dma_start3A_259 : memref<128xi32, #tpu.memory_space<vmem>>) semaphore(%arg12 : memref<!tpu.dma_semaphore, #tpu.memory_space<semaphore_mem>>)
    }
    %scan3A_101 = arith.constant 10 : i32
    %scan3A_102 = arith.constant 0 : i32
    %scan3A_103 = arith.constant 0 : i32
    %scan3A_104 = arith.constant 10 : i32
    %scan3A_105 = arith.addi %scan3A_103, %scan3A_104 : i32
    %scan3A_106 = arith.constant 1 : i32
    scf.for %scan3A_251 = %scan3A_103 to %scan3A_105 step %scan3A_106  : i32 {
      %add3A_252 = arith.constant 10 : i32
      %add3A_253 = arith.addi %add3A_252, %scan3A_251 : i32
      %dma_start3A = arith.constant 0 : i32
      %dma_start3A_254 = arith.constant 0 : i32
      %dma_start3A_255 = tpu.memref_slice %arg10[%scan3A_251, %dma_start3A, %dma_start3A_254] : memref<10x128x16xf32, #tpu.memory_space<vmem>> -> memref<1x128x16xf32, #tpu.memory_space<vmem>>
      %dma_start3A_256 = tpu.memref_squeeze %dma_start3A_255 : memref<1x128x16xf32, #tpu.memory_space<vmem>> -> memref<128x16xf32, #tpu.memory_space<vmem>>
      %dma_start3A_257 = arith.constant 0 : i32
      %dma_start3A_258 = tpu.memref_slice %arg8[%add3A_253, %dma_start3A_257] : memref<80x128xi32, #tpu.memory_space<vmem>> -> memref<1x128xi32, #tpu.memory_space<vmem>>
      %dma_start3A_259 = tpu.memref_squeeze %dma_start3A_258 : memref<1x128xi32, #tpu.memory_space<vmem>> -> memref<128xi32, #tpu.memory_space<vmem>>
      %dma_start3A_260 = arith.constant 0 : i32
      %dma_start3A_261 = arith.constant 0 : i32
      %dma_start3A_262 = tpu.memref_slice %arg5[%dma_start3A_260, %dma_start3A_261] : memref<10240x16xf32, #tpu.memory_space<vmem_shared>> -> memref<10240x16xf32, #tpu.memory_space<vmem_shared>>
      tpu.enqueue_indirect_dma source(%dma_start3A_256 : memref<128x16xf32, #tpu.memory_space<vmem>>) target(%dma_start3A_262 : memref<10240x16xf32, #tpu.memory_space<vmem_shared>>) offsets(%dma_start3A_259 : memref<128xi32, #tpu.memory_space<vmem>>) semaphore(%arg16 : memref<!tpu.dma_semaphore, #tpu.memory_space<semaphore_mem>>) {add = true}
    }
    %scan3A_107 = arith.constant 10 : i32
    %scan3A_108 = arith.constant 0 : i32
    %scan3A_109 = arith.constant 0 : i32
    %scan3A_110 = arith.constant 10 : i32
    %scan3A_111 = arith.addi %scan3A_109, %scan3A_110 : i32
    %scan3A_112 = arith.constant 1 : i32
    scf.for %scan3A_251 = %scan3A_109 to %scan3A_111 step %scan3A_112  : i32 {
      %dma_wait3A = arith.constant 0 : i32
      %dma_wait3A_252 = arith.constant 0 : i32
      %dma_wait3A_253 = arith.constant 0 : i32
      %dma_wait3A_254 = arith.constant 0 : i32
      %dma_wait3A_255 = tpu.memref_slice %arg11[%dma_wait3A_252, %dma_wait3A_253, %dma_wait3A_254] : memref<10x128x16xf32, #tpu.memory_space<vmem>> -> memref<1x128x16xf32, #tpu.memory_space<vmem>>
      %dma_wait3A_256 = tpu.memref_squeeze %dma_wait3A_255 : memref<1x128x16xf32, #tpu.memory_space<vmem>> -> memref<128x16xf32, #tpu.memory_space<vmem>>
      %dma_wait3A_257 = arith.constant 0 : i32
      %dma_wait3A_258 = tpu.memref_slice %arg7[%dma_wait3A, %dma_wait3A_257] : memref<80x128xi32, #tpu.memory_space<vmem>> -> memref<1x128xi32, #tpu.memory_space<vmem>>
      %dma_wait3A_259 = tpu.memref_squeeze %dma_wait3A_258 : memref<1x128xi32, #tpu.memory_space<vmem>> -> memref<128xi32, #tpu.memory_space<vmem>>
      %dma_wait3A_260 = arith.constant 0 : i32
      %dma_wait3A_261 = arith.constant 0 : i32
      %dma_wait3A_262 = tpu.memref_slice %arg6[%dma_wait3A_260, %dma_wait3A_261] : memref<10016x16xf32, #tpu.memory_space<vmem_shared>> -> memref<10016x16xf32, #tpu.memory_space<vmem_shared>>
      tpu.wait_indirect_dma semaphore(%arg14 : memref<!tpu.dma_semaphore, #tpu.memory_space<semaphore_mem>>) src(%dma_wait3A_262 : memref<10016x16xf32, #tpu.memory_space<vmem_shared>>) dst(%dma_wait3A_256 : memref<128x16xf32, #tpu.memory_space<vmem>>)
    }
    %scan3A_113 = arith.constant 10 : i32
    %scan3A_114 = arith.constant 0 : i32
    %scan3A_115 = arith.constant 0 : i32
    %scan3A_116 = arith.constant 10 : i32
    %scan3A_117 = arith.addi %scan3A_115, %scan3A_116 : i32
    %scan3A_118 = arith.constant 1 : i32
    scf.for %scan3A_251 = %scan3A_115 to %scan3A_117 step %scan3A_118  : i32 {
      %dma_wait3A = arith.constant 0 : i32
      %dma_wait3A_252 = arith.constant 0 : i32
      %dma_wait3A_253 = arith.constant 0 : i32
      %dma_wait3A_254 = arith.constant 0 : i32
      %dma_wait3A_255 = tpu.memref_slice %arg10[%dma_wait3A, %dma_wait3A_253, %dma_wait3A_254] : memref<10x128x16xf32, #tpu.memory_space<vmem>> -> memref<1x128x16xf32, #tpu.memory_space<vmem>>
      %dma_wait3A_256 = tpu.memref_squeeze %dma_wait3A_255 : memref<1x128x16xf32, #tpu.memory_space<vmem>> -> memref<128x16xf32, #tpu.memory_space<vmem>>
      %dma_wait3A_257 = arith.constant 0 : i32
      %dma_wait3A_258 = tpu.memref_slice %arg8[%dma_wait3A_252, %dma_wait3A_257] : memref<80x128xi32, #tpu.memory_space<vmem>> -> memref<1x128xi32, #tpu.memory_space<vmem>>
      %dma_wait3A_259 = tpu.memref_squeeze %dma_wait3A_258 : memref<1x128xi32, #tpu.memory_space<vmem>> -> memref<128xi32, #tpu.memory_space<vmem>>
      %dma_wait3A_260 = arith.constant 0 : i32
      %dma_wait3A_261 = arith.constant 0 : i32
      %dma_wait3A_262 = tpu.memref_slice %arg5[%dma_wait3A_260, %dma_wait3A_261] : memref<10240x16xf32, #tpu.memory_space<vmem_shared>> -> memref<10240x16xf32, #tpu.memory_space<vmem_shared>>
      tpu.wait_indirect_dma semaphore(%arg16 : memref<!tpu.dma_semaphore, #tpu.memory_space<semaphore_mem>>) src(%dma_wait3A_256 : memref<128x16xf32, #tpu.memory_space<vmem>>) dst(%dma_wait3A_262 : memref<10240x16xf32, #tpu.memory_space<vmem_shared>>)
    }
    %scan3A_119 = arith.constant 10 : i32
    %scan3A_120 = arith.constant 0 : i32
    %scan3A_121 = arith.constant 0 : i32
    %scan3A_122 = arith.constant 10 : i32
    %scan3A_123 = arith.addi %scan3A_121, %scan3A_122 : i32
    %scan3A_124 = arith.constant 1 : i32
    scf.for %scan3A_251 = %scan3A_121 to %scan3A_123 step %scan3A_124  : i32 {
      %add3A_252 = arith.constant 40 : i32
      %add3A_253 = arith.addi %add3A_252, %scan3A_251 : i32
      %dma_start3A = arith.constant 0 : i32
      %dma_start3A_254 = arith.constant 0 : i32
      %dma_start3A_255 = tpu.memref_slice %arg10[%scan3A_251, %dma_start3A, %dma_start3A_254] : memref<10x128x16xf32, #tpu.memory_space<vmem>> -> memref<1x128x16xf32, #tpu.memory_space<vmem>>
      %dma_start3A_256 = tpu.memref_squeeze %dma_start3A_255 : memref<1x128x16xf32, #tpu.memory_space<vmem>> -> memref<128x16xf32, #tpu.memory_space<vmem>>
      %dma_start3A_257 = arith.constant 0 : i32
      %dma_start3A_258 = tpu.memref_slice %arg7[%add3A_253, %dma_start3A_257] : memref<80x128xi32, #tpu.memory_space<vmem>> -> memref<1x128xi32, #tpu.memory_space<vmem>>
      %dma_start3A_259 = tpu.memref_squeeze %dma_start3A_258 : memref<1x128xi32, #tpu.memory_space<vmem>> -> memref<128xi32, #tpu.memory_space<vmem>>
      %dma_start3A_260 = arith.constant 0 : i32
      %dma_start3A_261 = arith.constant 0 : i32
      %dma_start3A_262 = tpu.memref_slice %arg6[%dma_start3A_260, %dma_start3A_261] : memref<10016x16xf32, #tpu.memory_space<vmem_shared>> -> memref<10016x16xf32, #tpu.memory_space<vmem_shared>>
      tpu.enqueue_indirect_dma source(%dma_start3A_262 : memref<10016x16xf32, #tpu.memory_space<vmem_shared>>) target(%dma_start3A_256 : memref<128x16xf32, #tpu.memory_space<vmem>>) offsets(%dma_start3A_259 : memref<128xi32, #tpu.memory_space<vmem>>) semaphore(%arg13 : memref<!tpu.dma_semaphore, #tpu.memory_space<semaphore_mem>>)
    }
    %scan3A_125 = arith.constant 10 : i32
    %scan3A_126 = arith.constant 0 : i32
    %scan3A_127 = arith.constant 0 : i32
    %scan3A_128 = arith.constant 10 : i32
    %scan3A_129 = arith.addi %scan3A_127, %scan3A_128 : i32
    %scan3A_130 = arith.constant 1 : i32
    scf.for %scan3A_251 = %scan3A_127 to %scan3A_129 step %scan3A_130  : i32 {
      %add3A_252 = arith.constant 20 : i32
      %add3A_253 = arith.addi %add3A_252, %scan3A_251 : i32
      %dma_start3A = arith.constant 0 : i32
      %dma_start3A_254 = arith.constant 0 : i32
      %dma_start3A_255 = tpu.memref_slice %arg11[%scan3A_251, %dma_start3A, %dma_start3A_254] : memref<10x128x16xf32, #tpu.memory_space<vmem>> -> memref<1x128x16xf32, #tpu.memory_space<vmem>>
      %dma_start3A_256 = tpu.memref_squeeze %dma_start3A_255 : memref<1x128x16xf32, #tpu.memory_space<vmem>> -> memref<128x16xf32, #tpu.memory_space<vmem>>
      %dma_start3A_257 = arith.constant 0 : i32
      %dma_start3A_258 = tpu.memref_slice %arg8[%add3A_253, %dma_start3A_257] : memref<80x128xi32, #tpu.memory_space<vmem>> -> memref<1x128xi32, #tpu.memory_space<vmem>>
      %dma_start3A_259 = tpu.memref_squeeze %dma_start3A_258 : memref<1x128xi32, #tpu.memory_space<vmem>> -> memref<128xi32, #tpu.memory_space<vmem>>
      %dma_start3A_260 = arith.constant 0 : i32
      %dma_start3A_261 = arith.constant 0 : i32
      %dma_start3A_262 = tpu.memref_slice %arg5[%dma_start3A_260, %dma_start3A_261] : memref<10240x16xf32, #tpu.memory_space<vmem_shared>> -> memref<10240x16xf32, #tpu.memory_space<vmem_shared>>
      tpu.enqueue_indirect_dma source(%dma_start3A_256 : memref<128x16xf32, #tpu.memory_space<vmem>>) target(%dma_start3A_262 : memref<10240x16xf32, #tpu.memory_space<vmem_shared>>) offsets(%dma_start3A_259 : memref<128xi32, #tpu.memory_space<vmem>>) semaphore(%arg17 : memref<!tpu.dma_semaphore, #tpu.memory_space<semaphore_mem>>) {add = true}
    }
    %scan3A_131 = arith.constant 10 : i32
    %scan3A_132 = arith.constant 0 : i32
    %scan3A_133 = arith.constant 0 : i32
    %scan3A_134 = arith.constant 10 : i32
    %scan3A_135 = arith.addi %scan3A_133, %scan3A_134 : i32
    %scan3A_136 = arith.constant 1 : i32
    scf.for %scan3A_251 = %scan3A_133 to %scan3A_135 step %scan3A_136  : i32 {
      %dma_wait3A = arith.constant 0 : i32
      %dma_wait3A_252 = arith.constant 0 : i32
      %dma_wait3A_253 = arith.constant 0 : i32
      %dma_wait3A_254 = arith.constant 0 : i32
      %dma_wait3A_255 = tpu.memref_slice %arg9[%dma_wait3A_252, %dma_wait3A_253, %dma_wait3A_254] : memref<10x128x16xf32, #tpu.memory_space<vmem>> -> memref<1x128x16xf32, #tpu.memory_space<vmem>>
      %dma_wait3A_256 = tpu.memref_squeeze %dma_wait3A_255 : memref<1x128x16xf32, #tpu.memory_space<vmem>> -> memref<128x16xf32, #tpu.memory_space<vmem>>
      %dma_wait3A_257 = arith.constant 0 : i32
      %dma_wait3A_258 = tpu.memref_slice %arg7[%dma_wait3A, %dma_wait3A_257] : memref<80x128xi32, #tpu.memory_space<vmem>> -> memref<1x128xi32, #tpu.memory_space<vmem>>
      %dma_wait3A_259 = tpu.memref_squeeze %dma_wait3A_258 : memref<1x128xi32, #tpu.memory_space<vmem>> -> memref<128xi32, #tpu.memory_space<vmem>>
      %dma_wait3A_260 = arith.constant 0 : i32
      %dma_wait3A_261 = arith.constant 0 : i32
      %dma_wait3A_262 = tpu.memref_slice %arg6[%dma_wait3A_260, %dma_wait3A_261] : memref<10016x16xf32, #tpu.memory_space<vmem_shared>> -> memref<10016x16xf32, #tpu.memory_space<vmem_shared>>
      tpu.wait_indirect_dma semaphore(%arg12 : memref<!tpu.dma_semaphore, #tpu.memory_space<semaphore_mem>>) src(%dma_wait3A_262 : memref<10016x16xf32, #tpu.memory_space<vmem_shared>>) dst(%dma_wait3A_256 : memref<128x16xf32, #tpu.memory_space<vmem>>)
    }
    %scan3A_137 = arith.constant 10 : i32
    %scan3A_138 = arith.constant 0 : i32
    %scan3A_139 = arith.constant 0 : i32
    %scan3A_140 = arith.constant 10 : i32
    %scan3A_141 = arith.addi %scan3A_139, %scan3A_140 : i32
    %scan3A_142 = arith.constant 1 : i32
    scf.for %scan3A_251 = %scan3A_139 to %scan3A_141 step %scan3A_142  : i32 {
      %dma_wait3A = arith.constant 0 : i32
      %dma_wait3A_252 = arith.constant 0 : i32
      %dma_wait3A_253 = arith.constant 0 : i32
      %dma_wait3A_254 = arith.constant 0 : i32
      %dma_wait3A_255 = tpu.memref_slice %arg11[%dma_wait3A, %dma_wait3A_253, %dma_wait3A_254] : memref<10x128x16xf32, #tpu.memory_space<vmem>> -> memref<1x128x16xf32, #tpu.memory_space<vmem>>
      %dma_wait3A_256 = tpu.memref_squeeze %dma_wait3A_255 : memref<1x128x16xf32, #tpu.memory_space<vmem>> -> memref<128x16xf32, #tpu.memory_space<vmem>>
      %dma_wait3A_257 = arith.constant 0 : i32
      %dma_wait3A_258 = tpu.memref_slice %arg8[%dma_wait3A_252, %dma_wait3A_257] : memref<80x128xi32, #tpu.memory_space<vmem>> -> memref<1x128xi32, #tpu.memory_space<vmem>>
      %dma_wait3A_259 = tpu.memref_squeeze %dma_wait3A_258 : memref<1x128xi32, #tpu.memory_space<vmem>> -> memref<128xi32, #tpu.memory_space<vmem>>
      %dma_wait3A_260 = arith.constant 0 : i32
      %dma_wait3A_261 = arith.constant 0 : i32
      %dma_wait3A_262 = tpu.memref_slice %arg5[%dma_wait3A_260, %dma_wait3A_261] : memref<10240x16xf32, #tpu.memory_space<vmem_shared>> -> memref<10240x16xf32, #tpu.memory_space<vmem_shared>>
      tpu.wait_indirect_dma semaphore(%arg17 : memref<!tpu.dma_semaphore, #tpu.memory_space<semaphore_mem>>) src(%dma_wait3A_256 : memref<128x16xf32, #tpu.memory_space<vmem>>) dst(%dma_wait3A_262 : memref<10240x16xf32, #tpu.memory_space<vmem_shared>>)
    }
    %scan3A_143 = arith.constant 10 : i32
    %scan3A_144 = arith.constant 0 : i32
    %scan3A_145 = arith.constant 0 : i32
    %scan3A_146 = arith.constant 10 : i32
    %scan3A_147 = arith.addi %scan3A_145, %scan3A_146 : i32
    %scan3A_148 = arith.constant 1 : i32
    scf.for %scan3A_251 = %scan3A_145 to %scan3A_147 step %scan3A_148  : i32 {
      %add3A_252 = arith.constant 50 : i32
      %add3A_253 = arith.addi %add3A_252, %scan3A_251 : i32
      %dma_start3A = arith.constant 0 : i32
      %dma_start3A_254 = arith.constant 0 : i32
      %dma_start3A_255 = tpu.memref_slice %arg11[%scan3A_251, %dma_start3A, %dma_start3A_254] : memref<10x128x16xf32, #tpu.memory_space<vmem>> -> memref<1x128x16xf32, #tpu.memory_space<vmem>>
      %dma_start3A_256 = tpu.memref_squeeze %dma_start3A_255 : memref<1x128x16xf32, #tpu.memory_space<vmem>> -> memref<128x16xf32, #tpu.memory_space<vmem>>
      %dma_start3A_257 = arith.constant 0 : i32
      %dma_start3A_258 = tpu.memref_slice %arg7[%add3A_253, %dma_start3A_257] : memref<80x128xi32, #tpu.memory_space<vmem>> -> memref<1x128xi32, #tpu.memory_space<vmem>>
      %dma_start3A_259 = tpu.memref_squeeze %dma_start3A_258 : memref<1x128xi32, #tpu.memory_space<vmem>> -> memref<128xi32, #tpu.memory_space<vmem>>
      %dma_start3A_260 = arith.constant 0 : i32
      %dma_start3A_261 = arith.constant 0 : i32
      %dma_start3A_262 = tpu.memref_slice %arg6[%dma_start3A_260, %dma_start3A_261] : memref<10016x16xf32, #tpu.memory_space<vmem_shared>> -> memref<10016x16xf32, #tpu.memory_space<vmem_shared>>
      tpu.enqueue_indirect_dma source(%dma_start3A_262 : memref<10016x16xf32, #tpu.memory_space<vmem_shared>>) target(%dma_start3A_256 : memref<128x16xf32, #tpu.memory_space<vmem>>) offsets(%dma_start3A_259 : memref<128xi32, #tpu.memory_space<vmem>>) semaphore(%arg14 : memref<!tpu.dma_semaphore, #tpu.memory_space<semaphore_mem>>)
    }
    %scan3A_149 = arith.constant 10 : i32
    %scan3A_150 = arith.constant 0 : i32
    %scan3A_151 = arith.constant 0 : i32
    %scan3A_152 = arith.constant 10 : i32
    %scan3A_153 = arith.addi %scan3A_151, %scan3A_152 : i32
    %scan3A_154 = arith.constant 1 : i32
    scf.for %scan3A_251 = %scan3A_151 to %scan3A_153 step %scan3A_154  : i32 {
      %add3A_252 = arith.constant 30 : i32
      %add3A_253 = arith.addi %add3A_252, %scan3A_251 : i32
      %dma_start3A = arith.constant 0 : i32
      %dma_start3A_254 = arith.constant 0 : i32
      %dma_start3A_255 = tpu.memref_slice %arg9[%scan3A_251, %dma_start3A, %dma_start3A_254] : memref<10x128x16xf32, #tpu.memory_space<vmem>> -> memref<1x128x16xf32, #tpu.memory_space<vmem>>
      %dma_start3A_256 = tpu.memref_squeeze %dma_start3A_255 : memref<1x128x16xf32, #tpu.memory_space<vmem>> -> memref<128x16xf32, #tpu.memory_space<vmem>>
      %dma_start3A_257 = arith.constant 0 : i32
      %dma_start3A_258 = tpu.memref_slice %arg8[%add3A_253, %dma_start3A_257] : memref<80x128xi32, #tpu.memory_space<vmem>> -> memref<1x128xi32, #tpu.memory_space<vmem>>
      %dma_start3A_259 = tpu.memref_squeeze %dma_start3A_258 : memref<1x128xi32, #tpu.memory_space<vmem>> -> memref<128xi32, #tpu.memory_space<vmem>>
      %dma_start3A_260 = arith.constant 0 : i32
      %dma_start3A_261 = arith.constant 0 : i32
      %dma_start3A_262 = tpu.memref_slice %arg5[%dma_start3A_260, %dma_start3A_261] : memref<10240x16xf32, #tpu.memory_space<vmem_shared>> -> memref<10240x16xf32, #tpu.memory_space<vmem_shared>>
      tpu.enqueue_indirect_dma source(%dma_start3A_256 : memref<128x16xf32, #tpu.memory_space<vmem>>) target(%dma_start3A_262 : memref<10240x16xf32, #tpu.memory_space<vmem_shared>>) offsets(%dma_start3A_259 : memref<128xi32, #tpu.memory_space<vmem>>) semaphore(%arg15 : memref<!tpu.dma_semaphore, #tpu.memory_space<semaphore_mem>>) {add = true}
    }
    %scan3A_155 = arith.constant 10 : i32
    %scan3A_156 = arith.constant 0 : i32
    %scan3A_157 = arith.constant 0 : i32
    %scan3A_158 = arith.constant 10 : i32
    %scan3A_159 = arith.addi %scan3A_157, %scan3A_158 : i32
    %scan3A_160 = arith.constant 1 : i32
    scf.for %scan3A_251 = %scan3A_157 to %scan3A_159 step %scan3A_160  : i32 {
      %dma_wait3A = arith.constant 0 : i32
      %dma_wait3A_252 = arith.constant 0 : i32
      %dma_wait3A_253 = arith.constant 0 : i32
      %dma_wait3A_254 = arith.constant 0 : i32
      %dma_wait3A_255 = tpu.memref_slice %arg10[%dma_wait3A_252, %dma_wait3A_253, %dma_wait3A_254] : memref<10x128x16xf32, #tpu.memory_space<vmem>> -> memref<1x128x16xf32, #tpu.memory_space<vmem>>
      %dma_wait3A_256 = tpu.memref_squeeze %dma_wait3A_255 : memref<1x128x16xf32, #tpu.memory_space<vmem>> -> memref<128x16xf32, #tpu.memory_space<vmem>>
      %dma_wait3A_257 = arith.constant 0 : i32
      %dma_wait3A_258 = tpu.memref_slice %arg7[%dma_wait3A, %dma_wait3A_257] : memref<80x128xi32, #tpu.memory_space<vmem>> -> memref<1x128xi32, #tpu.memory_space<vmem>>
      %dma_wait3A_259 = tpu.memref_squeeze %dma_wait3A_258 : memref<1x128xi32, #tpu.memory_space<vmem>> -> memref<128xi32, #tpu.memory_space<vmem>>
      %dma_wait3A_260 = arith.constant 0 : i32
      %dma_wait3A_261 = arith.constant 0 : i32
      %dma_wait3A_262 = tpu.memref_slice %arg6[%dma_wait3A_260, %dma_wait3A_261] : memref<10016x16xf32, #tpu.memory_space<vmem_shared>> -> memref<10016x16xf32, #tpu.memory_space<vmem_shared>>
      tpu.wait_indirect_dma semaphore(%arg13 : memref<!tpu.dma_semaphore, #tpu.memory_space<semaphore_mem>>) src(%dma_wait3A_262 : memref<10016x16xf32, #tpu.memory_space<vmem_shared>>) dst(%dma_wait3A_256 : memref<128x16xf32, #tpu.memory_space<vmem>>)
    }
    %scan3A_161 = arith.constant 10 : i32
    %scan3A_162 = arith.constant 0 : i32
    %scan3A_163 = arith.constant 0 : i32
    %scan3A_164 = arith.constant 10 : i32
    %scan3A_165 = arith.addi %scan3A_163, %scan3A_164 : i32
    %scan3A_166 = arith.constant 1 : i32
    scf.for %scan3A_251 = %scan3A_163 to %scan3A_165 step %scan3A_166  : i32 {
      %dma_wait3A = arith.constant 0 : i32
      %dma_wait3A_252 = arith.constant 0 : i32
      %dma_wait3A_253 = arith.constant 0 : i32
      %dma_wait3A_254 = arith.constant 0 : i32
      %dma_wait3A_255 = tpu.memref_slice %arg9[%dma_wait3A, %dma_wait3A_253, %dma_wait3A_254] : memref<10x128x16xf32, #tpu.memory_space<vmem>> -> memref<1x128x16xf32, #tpu.memory_space<vmem>>
      %dma_wait3A_256 = tpu.memref_squeeze %dma_wait3A_255 : memref<1x128x16xf32, #tpu.memory_space<vmem>> -> memref<128x16xf32, #tpu.memory_space<vmem>>
      %dma_wait3A_257 = arith.constant 0 : i32
      %dma_wait3A_258 = tpu.memref_slice %arg8[%dma_wait3A_252, %dma_wait3A_257] : memref<80x128xi32, #tpu.memory_space<vmem>> -> memref<1x128xi32, #tpu.memory_space<vmem>>
      %dma_wait3A_259 = tpu.memref_squeeze %dma_wait3A_258 : memref<1x128xi32, #tpu.memory_space<vmem>> -> memref<128xi32, #tpu.memory_space<vmem>>
      %dma_wait3A_260 = arith.constant 0 : i32
      %dma_wait3A_261 = arith.constant 0 : i32
      %dma_wait3A_262 = tpu.memref_slice %arg5[%dma_wait3A_260, %dma_wait3A_261] : memref<10240x16xf32, #tpu.memory_space<vmem_shared>> -> memref<10240x16xf32, #tpu.memory_space<vmem_shared>>
      tpu.wait_indirect_dma semaphore(%arg15 : memref<!tpu.dma_semaphore, #tpu.memory_space<semaphore_mem>>) src(%dma_wait3A_256 : memref<128x16xf32, #tpu.memory_space<vmem>>) dst(%dma_wait3A_262 : memref<10240x16xf32, #tpu.memory_space<vmem_shared>>)
    }
    %scan3A_167 = arith.constant 10 : i32
    %scan3A_168 = arith.constant 0 : i32
    %scan3A_169 = arith.constant 0 : i32
    %scan3A_170 = arith.constant 10 : i32
    %scan3A_171 = arith.addi %scan3A_169, %scan3A_170 : i32
    %scan3A_172 = arith.constant 1 : i32
    scf.for %scan3A_251 = %scan3A_169 to %scan3A_171 step %scan3A_172  : i32 {
      %add3A_252 = arith.constant 60 : i32
      %add3A_253 = arith.addi %add3A_252, %scan3A_251 : i32
      %dma_start3A = arith.constant 0 : i32
      %dma_start3A_254 = arith.constant 0 : i32
      %dma_start3A_255 = tpu.memref_slice %arg9[%scan3A_251, %dma_start3A, %dma_start3A_254] : memref<10x128x16xf32, #tpu.memory_space<vmem>> -> memref<1x128x16xf32, #tpu.memory_space<vmem>>
      %dma_start3A_256 = tpu.memref_squeeze %dma_start3A_255 : memref<1x128x16xf32, #tpu.memory_space<vmem>> -> memref<128x16xf32, #tpu.memory_space<vmem>>
      %dma_start3A_257 = arith.constant 0 : i32
      %dma_start3A_258 = tpu.memref_slice %arg7[%add3A_253, %dma_start3A_257] : memref<80x128xi32, #tpu.memory_space<vmem>> -> memref<1x128xi32, #tpu.memory_space<vmem>>
      %dma_start3A_259 = tpu.memref_squeeze %dma_start3A_258 : memref<1x128xi32, #tpu.memory_space<vmem>> -> memref<128xi32, #tpu.memory_space<vmem>>
      %dma_start3A_260 = arith.constant 0 : i32
      %dma_start3A_261 = arith.constant 0 : i32
      %dma_start3A_262 = tpu.memref_slice %arg6[%dma_start3A_260, %dma_start3A_261] : memref<10016x16xf32, #tpu.memory_space<vmem_shared>> -> memref<10016x16xf32, #tpu.memory_space<vmem_shared>>
      tpu.enqueue_indirect_dma source(%dma_start3A_262 : memref<10016x16xf32, #tpu.memory_space<vmem_shared>>) target(%dma_start3A_256 : memref<128x16xf32, #tpu.memory_space<vmem>>) offsets(%dma_start3A_259 : memref<128xi32, #tpu.memory_space<vmem>>) semaphore(%arg12 : memref<!tpu.dma_semaphore, #tpu.memory_space<semaphore_mem>>)
    }
    %scan3A_173 = arith.constant 10 : i32
    %scan3A_174 = arith.constant 0 : i32
    %scan3A_175 = arith.constant 0 : i32
    %scan3A_176 = arith.constant 10 : i32
    %scan3A_177 = arith.addi %scan3A_175, %scan3A_176 : i32
    %scan3A_178 = arith.constant 1 : i32
    scf.for %scan3A_251 = %scan3A_175 to %scan3A_177 step %scan3A_178  : i32 {
      %add3A_252 = arith.constant 40 : i32
      %add3A_253 = arith.addi %add3A_252, %scan3A_251 : i32
      %dma_start3A = arith.constant 0 : i32
      %dma_start3A_254 = arith.constant 0 : i32
      %dma_start3A_255 = tpu.memref_slice %arg10[%scan3A_251, %dma_start3A, %dma_start3A_254] : memref<10x128x16xf32, #tpu.memory_space<vmem>> -> memref<1x128x16xf32, #tpu.memory_space<vmem>>
      %dma_start3A_256 = tpu.memref_squeeze %dma_start3A_255 : memref<1x128x16xf32, #tpu.memory_space<vmem>> -> memref<128x16xf32, #tpu.memory_space<vmem>>
      %dma_start3A_257 = arith.constant 0 : i32
      %dma_start3A_258 = tpu.memref_slice %arg8[%add3A_253, %dma_start3A_257] : memref<80x128xi32, #tpu.memory_space<vmem>> -> memref<1x128xi32, #tpu.memory_space<vmem>>
      %dma_start3A_259 = tpu.memref_squeeze %dma_start3A_258 : memref<1x128xi32, #tpu.memory_space<vmem>> -> memref<128xi32, #tpu.memory_space<vmem>>
      %dma_start3A_260 = arith.constant 0 : i32
      %dma_start3A_261 = arith.constant 0 : i32
      %dma_start3A_262 = tpu.memref_slice %arg5[%dma_start3A_260, %dma_start3A_261] : memref<10240x16xf32, #tpu.memory_space<vmem_shared>> -> memref<10240x16xf32, #tpu.memory_space<vmem_shared>>
      tpu.enqueue_indirect_dma source(%dma_start3A_256 : memref<128x16xf32, #tpu.memory_space<vmem>>) target(%dma_start3A_262 : memref<10240x16xf32, #tpu.memory_space<vmem_shared>>) offsets(%dma_start3A_259 : memref<128xi32, #tpu.memory_space<vmem>>) semaphore(%arg16 : memref<!tpu.dma_semaphore, #tpu.memory_space<semaphore_mem>>) {add = true}
    }
    %scan3A_179 = arith.constant 10 : i32
    %scan3A_180 = arith.constant 0 : i32
    %scan3A_181 = arith.constant 0 : i32
    %scan3A_182 = arith.constant 10 : i32
    %scan3A_183 = arith.addi %scan3A_181, %scan3A_182 : i32
    %scan3A_184 = arith.constant 1 : i32
    scf.for %scan3A_251 = %scan3A_181 to %scan3A_183 step %scan3A_184  : i32 {
      %dma_wait3A = arith.constant 0 : i32
      %dma_wait3A_252 = arith.constant 0 : i32
      %dma_wait3A_253 = arith.constant 0 : i32
      %dma_wait3A_254 = arith.constant 0 : i32
      %dma_wait3A_255 = tpu.memref_slice %arg11[%dma_wait3A_252, %dma_wait3A_253, %dma_wait3A_254] : memref<10x128x16xf32, #tpu.memory_space<vmem>> -> memref<1x128x16xf32, #tpu.memory_space<vmem>>
      %dma_wait3A_256 = tpu.memref_squeeze %dma_wait3A_255 : memref<1x128x16xf32, #tpu.memory_space<vmem>> -> memref<128x16xf32, #tpu.memory_space<vmem>>
      %dma_wait3A_257 = arith.constant 0 : i32
      %dma_wait3A_258 = tpu.memref_slice %arg7[%dma_wait3A, %dma_wait3A_257] : memref<80x128xi32, #tpu.memory_space<vmem>> -> memref<1x128xi32, #tpu.memory_space<vmem>>
      %dma_wait3A_259 = tpu.memref_squeeze %dma_wait3A_258 : memref<1x128xi32, #tpu.memory_space<vmem>> -> memref<128xi32, #tpu.memory_space<vmem>>
      %dma_wait3A_260 = arith.constant 0 : i32
      %dma_wait3A_261 = arith.constant 0 : i32
      %dma_wait3A_262 = tpu.memref_slice %arg6[%dma_wait3A_260, %dma_wait3A_261] : memref<10016x16xf32, #tpu.memory_space<vmem_shared>> -> memref<10016x16xf32, #tpu.memory_space<vmem_shared>>
      tpu.wait_indirect_dma semaphore(%arg14 : memref<!tpu.dma_semaphore, #tpu.memory_space<semaphore_mem>>) src(%dma_wait3A_262 : memref<10016x16xf32, #tpu.memory_space<vmem_shared>>) dst(%dma_wait3A_256 : memref<128x16xf32, #tpu.memory_space<vmem>>)
    }
    %scan3A_185 = arith.constant 10 : i32
    %scan3A_186 = arith.constant 0 : i32
    %scan3A_187 = arith.constant 0 : i32
    %scan3A_188 = arith.constant 10 : i32
    %scan3A_189 = arith.addi %scan3A_187, %scan3A_188 : i32
    %scan3A_190 = arith.constant 1 : i32
    scf.for %scan3A_251 = %scan3A_187 to %scan3A_189 step %scan3A_190  : i32 {
      %dma_wait3A = arith.constant 0 : i32
      %dma_wait3A_252 = arith.constant 0 : i32
      %dma_wait3A_253 = arith.constant 0 : i32
      %dma_wait3A_254 = arith.constant 0 : i32
      %dma_wait3A_255 = tpu.memref_slice %arg10[%dma_wait3A, %dma_wait3A_253, %dma_wait3A_254] : memref<10x128x16xf32, #tpu.memory_space<vmem>> -> memref<1x128x16xf32, #tpu.memory_space<vmem>>
      %dma_wait3A_256 = tpu.memref_squeeze %dma_wait3A_255 : memref<1x128x16xf32, #tpu.memory_space<vmem>> -> memref<128x16xf32, #tpu.memory_space<vmem>>
      %dma_wait3A_257 = arith.constant 0 : i32
      %dma_wait3A_258 = tpu.memref_slice %arg8[%dma_wait3A_252, %dma_wait3A_257] : memref<80x128xi32, #tpu.memory_space<vmem>> -> memref<1x128xi32, #tpu.memory_space<vmem>>
      %dma_wait3A_259 = tpu.memref_squeeze %dma_wait3A_258 : memref<1x128xi32, #tpu.memory_space<vmem>> -> memref<128xi32, #tpu.memory_space<vmem>>
      %dma_wait3A_260 = arith.constant 0 : i32
      %dma_wait3A_261 = arith.constant 0 : i32
      %dma_wait3A_262 = tpu.memref_slice %arg5[%dma_wait3A_260, %dma_wait3A_261] : memref<10240x16xf32, #tpu.memory_space<vmem_shared>> -> memref<10240x16xf32, #tpu.memory_space<vmem_shared>>
      tpu.wait_indirect_dma semaphore(%arg16 : memref<!tpu.dma_semaphore, #tpu.memory_space<semaphore_mem>>) src(%dma_wait3A_256 : memref<128x16xf32, #tpu.memory_space<vmem>>) dst(%dma_wait3A_262 : memref<10240x16xf32, #tpu.memory_space<vmem_shared>>)
    }
    %scan3A_191 = arith.constant 10 : i32
    %scan3A_192 = arith.constant 0 : i32
    %scan3A_193 = arith.constant 0 : i32
    %scan3A_194 = arith.constant 10 : i32
    %scan3A_195 = arith.addi %scan3A_193, %scan3A_194 : i32
    %scan3A_196 = arith.constant 1 : i32
    scf.for %scan3A_251 = %scan3A_193 to %scan3A_195 step %scan3A_196  : i32 {
      %add3A_252 = arith.constant 70 : i32
      %add3A_253 = arith.addi %add3A_252, %scan3A_251 : i32
      %dma_start3A = arith.constant 0 : i32
      %dma_start3A_254 = arith.constant 0 : i32
      %dma_start3A_255 = tpu.memref_slice %arg10[%scan3A_251, %dma_start3A, %dma_start3A_254] : memref<10x128x16xf32, #tpu.memory_space<vmem>> -> memref<1x128x16xf32, #tpu.memory_space<vmem>>
      %dma_start3A_256 = tpu.memref_squeeze %dma_start3A_255 : memref<1x128x16xf32, #tpu.memory_space<vmem>> -> memref<128x16xf32, #tpu.memory_space<vmem>>
      %dma_start3A_257 = arith.constant 0 : i32
      %dma_start3A_258 = tpu.memref_slice %arg7[%add3A_253, %dma_start3A_257] : memref<80x128xi32, #tpu.memory_space<vmem>> -> memref<1x128xi32, #tpu.memory_space<vmem>>
      %dma_start3A_259 = tpu.memref_squeeze %dma_start3A_258 : memref<1x128xi32, #tpu.memory_space<vmem>> -> memref<128xi32, #tpu.memory_space<vmem>>
      %dma_start3A_260 = arith.constant 0 : i32
      %dma_start3A_261 = arith.constant 0 : i32
      %dma_start3A_262 = tpu.memref_slice %arg6[%dma_start3A_260, %dma_start3A_261] : memref<10016x16xf32, #tpu.memory_space<vmem_shared>> -> memref<10016x16xf32, #tpu.memory_space<vmem_shared>>
      tpu.enqueue_indirect_dma source(%dma_start3A_262 : memref<10016x16xf32, #tpu.memory_space<vmem_shared>>) target(%dma_start3A_256 : memref<128x16xf32, #tpu.memory_space<vmem>>) offsets(%dma_start3A_259 : memref<128xi32, #tpu.memory_space<vmem>>) semaphore(%arg13 : memref<!tpu.dma_semaphore, #tpu.memory_space<semaphore_mem>>)
    }
    %scan3A_197 = arith.constant 10 : i32
    %scan3A_198 = arith.constant 0 : i32
    %scan3A_199 = arith.constant 0 : i32
    %scan3A_200 = arith.constant 10 : i32
    %scan3A_201 = arith.addi %scan3A_199, %scan3A_200 : i32
    %scan3A_202 = arith.constant 1 : i32
    scf.for %scan3A_251 = %scan3A_199 to %scan3A_201 step %scan3A_202  : i32 {
      %add3A_252 = arith.constant 50 : i32
      %add3A_253 = arith.addi %add3A_252, %scan3A_251 : i32
      %dma_start3A = arith.constant 0 : i32
      %dma_start3A_254 = arith.constant 0 : i32
      %dma_start3A_255 = tpu.memref_slice %arg11[%scan3A_251, %dma_start3A, %dma_start3A_254] : memref<10x128x16xf32, #tpu.memory_space<vmem>> -> memref<1x128x16xf32, #tpu.memory_space<vmem>>
      %dma_start3A_256 = tpu.memref_squeeze %dma_start3A_255 : memref<1x128x16xf32, #tpu.memory_space<vmem>> -> memref<128x16xf32, #tpu.memory_space<vmem>>
      %dma_start3A_257 = arith.constant 0 : i32
      %dma_start3A_258 = tpu.memref_slice %arg8[%add3A_253, %dma_start3A_257] : memref<80x128xi32, #tpu.memory_space<vmem>> -> memref<1x128xi32, #tpu.memory_space<vmem>>
      %dma_start3A_259 = tpu.memref_squeeze %dma_start3A_258 : memref<1x128xi32, #tpu.memory_space<vmem>> -> memref<128xi32, #tpu.memory_space<vmem>>
      %dma_start3A_260 = arith.constant 0 : i32
      %dma_start3A_261 = arith.constant 0 : i32
      %dma_start3A_262 = tpu.memref_slice %arg5[%dma_start3A_260, %dma_start3A_261] : memref<10240x16xf32, #tpu.memory_space<vmem_shared>> -> memref<10240x16xf32, #tpu.memory_space<vmem_shared>>
      tpu.enqueue_indirect_dma source(%dma_start3A_256 : memref<128x16xf32, #tpu.memory_space<vmem>>) target(%dma_start3A_262 : memref<10240x16xf32, #tpu.memory_space<vmem_shared>>) offsets(%dma_start3A_259 : memref<128xi32, #tpu.memory_space<vmem>>) semaphore(%arg17 : memref<!tpu.dma_semaphore, #tpu.memory_space<semaphore_mem>>) {add = true}
    }
    %scan3A_203 = arith.constant 10 : i32
    %scan3A_204 = arith.constant 0 : i32
    %scan3A_205 = arith.constant 0 : i32
    %scan3A_206 = arith.constant 10 : i32
    %scan3A_207 = arith.addi %scan3A_205, %scan3A_206 : i32
    %scan3A_208 = arith.constant 1 : i32
    scf.for %scan3A_251 = %scan3A_205 to %scan3A_207 step %scan3A_208  : i32 {
      %dma_wait3A = arith.constant 0 : i32
      %dma_wait3A_252 = arith.constant 0 : i32
      %dma_wait3A_253 = arith.constant 0 : i32
      %dma_wait3A_254 = arith.constant 0 : i32
      %dma_wait3A_255 = tpu.memref_slice %arg9[%dma_wait3A_252, %dma_wait3A_253, %dma_wait3A_254] : memref<10x128x16xf32, #tpu.memory_space<vmem>> -> memref<1x128x16xf32, #tpu.memory_space<vmem>>
      %dma_wait3A_256 = tpu.memref_squeeze %dma_wait3A_255 : memref<1x128x16xf32, #tpu.memory_space<vmem>> -> memref<128x16xf32, #tpu.memory_space<vmem>>
      %dma_wait3A_257 = arith.constant 0 : i32
      %dma_wait3A_258 = tpu.memref_slice %arg7[%dma_wait3A, %dma_wait3A_257] : memref<80x128xi32, #tpu.memory_space<vmem>> -> memref<1x128xi32, #tpu.memory_space<vmem>>
      %dma_wait3A_259 = tpu.memref_squeeze %dma_wait3A_258 : memref<1x128xi32, #tpu.memory_space<vmem>> -> memref<128xi32, #tpu.memory_space<vmem>>
      %dma_wait3A_260 = arith.constant 0 : i32
      %dma_wait3A_261 = arith.constant 0 : i32
      %dma_wait3A_262 = tpu.memref_slice %arg6[%dma_wait3A_260, %dma_wait3A_261] : memref<10016x16xf32, #tpu.memory_space<vmem_shared>> -> memref<10016x16xf32, #tpu.memory_space<vmem_shared>>
      tpu.wait_indirect_dma semaphore(%arg12 : memref<!tpu.dma_semaphore, #tpu.memory_space<semaphore_mem>>) src(%dma_wait3A_262 : memref<10016x16xf32, #tpu.memory_space<vmem_shared>>) dst(%dma_wait3A_256 : memref<128x16xf32, #tpu.memory_space<vmem>>)
    }
    %scan3A_209 = arith.constant 10 : i32
    %scan3A_210 = arith.constant 0 : i32
    %scan3A_211 = arith.constant 0 : i32
    %scan3A_212 = arith.constant 10 : i32
    %scan3A_213 = arith.addi %scan3A_211, %scan3A_212 : i32
    %scan3A_214 = arith.constant 1 : i32
    scf.for %scan3A_251 = %scan3A_211 to %scan3A_213 step %scan3A_214  : i32 {
      %add3A_252 = arith.constant 60 : i32
      %add3A_253 = arith.addi %add3A_252, %scan3A_251 : i32
      %dma_start3A = arith.constant 0 : i32
      %dma_start3A_254 = arith.constant 0 : i32
      %dma_start3A_255 = tpu.memref_slice %arg9[%scan3A_251, %dma_start3A, %dma_start3A_254] : memref<10x128x16xf32, #tpu.memory_space<vmem>> -> memref<1x128x16xf32, #tpu.memory_space<vmem>>
      %dma_start3A_256 = tpu.memref_squeeze %dma_start3A_255 : memref<1x128x16xf32, #tpu.memory_space<vmem>> -> memref<128x16xf32, #tpu.memory_space<vmem>>
      %dma_start3A_257 = arith.constant 0 : i32
      %dma_start3A_258 = tpu.memref_slice %arg8[%add3A_253, %dma_start3A_257] : memref<80x128xi32, #tpu.memory_space<vmem>> -> memref<1x128xi32, #tpu.memory_space<vmem>>
      %dma_start3A_259 = tpu.memref_squeeze %dma_start3A_258 : memref<1x128xi32, #tpu.memory_space<vmem>> -> memref<128xi32, #tpu.memory_space<vmem>>
      %dma_start3A_260 = arith.constant 0 : i32
      %dma_start3A_261 = arith.constant 0 : i32
      %dma_start3A_262 = tpu.memref_slice %arg5[%dma_start3A_260, %dma_start3A_261] : memref<10240x16xf32, #tpu.memory_space<vmem_shared>> -> memref<10240x16xf32, #tpu.memory_space<vmem_shared>>
      tpu.enqueue_indirect_dma source(%dma_start3A_256 : memref<128x16xf32, #tpu.memory_space<vmem>>) target(%dma_start3A_262 : memref<10240x16xf32, #tpu.memory_space<vmem_shared>>) offsets(%dma_start3A_259 : memref<128xi32, #tpu.memory_space<vmem>>) semaphore(%arg15 : memref<!tpu.dma_semaphore, #tpu.memory_space<semaphore_mem>>) {add = true}
    }
    %scan3A_215 = arith.constant 10 : i32
    %scan3A_216 = arith.constant 0 : i32
    %scan3A_217 = arith.constant 0 : i32
    %scan3A_218 = arith.constant 10 : i32
    %scan3A_219 = arith.addi %scan3A_217, %scan3A_218 : i32
    %scan3A_220 = arith.constant 1 : i32
    scf.for %scan3A_251 = %scan3A_217 to %scan3A_219 step %scan3A_220  : i32 {
      %dma_wait3A = arith.constant 0 : i32
      %dma_wait3A_252 = arith.constant 0 : i32
      %dma_wait3A_253 = arith.constant 0 : i32
      %dma_wait3A_254 = arith.constant 0 : i32
      %dma_wait3A_255 = tpu.memref_slice %arg10[%dma_wait3A_252, %dma_wait3A_253, %dma_wait3A_254] : memref<10x128x16xf32, #tpu.memory_space<vmem>> -> memref<1x128x16xf32, #tpu.memory_space<vmem>>
      %dma_wait3A_256 = tpu.memref_squeeze %dma_wait3A_255 : memref<1x128x16xf32, #tpu.memory_space<vmem>> -> memref<128x16xf32, #tpu.memory_space<vmem>>
      %dma_wait3A_257 = arith.constant 0 : i32
      %dma_wait3A_258 = tpu.memref_slice %arg7[%dma_wait3A, %dma_wait3A_257] : memref<80x128xi32, #tpu.memory_space<vmem>> -> memref<1x128xi32, #tpu.memory_space<vmem>>
      %dma_wait3A_259 = tpu.memref_squeeze %dma_wait3A_258 : memref<1x128xi32, #tpu.memory_space<vmem>> -> memref<128xi32, #tpu.memory_space<vmem>>
      %dma_wait3A_260 = arith.constant 0 : i32
      %dma_wait3A_261 = arith.constant 0 : i32
      %dma_wait3A_262 = tpu.memref_slice %arg6[%dma_wait3A_260, %dma_wait3A_261] : memref<10016x16xf32, #tpu.memory_space<vmem_shared>> -> memref<10016x16xf32, #tpu.memory_space<vmem_shared>>
      tpu.wait_indirect_dma semaphore(%arg13 : memref<!tpu.dma_semaphore, #tpu.memory_space<semaphore_mem>>) src(%dma_wait3A_262 : memref<10016x16xf32, #tpu.memory_space<vmem_shared>>) dst(%dma_wait3A_256 : memref<128x16xf32, #tpu.memory_space<vmem>>)
    }
    %scan3A_221 = arith.constant 10 : i32
    %scan3A_222 = arith.constant 0 : i32
    %scan3A_223 = arith.constant 0 : i32
    %scan3A_224 = arith.constant 10 : i32
    %scan3A_225 = arith.addi %scan3A_223, %scan3A_224 : i32
    %scan3A_226 = arith.constant 1 : i32
    scf.for %scan3A_251 = %scan3A_223 to %scan3A_225 step %scan3A_226  : i32 {
      %add3A_252 = arith.constant 70 : i32
      %add3A_253 = arith.addi %add3A_252, %scan3A_251 : i32
      %dma_start3A = arith.constant 0 : i32
      %dma_start3A_254 = arith.constant 0 : i32
      %dma_start3A_255 = tpu.memref_slice %arg10[%scan3A_251, %dma_start3A, %dma_start3A_254] : memref<10x128x16xf32, #tpu.memory_space<vmem>> -> memref<1x128x16xf32, #tpu.memory_space<vmem>>
      %dma_start3A_256 = tpu.memref_squeeze %dma_start3A_255 : memref<1x128x16xf32, #tpu.memory_space<vmem>> -> memref<128x16xf32, #tpu.memory_space<vmem>>
      %dma_start3A_257 = arith.constant 0 : i32
      %dma_start3A_258 = tpu.memref_slice %arg8[%add3A_253, %dma_start3A_257] : memref<80x128xi32, #tpu.memory_space<vmem>> -> memref<1x128xi32, #tpu.memory_space<vmem>>
      %dma_start3A_259 = tpu.memref_squeeze %dma_start3A_258 : memref<1x128xi32, #tpu.memory_space<vmem>> -> memref<128xi32, #tpu.memory_space<vmem>>
      %dma_start3A_260 = arith.constant 0 : i32
      %dma_start3A_261 = arith.constant 0 : i32
      %dma_start3A_262 = tpu.memref_slice %arg5[%dma_start3A_260, %dma_start3A_261] : memref<10240x16xf32, #tpu.memory_space<vmem_shared>> -> memref<10240x16xf32, #tpu.memory_space<vmem_shared>>
      tpu.enqueue_indirect_dma source(%dma_start3A_256 : memref<128x16xf32, #tpu.memory_space<vmem>>) target(%dma_start3A_262 : memref<10240x16xf32, #tpu.memory_space<vmem_shared>>) offsets(%dma_start3A_259 : memref<128xi32, #tpu.memory_space<vmem>>) semaphore(%arg16 : memref<!tpu.dma_semaphore, #tpu.memory_space<semaphore_mem>>) {add = true}
    }
    %scan3A_227 = arith.constant 10 : i32
    %scan3A_228 = arith.constant 0 : i32
    %scan3A_229 = arith.constant 0 : i32
    %scan3A_230 = arith.constant 10 : i32
    %scan3A_231 = arith.addi %scan3A_229, %scan3A_230 : i32
    %scan3A_232 = arith.constant 1 : i32
    scf.for %scan3A_251 = %scan3A_229 to %scan3A_231 step %scan3A_232  : i32 {
      %dma_wait3A = arith.constant 0 : i32
      %dma_wait3A_252 = arith.constant 0 : i32
      %dma_wait3A_253 = arith.constant 0 : i32
      %dma_wait3A_254 = arith.constant 0 : i32
      %dma_wait3A_255 = tpu.memref_slice %arg11[%dma_wait3A, %dma_wait3A_253, %dma_wait3A_254] : memref<10x128x16xf32, #tpu.memory_space<vmem>> -> memref<1x128x16xf32, #tpu.memory_space<vmem>>
      %dma_wait3A_256 = tpu.memref_squeeze %dma_wait3A_255 : memref<1x128x16xf32, #tpu.memory_space<vmem>> -> memref<128x16xf32, #tpu.memory_space<vmem>>
      %dma_wait3A_257 = arith.constant 0 : i32
      %dma_wait3A_258 = tpu.memref_slice %arg8[%dma_wait3A_252, %dma_wait3A_257] : memref<80x128xi32, #tpu.memory_space<vmem>> -> memref<1x128xi32, #tpu.memory_space<vmem>>
      %dma_wait3A_259 = tpu.memref_squeeze %dma_wait3A_258 : memref<1x128xi32, #tpu.memory_space<vmem>> -> memref<128xi32, #tpu.memory_space<vmem>>
      %dma_wait3A_260 = arith.constant 0 : i32
      %dma_wait3A_261 = arith.constant 0 : i32
      %dma_wait3A_262 = tpu.memref_slice %arg5[%dma_wait3A_260, %dma_wait3A_261] : memref<10240x16xf32, #tpu.memory_space<vmem_shared>> -> memref<10240x16xf32, #tpu.memory_space<vmem_shared>>
      tpu.wait_indirect_dma semaphore(%arg17 : memref<!tpu.dma_semaphore, #tpu.memory_space<semaphore_mem>>) src(%dma_wait3A_256 : memref<128x16xf32, #tpu.memory_space<vmem>>) dst(%dma_wait3A_262 : memref<10240x16xf32, #tpu.memory_space<vmem_shared>>)
    }
    %scan3A_233 = arith.constant 10 : i32
    %scan3A_234 = arith.constant 0 : i32
    %scan3A_235 = arith.constant 0 : i32
    %scan3A_236 = arith.constant 10 : i32
    %scan3A_237 = arith.addi %scan3A_235, %scan3A_236 : i32
    %scan3A_238 = arith.constant 1 : i32
    scf.for %scan3A_251 = %scan3A_235 to %scan3A_237 step %scan3A_238  : i32 {
      %dma_wait3A = arith.constant 0 : i32
      %dma_wait3A_252 = arith.constant 0 : i32
      %dma_wait3A_253 = arith.constant 0 : i32
      %dma_wait3A_254 = arith.constant 0 : i32
      %dma_wait3A_255 = tpu.memref_slice %arg9[%dma_wait3A, %dma_wait3A_253, %dma_wait3A_254] : memref<10x128x16xf32, #tpu.memory_space<vmem>> -> memref<1x128x16xf32, #tpu.memory_space<vmem>>
      %dma_wait3A_256 = tpu.memref_squeeze %dma_wait3A_255 : memref<1x128x16xf32, #tpu.memory_space<vmem>> -> memref<128x16xf32, #tpu.memory_space<vmem>>
      %dma_wait3A_257 = arith.constant 0 : i32
      %dma_wait3A_258 = tpu.memref_slice %arg8[%dma_wait3A_252, %dma_wait3A_257] : memref<80x128xi32, #tpu.memory_space<vmem>> -> memref<1x128xi32, #tpu.memory_space<vmem>>
      %dma_wait3A_259 = tpu.memref_squeeze %dma_wait3A_258 : memref<1x128xi32, #tpu.memory_space<vmem>> -> memref<128xi32, #tpu.memory_space<vmem>>
      %dma_wait3A_260 = arith.constant 0 : i32
      %dma_wait3A_261 = arith.constant 0 : i32
      %dma_wait3A_262 = tpu.memref_slice %arg5[%dma_wait3A_260, %dma_wait3A_261] : memref<10240x16xf32, #tpu.memory_space<vmem_shared>> -> memref<10240x16xf32, #tpu.memory_space<vmem_shared>>
      tpu.wait_indirect_dma semaphore(%arg15 : memref<!tpu.dma_semaphore, #tpu.memory_space<semaphore_mem>>) src(%dma_wait3A_256 : memref<128x16xf32, #tpu.memory_space<vmem>>) dst(%dma_wait3A_262 : memref<10240x16xf32, #tpu.memory_space<vmem_shared>>)
    }
    %scan3A_239 = arith.constant 10 : i32
    %scan3A_240 = arith.constant 0 : i32
    %scan3A_241 = arith.constant 0 : i32
    %scan3A_242 = arith.constant 10 : i32
    %scan3A_243 = arith.addi %scan3A_241, %scan3A_242 : i32
    %scan3A_244 = arith.constant 1 : i32
    scf.for %scan3A_251 = %scan3A_241 to %scan3A_243 step %scan3A_244  : i32 {
      %dma_wait3A = arith.constant 0 : i32
      %dma_wait3A_252 = arith.constant 0 : i32
      %dma_wait3A_253 = arith.constant 0 : i32
      %dma_wait3A_254 = arith.constant 0 : i32
      %dma_wait3A_255 = tpu.memref_slice %arg10[%dma_wait3A, %dma_wait3A_253, %dma_wait3A_254] : memref<10x128x16xf32, #tpu.memory_space<vmem>> -> memref<1x128x16xf32, #tpu.memory_space<vmem>>
      %dma_wait3A_256 = tpu.memref_squeeze %dma_wait3A_255 : memref<1x128x16xf32, #tpu.memory_space<vmem>> -> memref<128x16xf32, #tpu.memory_space<vmem>>
      %dma_wait3A_257 = arith.constant 0 : i32
      %dma_wait3A_258 = tpu.memref_slice %arg8[%dma_wait3A_252, %dma_wait3A_257] : memref<80x128xi32, #tpu.memory_space<vmem>> -> memref<1x128xi32, #tpu.memory_space<vmem>>
      %dma_wait3A_259 = tpu.memref_squeeze %dma_wait3A_258 : memref<1x128xi32, #tpu.memory_space<vmem>> -> memref<128xi32, #tpu.memory_space<vmem>>
      %dma_wait3A_260 = arith.constant 0 : i32
      %dma_wait3A_261 = arith.constant 0 : i32
      %dma_wait3A_262 = tpu.memref_slice %arg5[%dma_wait3A_260, %dma_wait3A_261] : memref<10240x16xf32, #tpu.memory_space<vmem_shared>> -> memref<10240x16xf32, #tpu.memory_space<vmem_shared>>
      tpu.wait_indirect_dma semaphore(%arg16 : memref<!tpu.dma_semaphore, #tpu.memory_space<semaphore_mem>>) src(%dma_wait3A_256 : memref<128x16xf32, #tpu.memory_space<vmem>>) dst(%dma_wait3A_262 : memref<10240x16xf32, #tpu.memory_space<vmem_shared>>)
    }
    %scan3A_245 = arith.constant 10 : i32
    %barrier3A_246 = arith.constant 0 : index
    tpu.barrier barrier_id(%barrier3A_246)
    %mul3A_247 = arith.constant 640 : i32
    %mul3A_248 = arith.muli %arg1, %mul3A_247 : i32
    %mul3A_249 = arith.constant 640 : i32
    %mul3A_250 = arith.muli %arg1, %mul3A_249 : i32
    "tpu.region"() ({
      %run_scoped3A_251 = tpu.sem_alloc : memref<!tpu.dma_semaphore, #tpu.memory_space<semaphore_mem>>
      %dma_start3A = arith.constant 0 : i32
      %dma_start3A_252 = tpu.memref_slice %arg4[%arg0, %mul3A_250, %dma_start3A] : memref<2x10240x16xf32, #tpu.memory_space<hbm>> -> memref<1x640x16xf32, #tpu.memory_space<hbm>>
      %dma_start3A_253 = tpu.memref_squeeze %dma_start3A_252 : memref<1x640x16xf32, #tpu.memory_space<hbm>> -> memref<640x16xf32, #tpu.memory_space<hbm>>
      %dma_start3A_254 = arith.constant 0 : i32
      %dma_start3A_255 = tpu.memref_slice %arg5[%mul3A_248, %dma_start3A_254] : memref<10240x16xf32, #tpu.memory_space<vmem_shared>> -> memref<640x16xf32, #tpu.memory_space<vmem_shared>>
      tpu.enqueue_dma source(%dma_start3A_255 : memref<640x16xf32, #tpu.memory_space<vmem_shared>>) target(%dma_start3A_253 : memref<640x16xf32, #tpu.memory_space<hbm>>) target_semaphore(%run_scoped3A_251 : memref<!tpu.dma_semaphore, #tpu.memory_space<semaphore_mem>>)
      %dma_wait3A = arith.constant 0 : i32
      %dma_wait3A_256 = tpu.memref_slice %arg4[%arg0, %mul3A_250, %dma_wait3A] : memref<2x10240x16xf32, #tpu.memory_space<hbm>> -> memref<1x640x16xf32, #tpu.memory_space<hbm>>
      %dma_wait3A_257 = tpu.memref_squeeze %dma_wait3A_256 : memref<1x640x16xf32, #tpu.memory_space<hbm>> -> memref<640x16xf32, #tpu.memory_space<hbm>>
      %dma_wait3A_258 = arith.constant 0 : i32
      %dma_wait3A_259 = tpu.memref_slice %arg5[%mul3A_248, %dma_wait3A_258] : memref<10240x16xf32, #tpu.memory_space<vmem_shared>> -> memref<640x16xf32, #tpu.memory_space<vmem_shared>>
      tpu.wait_dma2 semaphore(%run_scoped3A_251 : memref<!tpu.dma_semaphore, #tpu.memory_space<semaphore_mem>>) src(%dma_wait3A_259 : memref<640x16xf32, #tpu.memory_space<vmem_shared>>) dst(%dma_wait3A_257 : memref<640x16xf32, #tpu.memory_space<hbm>>)
      tpu.yield
    }) : () -> ()
    return
  }
}

module attributes {stable_mosaic.version = 14 : i64} {
  func.func @_mm1_body(%arg0: memref<10000x128xf32, #tpu.memory_space<vmem>>, %arg1: memref<128x16xf32, #tpu.memory_space<vmem>>, %arg2: memref<10000x16xf32, #tpu.memory_space<vmem>>) attributes {dimension_semantics = [], scalar_prefetch = 0 : i64, scratch_operands = 0 : i64, tpu.core_type = #tpu.core_type<tc>} {
    %get3A = arith.constant 0 : index
    %get3A_0 = arith.constant 0 : index
    %get3A_1 = vector.load %arg0[%get3A, %get3A_0] : memref<10000x128xf32, #tpu.memory_space<vmem>>, vector<10000x128xf32>
    %get3A_2 = arith.constant 0 : index
    %get3A_3 = arith.constant 0 : index
    %get3A_4 = vector.load %arg1[%get3A_2, %get3A_3] : memref<128x16xf32, #tpu.memory_space<vmem>>, vector<128x16xf32>
    %dot_general3A = arith.constant dense<0.000000e+00> : vector<10000x16xf32>
    %dot_general3A_5 = tpu.matmul %get3A_1, %get3A_4, %dot_general3A {dimension_numbers = #tpu.dot_dimension_numbers<[1], [0], [0], [1], [0, 0, 1, 1], [], []>, transpose_lhs_hint = false} : vector<10000x128xf32>, vector<128x16xf32>, vector<10000x16xf32> -> vector<10000x16xf32>
    %swap3A = arith.constant 0 : index
    %swap3A_6 = arith.constant 0 : index
    %swap3A_7 = vector.load %arg2[%swap3A, %swap3A_6] : memref<10000x16xf32, #tpu.memory_space<vmem>>, vector<10000x16xf32>
    tpu.vector_store %arg2[%swap3A, %swap3A_6], %dot_general3A_5 {strides = array<i32>} : memref<10000x16xf32, #tpu.memory_space<vmem>>, vector<10000x16xf32>,
    return
  }
}

module attributes {stable_mosaic.version = 14 : i64} {
  func.func @_scale1_body(%arg0: memref<1250x128xf32, #tpu.memory_space<vmem>>, %arg1: memref<2x2x1280x8xf32, #tpu.memory_space<vmem>>, %arg2: memref<1252x128xf32, #tpu.memory_space<vmem>>, %arg3: memref<1280x128xf32, #tpu.memory_space<vmem>>, %arg4: memref<1280x128xf32, #tpu.memory_space<vmem>>) attributes {dimension_semantics = [], scalar_prefetch = 0 : i64, scratch_operands = 0 : i64, tpu.core_type = #tpu.core_type<tc>} {
    %get3A = arith.constant 0 : index
    %get3A_0 = arith.constant 0 : index
    %get3A_1 = arith.constant 0 : index
    %get3A_2 = arith.constant 0 : index
    %get3A_3 = vector.load %arg1[%get3A, %get3A_0, %get3A_1, %get3A_2] : memref<2x2x1280x8xf32, #tpu.memory_space<vmem>>, vector<2x2x1280x8xf32>
    %iota3A = tpu.iota {dimensions = array<i32: 0>} : vector<8x128xi32>
    %iota3A_4 = tpu.iota {dimensions = array<i32: 1>} : vector<8x128xi32>
    %jit3A = arith.constant 16 : i32
    %div3A = vector.broadcast %jit3A : i32 to vector<8x128xi32>
    %div3A_5 = arith.divsi %iota3A_4, %div3A : vector<8x128xi32>
    %sign3A = arith.constant 0 : i32
    %sign3A_6 = vector.broadcast %sign3A : i32 to vector<8x128xi32>
    %sign3A_7 = arith.cmpi sgt, %iota3A_4, %sign3A_6 : vector<8x128xi32>
    %sign3A_8 = arith.extui %sign3A_7 : vector<8x128xi1> to vector<8x128xi32>
    %sign3A_9 = arith.constant 0 : i32
    %sign3A_10 = vector.broadcast %sign3A_9 : i32 to vector<8x128xi32>
    %sign3A_11 = arith.cmpi slt, %iota3A_4, %sign3A_10 : vector<8x128xi32>
    %sign3A_12 = arith.extui %sign3A_11 : vector<8x128xi1> to vector<8x128xi32>
    %sign3A_13 = arith.subi %sign3A_8, %sign3A_12 : vector<8x128xi32>
    %sign3A_14 = arith.constant 0 : i32
    %sign3A_15 = arith.cmpi sgt, %jit3A, %sign3A_14 : i32
    %sign3A_16 = arith.extui %sign3A_15 : i1 to i32
    %sign3A_17 = arith.constant 0 : i32
    %sign3A_18 = arith.cmpi slt, %jit3A, %sign3A_17 : i32
    %sign3A_19 = arith.extui %sign3A_18 : i1 to i32
    %sign3A_20 = arith.subi %sign3A_16, %sign3A_19 : i32
    %ne3A = vector.broadcast %sign3A_20 : i32 to vector<8x128xi32>
    %ne3A_21 = arith.cmpi ne, %sign3A_13, %ne3A : vector<8x128xi32>
    %rem3A = vector.broadcast %jit3A : i32 to vector<8x128xi32>
    %rem3A_22 = arith.remsi %iota3A_4, %rem3A : vector<8x128xi32>
    %ne3A_23 = arith.constant 0 : i32
    %ne3A_24 = vector.broadcast %ne3A_23 : i32 to vector<8x128xi32>
    %ne3A_25 = arith.cmpi ne, %rem3A_22, %ne3A_24 : vector<8x128xi32>
    %and3A = arith.andi %ne3A_21, %ne3A_25 : vector<8x128xi1>
    %sub3A = arith.constant 1 : i32
    %sub3A_26 = vector.broadcast %sub3A : i32 to vector<8x128xi32>
    %sub3A_27 = arith.subi %div3A_5, %sub3A_26 : vector<8x128xi32>
    %select_n3A = arith.select %and3A, %sub3A_27, %div3A_5 : vector<8x128xi1>, vector<8x128xi32>
    %eq3A = arith.cmpi eq, %iota3A, %select_n3A : vector<8x128xi32>
    %jit3A_28 = arith.constant 1.000000e+00 : f32
    %jit3A_29 = arith.constant 0.000000e+00 : f32
    %broadcast_in_dim3A = vector.broadcast %jit3A_28 : f32 to vector<8x128xf32>
    %broadcast_in_dim3A_30 = vector.broadcast %jit3A_29 : f32 to vector<8x128xf32>
    %select_n3A_31 = arith.select %eq3A, %broadcast_in_dim3A, %broadcast_in_dim3A_30 : vector<8x128xi1>, vector<8x128xf32>
    %slice3A = vector.extract_strided_slice %get3A_3 {offsets = [0, 0, 0, 0], sizes = [1, 1, 1280, 8], strides = [1, 1, 1, 1]} : vector<2x2x1280x8xf32> to vector<1x1x1280x8xf32>
    %squeeze3A = vector.shape_cast %slice3A : vector<1x1x1280x8xf32> to vector<1280x8xf32>
    %slice3A_32 = vector.extract_strided_slice %get3A_3 {offsets = [1, 0, 0, 0], sizes = [1, 1, 1280, 8], strides = [1, 1, 1, 1]} : vector<2x2x1280x8xf32> to vector<1x1x1280x8xf32>
    %squeeze3A_33 = vector.shape_cast %slice3A_32 : vector<1x1x1280x8xf32> to vector<1280x8xf32>
    %add3A = arith.addf %squeeze3A, %squeeze3A_33 : vector<1280x8xf32>
    %jit3A_34 = arith.constant 1.000000e+00 : f32
    %max3A = vector.broadcast %jit3A_34 : f32 to vector<1280x8xf32>
    %max3A_35 = arith.maximumf %max3A, %add3A : vector<1280x8xf32>
    %rsqrt3A = math.rsqrt %max3A_35 : vector<1280x8xf32>
    %slice3A_36 = vector.extract_strided_slice %get3A_3 {offsets = [0, 1, 0, 0], sizes = [1, 1, 1280, 8], strides = [1, 1, 1, 1]} : vector<2x2x1280x8xf32> to vector<1x1x1280x8xf32>
    %squeeze3A_37 = vector.shape_cast %slice3A_36 : vector<1x1x1280x8xf32> to vector<1280x8xf32>
    %slice3A_38 = vector.extract_strided_slice %get3A_3 {offsets = [1, 1, 0, 0], sizes = [1, 1, 1280, 8], strides = [1, 1, 1, 1]} : vector<2x2x1280x8xf32> to vector<1x1x1280x8xf32>
    %squeeze3A_39 = vector.shape_cast %slice3A_38 : vector<1x1x1280x8xf32> to vector<1280x8xf32>
    %add3A_40 = arith.addf %squeeze3A_37, %squeeze3A_39 : vector<1280x8xf32>
    %jit3A_41 = arith.constant 1.000000e+00 : f32
    %max3A_42 = vector.broadcast %jit3A_41 : f32 to vector<1280x8xf32>
    %max3A_43 = arith.maximumf %max3A_42, %add3A_40 : vector<1280x8xf32>
    %rsqrt3A_44 = math.rsqrt %max3A_43 : vector<1280x8xf32>
    %dot_general3A = arith.constant dense<0.000000e+00> : vector<1280x128xf32>
    %dot_general3A_45 = tpu.matmul %rsqrt3A, %select_n3A_31, %dot_general3A {dimension_numbers = #tpu.dot_dimension_numbers<[1], [0], [0], [1], [0, 0, 1, 1], [], []>, transpose_lhs_hint = false} : vector<1280x8xf32>, vector<8x128xf32>, vector<1280x128xf32> -> vector<1280x128xf32>
    %dot_general3A_46 = arith.constant dense<0.000000e+00> : vector<1280x128xf32>
    %dot_general3A_47 = tpu.matmul %rsqrt3A_44, %select_n3A_31, %dot_general3A_46 {dimension_numbers = #tpu.dot_dimension_numbers<[1], [0], [0], [1], [0, 0, 1, 1], [], []>, transpose_lhs_hint = false} : vector<1280x8xf32>, vector<8x128xf32>, vector<1280x128xf32> -> vector<1280x128xf32>
    %swap3A = arith.constant 0 : index
    %swap3A_48 = arith.constant 0 : index
    %swap3A_49 = vector.load %arg3[%swap3A, %swap3A_48] : memref<1280x128xf32, #tpu.memory_space<vmem>>, vector<1280x128xf32>
    tpu.vector_store %arg3[%swap3A, %swap3A_48], %dot_general3A_45 {strides = array<i32>} : memref<1280x128xf32, #tpu.memory_space<vmem>>, vector<1280x128xf32>,
    %swap3A_50 = arith.constant 0 : index
    %swap3A_51 = arith.constant 0 : index
    %swap3A_52 = vector.load %arg4[%swap3A_50, %swap3A_51] : memref<1280x128xf32, #tpu.memory_space<vmem>>, vector<1280x128xf32>
    tpu.vector_store %arg4[%swap3A_50, %swap3A_51], %dot_general3A_47 {strides = array<i32>} : memref<1280x128xf32, #tpu.memory_space<vmem>>, vector<1280x128xf32>,
    %get3A_53 = arith.constant 0 : index
    %get3A_54 = arith.constant 0 : index
    %get3A_55 = vector.load %arg0[%get3A_53, %get3A_54] : memref<1250x128xf32, #tpu.memory_space<vmem>>, vector<1250x128xf32>
    %slice3A_56 = vector.extract_strided_slice %dot_general3A_45 {offsets = [0, 0], sizes = [1250, 128], strides = [1, 1]} : vector<1280x128xf32> to vector<1250x128xf32>
    %mul3A = arith.mulf %get3A_55, %slice3A_56 : vector<1250x128xf32>
    %swap3A_57 = arith.constant 0 : index
    %swap3A_58 = arith.constant 0 : index
    %swap3A_59 = vector.load %arg2[%swap3A_57, %swap3A_58] : memref<1252x128xf32, #tpu.memory_space<vmem>>, vector<1250x128xf32>
    tpu.vector_store %arg2[%swap3A_57, %swap3A_58], %mul3A {strides = array<i32>} : memref<1252x128xf32, #tpu.memory_space<vmem>>, vector<1250x128xf32>,
    %broadcast_in_dim3A_60 = arith.constant 0.000000e+00 : f32
    %broadcast_in_dim3A_61 = vector.broadcast %broadcast_in_dim3A_60 : f32 to vector<2x128xf32>
    %swap3A_62 = arith.constant 1250 : index
    %swap3A_63 = arith.constant 0 : index
    %swap3A_64 = vector.load %arg2[%swap3A_62, %swap3A_63] : memref<1252x128xf32, #tpu.memory_space<vmem>>, vector<2x128xf32>
    tpu.vector_store %arg2[%swap3A_62, %swap3A_63], %broadcast_in_dim3A_61 {strides = array<i32>} : memref<1252x128xf32, #tpu.memory_space<vmem>>, vector<2x128xf32>,
    return
  }
}

module attributes {stable_mosaic.version = 14 : i64} {
  func.func @_tc2_body(%arg0: memref<2x1280x128xf32, #tpu.memory_space<vmem>>, %arg1: memref<1280x128xf32, #tpu.memory_space<vmem>>, %arg2: memref<16xf32, #tpu.memory_space<vmem>>, %arg3: memref<16x16xf32, #tpu.memory_space<vmem>>, %arg4: memref<1280x128xf32, #tpu.memory_space<vmem>>, %arg5: memref<1250x128xf32, #tpu.memory_space<vmem>>, %arg6: memref<1252x128xf32, #tpu.memory_space<vmem>>) attributes {dimension_semantics = [], scalar_prefetch = 0 : i64, scratch_operands = 0 : i64, tpu.core_type = #tpu.core_type<tc>} {
    %get3A = arith.constant 0 : index
    %get3A_0 = arith.constant 0 : index
    %get3A_1 = arith.constant 0 : index
    %get3A_2 = vector.load %arg0[%get3A, %get3A_0, %get3A_1] : memref<2x1280x128xf32, #tpu.memory_space<vmem>>, vector<1x1250x128xf32>
    %get3A_3 = vector.shape_cast %get3A_2 : vector<1x1250x128xf32> to vector<1250x128xf32>
    %get3A_4 = arith.constant 1 : index
    %get3A_5 = arith.constant 0 : index
    %get3A_6 = arith.constant 0 : index
    %get3A_7 = vector.load %arg0[%get3A_4, %get3A_5, %get3A_6] : memref<2x1280x128xf32, #tpu.memory_space<vmem>>, vector<1x1250x128xf32>
    %get3A_8 = vector.shape_cast %get3A_7 : vector<1x1250x128xf32> to vector<1250x128xf32>
    %add3A = arith.addf %get3A_3, %get3A_8 : vector<1250x128xf32>
    %get3A_9 = arith.constant 0 : index
    %get3A_10 = vector.load %arg2[%get3A_9] : memref<16xf32, #tpu.memory_space<vmem>>, vector<16xf32>
    %tile3A = tpu.concatenate %get3A_10, %get3A_10, %get3A_10, %get3A_10, %get3A_10, %get3A_10, %get3A_10, %get3A_10 in 0 : vector<16xf32>, vector<16xf32>, vector<16xf32>, vector<16xf32>, vector<16xf32>, vector<16xf32>, vector<16xf32>, vector<16xf32> -> vector<128xf32>
    %get3A_11 = arith.constant 0 : index
    %get3A_12 = arith.constant 0 : index
    %get3A_13 = vector.load %arg1[%get3A_11, %get3A_12] : memref<1280x128xf32, #tpu.memory_space<vmem>>, vector<1250x128xf32>
    %mul3A = arith.mulf %add3A, %get3A_13 : vector<1250x128xf32>
    %broadcast_in_dim3A = vector.shape_cast %tile3A : vector<128xf32> to vector<1x128xf32>
    %add3A_14 = vector.broadcast %broadcast_in_dim3A : vector<1x128xf32> to vector<1250x128xf32>
    %add3A_15 = arith.addf %mul3A, %add3A_14 : vector<1250x128xf32>
    %max3A = arith.constant 0.000000e+00 : f32
    %max3A_16 = vector.broadcast %max3A : f32 to vector<1250x128xf32>
    %max3A_17 = arith.maximumf %add3A_15, %max3A_16 : vector<1250x128xf32>
    %swap3A = arith.constant 0 : index
    %swap3A_18 = arith.constant 0 : index
    %swap3A_19 = vector.load %arg5[%swap3A, %swap3A_18] : memref<1250x128xf32, #tpu.memory_space<vmem>>, vector<1250x128xf32>
    tpu.vector_store %arg5[%swap3A, %swap3A_18], %max3A_17 {strides = array<i32>} : memref<1250x128xf32, #tpu.memory_space<vmem>>, vector<1250x128xf32>,
    %get3A_20 = arith.constant 0 : index
    %get3A_21 = arith.constant 0 : index
    %get3A_22 = vector.load %arg3[%get3A_20, %get3A_21] : memref<16x16xf32, #tpu.memory_space<vmem>>, vector<16x16xf32>
    %tile3A_23 = tpu.concatenate %get3A_22, %get3A_22, %get3A_22, %get3A_22, %get3A_22, %get3A_22, %get3A_22, %get3A_22 in 0 : vector<16x16xf32>, vector<16x16xf32>, vector<16x16xf32>, vector<16x16xf32>, vector<16x16xf32>, vector<16x16xf32>, vector<16x16xf32>, vector<16x16xf32> -> vector<128x16xf32>
    %tile3A_24 = tpu.concatenate %tile3A_23, %tile3A_23, %tile3A_23, %tile3A_23, %tile3A_23, %tile3A_23, %tile3A_23, %tile3A_23 in 1 : vector<128x16xf32>, vector<128x16xf32>, vector<128x16xf32>, vector<128x16xf32>, vector<128x16xf32>, vector<128x16xf32>, vector<128x16xf32>, vector<128x16xf32> -> vector<128x128xf32>
    %iota3A = tpu.iota {dimensions = array<i32: 0>} : vector<128x128xi32>
    %iota3A_25 = tpu.iota {dimensions = array<i32: 1>} : vector<128x128xi32>
    %jit3A = arith.constant 16 : i32
    %div3A = vector.broadcast %jit3A : i32 to vector<128x128xi32>
    %div3A_26 = arith.divsi %iota3A, %div3A : vector<128x128xi32>
    %sign3A = arith.constant 0 : i32
    %sign3A_27 = vector.broadcast %sign3A : i32 to vector<128x128xi32>
    %sign3A_28 = arith.cmpi sgt, %iota3A, %sign3A_27 : vector<128x128xi32>
    %sign3A_29 = arith.extui %sign3A_28 : vector<128x128xi1> to vector<128x128xi32>
    %sign3A_30 = arith.constant 0 : i32
    %sign3A_31 = vector.broadcast %sign3A_30 : i32 to vector<128x128xi32>
    %sign3A_32 = arith.cmpi slt, %iota3A, %sign3A_31 : vector<128x128xi32>
    %sign3A_33 = arith.extui %sign3A_32 : vector<128x128xi1> to vector<128x128xi32>
    %sign3A_34 = arith.subi %sign3A_29, %sign3A_33 : vector<128x128xi32>
    %sign3A_35 = arith.constant 0 : i32
    %sign3A_36 = arith.cmpi sgt, %jit3A, %sign3A_35 : i32
    %sign3A_37 = arith.extui %sign3A_36 : i1 to i32
    %sign3A_38 = arith.constant 0 : i32
    %sign3A_39 = arith.cmpi slt, %jit3A, %sign3A_38 : i32
    %sign3A_40 = arith.extui %sign3A_39 : i1 to i32
    %sign3A_41 = arith.subi %sign3A_37, %sign3A_40 : i32
    %ne3A = vector.broadcast %sign3A_41 : i32 to vector<128x128xi32>
    %ne3A_42 = arith.cmpi ne, %sign3A_34, %ne3A : vector<128x128xi32>
    %rem3A = vector.broadcast %jit3A : i32 to vector<128x128xi32>
    %rem3A_43 = arith.remsi %iota3A, %rem3A : vector<128x128xi32>
    %ne3A_44 = arith.constant 0 : i32
    %ne3A_45 = vector.broadcast %ne3A_44 : i32 to vector<128x128xi32>
    %ne3A_46 = arith.cmpi ne, %rem3A_43, %ne3A_45 : vector<128x128xi32>
    %and3A = arith.andi %ne3A_42, %ne3A_46 : vector<128x128xi1>
    %sub3A = arith.constant 1 : i32
    %sub3A_47 = vector.broadcast %sub3A : i32 to vector<128x128xi32>
    %sub3A_48 = arith.subi %div3A_26, %sub3A_47 : vector<128x128xi32>
    %select_n3A = arith.select %and3A, %sub3A_48, %div3A_26 : vector<128x128xi1>, vector<128x128xi32>
    %jit3A_49 = arith.constant 16 : i32
    %div3A_50 = vector.broadcast %jit3A_49 : i32 to vector<128x128xi32>
    %div3A_51 = arith.divsi %iota3A_25, %div3A_50 : vector<128x128xi32>
    %sign3A_52 = arith.constant 0 : i32
    %sign3A_53 = vector.broadcast %sign3A_52 : i32 to vector<128x128xi32>
    %sign3A_54 = arith.cmpi sgt, %iota3A_25, %sign3A_53 : vector<128x128xi32>
    %sign3A_55 = arith.extui %sign3A_54 : vector<128x128xi1> to vector<128x128xi32>
    %sign3A_56 = arith.constant 0 : i32
    %sign3A_57 = vector.broadcast %sign3A_56 : i32 to vector<128x128xi32>
    %sign3A_58 = arith.cmpi slt, %iota3A_25, %sign3A_57 : vector<128x128xi32>
    %sign3A_59 = arith.extui %sign3A_58 : vector<128x128xi1> to vector<128x128xi32>
    %sign3A_60 = arith.subi %sign3A_55, %sign3A_59 : vector<128x128xi32>
    %sign3A_61 = arith.constant 0 : i32
    %sign3A_62 = arith.cmpi sgt, %jit3A_49, %sign3A_61 : i32
    %sign3A_63 = arith.extui %sign3A_62 : i1 to i32
    %sign3A_64 = arith.constant 0 : i32
    %sign3A_65 = arith.cmpi slt, %jit3A_49, %sign3A_64 : i32
    %sign3A_66 = arith.extui %sign3A_65 : i1 to i32
    %sign3A_67 = arith.subi %sign3A_63, %sign3A_66 : i32
    %ne3A_68 = vector.broadcast %sign3A_67 : i32 to vector<128x128xi32>
    %ne3A_69 = arith.cmpi ne, %sign3A_60, %ne3A_68 : vector<128x128xi32>
    %rem3A_70 = vector.broadcast %jit3A_49 : i32 to vector<128x128xi32>
    %rem3A_71 = arith.remsi %iota3A_25, %rem3A_70 : vector<128x128xi32>
    %ne3A_72 = arith.constant 0 : i32
    %ne3A_73 = vector.broadcast %ne3A_72 : i32 to vector<128x128xi32>
    %ne3A_74 = arith.cmpi ne, %rem3A_71, %ne3A_73 : vector<128x128xi32>
    %and3A_75 = arith.andi %ne3A_69, %ne3A_74 : vector<128x128xi1>
    %sub3A_76 = arith.constant 1 : i32
    %sub3A_77 = vector.broadcast %sub3A_76 : i32 to vector<128x128xi32>
    %sub3A_78 = arith.subi %div3A_51, %sub3A_77 : vector<128x128xi32>
    %select_n3A_79 = arith.select %and3A_75, %sub3A_78, %div3A_51 : vector<128x128xi1>, vector<128x128xi32>
    %eq3A = arith.cmpi eq, %select_n3A, %select_n3A_79 : vector<128x128xi32>
    %jit3A_80 = arith.constant 0.000000e+00 : f32
    %broadcast_in_dim3A_81 = vector.broadcast %jit3A_80 : f32 to vector<128x128xf32>
    %select_n3A_82 = arith.select %eq3A, %tile3A_24, %broadcast_in_dim3A_81 : vector<128x128xi1>, vector<128x128xf32>
    %dot_general3A = arith.constant dense<0.000000e+00> : vector<1250x128xf32>
    %dot_general3A_83 = tpu.matmul %max3A_17, %select_n3A_82, %dot_general3A {dimension_numbers = #tpu.dot_dimension_numbers<[1], [0], [0], [1], [0, 0, 1, 1], [], []>, transpose_lhs_hint = false} : vector<1250x128xf32>, vector<128x128xf32>, vector<1250x128xf32> -> vector<1250x128xf32>
    %get3A_84 = arith.constant 0 : index
    %get3A_85 = arith.constant 0 : index
    %get3A_86 = vector.load %arg4[%get3A_84, %get3A_85] : memref<1280x128xf32, #tpu.memory_space<vmem>>, vector<1250x128xf32>
    %mul3A_87 = arith.mulf %dot_general3A_83, %get3A_86 : vector<1250x128xf32>
    %swap3A_88 = arith.constant 0 : index
    %swap3A_89 = arith.constant 0 : index
    %swap3A_90 = vector.load %arg6[%swap3A_88, %swap3A_89] : memref<1252x128xf32, #tpu.memory_space<vmem>>, vector<1250x128xf32>
    tpu.vector_store %arg6[%swap3A_88, %swap3A_89], %mul3A_87 {strides = array<i32>} : memref<1252x128xf32, #tpu.memory_space<vmem>>, vector<1250x128xf32>,
    %broadcast_in_dim3A_91 = arith.constant 0.000000e+00 : f32
    %broadcast_in_dim3A_92 = vector.broadcast %broadcast_in_dim3A_91 : f32 to vector<2x128xf32>
    %swap3A_93 = arith.constant 1250 : index
    %swap3A_94 = arith.constant 0 : index
    %swap3A_95 = vector.load %arg6[%swap3A_93, %swap3A_94] : memref<1252x128xf32, #tpu.memory_space<vmem>>, vector<2x128xf32>
    tpu.vector_store %arg6[%swap3A_93, %swap3A_94], %broadcast_in_dim3A_92 {strides = array<i32>} : memref<1252x128xf32, #tpu.memory_space<vmem>>, vector<2x128xf32>,
    return
  }
}

module attributes {stable_mosaic.version = 14 : i64} {
  func.func @_tc3_body(%arg0: memref<2x1280x128xf32, #tpu.memory_space<vmem>>, %arg1: memref<1280x128xf32, #tpu.memory_space<vmem>>, %arg2: memref<16xf32, #tpu.memory_space<vmem>>, %arg3: memref<1250x128xf32, #tpu.memory_space<vmem>>) attributes {dimension_semantics = [], scalar_prefetch = 0 : i64, scratch_operands = 0 : i64, tpu.core_type = #tpu.core_type<tc>} {
    %get3A = arith.constant 0 : index
    %get3A_0 = vector.load %arg2[%get3A] : memref<16xf32, #tpu.memory_space<vmem>>, vector<16xf32>
    %tile3A = tpu.concatenate %get3A_0, %get3A_0, %get3A_0, %get3A_0, %get3A_0, %get3A_0, %get3A_0, %get3A_0 in 0 : vector<16xf32>, vector<16xf32>, vector<16xf32>, vector<16xf32>, vector<16xf32>, vector<16xf32>, vector<16xf32>, vector<16xf32> -> vector<128xf32>
    %get3A_1 = arith.constant 0 : index
    %get3A_2 = arith.constant 0 : index
    %get3A_3 = arith.constant 0 : index
    %get3A_4 = vector.load %arg0[%get3A_1, %get3A_2, %get3A_3] : memref<2x1280x128xf32, #tpu.memory_space<vmem>>, vector<1x1250x128xf32>
    %get3A_5 = vector.shape_cast %get3A_4 : vector<1x1250x128xf32> to vector<1250x128xf32>
    %get3A_6 = arith.constant 1 : index
    %get3A_7 = arith.constant 0 : index
    %get3A_8 = arith.constant 0 : index
    %get3A_9 = vector.load %arg0[%get3A_6, %get3A_7, %get3A_8] : memref<2x1280x128xf32, #tpu.memory_space<vmem>>, vector<1x1250x128xf32>
    %get3A_10 = vector.shape_cast %get3A_9 : vector<1x1250x128xf32> to vector<1250x128xf32>
    %add3A = arith.addf %get3A_5, %get3A_10 : vector<1250x128xf32>
    %get3A_11 = arith.constant 0 : index
    %get3A_12 = arith.constant 0 : index
    %get3A_13 = vector.load %arg1[%get3A_11, %get3A_12] : memref<1280x128xf32, #tpu.memory_space<vmem>>, vector<1250x128xf32>
    %mul3A = arith.mulf %add3A, %get3A_13 : vector<1250x128xf32>
    %broadcast_in_dim3A = vector.shape_cast %tile3A : vector<128xf32> to vector<1x128xf32>
    %add3A_14 = vector.broadcast %broadcast_in_dim3A : vector<1x128xf32> to vector<1250x128xf32>
    %add3A_15 = arith.addf %mul3A, %add3A_14 : vector<1250x128xf32>
    %reduce_max3A = arith.constant dense<0xFF800000> : vector<1250xf32>
    %reduce_max3A_16 = vector.multi_reduction <maximumf>, %add3A_15, %reduce_max3A [1] : vector<1250x128xf32> to vector<1250xf32>
    %broadcast_in_dim3A_17 = vector.shape_cast %reduce_max3A_16 : vector<1250xf32> to vector<1250x1xf32>
    %sub3A = vector.broadcast %broadcast_in_dim3A_17 : vector<1250x1xf32> to vector<1250x128xf32>
    %sub3A_18 = arith.subf %add3A_15, %sub3A : vector<1250x128xf32>
    %exp3A = math.exp %sub3A_18 : vector<1250x128xf32>
    %iota3A = tpu.iota {dimensions = array<i32: 0>} : vector<128x128xi32>
    %iota3A_19 = tpu.iota {dimensions = array<i32: 1>} : vector<128x128xi32>
    %jit3A = arith.constant 16 : i32
    %div3A = vector.broadcast %jit3A : i32 to vector<128x128xi32>
    %div3A_20 = arith.divsi %iota3A, %div3A : vector<128x128xi32>
    %sign3A = arith.constant 0 : i32
    %sign3A_21 = vector.broadcast %sign3A : i32 to vector<128x128xi32>
    %sign3A_22 = arith.cmpi sgt, %iota3A, %sign3A_21 : vector<128x128xi32>
    %sign3A_23 = arith.extui %sign3A_22 : vector<128x128xi1> to vector<128x128xi32>
    %sign3A_24 = arith.constant 0 : i32
    %sign3A_25 = vector.broadcast %sign3A_24 : i32 to vector<128x128xi32>
    %sign3A_26 = arith.cmpi slt, %iota3A, %sign3A_25 : vector<128x128xi32>
    %sign3A_27 = arith.extui %sign3A_26 : vector<128x128xi1> to vector<128x128xi32>
    %sign3A_28 = arith.subi %sign3A_23, %sign3A_27 : vector<128x128xi32>
    %sign3A_29 = arith.constant 0 : i32
    %sign3A_30 = arith.cmpi sgt, %jit3A, %sign3A_29 : i32
    %sign3A_31 = arith.extui %sign3A_30 : i1 to i32
    %sign3A_32 = arith.constant 0 : i32
    %sign3A_33 = arith.cmpi slt, %jit3A, %sign3A_32 : i32
    %sign3A_34 = arith.extui %sign3A_33 : i1 to i32
    %sign3A_35 = arith.subi %sign3A_31, %sign3A_34 : i32
    %ne3A = vector.broadcast %sign3A_35 : i32 to vector<128x128xi32>
    %ne3A_36 = arith.cmpi ne, %sign3A_28, %ne3A : vector<128x128xi32>
    %rem3A = vector.broadcast %jit3A : i32 to vector<128x128xi32>
    %rem3A_37 = arith.remsi %iota3A, %rem3A : vector<128x128xi32>
    %ne3A_38 = arith.constant 0 : i32
    %ne3A_39 = vector.broadcast %ne3A_38 : i32 to vector<128x128xi32>
    %ne3A_40 = arith.cmpi ne, %rem3A_37, %ne3A_39 : vector<128x128xi32>
    %and3A = arith.andi %ne3A_36, %ne3A_40 : vector<128x128xi1>
    %sub3A_41 = arith.constant 1 : i32
    %sub3A_42 = vector.broadcast %sub3A_41 : i32 to vector<128x128xi32>
    %sub3A_43 = arith.subi %div3A_20, %sub3A_42 : vector<128x128xi32>
    %select_n3A = arith.select %and3A, %sub3A_43, %div3A_20 : vector<128x128xi1>, vector<128x128xi32>
    %jit3A_44 = arith.constant 16 : i32
    %div3A_45 = vector.broadcast %jit3A_44 : i32 to vector<128x128xi32>
    %div3A_46 = arith.divsi %iota3A_19, %div3A_45 : vector<128x128xi32>
    %sign3A_47 = arith.constant 0 : i32
    %sign3A_48 = vector.broadcast %sign3A_47 : i32 to vector<128x128xi32>
    %sign3A_49 = arith.cmpi sgt, %iota3A_19, %sign3A_48 : vector<128x128xi32>
    %sign3A_50 = arith.extui %sign3A_49 : vector<128x128xi1> to vector<128x128xi32>
    %sign3A_51 = arith.constant 0 : i32
    %sign3A_52 = vector.broadcast %sign3A_51 : i32 to vector<128x128xi32>
    %sign3A_53 = arith.cmpi slt, %iota3A_19, %sign3A_52 : vector<128x128xi32>
    %sign3A_54 = arith.extui %sign3A_53 : vector<128x128xi1> to vector<128x128xi32>
    %sign3A_55 = arith.subi %sign3A_50, %sign3A_54 : vector<128x128xi32>
    %sign3A_56 = arith.constant 0 : i32
    %sign3A_57 = arith.cmpi sgt, %jit3A_44, %sign3A_56 : i32
    %sign3A_58 = arith.extui %sign3A_57 : i1 to i32
    %sign3A_59 = arith.constant 0 : i32
    %sign3A_60 = arith.cmpi slt, %jit3A_44, %sign3A_59 : i32
    %sign3A_61 = arith.extui %sign3A_60 : i1 to i32
    %sign3A_62 = arith.subi %sign3A_58, %sign3A_61 : i32
    %ne3A_63 = vector.broadcast %sign3A_62 : i32 to vector<128x128xi32>
    %ne3A_64 = arith.cmpi ne, %sign3A_55, %ne3A_63 : vector<128x128xi32>
    %rem3A_65 = vector.broadcast %jit3A_44 : i32 to vector<128x128xi32>
    %rem3A_66 = arith.remsi %iota3A_19, %rem3A_65 : vector<128x128xi32>
    %ne3A_67 = arith.constant 0 : i32
    %ne3A_68 = vector.broadcast %ne3A_67 : i32 to vector<128x128xi32>
    %ne3A_69 = arith.cmpi ne, %rem3A_66, %ne3A_68 : vector<128x128xi32>
    %and3A_70 = arith.andi %ne3A_64, %ne3A_69 : vector<128x128xi1>
    %sub3A_71 = arith.constant 1 : i32
    %sub3A_72 = vector.broadcast %sub3A_71 : i32 to vector<128x128xi32>
    %sub3A_73 = arith.subi %div3A_46, %sub3A_72 : vector<128x128xi32>
    %select_n3A_74 = arith.select %and3A_70, %sub3A_73, %div3A_46 : vector<128x128xi1>, vector<128x128xi32>
    %eq3A = arith.cmpi eq, %select_n3A, %select_n3A_74 : vector<128x128xi32>
    %jit3A_75 = arith.constant 1.000000e+00 : f32
    %jit3A_76 = arith.constant 0.000000e+00 : f32
    %broadcast_in_dim3A_77 = vector.broadcast %jit3A_75 : f32 to vector<128x128xf32>
    %broadcast_in_dim3A_78 = vector.broadcast %jit3A_76 : f32 to vector<128x128xf32>
    %select_n3A_79 = arith.select %eq3A, %broadcast_in_dim3A_77, %broadcast_in_dim3A_78 : vector<128x128xi1>, vector<128x128xf32>
    %dot_general3A = arith.constant dense<0.000000e+00> : vector<1250x128xf32>
    %dot_general3A_80 = tpu.matmul %exp3A, %select_n3A_79, %dot_general3A {dimension_numbers = #tpu.dot_dimension_numbers<[1], [0], [0], [1], [0, 0, 1, 1], [], []>, transpose_lhs_hint = false} : vector<1250x128xf32>, vector<128x128xf32>, vector<1250x128xf32> -> vector<1250x128xf32>
    %sub3A_81 = vector.broadcast %broadcast_in_dim3A_17 : vector<1250x1xf32> to vector<1250x128xf32>
    %sub3A_82 = arith.subf %add3A_15, %sub3A_81 : vector<1250x128xf32>
    %log3A = math.log %dot_general3A_80 : vector<1250x128xf32>
    %sub3A_83 = arith.subf %sub3A_82, %log3A : vector<1250x128xf32>
    %swap3A = arith.constant 0 : index
    %swap3A_84 = arith.constant 0 : index
    %swap3A_85 = vector.load %arg3[%swap3A, %swap3A_84] : memref<1250x128xf32, #tpu.memory_space<vmem>>, vector<1250x128xf32>
    tpu.vector_store %arg3[%swap3A, %swap3A_84], %sub3A_83 {strides = array<i32>} : memref<1250x128xf32, #tpu.memory_space<vmem>>, vector<1250x128xf32>,
    return
  }
}

</mosaic_0001>

<sc_bundles>
// kernel: kernel.12.cloned.1.call-start
scs
__scs_entry_jumppad:
0x0: {  	(pc) =	sbr.rel $0x88, $3  }
0x1: {  	(tag) =	ssettag $0x0;
	lr =	simm.s32 $0x1  }
0x2: {  	[smem:$0x3F9B] =	sst lr;
	_ =	strace $0xD0000000  }
0x3: {  	_ = 	snop  }
0x4: {  	_ = 	snop  }
0x5: {  	_ = 	snop  }
0x6: {  	_ = 	snop  }
0x7: {  	_ = 	snop  }
__scs_overlays_trampoline_lowered:
0x8: {  	[smem:$0x3FAA] =	sst s0  }
0x9: {  	[smem:$0x3FAB] =	sst s1  }
0xa: {  	[smem:$0x3FAC] =	sst s2  }
0xb: {  	[smem:$0x3FAD] =	sst s3  }
0xc: {  	[smem:$0x3FAE] =	sst s4  }
0xd: {  	[smem:$0x3FAF] =	sst s5  }
0xe: {  	[smem:$0x3FB0] =	sst s6  }
0xf: {  	[smem:$0x3FB1] =	sst s7  }
0x10: {  	[smem:$0x3FB2] =	sst s8  }
0x11: {  	[smem:$0x3FB3] =	sst s9;
	s0 =	simm.s32 @!p0 $0x0  }
0x12: {  	s1 =	sld [smem:$0x3F99];
	s0 =	simm.s32 @p0 $0x1  }
0x13: {  	[smem:$0x3FB4] =	sst s0;
	s0 =	simm.s32 @!p1 $0x0  }
0x14: {  	s2 =	sld [smem:$0x3F98];
	s0 =	simm.s32 @p1 $0x1  }
0x15: {  	[smem:$0x3FB5] =	sst s0;
	s0 =	simm.s32 @!p2 $0x0  }
0x16: {  	s3 =	sld [smem:$0x3FDB];
	s0 =	simm.s32 @p2 $0x1  }
0x17: {  	s4 =	simm.s32 $0x1BF5;
	[smem:$0x3FB7] =	sst s0  }
0x18: {  	s0 =	sld [smem:$0x3F9A];
	_ =	swait.ge [sflag:s4], $0x0  }
0x19: {  	s7 =	sld [smem:$0x3F9B]  }
0x1a: {  	s8 =	sadd.s32 $0xFFFFE003, lr  }
0x1b: {  	s9 =	sadd.s32 $0xFFFFFEF7, lr;
	s5 =	simm.s32 $0xFFFFFFFF;
	p2 =	slt.u32 s8, $0xFFFFF086  }
0x1c: {  	p1 =	slt.u32 s9, $0xF7A;
	s5 =	simm.s32 @!p2 $0x0  }
0x1d: {  	s5 =	simm.s32 @p1 $0x1;
	p0 =	seq.s32 s7, s2  }
0x1e: {  	s7 =	smul.u32 @!p0 $0xF7A, s2;
	p2 =	seq.s32 @!p0 s5, $0x0  }
0x1f: {  	s9 =	smul.u32 $0xF7A, s1;
	s8 =	simm.s32 @!p0 $0x1BF5;
	p2 =	por !p2, p0  }
0x20: {  	[sflag:s8] =	ssyncset.s32 @!p0 $0xFFFFF086;
	s6 =	sadd.s32 @!p0 s3, s7;
	s7 =	simm.s32 @!p0 $0x108  }
0x21: {  	s3 =	sadd.s32 s3, s9;
	s6 =	sadd.s32 @!p0 $0x88, s6;
	s7 =	simm.s32 @p2 $0x1082  }
0x22: {  	[simem:s7], [sflag:s8] =	dma.local @!p0 [hbm:s6], $0xF7A  }
0x23: {  	s9 =	sor.u32 $0xD0000000, s2;
	s6 =	simm.s32 $0x108;
	_ =	swait.ge @!p0 [sflag:s8], $0x0  }
0x24: {  	s3 =	sadd.s32 $0x88, s3;
	s6 =	simm.s32 @!p1 $0x1082;
	[sflag:s4] =	ssyncset.s32 $0xFFFFF086  }
0x25: {  	[simem:s6], [sflag:s4] =	dma.local [hbm:s3], $0xF7A  }
0x26: {  	[smem:$0x3F9B] =	sst s1;
	(tag) =	ssettag s2;
	_ =	strace s9  }
0x27: {  	s1 =	sld [smem:$0x3FAB]  }
0x28: {  	s2 =	sld [smem:$0x3FAC]  }
0x29: {  	s4 =	sld [smem:$0x3FAE]  }
0x2a: {  	p0 =	seq.s32 s5, $0x0;
	s5 =	sld [smem:$0x3FAF]  }
0x2b: {  	s6 =	sld [smem:$0x3FB0]  }
0x2c: {  	s7 =	sld [smem:$0x3FB1]  }
0x2d: {  	s3 =	simm.s32 $0x108;
	s8 =	sld [smem:$0x3FB2]  }
0x2e: {  	s3 =	simm.s32 @!p0 $0x1082;
	s9 =	sld [smem:$0x3FB3]  }
0x2f: {  	lr =	sadd.s32 s0, s3;
	s0 =	sld [smem:$0x3FAA]  }
0x30: {  	s3 =	sld [smem:$0x3FAD]  }
0x31: {  	[smem:$0x3FB6] =	sst s10  }
0x32: {  	s10 =	sld [smem:$0x3FB4];
	_ =	sdelay $0x3  }
0x33: {  	p0 =	seq.s32 s10, $0x1;
	s10 =	sld [smem:$0x3FB6];
	_ =	sdelay $0x3  }
0x34: {  	[smem:$0x3FB6] =	sst s10  }
0x35: {  	s10 =	sld [smem:$0x3FB5];
	_ =	sdelay $0x3  }
0x36: {  	p1 =	seq.s32 s10, $0x1;
	s10 =	sld [smem:$0x3FB6];
	_ =	sdelay $0x3  }
0x37: {  	[smem:$0x3FB6] =	sst s10  }
0x38: {  	s10 =	sld [smem:$0x3FB7]  }
0x39: {  	_ = 	snop;
	(pc) =	sbr.ind lr, $3  }
0x3a: {  	_ = 	snop  }
0x3b: {  	_ = 	snop  }
0x3c: {  	p2 =	seq.s32 s10, $0x1;
	s10 =	sld [smem:$0x3FB6]  }
0x3d: {  	_ =	shalt  }
0x3e: {  	_ =	shalt  }
0x3f: {  	_ =	shalt  }
0x40: {  	_ =	shalt  }
0x41: {  	_ =	shalt  }
0x42: {  	_ =	shalt  }
0x43: {  	_ =	shalt  }
0x44: {  	_ =	shalt  }
0x45: {  	_ =	shalt  }
0x46: {  	_ =	shalt  }
0x47: {  	_ =	shalt  }
0x48: {  	_ =	shalt  }
0x49: {  	_ =	shalt  }
0x4a: {  	_ =	shalt  }
0x4b: {  	_ =	shalt  }
0x4c: {  	_ =	shalt  }
0x4d: {  	_ =	shalt  }
0x4e: {  	_ =	shalt  }
0x4f: {  	_ =	shalt  }
0x50: {  	_ =	shalt  }
0x51: {  	_ =	shalt  }
0x52: {  	_ =	shalt  }
0x53: {  	_ =	shalt  }
0x54: {  	_ =	shalt  }
0x55: {  	_ =	shalt  }
0x56: {  	_ =	shalt  }
0x57: {  	_ =	shalt  }
0x58: {  	_ =	shalt  }
0x59: {  	_ =	shalt  }
0x5a: {  	_ =	shalt  }
0x5b: {  	_ =	shalt  }
0x5c: {  	_ =	shalt  }
0x5d: {  	_ =	shalt  }
0x5e: {  	_ =	shalt  }
0x5f: {  	_ =	shalt  }
0x60: {  	_ =	shalt  }
0x61: {  	_ =	shalt  }
0x62: {  	_ =	shalt  }
0x63: {  	_ =	shalt  }
0x64: {  	_ =	shalt  }
0x65: {  	_ =	shalt  }
0x66: {  	_ =	shalt  }
0x67: {  	_ =	shalt  }
0x68: {  	_ =	shalt  }
0x69: {  	_ =	shalt  }
0x6a: {  	_ =	shalt  }
0x6b: {  	_ =	shalt  }
0x6c: {  	_ =	shalt  }
0x6d: {  	_ =	shalt  }
0x6e: {  	_ =	shalt  }
0x6f: {  	_ =	shalt  }
0x70: {  	_ =	shalt  }
0x71: {  	_ =	shalt  }
0x72: {  	_ =	shalt  }
0x73: {  	_ =	shalt  }
0x74: {  	_ =	shalt  }
0x75: {  	_ =	shalt  }
0x76: {  	_ =	shalt  }
0x77: {  	_ =	shalt  }
0x78: {  	_ =	shalt  }
0x79: {  	_ =	shalt  }
0x7a: {  	_ =	shalt  }
0x7b: {  	_ =	shalt  }
0x7c: {  	_ =	shalt  }
0x7d: {  	_ =	shalt  }
0x7e: {  	_ =	shalt  }
0x7f: {  	_ =	shalt  }
0x80: {  	_ =	shalt  }
0x81: {  	_ =	shalt  }
0x82: {  	_ =	shalt  }
0x83: {  	_ =	shalt  }
0x84: {  	_ =	shalt  }
0x85: {  	_ =	shalt  }
0x86: {  	_ =	shalt  }
0x87: {  	_ =	shalt  }
.Lfunc_end0:
.L_simem_size_0:
called_computation.1_lowered:
.L_overlay_start_0:
0x88: {  	s2 =	sld [smem:$0x3FD9]  }
0x89: {  	s3 =	sld [smem:$0x3FFE];
	_ =	sdelay $0x1  }
0x8a: {  	s1 =	srdreg.scid  }
0x8b: {  	s0 =	sand.u32 $0x1, s1  }
0x8c: {  	s14 =	sshll.u32 s0, $0xA;
	s2 =	sadd.s32 s3, s2  }
0x8d: {  	s2 =	sadd.s32 s2, s14  }
0x8e: {  	[smem:$0x3FC2] =	sst s2  }
0x8f: {  	_ = 	snop  }
0x90: {  	s2 =	sld [smem:$0x3FD0];
	_ =	sdelay $0x2  }
0x91: {  	s15 =	simm.s32 $0xA;
	s4 =	simm.s32 $0x10  }
0x92: {  	[smem:s4], [sflag:s15] =	dma.local [hbm:s2], $0x1  }
0x93: {  	_ =	swait.eq [sflag:s15], $0x1  }
0x94: {  	[sflag:s15] =	ssyncset.done $0x0  }
0x95: {  	[sflag:s15] =	ssyncadd.s32 $0xFFFFFFFF  }
0x96: {  	s16 =	sld [smem:$0x11];
	(tm) =	ssettm $0x1  }
0x97: {  	s17 =	sld [smem:$0x3FFB];
	_ =	sdelay $0x3  }
0x98: {  	_ =	strace s17  }
0x99: {  	s3 =	sld [smem:$0x3FFC];
	_ =	sdelay $0x3  }
0x9a: {  	_ =	strace s3  }
0x9b: {  	s3 =	sld [smem:$0x3FFD];
	_ =	sdelay $0x3  }
0x9c: {  	_ =	strace s3  }
0x9d: {  	_ =	strace $0x8FFFFFFF  }
0x9e: {  	s18 =	sld [smem:$0x3FDB];
	_ =	sdelay $0x1  }
0x9f: {  	s19 =	simm.s32 $_scs_section_size  }
0xa0: {  	s5 =	simm.s32 $_size__tile_overlayer_lowered;
	s6 =	simm.s32 $_tile_overlayer_lowered  }
0xa1: {  	s22 =	simm.s32 $0x1BFF;
	s21 =	sshll.u32 s6, $0x1;
	s3 =	sadd.s32 s19, s18  }
0xa2: {  	s7 =	simm.s32 $0x0;
	s20 =	sshll.u32 s5, $0x1;
	s5 =	sadd.s32 s21, s3  }
0xa3: {  	[timem:s7], [sflag:s22] =	dma.local [hbm:s5], s20  }
0xa4: {  	_ =	swait.ge [sflag:s22], s20  }
0xa5: {  	s4 =	ssub.s32 $0x0, s20;
	[sflag:s22] =	ssyncset.done $0x0  }
0xa6: {  	[sflag:s22] =	ssyncadd.s32 s4;
	_ =	sdelay $0x1  }
0xa7: {  	s23 =	simm.s32 $0x1B8B  }
0xa8: {  	_ =	swait.ge [sflag:s23], $0x1  }
0xa9: {  	[sflag:s23] =	ssyncset.done $0x0  }
0xaa: {  	s25 =	simm.s32 $0x1B8E;
	s24 =	sld [smem:$0x3FFE];
	[sflag:s23] =	ssyncadd.s32 $0xFFFFFFFF  }
0xab: {  	s26 =	simm.s32 $execute0_lowered;
	[smem:$0x3FD2] =	sst s25  }
0xac: {  	s5 =	sshll.u32 s26, $0x1;
	_ =	strace $0x80000049;
	[dreg:$0x1] =	wrdreg $0xFFFFFFFF  }
0xad: {  	s28 =	simm.s32 $_size_execute0_lowered;
	s3 =	sadd.s32 s3, s5;
	[dreg:$0x0] =	wrdreg $0x0  }
0xae: {  	s5 =	sshll.u32 s28, $0x1;
	[dreg:$0x2] =	wrdreg s3  }
0xaf: {  	[dreg:$0x3] =	wrdreg s5  }
0xb0: {  	[dreg:$0x4] =	wrdreg $0xC0  }
0xb1: {  	_ =	task [dreg:s7], $0x5FFFF  }
0xb2: {  	[dreg:$0x1] =	wrdreg $0xFFFFFFFF  }
0xb3: {  	[dreg:$0x0] =	wrdreg $0x60  }
0xb4: {  	[dreg:$0x2] =	wrdreg s16  }
0xb5: {  	[dreg:$0x3] =	wrdreg s24  }
0xb6: {  	[dreg:$0x4] =	wrdreg $0x0  }
0xb7: {  	[dreg:$0x5] =	wrdreg $0x28000  }
0xb8: {  	[dreg:$0x6] =	wrdreg $0x9  }
0xb9: {  	_ =	task.clear_ibuf [dreg:s7], $0x7FFFF;
	_ =	strace $0x90000049  }
0xba: {  	s29 =	simm.s32 $0x9;
	_ =	strace $0x8000004B  }
0xbb: {  	_ =	swait.ge [sflag:s29], $0x1  }
0xbc: {  	[sflag:s29] =	ssyncadd.s32 $0xFFFFFFFF  }
0xbd: {  	_ =	strace $0x9000004B  }
0xbe: {  	_ =	sfence  }
0xbf: {  	s30 =	sld [smem:$0x0];
	_ =	sdelay $0x2  }
0xc0: {  	s31 =	sshll.u32 s1, $0xD;
	s1 =	sshrl.u32 s1, $0x2  }
0xc1: {  	s3 =	sand.u32 $0x4000, s31;
	s1 =	sadd.s32 s1, s30  }
0xc2: {  	s0 =	sor.u32 s3, s0;
	s1 =	sshll.u32 s1, $0x11  }
0xc3: {  	s0 =	sor.u32 s1, s0  }
0xc4: {  	s0 =	sadd.s32 $0x8F2B, s0  }
0xc5: {  	[sflag:s0] =	ssyncadd.remote.s32 $0x1  }
0xc6: {  	_ =	sfence.sel $0xFFFF  }
0xc7: {  	[dreg:$0x0] =	wrdreg $0xFFFFFFFF;
	(pc) =	sbr.abs _section_cstart, $3  }
0xc8: {  	[dreg:$0x1] =	wrdreg $0xFFFFFFFF  }
0xc9: {  	_ =	task.clear_ibuf [dreg:s7], $0x2FFFF;
	_ =	strace $0x9FFFFFFF  }
0xca: {  	(tm) =	ssettm $0x7FFFFFFF  }
0xcb: {  	_ =	shalt  }
tec
execute0_lowered:
.L_overlay_start_1:
0x0: {  	(tag) =	ssettag $0x1  }
0x1: {  	s0 =	rddreg [dreg:$0x0]  }
0x2: {  	s1 =	rddreg [dreg:$0x1]  }
0x3: {  	s2 =	rddreg [dreg:$0x2]  }
0x4: {  	s4 =	srdreg.scid;
	s10 =	stileid.u32  }
0x5: {  	s3 =	rddreg [dreg:$0x3];
	s5 =	smul.u32 $0x2800, s10  }
0x6: {  	s7 =	simm.s32 $0x0;
	s13 =	simm.s32 $0x1;
	s8 =	smul.u32 $0xA000, s10  }
0x7: {  	s14 =	simm.s32 $0x3;
	s4 =	sand.u32 $0x1, s4;
	s18 =	smul.u32 $0x2720, s10  }
0x8: {  	[smem:$0x7FF] =	sst s7;
	s9 =	sadd.s32 $0x2800, s1;
	s6 =	smul.u32 $0x28000, s4  }
0x9: {  	_ =	strace $0x8000004A;
	s15 =	ssub.s32 $0x2, s4;
	s4 =	sshll.u32 s4, $0x4  }
0xa: {  	s16 =	sshrl.u32 s15, $0x1;
	s17 =	sshrl.u32 s8, $0x2;
	s4 =	sor.u32 s10, s4  }
0xb: {  	s22 =	sadd.s32 s18, s3;
	s10 =	sshll.u32 s10, $0x4;
	s8 =	sshrl.u32 s18, $0x3  }
0xc: {  	s18 =	simm.s32 $0x7;
	s6 =	sadd.s32 s5, s6;
	s5 =	sadd.s32 s5, s2  }
0xd: {  	s7 =	sadd.s32 s17, s2;
	s0 =	sadd.s32 s0, s8;
	[dreg:$0x5] =	wrdreg s5  }
0xe: {  	s20 =	smul.u32 $0x2700, s4;
	s31 =	sshrl.u32 s22, $0x3;
	[dreg:$0xb] =	wrdreg s0  }
0xf: {  	s24 =	sadd.s32 s10, s9;
	s19 =	sadd.s32 $0x800, s7;
	[dreg:$0x11] =	wrdreg s31  }
0x10: {  	p0 =	sgt.u32 s4, $0x3;
	s11 =	sadd.s32 $0x1000, s7;
	[dreg:$0x6] =	wrdreg s19  }
0x11: {  	s22 =	simm.s32 $0x80;
	s21 =	sadd.s32 $0x1800, s7;
	[dreg:$0x7] =	wrdreg s11  }
0x12: {  	s10 =	simm.s32 $0x2;
	s7 =	sadd.s32 $0x2000, s7;
	[dreg:$0x8] =	wrdreg s21  }
0x13: {  	s6 =	sshrl.u32 s6, $0x3;
	s26 =	sadd.s32 $0x9C00, s24;
	[dreg:$0x9] =	wrdreg s7  }
0x14: {  	s28 =	sadd.s32 $0x13840, s24;
	s5 =	sshrl.u32 s20, $0x3;
	[dreg:$0xd] =	wrdreg s26  }
0x15: {  	s1 =	sadd.s32 s6, s1;
	[dreg:$0xe] =	wrdreg s28;
	s23 =	sadd.s32 s9, s5  }
0x16: {  	s6 =	ssub.s32 s15, s16;
	s29 =	sadd.s32 $0x16200, s1;
	[dreg:$0xa] =	wrdreg s23  }
0x17: {  	s0 =	simm.s32 $0x0;
	s30 =	smax.u32 s6, $0x1;
	[dreg:$0xf] =	wrdreg s29  }
0x18: {  	s15 =	simm.s32 $0x5;
	s25 =	sadd.s32 $0x9C40, s23;
	[dreg:$0x10] =	wrdreg s30  }
0x19: {  	v0 =	vimm.f32 $0.0e+00;
	v1 =	vimm.s32 $0x2710;
	s16 =	simm.s32 $0x6;
	s5 =	simm.s32 $0x4;
	[dreg:$0xc] =	wrdreg s25  }
.LBB2_1:
0x1a: {  	[dreg:$0x13] =	wrdreg s0;
	s24 =	simm.s32 $0x40;
	s26 =	simm.s32 $0x0  }
.LBB2_2:
0x1b: {  	p1 =	sne.s32 s24, $0x1FC0;
	[tilespmem:s26+$0x9F20] =	vst v0;
	s26 =	smov.u32 s24;
	s24 =	sadd.s32 $0x40, s24  }
.Ltmp0:
0x1c: {  	(pc) =	sbr.rel @p1 .LBB2_2-.Ltmp0, $2  }
0x1d: {  	_ =	sdelay $0x2  }
0x1e: {  	s26 =	sshra.s32 s26, $0x2  }
0x1f: {  	[tilespmem:s26+$0x9F20] =	vst v0;
	s1 =	rddreg [dreg:$0x5];
	s23 =	simm.s32 $0x9F20  }
0x20: {  	[spmem:s1] =	stream.linear.scatter [tilespmem:s23], [sflag:$0x7], $0x800, $0x38;
	[tilespmem:$0x18F20] =	vst v63  }
0x21: {  	_ =	swait.ge [sflag:s18], $0x800  }
0x22: {  	[sflag:s18] =	ssyncset.done $0x0  }
0x23: {  	s24 =	rddreg [dreg:$0x6];
	[sflag:s18] =	ssyncadd.s32 $0xFFFFF800  }
0x24: {  	[spmem:s24] =	stream.linear.scatter [tilespmem:s23], [sflag:$0x7], $0x800, $0x38;
	[tilespmem:$0x18F20] =	vst v63  }
0x25: {  	_ =	swait.ge [sflag:s18], $0x800  }
0x26: {  	[sflag:s18] =	ssyncset.done $0x0  }
0x27: {  	s4 =	rddreg [dreg:$0x7];
	[sflag:s18] =	ssyncadd.s32 $0xFFFFF800  }
0x28: {  	[spmem:s4] =	stream.linear.scatter [tilespmem:s23], [sflag:$0x7], $0x800, $0x38;
	[tilespmem:$0x18F20] =	vst v63  }
0x29: {  	_ =	swait.ge [sflag:s18], $0x800  }
0x2a: {  	[sflag:s18] =	ssyncset.done $0x0  }
0x2b: {  	s6 =	rddreg [dreg:$0x8];
	[sflag:s18] =	ssyncadd.s32 $0xFFFFF800  }
0x2c: {  	[spmem:s6] =	stream.linear.scatter [tilespmem:s23], [sflag:$0x7], $0x800, $0x38;
	[tilespmem:$0x18F20] =	vst v63  }
0x2d: {  	s8 =	stileid.u32;
	_ =	swait.ge [sflag:s18], $0x800  }
0x2e: {  	s24 =	sshll.u32 s8, $0x6;
	[sflag:s18] =	ssyncset.done $0x0  }
0x2f: {  	s9 =	sor.u32 $0x1C07, s24;
	s7 =	rddreg [dreg:$0x9];
	[sflag:s18] =	ssyncadd.s32 $0xFFFFF800  }
0x30: {  	[spmem:s7] =	stream.linear.scatter [tilespmem:s23], [sflag:$0x7], $0x800, $0x38;
	[tilespmem:$0x18F20] =	vst v63  }
0x31: {  	_ =	swait.ge [sflag:s18], $0x800;
	[dreg:$0x12] =	wrdreg s9  }
0x32: {  	[sflag:s18] =	ssyncset.done $0x0;
	s11 =	rddreg [dreg:$0xb]  }
0x33: {  	s28 =	rddreg [dreg:$0x11];
	[sflag:s18] =	ssyncadd.s32 $0xFFFFF800  }
0x34: {  	[spmem:s28], [sflag:s9] =	dma.local [hbm:s11], $0x4E4  }
0x35: {  	_ =	swait.ge [sflag:s18], $0x4E4  }
0x36: {  	[sflag:s18] =	ssyncset.done $0x0  }
0x37: {  	[sflag:s18] =	ssyncadd.s32 $0xFFFFFB1C  }
0x38: {  	[tilespmem:$0x7620] =	vst v1  }
0x39: {  	[tilespmem:$0x9E20] =	vst v1  }
0x3a: {  	[tilespmem:$0x7630] =	vst v1  }
0x3b: {  	[tilespmem:$0x9E30] =	vst v1  }
0x3c: {  	[tilespmem:$0x7640] =	vst v1  }
0x3d: {  	[tilespmem:$0x9E40] =	vst v1  }
0x3e: {  	[tilespmem:$0x7650] =	vst v1  }
0x3f: {  	[tilespmem:$0x9E50] =	vst v1  }
0x40: {  	[tilespmem:$0x7660] =	vst v1  }
0x41: {  	[tilespmem:$0x9E60] =	vst v1  }
0x42: {  	[tilespmem:$0x7670] =	vst v1  }
0x43: {  	[tilespmem:$0x9E70] =	vst v1  }
0x44: {  	[tilespmem:$0x7680] =	vst v1  }
0x45: {  	[tilespmem:$0x9E80] =	vst v1  }
0x46: {  	[tilespmem:$0x7690] =	vst v1  }
0x47: {  	[tilespmem:$0x9E90] =	vst v1  }
0x48: {  	[tilespmem:$0x76A0] =	vst v1  }
0x49: {  	[tilespmem:$0x9EA0] =	vst v1  }
0x4a: {  	[tilespmem:$0x76B0] =	vst v1  }
0x4b: {  	[tilespmem:$0x9EB0] =	vst v1  }
0x4c: {  	[tilespmem:$0x76C0] =	vst v1  }
0x4d: {  	[tilespmem:$0x9EC0] =	vst v1  }
0x4e: {  	[tilespmem:$0x76D0] =	vst v1  }
0x4f: {  	[tilespmem:$0x9ED0] =	vst v1  }
0x50: {  	[tilespmem:$0x76E0] =	vst v1  }
0x51: {  	[tilespmem:$0x9EE0] =	vst v1  }
0x52: {  	[tilespmem:$0x76F0] =	vst v1  }
0x53: {  	[tilespmem:$0x9EF0] =	vst v1  }
0x54: {  	[tilespmem:$0x7700] =	vst v1  }
0x55: {  	[tilespmem:$0x9F00] =	vst v1  }
0x56: {  	[tilespmem:$0x7710] =	vst v1  }
0x57: {  	s12 =	simm.s32 $0x0;
	s17 =	simm.s32 $0x4F20;
	s29 =	rddreg [dreg:$0xa];
	[tilespmem:$0x9F10] =	vst v1  }
0x58: {  	[tilespmem:s17], [sflag:$0x7] =	stream.linear.gather [hbm4b:s29+s12], $0x2700, $0x38;
	[tilespmem:$0x18F20] =	vst v63  }
0x59: {  	_ =	swait.ge [sflag:s18], $0x2700  }
0x5a: {  	[sflag:s18] =	ssyncset.done $0x0  }
0x5b: {  	[sflag:s18] =	ssyncadd.s32 $0xFFFFD900  }
0x5c: {  	s30 =	simm.s32 $0x7720;
	s19 =	rddreg [dreg:$0xc]  }
0x5d: {  	[tilespmem:s30], [sflag:$0x7] =	stream.linear.gather [hbm4b:s19+s12], $0x2700, $0x38;
	[tilespmem:$0x18F20] =	vst v63  }
0x5e: {  	_ =	swait.ge [sflag:s18], $0x2700  }
0x5f: {  	s26 =	simm.s32 @!p0 $0x0;
	[sflag:s18] =	ssyncset.done $0x0  }
0x60: {  	s29 =	simm.s32 @!p0 $0x7620;
	s31 =	rddreg [dreg:$0xd];
	[sflag:s18] =	ssyncadd.s32 $0xFFFFD900  }
0x61: {  	[tilespmem:s29], [sflag:$0x7] =	stream.linear.gather @!p0 [hbm4b:s31+s26], $0x80, $0x38;
	[tilespmem:$0x18F20] =	vst v63  }
0x62: {  	s29 =	simm.s32 @!p0 $0x7  }
0x63: {  	_ =	swait.ge @!p0 [sflag:s29], $0x80  }
0x64: {  	[sflag:s29] =	ssyncset.done @!p0 $0x0  }
0x65: {  	s31 =	simm.s32 @!p0 $0x9E20;
	s28 =	rddreg [dreg:$0xe];
	[sflag:s29] =	ssyncadd.s32 @!p0 $0xFFFFFF80  }
0x66: {  	[tilespmem:s31], [sflag:$0x7] =	stream.linear.gather @!p0 [hbm4b:s28+s26], $0x80, $0x38;
	[tilespmem:$0x18F20] =	vst v63  }
0x67: {  	_ =	swait.ge @!p0 [sflag:s29], $0x80  }
0x68: {  	[sflag:s29] =	ssyncset.done @!p0 $0x0  }
0x69: {  	[sflag:s29] =	ssyncadd.s32 @!p0 $0xFFFFFF80  }
0x6a: {  	[bflag:$0x0] =	sbarrier.arrive $0xFFFF  }
0x6b: {  	[tilespmem:s23], [sflag:$0x1] =	stream.indirect.gather [spmem:s3], $0x10, s17, s22, $0xb8;
	[tilespmem:$0x18F20] =	vst v63  }
0x6c: {  	s20 =	simm.s32 $0x4FA0;
	s26 =	simm.s32 $0xA720  }
0x6d: {  	[tilespmem:s26], [sflag:$0x1] =	stream.indirect.gather [spmem:s3], $0x10, s20, s22, $0xb8;
	[tilespmem:$0x18F20] =	vst v63  }
0x6e: {  	s21 =	simm.s32 $0x5020;
	s28 =	simm.s32 $0xAF20  }
0x6f: {  	[tilespmem:s28], [sflag:$0x1] =	stream.indirect.gather [spmem:s3], $0x10, s21, s22, $0xb8;
	[tilespmem:$0x18F20] =	vst v63  }
0x70: {  	s24 =	simm.s32 $0x50A0;
	s29 =	simm.s32 $0xB720  }
0x71: {  	[tilespmem:s29], [sflag:$0x1] =	stream.indirect.gather [spmem:s3], $0x10, s24, s22, $0xb8;
	[tilespmem:$0x18F20] =	vst v63  }
0x72: {  	s25 =	simm.s32 $0x5120;
	s31 =	simm.s32 $0xBF20  }
0x73: {  	[tilespmem:s31], [sflag:$0x1] =	stream.indirect.gather [spmem:s3], $0x10, s25, s22, $0xb8;
	[tilespmem:$0x18F20] =	vst v63  }
0x74: {  	s0 =	simm.s32 $0x51A0;
	s4 =	simm.s32 $0xC720  }
0x75: {  	[tilespmem:s4], [sflag:$0x1] =	stream.indirect.gather [spmem:s3], $0x10, s0, s22, $0xb8;
	[tilespmem:$0x18F20] =	vst v63  }
0x76: {  	s6 =	simm.s32 $0xCF20;
	s4 =	simm.s32 $0x5220  }
0x77: {  	[tilespmem:s6], [sflag:$0x1] =	stream.indirect.gather [spmem:s3], $0x10, s4, s22, $0xb8;
	[tilespmem:$0x18F20] =	vst v63  }
0x78: {  	s8 =	simm.s32 $0x52A0;
	s0 =	simm.s32 $0xD720  }
0x79: {  	[tilespmem:s0], [sflag:$0x1] =	stream.indirect.gather [spmem:s3], $0x10, s8, s22, $0xb8;
	[tilespmem:$0x18F20] =	vst v63  }
0x7a: {  	s9 =	simm.s32 $0x5320;
	s24 =	simm.s32 $0xDF20  }
0x7b: {  	[tilespmem:s24], [sflag:$0x1] =	stream.indirect.gather [spmem:s3], $0x10, s9, s22, $0xb8;
	[tilespmem:$0x18F20] =	vst v63  }
0x7c: {  	s11 =	simm.s32 $0x53A0;
	s12 =	simm.s32 $0xE720  }
0x7d: {  	[tilespmem:s12], [sflag:$0x1] =	stream.indirect.gather [spmem:s3], $0x10, s11, s22, $0xb8;
	[tilespmem:$0x18F20] =	vst v63  }
0x7e: {  	s17 =	simm.s32 $0x5420;
	s9 =	simm.s32 $0xEF20  }
0x7f: {  	[tilespmem:s9], [sflag:$0x2] =	stream.indirect.gather [spmem:s3], $0x10, s17, s22, $0xb8;
	[tilespmem:$0x18F20] =	vst v63  }
0x80: {  	s19 =	simm.s32 $0x54A0;
	s20 =	simm.s32 $0xF720  }
0x81: {  	[tilespmem:s20], [sflag:$0x2] =	stream.indirect.gather [spmem:s3], $0x10, s19, s22, $0xb8;
	[tilespmem:$0x18F20] =	vst v63  }
0x82: {  	s21 =	simm.s32 $0x5520;
	s25 =	simm.s32 $0xFF20  }
0x83: {  	[tilespmem:s25], [sflag:$0x2] =	stream.indirect.gather [spmem:s3], $0x10, s21, s22, $0xb8;
	[tilespmem:$0x18F20] =	vst v63  }
0x84: {  	s4 =	simm.s32 $0x55A0;
	s8 =	simm.s32 $0x10720  }
0x85: {  	[tilespmem:s8], [sflag:$0x2] =	stream.indirect.gather [spmem:s3], $0x10, s4, s22, $0xb8;
	[tilespmem:$0x18F20] =	vst v63  }
0x86: {  	s11 =	simm.s32 $0x10F20;
	s9 =	simm.s32 $0x5620  }
0x87: {  	[tilespmem:s11], [sflag:$0x2] =	stream.indirect.gather [spmem:s3], $0x10, s9, s22, $0xb8;
	[tilespmem:$0x18F20] =	vst v63  }
0x88: {  	s12 =	simm.s32 $0x56A0;
	s17 =	simm.s32 $0x11720  }
0x89: {  	[tilespmem:s17], [sflag:$0x2] =	stream.indirect.gather [spmem:s3], $0x10, s12, s22, $0xb8;
	[tilespmem:$0x18F20] =	vst v63  }
0x8a: {  	s19 =	simm.s32 $0x5720;
	s20 =	simm.s32 $0x11F20  }
0x8b: {  	[tilespmem:s20], [sflag:$0x2] =	stream.indirect.gather [spmem:s3], $0x10, s19, s22, $0xb8;
	[tilespmem:$0x18F20] =	vst v63  }
0x8c: {  	s21 =	simm.s32 $0x57A0;
	s25 =	simm.s32 $0x12720  }
0x8d: {  	[tilespmem:s25], [sflag:$0x2] =	stream.indirect.gather [spmem:s3], $0x10, s21, s22, $0xb8;
	[tilespmem:$0x18F20] =	vst v63  }
0x8e: {  	s4 =	simm.s32 $0x5820;
	s8 =	simm.s32 $0x12F20  }
0x8f: {  	[tilespmem:s8], [sflag:$0x2] =	stream.indirect.gather [spmem:s3], $0x10, s4, s22, $0xb8;
	[tilespmem:$0x18F20] =	vst v63  }
0x90: {  	s9 =	simm.s32 $0x58A0;
	s11 =	simm.s32 $0x13720  }
0x91: {  	[tilespmem:s11], [sflag:$0x2] =	stream.indirect.gather [spmem:s3], $0x10, s9, s22, $0xb8;
	[tilespmem:$0x18F20] =	vst v63  }
0x92: {  	_ =	swait.ge [sflag:s13], $0x800  }
0x93: {  	[sflag:s13] =	ssyncset.done $0x0  }
0x94: {  	[sflag:s13] =	ssyncadd.s32 $0xFFFFF800  }
0x95: {  	_ =	swait.ge [sflag:s13], $0x800  }
0x96: {  	[sflag:s13] =	ssyncset.done $0x0  }
0x97: {  	[sflag:s13] =	ssyncadd.s32 $0xFFFFF800  }
0x98: {  	_ =	swait.ge [sflag:s13], $0x800  }
0x99: {  	[sflag:s13] =	ssyncset.done $0x0  }
0x9a: {  	[sflag:s13] =	ssyncadd.s32 $0xFFFFF800  }
0x9b: {  	_ =	swait.ge [sflag:s13], $0x800  }
0x9c: {  	[sflag:s13] =	ssyncset.done $0x0  }
0x9d: {  	[sflag:s13] =	ssyncadd.s32 $0xFFFFF800  }
0x9e: {  	_ =	swait.ge [sflag:s13], $0x800  }
0x9f: {  	[sflag:s13] =	ssyncset.done $0x0  }
0xa0: {  	[sflag:s13] =	ssyncadd.s32 $0xFFFFF800  }
0xa1: {  	_ =	swait.ge [sflag:s13], $0x800  }
0xa2: {  	[sflag:s13] =	ssyncset.done $0x0  }
0xa3: {  	[sflag:s13] =	ssyncadd.s32 $0xFFFFF800  }
0xa4: {  	_ =	swait.ge [sflag:s13], $0x800  }
0xa5: {  	[sflag:s13] =	ssyncset.done $0x0  }
0xa6: {  	[sflag:s13] =	ssyncadd.s32 $0xFFFFF800  }
0xa7: {  	_ =	swait.ge [sflag:s13], $0x800  }
0xa8: {  	[sflag:s13] =	ssyncset.done $0x0  }
0xa9: {  	[sflag:s13] =	ssyncadd.s32 $0xFFFFF800  }
0xaa: {  	_ =	swait.ge [sflag:s13], $0x800  }
0xab: {  	[sflag:s13] =	ssyncset.done $0x0  }
0xac: {  	[sflag:s13] =	ssyncadd.s32 $0xFFFFF800  }
0xad: {  	_ =	swait.ge [sflag:s13], $0x800  }
0xae: {  	[sflag:s13] =	ssyncset.done $0x0  }
0xaf: {  	s12 =	simm.s32 $0x5920;
	s17 =	simm.s32 $0x13F20;
	[sflag:s13] =	ssyncadd.s32 $0xFFFFF800  }
0xb0: {  	[tilespmem:s17], [sflag:$0x3] =	stream.indirect.gather [spmem:s3], $0x10, s12, s22, $0xb8;
	[tilespmem:$0x18F20] =	vst v63  }
0xb1: {  	s19 =	simm.s32 $0x59A0;
	s20 =	simm.s32 $0x14720  }
0xb2: {  	[tilespmem:s20], [sflag:$0x3] =	stream.indirect.gather [spmem:s3], $0x10, s19, s22, $0xb8;
	[tilespmem:$0x18F20] =	vst v63  }
0xb3: {  	s21 =	simm.s32 $0x5A20;
	s25 =	simm.s32 $0x14F20  }
0xb4: {  	[tilespmem:s25], [sflag:$0x3] =	stream.indirect.gather [spmem:s3], $0x10, s21, s22, $0xb8;
	[tilespmem:$0x18F20] =	vst v63  }
0xb5: {  	s4 =	simm.s32 $0x5AA0;
	s8 =	simm.s32 $0x15720  }
0xb6: {  	[tilespmem:s8], [sflag:$0x3] =	stream.indirect.gather [spmem:s3], $0x10, s4, s22, $0xb8;
	[tilespmem:$0x18F20] =	vst v63  }
0xb7: {  	s9 =	simm.s32 $0x5B20;
	s11 =	simm.s32 $0x15F20  }
0xb8: {  	[tilespmem:s11], [sflag:$0x3] =	stream.indirect.gather [spmem:s3], $0x10, s9, s22, $0xb8;
	[tilespmem:$0x18F20] =	vst v63  }
0xb9: {  	s12 =	simm.s32 $0x5BA0;
	s17 =	simm.s32 $0x16720  }
0xba: {  	[tilespmem:s17], [sflag:$0x3] =	stream.indirect.gather [spmem:s3], $0x10, s12, s22, $0xb8;
	[tilespmem:$0x18F20] =	vst v63  }
0xbb: {  	s19 =	simm.s32 $0x5C20;
	s20 =	simm.s32 $0x16F20  }
0xbc: {  	[tilespmem:s20], [sflag:$0x3] =	stream.indirect.gather [spmem:s3], $0x10, s19, s22, $0xb8;
	[tilespmem:$0x18F20] =	vst v63  }
0xbd: {  	s21 =	simm.s32 $0x5CA0;
	s25 =	simm.s32 $0x17720  }
0xbe: {  	[tilespmem:s25], [sflag:$0x3] =	stream.indirect.gather [spmem:s3], $0x10, s21, s22, $0xb8;
	[tilespmem:$0x18F20] =	vst v63  }
0xbf: {  	s4 =	simm.s32 $0x5D20;
	s8 =	simm.s32 $0x17F20  }
0xc0: {  	[tilespmem:s8], [sflag:$0x3] =	stream.indirect.gather [spmem:s3], $0x10, s4, s22, $0xb8;
	[tilespmem:$0x18F20] =	vst v63  }
0xc1: {  	s9 =	simm.s32 $0x5DA0;
	s11 =	simm.s32 $0x18720  }
0xc2: {  	[tilespmem:s11], [sflag:$0x3] =	stream.indirect.gather [spmem:s3], $0x10, s9, s22, $0xb8;
	[tilespmem:$0x18F20] =	vst v63  }
0xc3: {  	_ = 	snop  }
0xc4: {  	[spmem:s2] =	stream.indirect.scatter.add.f32 [tilespmem:s23], [sflag:$0x4], $0x10, s30, s22, $0xb8;
	[tilespmem:$0x18F20] =	vst v63  }
0xc5: {  	s12 =	simm.s32 $0x77A0  }
0xc6: {  	[spmem:s2] =	stream.indirect.scatter.add.f32 [tilespmem:s26], [sflag:$0x4], $0x10, s12, s22, $0xb8;
	[tilespmem:$0x18F20] =	vst v63  }
0xc7: {  	s17 =	simm.s32 $0x7820  }
0xc8: {  	[spmem:s2] =	stream.indirect.scatter.add.f32 [tilespmem:s28], [sflag:$0x4], $0x10, s17, s22, $0xb8;
	[tilespmem:$0x18F20] =	vst v63  }
0xc9: {  	s19 =	simm.s32 $0x78A0  }
0xca: {  	[spmem:s2] =	stream.indirect.scatter.add.f32 [tilespmem:s29], [sflag:$0x4], $0x10, s19, s22, $0xb8;
	[tilespmem:$0x18F20] =	vst v63  }
0xcb: {  	s20 =	simm.s32 $0x7920  }
0xcc: {  	[spmem:s2] =	stream.indirect.scatter.add.f32 [tilespmem:s31], [sflag:$0x4], $0x10, s20, s22, $0xb8;
	[tilespmem:$0x18F20] =	vst v63  }
0xcd: {  	s7 =	simm.s32 $0xC720;
	s21 =	simm.s32 $0x79A0  }
0xce: {  	[spmem:s2] =	stream.indirect.scatter.add.f32 [tilespmem:s7], [sflag:$0x4], $0x10, s21, s22, $0xb8;
	[tilespmem:$0x18F20] =	vst v63  }
0xcf: {  	s6 =	simm.s32 $0xCF20;
	s25 =	simm.s32 $0x7A20  }
0xd0: {  	[spmem:s2] =	stream.indirect.scatter.add.f32 [tilespmem:s6], [sflag:$0x4], $0x10, s25, s22, $0xb8;
	[tilespmem:$0x18F20] =	vst v63  }
0xd1: {  	s0 =	simm.s32 $0xD720;
	s30 =	simm.s32 $0x7AA0  }
0xd2: {  	[spmem:s2] =	stream.indirect.scatter.add.f32 [tilespmem:s0], [sflag:$0x4], $0x10, s30, s22, $0xb8;
	[tilespmem:$0x18F20] =	vst v63  }
0xd3: {  	s4 =	simm.s32 $0x7B20  }
0xd4: {  	[spmem:s2] =	stream.indirect.scatter.add.f32 [tilespmem:s24], [sflag:$0x4], $0x10, s4, s22, $0xb8;
	[tilespmem:$0x18F20] =	vst v63  }
0xd5: {  	s8 =	simm.s32 $0x7BA0;
	s9 =	simm.s32 $0xE720  }
0xd6: {  	[spmem:s2] =	stream.indirect.scatter.add.f32 [tilespmem:s9], [sflag:$0x4], $0x10, s8, s22, $0xb8;
	[tilespmem:$0x18F20] =	vst v63  }
0xd7: {  	_ =	swait.ge [sflag:s10], $0x800  }
0xd8: {  	[sflag:s10] =	ssyncset.done $0x0  }
0xd9: {  	[sflag:s10] =	ssyncadd.s32 $0xFFFFF800  }
0xda: {  	_ =	swait.ge [sflag:s10], $0x800  }
0xdb: {  	[sflag:s10] =	ssyncset.done $0x0  }
0xdc: {  	[sflag:s10] =	ssyncadd.s32 $0xFFFFF800  }
0xdd: {  	_ =	swait.ge [sflag:s10], $0x800  }
0xde: {  	[sflag:s10] =	ssyncset.done $0x0  }
0xdf: {  	[sflag:s10] =	ssyncadd.s32 $0xFFFFF800  }
0xe0: {  	_ =	swait.ge [sflag:s10], $0x800  }
0xe1: {  	[sflag:s10] =	ssyncset.done $0x0  }
0xe2: {  	[sflag:s10] =	ssyncadd.s32 $0xFFFFF800  }
0xe3: {  	_ =	swait.ge [sflag:s10], $0x800  }
0xe4: {  	[sflag:s10] =	ssyncset.done $0x0  }
0xe5: {  	[sflag:s10] =	ssyncadd.s32 $0xFFFFF800  }
0xe6: {  	_ =	swait.ge [sflag:s10], $0x800  }
0xe7: {  	[sflag:s10] =	ssyncset.done $0x0  }
0xe8: {  	[sflag:s10] =	ssyncadd.s32 $0xFFFFF800  }
0xe9: {  	_ =	swait.ge [sflag:s10], $0x800  }
0xea: {  	[sflag:s10] =	ssyncset.done $0x0  }
0xeb: {  	[sflag:s10] =	ssyncadd.s32 $0xFFFFF800  }
0xec: {  	_ =	swait.ge [sflag:s10], $0x800  }
0xed: {  	[sflag:s10] =	ssyncset.done $0x0  }
0xee: {  	[sflag:s10] =	ssyncadd.s32 $0xFFFFF800  }
0xef: {  	_ =	swait.ge [sflag:s10], $0x800  }
0xf0: {  	[sflag:s10] =	ssyncset.done $0x0  }
0xf1: {  	[sflag:s10] =	ssyncadd.s32 $0xFFFFF800  }
0xf2: {  	_ =	swait.ge [sflag:s10], $0x800  }
0xf3: {  	[sflag:s10] =	ssyncset.done $0x0  }
0xf4: {  	[sflag:s10] =	ssyncadd.s32 $0xFFFFF800  }
0xf5: {  	_ =	swait.ge [sflag:s5], $0x800  }
0xf6: {  	[sflag:s5] =	ssyncset.done $0x0  }
0xf7: {  	[sflag:s5] =	ssyncadd.s32 $0xFFFFF800  }
0xf8: {  	_ =	swait.ge [sflag:s5], $0x800  }
0xf9: {  	[sflag:s5] =	ssyncset.done $0x0  }
0xfa: {  	[sflag:s5] =	ssyncadd.s32 $0xFFFFF800  }
0xfb: {  	_ =	swait.ge [sflag:s5], $0x800  }
0xfc: {  	[sflag:s5] =	ssyncset.done $0x0  }
0xfd: {  	[sflag:s5] =	ssyncadd.s32 $0xFFFFF800  }
0xfe: {  	_ =	swait.ge [sflag:s5], $0x800  }
0xff: {  	[sflag:s5] =	ssyncset.done $0x0  }
0x100: {  	[sflag:s5] =	ssyncadd.s32 $0xFFFFF800  }
0x101: {  	_ =	swait.ge [sflag:s5], $0x800  }
0x102: {  	[sflag:s5] =	ssyncset.done $0x0  }
0x103: {  	[sflag:s5] =	ssyncadd.s32 $0xFFFFF800  }
0x104: {  	_ =	swait.ge [sflag:s5], $0x800  }
0x105: {  	[sflag:s5] =	ssyncset.done $0x0  }
0x106: {  	[sflag:s5] =	ssyncadd.s32 $0xFFFFF800  }
0x107: {  	_ =	swait.ge [sflag:s5], $0x800  }
0x108: {  	[sflag:s5] =	ssyncset.done $0x0  }
0x109: {  	[sflag:s5] =	ssyncadd.s32 $0xFFFFF800  }
0x10a: {  	_ =	swait.ge [sflag:s5], $0x800  }
0x10b: {  	[sflag:s5] =	ssyncset.done $0x0  }
0x10c: {  	[sflag:s5] =	ssyncadd.s32 $0xFFFFF800  }
0x10d: {  	_ =	swait.ge [sflag:s5], $0x800  }
0x10e: {  	[sflag:s5] =	ssyncset.done $0x0  }
0x10f: {  	[sflag:s5] =	ssyncadd.s32 $0xFFFFF800  }
0x110: {  	_ =	swait.ge [sflag:s5], $0x800  }
0x111: {  	[sflag:s5] =	ssyncset.done $0x0  }
0x112: {  	s11 =	simm.s32 $0x5E20;
	[sflag:s5] =	ssyncadd.s32 $0xFFFFF800  }
0x113: {  	[tilespmem:s23], [sflag:$0x1] =	stream.indirect.gather [spmem:s3], $0x10, s11, s22, $0xb8;
	[tilespmem:$0x18F20] =	vst v63  }
0x114: {  	s12 =	simm.s32 $0x5EA0  }
0x115: {  	[tilespmem:s26], [sflag:$0x1] =	stream.indirect.gather [spmem:s3], $0x10, s12, s22, $0xb8;
	[tilespmem:$0x18F20] =	vst v63  }
0x116: {  	s17 =	simm.s32 $0x5F20  }
0x117: {  	[tilespmem:s28], [sflag:$0x1] =	stream.indirect.gather [spmem:s3], $0x10, s17, s22, $0xb8;
	[tilespmem:$0x18F20] =	vst v63  }
0x118: {  	s19 =	simm.s32 $0x5FA0  }
0x119: {  	[tilespmem:s29], [sflag:$0x1] =	stream.indirect.gather [spmem:s3], $0x10, s19, s22, $0xb8;
	[tilespmem:$0x18F20] =	vst v63  }
0x11a: {  	s20 =	simm.s32 $0x6020  }
0x11b: {  	[tilespmem:s31], [sflag:$0x1] =	stream.indirect.gather [spmem:s3], $0x10, s20, s22, $0xb8;
	[tilespmem:$0x18F20] =	vst v63  }
0x11c: {  	s7 =	simm.s32 $0xC720;
	s21 =	simm.s32 $0x60A0  }
0x11d: {  	[tilespmem:s7], [sflag:$0x1] =	stream.indirect.gather [spmem:s3], $0x10, s21, s22, $0xb8;
	[tilespmem:$0x18F20] =	vst v63  }
0x11e: {  	s6 =	simm.s32 $0xCF20;
	s25 =	simm.s32 $0x6120  }
0x11f: {  	[tilespmem:s6], [sflag:$0x1] =	stream.indirect.gather [spmem:s3], $0x10, s25, s22, $0xb8;
	[tilespmem:$0x18F20] =	vst v63  }
0x120: {  	s0 =	simm.s32 $0xD720;
	s30 =	simm.s32 $0x61A0  }
0x121: {  	[tilespmem:s0], [sflag:$0x1] =	stream.indirect.gather [spmem:s3], $0x10, s30, s22, $0xb8;
	[tilespmem:$0x18F20] =	vst v63  }
0x122: {  	s0 =	simm.s32 $0x6220  }
0x123: {  	[tilespmem:s24], [sflag:$0x1] =	stream.indirect.gather [spmem:s3], $0x10, s0, s22, $0xb8;
	[tilespmem:$0x18F20] =	vst v63  }
0x124: {  	s6 =	simm.s32 $0x62A0  }
0x125: {  	[tilespmem:s9], [sflag:$0x1] =	stream.indirect.gather [spmem:s3], $0x10, s6, s22, $0xb8;
	[tilespmem:$0x18F20] =	vst v63  }
0x126: {  	s4 =	simm.s32 $0xEF20;
	s7 =	simm.s32 $0x7C20  }
0x127: {  	[spmem:s2] =	stream.indirect.scatter.add.f32 [tilespmem:s4], [sflag:$0x5], $0x10, s7, s22, $0xb8;
	[tilespmem:$0x18F20] =	vst v63  }
0x128: {  	s8 =	simm.s32 $0x7CA0;
	s19 =	simm.s32 $0xF720  }
0x129: {  	[spmem:s2] =	stream.indirect.scatter.add.f32 [tilespmem:s19], [sflag:$0x5], $0x10, s8, s22, $0xb8;
	[tilespmem:$0x18F20] =	vst v63  }
0x12a: {  	s20 =	simm.s32 $0xFF20;
	s9 =	simm.s32 $0x7D20  }
0x12b: {  	[spmem:s2] =	stream.indirect.scatter.add.f32 [tilespmem:s20], [sflag:$0x5], $0x10, s9, s22, $0xb8;
	[tilespmem:$0x18F20] =	vst v63  }
0x12c: {  	s11 =	simm.s32 $0x7DA0;
	s21 =	simm.s32 $0x10720  }
0x12d: {  	[spmem:s2] =	stream.indirect.scatter.add.f32 [tilespmem:s21], [sflag:$0x5], $0x10, s11, s22, $0xb8;
	[tilespmem:$0x18F20] =	vst v63  }
0x12e: {  	s12 =	simm.s32 $0x7E20;
	s11 =	simm.s32 $0x10F20  }
0x12f: {  	[spmem:s2] =	stream.indirect.scatter.add.f32 [tilespmem:s11], [sflag:$0x5], $0x10, s12, s22, $0xb8;
	[tilespmem:$0x18F20] =	vst v63  }
0x130: {  	s17 =	simm.s32 $0x7EA0;
	s12 =	simm.s32 $0x11720  }
0x131: {  	[spmem:s2] =	stream.indirect.scatter.add.f32 [tilespmem:s12], [sflag:$0x5], $0x10, s17, s22, $0xb8;
	[tilespmem:$0x18F20] =	vst v63  }
0x132: {  	s25 =	simm.s32 $0x7F20;
	s17 =	simm.s32 $0x11F20  }
0x133: {  	[spmem:s2] =	stream.indirect.scatter.add.f32 [tilespmem:s17], [sflag:$0x5], $0x10, s25, s22, $0xb8;
	[tilespmem:$0x18F20] =	vst v63  }
0x134: {  	s30 =	simm.s32 $0x7FA0;
	s6 =	simm.s32 $0x12720  }
0x135: {  	[spmem:s2] =	stream.indirect.scatter.add.f32 [tilespmem:s6], [sflag:$0x5], $0x10, s30, s22, $0xb8;
	[tilespmem:$0x18F20] =	vst v63  }
0x136: {  	s0 =	simm.s32 $0x8020;
	s30 =	simm.s32 $0x12F20  }
0x137: {  	[spmem:s2] =	stream.indirect.scatter.add.f32 [tilespmem:s30], [sflag:$0x5], $0x10, s0, s22, $0xb8;
	[tilespmem:$0x18F20] =	vst v63  }
0x138: {  	s7 =	simm.s32 $0x80A0;
	s0 =	simm.s32 $0x13720  }
0x139: {  	[spmem:s2] =	stream.indirect.scatter.add.f32 [tilespmem:s0], [sflag:$0x5], $0x10, s7, s22, $0xb8;
	[tilespmem:$0x18F20] =	vst v63  }
0x13a: {  	_ =	swait.ge [sflag:s14], $0x800  }
0x13b: {  	[sflag:s14] =	ssyncset.done $0x0  }
0x13c: {  	[sflag:s14] =	ssyncadd.s32 $0xFFFFF800  }
0x13d: {  	_ =	swait.ge [sflag:s14], $0x800  }
0x13e: {  	[sflag:s14] =	ssyncset.done $0x0  }
0x13f: {  	[sflag:s14] =	ssyncadd.s32 $0xFFFFF800  }
0x140: {  	_ =	swait.ge [sflag:s14], $0x800  }
0x141: {  	[sflag:s14] =	ssyncset.done $0x0  }
0x142: {  	[sflag:s14] =	ssyncadd.s32 $0xFFFFF800  }
0x143: {  	_ =	swait.ge [sflag:s14], $0x800  }
0x144: {  	[sflag:s14] =	ssyncset.done $0x0  }
0x145: {  	[sflag:s14] =	ssyncadd.s32 $0xFFFFF800  }
0x146: {  	_ =	swait.ge [sflag:s14], $0x800  }
0x147: {  	[sflag:s14] =	ssyncset.done $0x0  }
0x148: {  	[sflag:s14] =	ssyncadd.s32 $0xFFFFF800  }
0x149: {  	_ =	swait.ge [sflag:s14], $0x800  }
0x14a: {  	[sflag:s14] =	ssyncset.done $0x0  }
0x14b: {  	[sflag:s14] =	ssyncadd.s32 $0xFFFFF800  }
0x14c: {  	_ =	swait.ge [sflag:s14], $0x800  }
0x14d: {  	[sflag:s14] =	ssyncset.done $0x0  }
0x14e: {  	[sflag:s14] =	ssyncadd.s32 $0xFFFFF800  }
0x14f: {  	_ =	swait.ge [sflag:s14], $0x800  }
0x150: {  	[sflag:s14] =	ssyncset.done $0x0  }
0x151: {  	[sflag:s14] =	ssyncadd.s32 $0xFFFFF800  }
0x152: {  	_ =	swait.ge [sflag:s14], $0x800  }
0x153: {  	[sflag:s14] =	ssyncset.done $0x0  }
0x154: {  	[sflag:s14] =	ssyncadd.s32 $0xFFFFF800  }
0x155: {  	_ =	swait.ge [sflag:s14], $0x800  }
0x156: {  	[sflag:s14] =	ssyncset.done $0x0  }
0x157: {  	[sflag:s14] =	ssyncadd.s32 $0xFFFFF800  }
0x158: {  	_ =	swait.ge [sflag:s15], $0x800  }
0x159: {  	[sflag:s15] =	ssyncset.done $0x0  }
0x15a: {  	[sflag:s15] =	ssyncadd.s32 $0xFFFFF800  }
0x15b: {  	_ =	swait.ge [sflag:s15], $0x800  }
0x15c: {  	[sflag:s15] =	ssyncset.done $0x0  }
0x15d: {  	[sflag:s15] =	ssyncadd.s32 $0xFFFFF800  }
0x15e: {  	_ =	swait.ge [sflag:s15], $0x800  }
0x15f: {  	[sflag:s15] =	ssyncset.done $0x0  }
0x160: {  	[sflag:s15] =	ssyncadd.s32 $0xFFFFF800  }
0x161: {  	_ =	swait.ge [sflag:s15], $0x800  }
0x162: {  	[sflag:s15] =	ssyncset.done $0x0  }
0x163: {  	[sflag:s15] =	ssyncadd.s32 $0xFFFFF800  }
0x164: {  	_ =	swait.ge [sflag:s15], $0x800  }
0x165: {  	[sflag:s15] =	ssyncset.done $0x0  }
0x166: {  	[sflag:s15] =	ssyncadd.s32 $0xFFFFF800  }
0x167: {  	_ =	swait.ge [sflag:s15], $0x800  }
0x168: {  	[sflag:s15] =	ssyncset.done $0x0  }
0x169: {  	[sflag:s15] =	ssyncadd.s32 $0xFFFFF800  }
0x16a: {  	_ =	swait.ge [sflag:s15], $0x800  }
0x16b: {  	[sflag:s15] =	ssyncset.done $0x0  }
0x16c: {  	[sflag:s15] =	ssyncadd.s32 $0xFFFFF800  }
0x16d: {  	_ =	swait.ge [sflag:s15], $0x800  }
0x16e: {  	[sflag:s15] =	ssyncset.done $0x0  }
0x16f: {  	[sflag:s15] =	ssyncadd.s32 $0xFFFFF800  }
0x170: {  	_ =	swait.ge [sflag:s15], $0x800  }
0x171: {  	[sflag:s15] =	ssyncset.done $0x0  }
0x172: {  	[sflag:s15] =	ssyncadd.s32 $0xFFFFF800  }
0x173: {  	_ =	swait.ge [sflag:s15], $0x800  }
0x174: {  	[sflag:s15] =	ssyncset.done $0x0  }
0x175: {  	s8 =	simm.s32 $0x6320;
	[sflag:s15] =	ssyncadd.s32 $0xFFFFF800  }
0x176: {  	[tilespmem:s4], [sflag:$0x2] =	stream.indirect.gather [spmem:s3], $0x10, s8, s22, $0xb8;
	[tilespmem:$0x18F20] =	vst v63  }
0x177: {  	s9 =	simm.s32 $0x63A0  }
0x178: {  	[tilespmem:s19], [sflag:$0x2] =	stream.indirect.gather [spmem:s3], $0x10, s9, s22, $0xb8;
	[tilespmem:$0x18F20] =	vst v63  }
0x179: {  	s19 =	simm.s32 $0x6420  }
0x17a: {  	[tilespmem:s20], [sflag:$0x2] =	stream.indirect.gather [spmem:s3], $0x10, s19, s22, $0xb8;
	[tilespmem:$0x18F20] =	vst v63  }
0x17b: {  	s25 =	simm.s32 $0x64A0  }
0x17c: {  	[tilespmem:s21], [sflag:$0x2] =	stream.indirect.gather [spmem:s3], $0x10, s25, s22, $0xb8;
	[tilespmem:$0x18F20] =	vst v63  }
0x17d: {  	s4 =	simm.s32 $0x6520  }
0x17e: {  	[tilespmem:s11], [sflag:$0x2] =	stream.indirect.gather [spmem:s3], $0x10, s4, s22, $0xb8;
	[tilespmem:$0x18F20] =	vst v63  }
0x17f: {  	s7 =	simm.s32 $0x65A0  }
0x180: {  	[tilespmem:s12], [sflag:$0x2] =	stream.indirect.gather [spmem:s3], $0x10, s7, s22, $0xb8;
	[tilespmem:$0x18F20] =	vst v63  }
0x181: {  	s8 =	simm.s32 $0x6620  }
0x182: {  	[tilespmem:s17], [sflag:$0x2] =	stream.indirect.gather [spmem:s3], $0x10, s8, s22, $0xb8;
	[tilespmem:$0x18F20] =	vst v63  }
0x183: {  	s9 =	simm.s32 $0x66A0  }
0x184: {  	[tilespmem:s6], [sflag:$0x2] =	stream.indirect.gather [spmem:s3], $0x10, s9, s22, $0xb8;
	[tilespmem:$0x18F20] =	vst v63  }
0x185: {  	s11 =	simm.s32 $0x6720  }
0x186: {  	[tilespmem:s30], [sflag:$0x2] =	stream.indirect.gather [spmem:s3], $0x10, s11, s22, $0xb8;
	[tilespmem:$0x18F20] =	vst v63  }
0x187: {  	s12 =	simm.s32 $0x67A0  }
0x188: {  	[tilespmem:s0], [sflag:$0x2] =	stream.indirect.gather [spmem:s3], $0x10, s12, s22, $0xb8;
	[tilespmem:$0x18F20] =	vst v63  }
0x189: {  	s17 =	simm.s32 $0x8120;
	s6 =	simm.s32 $0x13F20  }
0x18a: {  	[spmem:s2] =	stream.indirect.scatter.add.f32 [tilespmem:s6], [sflag:$0x6], $0x10, s17, s22, $0xb8;
	[tilespmem:$0x18F20] =	vst v63  }
0x18b: {  	s19 =	simm.s32 $0x81A0;
	s17 =	simm.s32 $0x14720  }
0x18c: {  	[spmem:s2] =	stream.indirect.scatter.add.f32 [tilespmem:s17], [sflag:$0x6], $0x10, s19, s22, $0xb8;
	[tilespmem:$0x18F20] =	vst v63  }
0x18d: {  	s20 =	simm.s32 $0x8220;
	s21 =	simm.s32 $0x14F20  }
0x18e: {  	[spmem:s2] =	stream.indirect.scatter.add.f32 [tilespmem:s21], [sflag:$0x6], $0x10, s20, s22, $0xb8;
	[tilespmem:$0x18F20] =	vst v63  }
0x18f: {  	s25 =	simm.s32 $0x82A0;
	s7 =	simm.s32 $0x15720  }
0x190: {  	[spmem:s2] =	stream.indirect.scatter.add.f32 [tilespmem:s7], [sflag:$0x6], $0x10, s25, s22, $0xb8;
	[tilespmem:$0x18F20] =	vst v63  }
0x191: {  	s8 =	simm.s32 $0x15F20;
	s0 =	simm.s32 $0x8320  }
0x192: {  	[spmem:s2] =	stream.indirect.scatter.add.f32 [tilespmem:s8], [sflag:$0x6], $0x10, s0, s22, $0xb8;
	[tilespmem:$0x18F20] =	vst v63  }
0x193: {  	s4 =	simm.s32 $0x83A0;
	s25 =	simm.s32 $0x16720  }
0x194: {  	[spmem:s2] =	stream.indirect.scatter.add.f32 [tilespmem:s25], [sflag:$0x6], $0x10, s4, s22, $0xb8;
	[tilespmem:$0x18F20] =	vst v63  }
0x195: {  	s9 =	simm.s32 $0x8420;
	s0 =	simm.s32 $0x16F20  }
0x196: {  	[spmem:s2] =	stream.indirect.scatter.add.f32 [tilespmem:s0], [sflag:$0x6], $0x10, s9, s22, $0xb8;
	[tilespmem:$0x18F20] =	vst v63  }
0x197: {  	s11 =	simm.s32 $0x84A0;
	s4 =	simm.s32 $0x17720  }
0x198: {  	[spmem:s2] =	stream.indirect.scatter.add.f32 [tilespmem:s4], [sflag:$0x6], $0x10, s11, s22, $0xb8;
	[tilespmem:$0x18F20] =	vst v63  }
0x199: {  	s12 =	simm.s32 $0x8520;
	s9 =	simm.s32 $0x17F20  }
0x19a: {  	[spmem:s2] =	stream.indirect.scatter.add.f32 [tilespmem:s9], [sflag:$0x6], $0x10, s12, s22, $0xb8;
	[tilespmem:$0x18F20] =	vst v63  }
0x19b: {  	s19 =	simm.s32 $0x85A0;
	s11 =	simm.s32 $0x18720  }
0x19c: {  	[spmem:s2] =	stream.indirect.scatter.add.f32 [tilespmem:s11], [sflag:$0x6], $0x10, s19, s22, $0xb8;
	[tilespmem:$0x18F20] =	vst v63  }
0x19d: {  	_ =	swait.ge [sflag:s13], $0x800  }
0x19e: {  	[sflag:s13] =	ssyncset.done $0x0  }
0x19f: {  	[sflag:s13] =	ssyncadd.s32 $0xFFFFF800  }
0x1a0: {  	_ =	swait.ge [sflag:s13], $0x800  }
0x1a1: {  	[sflag:s13] =	ssyncset.done $0x0  }
0x1a2: {  	[sflag:s13] =	ssyncadd.s32 $0xFFFFF800  }
0x1a3: {  	_ =	swait.ge [sflag:s13], $0x800  }
0x1a4: {  	[sflag:s13] =	ssyncset.done $0x0  }
0x1a5: {  	[sflag:s13] =	ssyncadd.s32 $0xFFFFF800  }
0x1a6: {  	_ =	swait.ge [sflag:s13], $0x800  }
0x1a7: {  	[sflag:s13] =	ssyncset.done $0x0  }
0x1a8: {  	[sflag:s13] =	ssyncadd.s32 $0xFFFFF800  }
0x1a9: {  	_ =	swait.ge [sflag:s13], $0x800  }
0x1aa: {  	[sflag:s13] =	ssyncset.done $0x0  }
0x1ab: {  	[sflag:s13] =	ssyncadd.s32 $0xFFFFF800  }
0x1ac: {  	_ =	swait.ge [sflag:s13], $0x800  }
0x1ad: {  	[sflag:s13] =	ssyncset.done $0x0  }
0x1ae: {  	[sflag:s13] =	ssyncadd.s32 $0xFFFFF800  }
0x1af: {  	_ =	swait.ge [sflag:s13], $0x800  }
0x1b0: {  	[sflag:s13] =	ssyncset.done $0x0  }
0x1b1: {  	[sflag:s13] =	ssyncadd.s32 $0xFFFFF800  }
0x1b2: {  	_ =	swait.ge [sflag:s13], $0x800  }
0x1b3: {  	[sflag:s13] =	ssyncset.done $0x0  }
0x1b4: {  	[sflag:s13] =	ssyncadd.s32 $0xFFFFF800  }
0x1b5: {  	_ =	swait.ge [sflag:s13], $0x800  }
0x1b6: {  	[sflag:s13] =	ssyncset.done $0x0  }
0x1b7: {  	[sflag:s13] =	ssyncadd.s32 $0xFFFFF800  }
0x1b8: {  	_ =	swait.ge [sflag:s13], $0x800  }
0x1b9: {  	[sflag:s13] =	ssyncset.done $0x0  }
0x1ba: {  	[sflag:s13] =	ssyncadd.s32 $0xFFFFF800  }
0x1bb: {  	_ =	swait.ge [sflag:s16], $0x800  }
0x1bc: {  	[sflag:s16] =	ssyncset.done $0x0  }
0x1bd: {  	[sflag:s16] =	ssyncadd.s32 $0xFFFFF800  }
0x1be: {  	_ =	swait.ge [sflag:s16], $0x800  }
0x1bf: {  	[sflag:s16] =	ssyncset.done $0x0  }
0x1c0: {  	[sflag:s16] =	ssyncadd.s32 $0xFFFFF800  }
0x1c1: {  	_ =	swait.ge [sflag:s16], $0x800  }
0x1c2: {  	[sflag:s16] =	ssyncset.done $0x0  }
0x1c3: {  	[sflag:s16] =	ssyncadd.s32 $0xFFFFF800  }
0x1c4: {  	_ =	swait.ge [sflag:s16], $0x800  }
0x1c5: {  	[sflag:s16] =	ssyncset.done $0x0  }
0x1c6: {  	[sflag:s16] =	ssyncadd.s32 $0xFFFFF800  }
0x1c7: {  	_ =	swait.ge [sflag:s16], $0x800  }
0x1c8: {  	[sflag:s16] =	ssyncset.done $0x0  }
0x1c9: {  	[sflag:s16] =	ssyncadd.s32 $0xFFFFF800  }
0x1ca: {  	_ =	swait.ge [sflag:s16], $0x800  }
0x1cb: {  	[sflag:s16] =	ssyncset.done $0x0  }
0x1cc: {  	[sflag:s16] =	ssyncadd.s32 $0xFFFFF800  }
0x1cd: {  	_ =	swait.ge [sflag:s16], $0x800  }
0x1ce: {  	[sflag:s16] =	ssyncset.done $0x0  }
0x1cf: {  	[sflag:s16] =	ssyncadd.s32 $0xFFFFF800  }
0x1d0: {  	_ =	swait.ge [sflag:s16], $0x800  }
0x1d1: {  	[sflag:s16] =	ssyncset.done $0x0  }
0x1d2: {  	[sflag:s16] =	ssyncadd.s32 $0xFFFFF800  }
0x1d3: {  	_ =	swait.ge [sflag:s16], $0x800  }
0x1d4: {  	[sflag:s16] =	ssyncset.done $0x0  }
0x1d5: {  	[sflag:s16] =	ssyncadd.s32 $0xFFFFF800  }
0x1d6: {  	_ =	swait.ge [sflag:s16], $0x800  }
0x1d7: {  	[sflag:s16] =	ssyncset.done $0x0  }
0x1d8: {  	s20 =	simm.s32 $0x6820;
	[sflag:s16] =	ssyncadd.s32 $0xFFFFF800  }
0x1d9: {  	[tilespmem:s6], [sflag:$0x3] =	stream.indirect.gather [spmem:s3], $0x10, s20, s22, $0xb8;
	[tilespmem:$0x18F20] =	vst v63  }
0x1da: {  	s12 =	simm.s32 $0x68A0  }
0x1db: {  	[tilespmem:s17], [sflag:$0x3] =	stream.indirect.gather [spmem:s3], $0x10, s12, s22, $0xb8;
	[tilespmem:$0x18F20] =	vst v63  }
0x1dc: {  	s17 =	simm.s32 $0x6920  }
0x1dd: {  	[tilespmem:s21], [sflag:$0x3] =	stream.indirect.gather [spmem:s3], $0x10, s17, s22, $0xb8;
	[tilespmem:$0x18F20] =	vst v63  }
0x1de: {  	s19 =	simm.s32 $0x69A0  }
0x1df: {  	[tilespmem:s7], [sflag:$0x3] =	stream.indirect.gather [spmem:s3], $0x10, s19, s22, $0xb8;
	[tilespmem:$0x18F20] =	vst v63  }
0x1e0: {  	s20 =	simm.s32 $0x6A20  }
0x1e1: {  	[tilespmem:s8], [sflag:$0x3] =	stream.indirect.gather [spmem:s3], $0x10, s20, s22, $0xb8;
	[tilespmem:$0x18F20] =	vst v63  }
0x1e2: {  	s21 =	simm.s32 $0x6AA0  }
0x1e3: {  	[tilespmem:s25], [sflag:$0x3] =	stream.indirect.gather [spmem:s3], $0x10, s21, s22, $0xb8;
	[tilespmem:$0x18F20] =	vst v63  }
0x1e4: {  	s6 =	simm.s32 $0x6B20  }
0x1e5: {  	[tilespmem:s0], [sflag:$0x3] =	stream.indirect.gather [spmem:s3], $0x10, s6, s22, $0xb8;
	[tilespmem:$0x18F20] =	vst v63  }
0x1e6: {  	s7 =	simm.s32 $0x6BA0  }
0x1e7: {  	[tilespmem:s4], [sflag:$0x3] =	stream.indirect.gather [spmem:s3], $0x10, s7, s22, $0xb8;
	[tilespmem:$0x18F20] =	vst v63  }
0x1e8: {  	s8 =	simm.s32 $0x6C20  }
0x1e9: {  	[tilespmem:s9], [sflag:$0x3] =	stream.indirect.gather [spmem:s3], $0x10, s8, s22, $0xb8;
	[tilespmem:$0x18F20] =	vst v63  }
0x1ea: {  	s9 =	simm.s32 $0x6CA0  }
0x1eb: {  	[tilespmem:s11], [sflag:$0x3] =	stream.indirect.gather [spmem:s3], $0x10, s9, s22, $0xb8;
	[tilespmem:$0x18F20] =	vst v63  }
0x1ec: {  	s11 =	simm.s32 $0x8620  }
0x1ed: {  	[spmem:s2] =	stream.indirect.scatter.add.f32 [tilespmem:s23], [sflag:$0x4], $0x10, s11, s22, $0xb8;
	[tilespmem:$0x18F20] =	vst v63  }
0x1ee: {  	s12 =	simm.s32 $0x86A0  }
0x1ef: {  	[spmem:s2] =	stream.indirect.scatter.add.f32 [tilespmem:s26], [sflag:$0x4], $0x10, s12, s22, $0xb8;
	[tilespmem:$0x18F20] =	vst v63  }
0x1f0: {  	s17 =	simm.s32 $0x8720  }
0x1f1: {  	[spmem:s2] =	stream.indirect.scatter.add.f32 [tilespmem:s28], [sflag:$0x4], $0x10, s17, s22, $0xb8;
	[tilespmem:$0x18F20] =	vst v63  }
0x1f2: {  	s19 =	simm.s32 $0x87A0  }
0x1f3: {  	[spmem:s2] =	stream.indirect.scatter.add.f32 [tilespmem:s29], [sflag:$0x4], $0x10, s19, s22, $0xb8;
	[tilespmem:$0x18F20] =	vst v63  }
0x1f4: {  	s20 =	simm.s32 $0x8820  }
0x1f5: {  	[spmem:s2] =	stream.indirect.scatter.add.f32 [tilespmem:s31], [sflag:$0x4], $0x10, s20, s22, $0xb8;
	[tilespmem:$0x18F20] =	vst v63  }
0x1f6: {  	s21 =	simm.s32 $0x88A0;
	s6 =	simm.s32 $0xC720  }
0x1f7: {  	[spmem:s2] =	stream.indirect.scatter.add.f32 [tilespmem:s6], [sflag:$0x4], $0x10, s21, s22, $0xb8;
	[tilespmem:$0x18F20] =	vst v63  }
0x1f8: {  	s25 =	simm.s32 $0x8920;
	s4 =	simm.s32 $0xCF20  }
0x1f9: {  	[spmem:s2] =	stream.indirect.scatter.add.f32 [tilespmem:s4], [sflag:$0x4], $0x10, s25, s22, $0xb8;
	[tilespmem:$0x18F20] =	vst v63  }
0x1fa: {  	s0 =	simm.s32 $0x89A0;
	s7 =	simm.s32 $0xD720  }
0x1fb: {  	[spmem:s2] =	stream.indirect.scatter.add.f32 [tilespmem:s7], [sflag:$0x4], $0x10, s0, s22, $0xb8;
	[tilespmem:$0x18F20] =	vst v63  }
0x1fc: {  	s8 =	simm.s32 $0x8A20  }
0x1fd: {  	[spmem:s2] =	stream.indirect.scatter.add.f32 [tilespmem:s24], [sflag:$0x4], $0x10, s8, s22, $0xb8;
	[tilespmem:$0x18F20] =	vst v63  }
0x1fe: {  	s9 =	simm.s32 $0x8AA0;
	s11 =	simm.s32 $0xE720  }
0x1ff: {  	[spmem:s2] =	stream.indirect.scatter.add.f32 [tilespmem:s11], [sflag:$0x4], $0x10, s9, s22, $0xb8;
	[tilespmem:$0x18F20] =	vst v63  }
0x200: {  	_ =	swait.ge [sflag:s10], $0x800  }
0x201: {  	[sflag:s10] =	ssyncset.done $0x0  }
0x202: {  	[sflag:s10] =	ssyncadd.s32 $0xFFFFF800  }
0x203: {  	_ =	swait.ge [sflag:s10], $0x800  }
0x204: {  	[sflag:s10] =	ssyncset.done $0x0  }
0x205: {  	[sflag:s10] =	ssyncadd.s32 $0xFFFFF800  }
0x206: {  	_ =	swait.ge [sflag:s10], $0x800  }
0x207: {  	[sflag:s10] =	ssyncset.done $0x0  }
0x208: {  	[sflag:s10] =	ssyncadd.s32 $0xFFFFF800  }
0x209: {  	_ =	swait.ge [sflag:s10], $0x800  }
0x20a: {  	[sflag:s10] =	ssyncset.done $0x0  }
0x20b: {  	[sflag:s10] =	ssyncadd.s32 $0xFFFFF800  }
0x20c: {  	_ =	swait.ge [sflag:s10], $0x800  }
0x20d: {  	[sflag:s10] =	ssyncset.done $0x0  }
0x20e: {  	[sflag:s10] =	ssyncadd.s32 $0xFFFFF800  }
0x20f: {  	_ =	swait.ge [sflag:s10], $0x800  }
0x210: {  	[sflag:s10] =	ssyncset.done $0x0  }
0x211: {  	[sflag:s10] =	ssyncadd.s32 $0xFFFFF800  }
0x212: {  	_ =	swait.ge [sflag:s10], $0x800  }
0x213: {  	[sflag:s10] =	ssyncset.done $0x0  }
0x214: {  	[sflag:s10] =	ssyncadd.s32 $0xFFFFF800  }
0x215: {  	_ =	swait.ge [sflag:s10], $0x800  }
0x216: {  	[sflag:s10] =	ssyncset.done $0x0  }
0x217: {  	[sflag:s10] =	ssyncadd.s32 $0xFFFFF800  }
0x218: {  	_ =	swait.ge [sflag:s10], $0x800  }
0x219: {  	[sflag:s10] =	ssyncset.done $0x0  }
0x21a: {  	[sflag:s10] =	ssyncadd.s32 $0xFFFFF800  }
0x21b: {  	_ =	swait.ge [sflag:s10], $0x800  }
0x21c: {  	[sflag:s10] =	ssyncset.done $0x0  }
0x21d: {  	[sflag:s10] =	ssyncadd.s32 $0xFFFFF800  }
0x21e: {  	_ =	swait.ge [sflag:s5], $0x800  }
0x21f: {  	[sflag:s5] =	ssyncset.done $0x0  }
0x220: {  	[sflag:s5] =	ssyncadd.s32 $0xFFFFF800  }
0x221: {  	_ =	swait.ge [sflag:s5], $0x800  }
0x222: {  	[sflag:s5] =	ssyncset.done $0x0  }
0x223: {  	[sflag:s5] =	ssyncadd.s32 $0xFFFFF800  }
0x224: {  	_ =	swait.ge [sflag:s5], $0x800  }
0x225: {  	[sflag:s5] =	ssyncset.done $0x0  }
0x226: {  	[sflag:s5] =	ssyncadd.s32 $0xFFFFF800  }
0x227: {  	_ =	swait.ge [sflag:s5], $0x800  }
0x228: {  	[sflag:s5] =	ssyncset.done $0x0  }
0x229: {  	[sflag:s5] =	ssyncadd.s32 $0xFFFFF800  }
0x22a: {  	_ =	swait.ge [sflag:s5], $0x800  }
0x22b: {  	[sflag:s5] =	ssyncset.done $0x0  }
0x22c: {  	[sflag:s5] =	ssyncadd.s32 $0xFFFFF800  }
0x22d: {  	_ =	swait.ge [sflag:s5], $0x800  }
0x22e: {  	[sflag:s5] =	ssyncset.done $0x0  }
0x22f: {  	[sflag:s5] =	ssyncadd.s32 $0xFFFFF800  }
0x230: {  	_ =	swait.ge [sflag:s5], $0x800  }
0x231: {  	[sflag:s5] =	ssyncset.done $0x0  }
0x232: {  	[sflag:s5] =	ssyncadd.s32 $0xFFFFF800  }
0x233: {  	_ =	swait.ge [sflag:s5], $0x800  }
0x234: {  	[sflag:s5] =	ssyncset.done $0x0  }
0x235: {  	[sflag:s5] =	ssyncadd.s32 $0xFFFFF800  }
0x236: {  	_ =	swait.ge [sflag:s5], $0x800  }
0x237: {  	[sflag:s5] =	ssyncset.done $0x0  }
0x238: {  	[sflag:s5] =	ssyncadd.s32 $0xFFFFF800  }
0x239: {  	_ =	swait.ge [sflag:s5], $0x800  }
0x23a: {  	[sflag:s5] =	ssyncset.done $0x0  }
0x23b: {  	s12 =	simm.s32 $0x6D20;
	[sflag:s5] =	ssyncadd.s32 $0xFFFFF800  }
0x23c: {  	[tilespmem:s23], [sflag:$0x1] =	stream.indirect.gather [spmem:s3], $0x10, s12, s22, $0xb8;
	[tilespmem:$0x18F20] =	vst v63  }
0x23d: {  	s17 =	simm.s32 $0x6DA0  }
0x23e: {  	[tilespmem:s26], [sflag:$0x1] =	stream.indirect.gather [spmem:s3], $0x10, s17, s22, $0xb8;
	[tilespmem:$0x18F20] =	vst v63  }
0x23f: {  	s19 =	simm.s32 $0x6E20  }
0x240: {  	[tilespmem:s28], [sflag:$0x1] =	stream.indirect.gather [spmem:s3], $0x10, s19, s22, $0xb8;
	[tilespmem:$0x18F20] =	vst v63  }
0x241: {  	s20 =	simm.s32 $0x6EA0  }
0x242: {  	[tilespmem:s29], [sflag:$0x1] =	stream.indirect.gather [spmem:s3], $0x10, s20, s22, $0xb8;
	[tilespmem:$0x18F20] =	vst v63  }
0x243: {  	s21 =	simm.s32 $0x6F20  }
0x244: {  	[tilespmem:s31], [sflag:$0x1] =	stream.indirect.gather [spmem:s3], $0x10, s21, s22, $0xb8;
	[tilespmem:$0x18F20] =	vst v63  }
0x245: {  	s25 =	simm.s32 $0x6FA0  }
0x246: {  	[tilespmem:s6], [sflag:$0x1] =	stream.indirect.gather [spmem:s3], $0x10, s25, s22, $0xb8;
	[tilespmem:$0x18F20] =	vst v63  }
0x247: {  	s0 =	simm.s32 $0x7020  }
0x248: {  	[tilespmem:s4], [sflag:$0x1] =	stream.indirect.gather [spmem:s3], $0x10, s0, s22, $0xb8;
	[tilespmem:$0x18F20] =	vst v63  }
0x249: {  	s6 =	simm.s32 $0x70A0  }
0x24a: {  	[tilespmem:s7], [sflag:$0x1] =	stream.indirect.gather [spmem:s3], $0x10, s6, s22, $0xb8;
	[tilespmem:$0x18F20] =	vst v63  }
0x24b: {  	s8 =	simm.s32 $0x7120  }
0x24c: {  	[tilespmem:s24], [sflag:$0x1] =	stream.indirect.gather [spmem:s3], $0x10, s8, s22, $0xb8;
	[tilespmem:$0x18F20] =	vst v63  }
0x24d: {  	s9 =	simm.s32 $0x71A0  }
0x24e: {  	[tilespmem:s11], [sflag:$0x1] =	stream.indirect.gather [spmem:s3], $0x10, s9, s22, $0xb8;
	[tilespmem:$0x18F20] =	vst v63  }
0x24f: {  	s12 =	simm.s32 $0x8B20;
	s9 =	simm.s32 $0xEF20  }
0x250: {  	[spmem:s2] =	stream.indirect.scatter.add.f32 [tilespmem:s9], [sflag:$0x5], $0x10, s12, s22, $0xb8;
	[tilespmem:$0x18F20] =	vst v63  }
0x251: {  	s17 =	simm.s32 $0x8BA0;
	s4 =	simm.s32 $0xF720  }
0x252: {  	[spmem:s2] =	stream.indirect.scatter.add.f32 [tilespmem:s4], [sflag:$0x5], $0x10, s17, s22, $0xb8;
	[tilespmem:$0x18F20] =	vst v63  }
0x253: {  	s19 =	simm.s32 $0x8C20;
	s7 =	simm.s32 $0xFF20  }
0x254: {  	[spmem:s2] =	stream.indirect.scatter.add.f32 [tilespmem:s7], [sflag:$0x5], $0x10, s19, s22, $0xb8;
	[tilespmem:$0x18F20] =	vst v63  }
0x255: {  	s0 =	simm.s32 $0x8CA0;
	s12 =	simm.s32 $0x10720  }
0x256: {  	[spmem:s2] =	stream.indirect.scatter.add.f32 [tilespmem:s12], [sflag:$0x5], $0x10, s0, s22, $0xb8;
	[tilespmem:$0x18F20] =	vst v63  }
0x257: {  	s6 =	simm.s32 $0x8D20;
	s11 =	simm.s32 $0x10F20  }
0x258: {  	[spmem:s2] =	stream.indirect.scatter.add.f32 [tilespmem:s11], [sflag:$0x5], $0x10, s6, s22, $0xb8;
	[tilespmem:$0x18F20] =	vst v63  }
0x259: {  	s8 =	simm.s32 $0x8DA0;
	s6 =	simm.s32 $0x11720  }
0x25a: {  	[spmem:s2] =	stream.indirect.scatter.add.f32 [tilespmem:s6], [sflag:$0x5], $0x10, s8, s22, $0xb8;
	[tilespmem:$0x18F20] =	vst v63  }
0x25b: {  	s17 =	simm.s32 $0x8E20;
	s8 =	simm.s32 $0x11F20  }
0x25c: {  	[spmem:s2] =	stream.indirect.scatter.add.f32 [tilespmem:s8], [sflag:$0x5], $0x10, s17, s22, $0xb8;
	[tilespmem:$0x18F20] =	vst v63  }
0x25d: {  	s19 =	simm.s32 $0x8EA0;
	s17 =	simm.s32 $0x12720  }
0x25e: {  	[spmem:s2] =	stream.indirect.scatter.add.f32 [tilespmem:s17], [sflag:$0x5], $0x10, s19, s22, $0xb8;
	[tilespmem:$0x18F20] =	vst v63  }
0x25f: {  	s0 =	simm.s32 $0x8F20  }
0x260: {  	[spmem:s2] =	stream.indirect.scatter.add.f32 [tilespmem:s30], [sflag:$0x5], $0x10, s0, s22, $0xb8;
	[tilespmem:$0x18F20] =	vst v63  }
0x261: {  	s19 =	simm.s32 $0x8FA0;
	s0 =	simm.s32 $0x13720  }
0x262: {  	[spmem:s2] =	stream.indirect.scatter.add.f32 [tilespmem:s0], [sflag:$0x5], $0x10, s19, s22, $0xb8;
	[tilespmem:$0x18F20] =	vst v63  }
0x263: {  	_ =	swait.ge [sflag:s14], $0x800  }
0x264: {  	[sflag:s14] =	ssyncset.done $0x0  }
0x265: {  	[sflag:s14] =	ssyncadd.s32 $0xFFFFF800  }
0x266: {  	_ =	swait.ge [sflag:s14], $0x800  }
0x267: {  	[sflag:s14] =	ssyncset.done $0x0  }
0x268: {  	[sflag:s14] =	ssyncadd.s32 $0xFFFFF800  }
0x269: {  	_ =	swait.ge [sflag:s14], $0x800  }
0x26a: {  	[sflag:s14] =	ssyncset.done $0x0  }
0x26b: {  	[sflag:s14] =	ssyncadd.s32 $0xFFFFF800  }
0x26c: {  	_ =	swait.ge [sflag:s14], $0x800  }
0x26d: {  	[sflag:s14] =	ssyncset.done $0x0  }
0x26e: {  	[sflag:s14] =	ssyncadd.s32 $0xFFFFF800  }
0x26f: {  	_ =	swait.ge [sflag:s14], $0x800  }
0x270: {  	[sflag:s14] =	ssyncset.done $0x0  }
0x271: {  	[sflag:s14] =	ssyncadd.s32 $0xFFFFF800  }
0x272: {  	_ =	swait.ge [sflag:s14], $0x800  }
0x273: {  	[sflag:s14] =	ssyncset.done $0x0  }
0x274: {  	[sflag:s14] =	ssyncadd.s32 $0xFFFFF800  }
0x275: {  	_ =	swait.ge [sflag:s14], $0x800  }
0x276: {  	[sflag:s14] =	ssyncset.done $0x0  }
0x277: {  	[sflag:s14] =	ssyncadd.s32 $0xFFFFF800  }
0x278: {  	_ =	swait.ge [sflag:s14], $0x800  }
0x279: {  	[sflag:s14] =	ssyncset.done $0x0  }
0x27a: {  	[sflag:s14] =	ssyncadd.s32 $0xFFFFF800  }
0x27b: {  	_ =	swait.ge [sflag:s14], $0x800  }
0x27c: {  	[sflag:s14] =	ssyncset.done $0x0  }
0x27d: {  	[sflag:s14] =	ssyncadd.s32 $0xFFFFF800  }
0x27e: {  	_ =	swait.ge [sflag:s14], $0x800  }
0x27f: {  	[sflag:s14] =	ssyncset.done $0x0  }
0x280: {  	[sflag:s14] =	ssyncadd.s32 $0xFFFFF800  }
0x281: {  	_ =	swait.ge [sflag:s15], $0x800  }
0x282: {  	[sflag:s15] =	ssyncset.done $0x0  }
0x283: {  	[sflag:s15] =	ssyncadd.s32 $0xFFFFF800  }
0x284: {  	_ =	swait.ge [sflag:s15], $0x800  }
0x285: {  	[sflag:s15] =	ssyncset.done $0x0  }
0x286: {  	[sflag:s15] =	ssyncadd.s32 $0xFFFFF800  }
0x287: {  	_ =	swait.ge [sflag:s15], $0x800  }
0x288: {  	[sflag:s15] =	ssyncset.done $0x0  }
0x289: {  	[sflag:s15] =	ssyncadd.s32 $0xFFFFF800  }
0x28a: {  	_ =	swait.ge [sflag:s15], $0x800  }
0x28b: {  	[sflag:s15] =	ssyncset.done $0x0  }
0x28c: {  	[sflag:s15] =	ssyncadd.s32 $0xFFFFF800  }
0x28d: {  	_ =	swait.ge [sflag:s15], $0x800  }
0x28e: {  	[sflag:s15] =	ssyncset.done $0x0  }
0x28f: {  	[sflag:s15] =	ssyncadd.s32 $0xFFFFF800  }
0x290: {  	_ =	swait.ge [sflag:s15], $0x800  }
0x291: {  	[sflag:s15] =	ssyncset.done $0x0  }
0x292: {  	[sflag:s15] =	ssyncadd.s32 $0xFFFFF800  }
0x293: {  	_ =	swait.ge [sflag:s15], $0x800  }
0x294: {  	[sflag:s15] =	ssyncset.done $0x0  }
0x295: {  	[sflag:s15] =	ssyncadd.s32 $0xFFFFF800  }
0x296: {  	_ =	swait.ge [sflag:s15], $0x800  }
0x297: {  	[sflag:s15] =	ssyncset.done $0x0  }
0x298: {  	[sflag:s15] =	ssyncadd.s32 $0xFFFFF800  }
0x299: {  	_ =	swait.ge [sflag:s15], $0x800  }
0x29a: {  	[sflag:s15] =	ssyncset.done $0x0  }
0x29b: {  	[sflag:s15] =	ssyncadd.s32 $0xFFFFF800  }
0x29c: {  	_ =	swait.ge [sflag:s15], $0x800  }
0x29d: {  	[sflag:s15] =	ssyncset.done $0x0  }
0x29e: {  	s19 =	simm.s32 $0x7220;
	[sflag:s15] =	ssyncadd.s32 $0xFFFFF800  }
0x29f: {  	[tilespmem:s9], [sflag:$0x2] =	stream.indirect.gather [spmem:s3], $0x10, s19, s22, $0xb8;
	[tilespmem:$0x18F20] =	vst v63  }
0x2a0: {  	s19 =	simm.s32 $0x72A0  }
0x2a1: {  	[tilespmem:s4], [sflag:$0x2] =	stream.indirect.gather [spmem:s3], $0x10, s19, s22, $0xb8;
	[tilespmem:$0x18F20] =	vst v63  }
0x2a2: {  	s4 =	simm.s32 $0x7320  }
0x2a3: {  	[tilespmem:s7], [sflag:$0x2] =	stream.indirect.gather [spmem:s3], $0x10, s4, s22, $0xb8;
	[tilespmem:$0x18F20] =	vst v63  }
0x2a4: {  	s4 =	simm.s32 $0x73A0  }
0x2a5: {  	[tilespmem:s12], [sflag:$0x2] =	stream.indirect.gather [spmem:s3], $0x10, s4, s22, $0xb8;
	[tilespmem:$0x18F20] =	vst v63  }
0x2a6: {  	s4 =	simm.s32 $0x7420  }
0x2a7: {  	[tilespmem:s11], [sflag:$0x2] =	stream.indirect.gather [spmem:s3], $0x10, s4, s22, $0xb8;
	[tilespmem:$0x18F20] =	vst v63  }
0x2a8: {  	s4 =	simm.s32 $0x74A0  }
0x2a9: {  	[tilespmem:s6], [sflag:$0x2] =	stream.indirect.gather [spmem:s3], $0x10, s4, s22, $0xb8;
	[tilespmem:$0x18F20] =	vst v63  }
0x2aa: {  	s4 =	simm.s32 $0x7520  }
0x2ab: {  	[tilespmem:s8], [sflag:$0x2] =	stream.indirect.gather [spmem:s3], $0x10, s4, s22, $0xb8;
	[tilespmem:$0x18F20] =	vst v63  }
0x2ac: {  	s4 =	simm.s32 $0x75A0  }
0x2ad: {  	[tilespmem:s17], [sflag:$0x2] =	stream.indirect.gather [spmem:s3], $0x10, s4, s22, $0xb8;
	[tilespmem:$0x18F20] =	vst v63  }
0x2ae: {  	s30 =	simm.s32 $0x12F20;
	s4 =	simm.s32 $0x7620  }
0x2af: {  	[tilespmem:s30], [sflag:$0x2] =	stream.indirect.gather [spmem:s3], $0x10, s4, s22, $0xb8;
	[tilespmem:$0x18F20] =	vst v63  }
0x2b0: {  	s4 =	simm.s32 $0x76A0  }
0x2b1: {  	[tilespmem:s0], [sflag:$0x2] =	stream.indirect.gather [spmem:s3], $0x10, s4, s22, $0xb8;
	[tilespmem:$0x18F20] =	vst v63  }
0x2b2: {  	s1 =	simm.s32 $0x9020;
	s0 =	simm.s32 $0x13F20  }
0x2b3: {  	[spmem:s2] =	stream.indirect.scatter.add.f32 [tilespmem:s0], [sflag:$0x6], $0x10, s1, s22, $0xb8;
	[tilespmem:$0x18F20] =	vst v63  }
0x2b4: {  	s1 =	simm.s32 $0x90A0;
	s0 =	simm.s32 $0x14720  }
0x2b5: {  	[spmem:s2] =	stream.indirect.scatter.add.f32 [tilespmem:s0], [sflag:$0x6], $0x10, s1, s22, $0xb8;
	[tilespmem:$0x18F20] =	vst v63  }
0x2b6: {  	s1 =	simm.s32 $0x9120;
	s0 =	simm.s32 $0x14F20  }
0x2b7: {  	[spmem:s2] =	stream.indirect.scatter.add.f32 [tilespmem:s0], [sflag:$0x6], $0x10, s1, s22, $0xb8;
	[tilespmem:$0x18F20] =	vst v63  }
0x2b8: {  	s1 =	simm.s32 $0x91A0;
	s0 =	simm.s32 $0x15720  }
0x2b9: {  	[spmem:s2] =	stream.indirect.scatter.add.f32 [tilespmem:s0], [sflag:$0x6], $0x10, s1, s22, $0xb8;
	[tilespmem:$0x18F20] =	vst v63  }
0x2ba: {  	s1 =	simm.s32 $0x9220;
	s0 =	simm.s32 $0x15F20  }
0x2bb: {  	[spmem:s2] =	stream.indirect.scatter.add.f32 [tilespmem:s0], [sflag:$0x6], $0x10, s1, s22, $0xb8;
	[tilespmem:$0x18F20] =	vst v63  }
0x2bc: {  	s1 =	simm.s32 $0x92A0;
	s0 =	simm.s32 $0x16720  }
0x2bd: {  	[spmem:s2] =	stream.indirect.scatter.add.f32 [tilespmem:s0], [sflag:$0x6], $0x10, s1, s22, $0xb8;
	[tilespmem:$0x18F20] =	vst v63  }
0x2be: {  	s1 =	simm.s32 $0x9320;
	s0 =	simm.s32 $0x16F20  }
0x2bf: {  	[spmem:s2] =	stream.indirect.scatter.add.f32 [tilespmem:s0], [sflag:$0x6], $0x10, s1, s22, $0xb8;
	[tilespmem:$0x18F20] =	vst v63  }
0x2c0: {  	s1 =	simm.s32 $0x93A0;
	s0 =	simm.s32 $0x17720  }
0x2c1: {  	[spmem:s2] =	stream.indirect.scatter.add.f32 [tilespmem:s0], [sflag:$0x6], $0x10, s1, s22, $0xb8;
	[tilespmem:$0x18F20] =	vst v63  }
0x2c2: {  	s1 =	simm.s32 $0x9420;
	s0 =	simm.s32 $0x17F20  }
0x2c3: {  	[spmem:s2] =	stream.indirect.scatter.add.f32 [tilespmem:s0], [sflag:$0x6], $0x10, s1, s22, $0xb8;
	[tilespmem:$0x18F20] =	vst v63  }
0x2c4: {  	s1 =	simm.s32 $0x94A0;
	s0 =	simm.s32 $0x18720  }
0x2c5: {  	[spmem:s2] =	stream.indirect.scatter.add.f32 [tilespmem:s0], [sflag:$0x6], $0x10, s1, s22, $0xb8;
	[tilespmem:$0x18F20] =	vst v63  }
0x2c6: {  	_ =	swait.ge [sflag:s13], $0x800  }
0x2c7: {  	[sflag:s13] =	ssyncset.done $0x0  }
0x2c8: {  	[sflag:s13] =	ssyncadd.s32 $0xFFFFF800  }
0x2c9: {  	_ =	swait.ge [sflag:s13], $0x800  }
0x2ca: {  	[sflag:s13] =	ssyncset.done $0x0  }
0x2cb: {  	[sflag:s13] =	ssyncadd.s32 $0xFFFFF800  }
0x2cc: {  	_ =	swait.ge [sflag:s13], $0x800  }
0x2cd: {  	[sflag:s13] =	ssyncset.done $0x0  }
0x2ce: {  	[sflag:s13] =	ssyncadd.s32 $0xFFFFF800  }
0x2cf: {  	_ =	swait.ge [sflag:s13], $0x800  }
0x2d0: {  	[sflag:s13] =	ssyncset.done $0x0  }
0x2d1: {  	[sflag:s13] =	ssyncadd.s32 $0xFFFFF800  }
0x2d2: {  	_ =	swait.ge [sflag:s13], $0x800  }
0x2d3: {  	[sflag:s13] =	ssyncset.done $0x0  }
0x2d4: {  	[sflag:s13] =	ssyncadd.s32 $0xFFFFF800  }
0x2d5: {  	_ =	swait.ge [sflag:s13], $0x800  }
0x2d6: {  	[sflag:s13] =	ssyncset.done $0x0  }
0x2d7: {  	[sflag:s13] =	ssyncadd.s32 $0xFFFFF800  }
0x2d8: {  	_ =	swait.ge [sflag:s13], $0x800  }
0x2d9: {  	[sflag:s13] =	ssyncset.done $0x0  }
0x2da: {  	[sflag:s13] =	ssyncadd.s32 $0xFFFFF800  }
0x2db: {  	_ =	swait.ge [sflag:s13], $0x800  }
0x2dc: {  	[sflag:s13] =	ssyncset.done $0x0  }
0x2dd: {  	[sflag:s13] =	ssyncadd.s32 $0xFFFFF800  }
0x2de: {  	_ =	swait.ge [sflag:s13], $0x800  }
0x2df: {  	[sflag:s13] =	ssyncset.done $0x0  }
0x2e0: {  	[sflag:s13] =	ssyncadd.s32 $0xFFFFF800  }
0x2e1: {  	_ =	swait.ge [sflag:s13], $0x800  }
0x2e2: {  	[sflag:s13] =	ssyncset.done $0x0  }
0x2e3: {  	s0 =	simm.s32 $0x9520;
	[sflag:s13] =	ssyncadd.s32 $0xFFFFF800  }
0x2e4: {  	[spmem:s2] =	stream.indirect.scatter.add.f32 [tilespmem:s23], [sflag:$0x4], $0x10, s0, s22, $0xb8;
	[tilespmem:$0x18F20] =	vst v63  }
0x2e5: {  	s1 =	simm.s32 $0x95A0  }
0x2e6: {  	[spmem:s2] =	stream.indirect.scatter.add.f32 [tilespmem:s26], [sflag:$0x4], $0x10, s1, s22, $0xb8;
	[tilespmem:$0x18F20] =	vst v63  }
0x2e7: {  	s23 =	simm.s32 $0x9620  }
0x2e8: {  	[spmem:s2] =	stream.indirect.scatter.add.f32 [tilespmem:s28], [sflag:$0x4], $0x10, s23, s22, $0xb8;
	[tilespmem:$0x18F20] =	vst v63  }
0x2e9: {  	s26 =	simm.s32 $0x96A0  }
0x2ea: {  	[spmem:s2] =	stream.indirect.scatter.add.f32 [tilespmem:s29], [sflag:$0x4], $0x10, s26, s22, $0xb8;
	[tilespmem:$0x18F20] =	vst v63  }
0x2eb: {  	s28 =	simm.s32 $0x9720  }
0x2ec: {  	[spmem:s2] =	stream.indirect.scatter.add.f32 [tilespmem:s31], [sflag:$0x4], $0x10, s28, s22, $0xb8;
	[tilespmem:$0x18F20] =	vst v63  }
0x2ed: {  	s29 =	simm.s32 $0x97A0;
	s31 =	simm.s32 $0xC720  }
0x2ee: {  	[spmem:s2] =	stream.indirect.scatter.add.f32 [tilespmem:s31], [sflag:$0x4], $0x10, s29, s22, $0xb8;
	[tilespmem:$0x18F20] =	vst v63  }
0x2ef: {  	s25 =	simm.s32 $0xCF20;
	s23 =	simm.s32 $0x9820  }
0x2f0: {  	[spmem:s2] =	stream.indirect.scatter.add.f32 [tilespmem:s25], [sflag:$0x4], $0x10, s23, s22, $0xb8;
	[tilespmem:$0x18F20] =	vst v63  }
0x2f1: {  	s21 =	simm.s32 $0xD720;
	s25 =	simm.s32 $0x98A0  }
0x2f2: {  	[spmem:s2] =	stream.indirect.scatter.add.f32 [tilespmem:s21], [sflag:$0x4], $0x10, s25, s22, $0xb8;
	[tilespmem:$0x18F20] =	vst v63  }
0x2f3: {  	s26 =	simm.s32 $0x9920  }
0x2f4: {  	[spmem:s2] =	stream.indirect.scatter.add.f32 [tilespmem:s24], [sflag:$0x4], $0x10, s26, s22, $0xb8;
	[tilespmem:$0x18F20] =	vst v63  }
0x2f5: {  	s20 =	simm.s32 $0xE720;
	s28 =	simm.s32 $0x99A0  }
0x2f6: {  	[spmem:s2] =	stream.indirect.scatter.add.f32 [tilespmem:s20], [sflag:$0x4], $0x10, s28, s22, $0xb8;
	[tilespmem:$0x18F20] =	vst v63  }
0x2f7: {  	_ =	swait.ge [sflag:s10], $0x800  }
0x2f8: {  	[sflag:s10] =	ssyncset.done $0x0  }
0x2f9: {  	[sflag:s10] =	ssyncadd.s32 $0xFFFFF800  }
0x2fa: {  	_ =	swait.ge [sflag:s10], $0x800  }
0x2fb: {  	[sflag:s10] =	ssyncset.done $0x0  }
0x2fc: {  	[sflag:s10] =	ssyncadd.s32 $0xFFFFF800  }
0x2fd: {  	_ =	swait.ge [sflag:s10], $0x800  }
0x2fe: {  	[sflag:s10] =	ssyncset.done $0x0  }
0x2ff: {  	[sflag:s10] =	ssyncadd.s32 $0xFFFFF800  }
0x300: {  	_ =	swait.ge [sflag:s10], $0x800  }
0x301: {  	[sflag:s10] =	ssyncset.done $0x0  }
0x302: {  	[sflag:s10] =	ssyncadd.s32 $0xFFFFF800  }
0x303: {  	_ =	swait.ge [sflag:s10], $0x800  }
0x304: {  	[sflag:s10] =	ssyncset.done $0x0  }
0x305: {  	[sflag:s10] =	ssyncadd.s32 $0xFFFFF800  }
0x306: {  	_ =	swait.ge [sflag:s10], $0x800  }
0x307: {  	[sflag:s10] =	ssyncset.done $0x0  }
0x308: {  	[sflag:s10] =	ssyncadd.s32 $0xFFFFF800  }
0x309: {  	_ =	swait.ge [sflag:s10], $0x800  }
0x30a: {  	[sflag:s10] =	ssyncset.done $0x0  }
0x30b: {  	[sflag:s10] =	ssyncadd.s32 $0xFFFFF800  }
0x30c: {  	_ =	swait.ge [sflag:s10], $0x800  }
0x30d: {  	[sflag:s10] =	ssyncset.done $0x0  }
0x30e: {  	[sflag:s10] =	ssyncadd.s32 $0xFFFFF800  }
0x30f: {  	_ =	swait.ge [sflag:s10], $0x800  }
0x310: {  	[sflag:s10] =	ssyncset.done $0x0  }
0x311: {  	[sflag:s10] =	ssyncadd.s32 $0xFFFFF800  }
0x312: {  	_ =	swait.ge [sflag:s10], $0x800  }
0x313: {  	[sflag:s10] =	ssyncset.done $0x0  }
0x314: {  	s9 =	simm.s32 $0xEF20;
	s29 =	simm.s32 $0x9A20;
	[sflag:s10] =	ssyncadd.s32 $0xFFFFF800  }
0x315: {  	[spmem:s2] =	stream.indirect.scatter.add.f32 [tilespmem:s9], [sflag:$0x5], $0x10, s29, s22, $0xb8;
	[tilespmem:$0x18F20] =	vst v63  }
0x316: {  	s19 =	simm.s32 $0xF720;
	s31 =	simm.s32 $0x9AA0  }
0x317: {  	[spmem:s2] =	stream.indirect.scatter.add.f32 [tilespmem:s19], [sflag:$0x5], $0x10, s31, s22, $0xb8;
	[tilespmem:$0x18F20] =	vst v63  }
0x318: {  	s7 =	simm.s32 $0xFF20;
	s1 =	simm.s32 $0x9B20  }
0x319: {  	[spmem:s2] =	stream.indirect.scatter.add.f32 [tilespmem:s7], [sflag:$0x5], $0x10, s1, s22, $0xb8;
	[tilespmem:$0x18F20] =	vst v63  }
0x31a: {  	s12 =	simm.s32 $0x10720;
	s7 =	simm.s32 $0x9BA0  }
0x31b: {  	[spmem:s2] =	stream.indirect.scatter.add.f32 [tilespmem:s12], [sflag:$0x5], $0x10, s7, s22, $0xb8;
	[tilespmem:$0x18F20] =	vst v63  }
0x31c: {  	s11 =	simm.s32 $0x10F20;
	s9 =	simm.s32 $0x9C20  }
0x31d: {  	[spmem:s2] =	stream.indirect.scatter.add.f32 [tilespmem:s11], [sflag:$0x5], $0x10, s9, s22, $0xb8;
	[tilespmem:$0x18F20] =	vst v63  }
0x31e: {  	s6 =	simm.s32 $0x11720;
	s12 =	simm.s32 $0x9CA0  }
0x31f: {  	[spmem:s2] =	stream.indirect.scatter.add.f32 [tilespmem:s6], [sflag:$0x5], $0x10, s12, s22, $0xb8;
	[tilespmem:$0x18F20] =	vst v63  }
0x320: {  	s8 =	simm.s32 $0x11F20;
	s19 =	simm.s32 $0x9D20  }
0x321: {  	[spmem:s2] =	stream.indirect.scatter.add.f32 [tilespmem:s8], [sflag:$0x5], $0x10, s19, s22, $0xb8;
	[tilespmem:$0x18F20] =	vst v63  }
0x322: {  	s17 =	simm.s32 $0x12720;
	s20 =	simm.s32 $0x9DA0  }
0x323: {  	[spmem:s2] =	stream.indirect.scatter.add.f32 [tilespmem:s17], [sflag:$0x5], $0x10, s20, s22, $0xb8;
	[tilespmem:$0x18F20] =	vst v63  }
0x324: {  	s21 =	simm.s32 $0x9E20  }
0x325: {  	[spmem:s2] =	stream.indirect.scatter.add.f32 [tilespmem:s30], [sflag:$0x5], $0x10, s21, s22, $0xb8;
	[tilespmem:$0x18F20] =	vst v63  }
0x326: {  	s4 =	simm.s32 $0x13720;
	s23 =	simm.s32 $0x9EA0  }
0x327: {  	[spmem:s2] =	stream.indirect.scatter.add.f32 [tilespmem:s4], [sflag:$0x5], $0x10, s23, s22, $0xb8;
	[tilespmem:$0x18F20] =	vst v63  }
0x328: {  	_ =	swait.ge [sflag:s16], $0x800  }
0x329: {  	[sflag:s16] =	ssyncset.done $0x0  }
0x32a: {  	[sflag:s16] =	ssyncadd.s32 $0xFFFFF800  }
0x32b: {  	_ =	swait.ge [sflag:s16], $0x800  }
0x32c: {  	[sflag:s16] =	ssyncset.done $0x0  }
0x32d: {  	[sflag:s16] =	ssyncadd.s32 $0xFFFFF800  }
0x32e: {  	_ =	swait.ge [sflag:s16], $0x800  }
0x32f: {  	[sflag:s16] =	ssyncset.done $0x0  }
0x330: {  	[sflag:s16] =	ssyncadd.s32 $0xFFFFF800  }
0x331: {  	_ =	swait.ge [sflag:s16], $0x800  }
0x332: {  	[sflag:s16] =	ssyncset.done $0x0  }
0x333: {  	[sflag:s16] =	ssyncadd.s32 $0xFFFFF800  }
0x334: {  	_ =	swait.ge [sflag:s16], $0x800  }
0x335: {  	[sflag:s16] =	ssyncset.done $0x0  }
0x336: {  	[sflag:s16] =	ssyncadd.s32 $0xFFFFF800  }
0x337: {  	_ =	swait.ge [sflag:s16], $0x800  }
0x338: {  	[sflag:s16] =	ssyncset.done $0x0  }
0x339: {  	[sflag:s16] =	ssyncadd.s32 $0xFFFFF800  }
0x33a: {  	_ =	swait.ge [sflag:s16], $0x800  }
0x33b: {  	[sflag:s16] =	ssyncset.done $0x0  }
0x33c: {  	[sflag:s16] =	ssyncadd.s32 $0xFFFFF800  }
0x33d: {  	_ =	swait.ge [sflag:s16], $0x800  }
0x33e: {  	[sflag:s16] =	ssyncset.done $0x0  }
0x33f: {  	[sflag:s16] =	ssyncadd.s32 $0xFFFFF800  }
0x340: {  	_ =	swait.ge [sflag:s16], $0x800  }
0x341: {  	[sflag:s16] =	ssyncset.done $0x0  }
0x342: {  	[sflag:s16] =	ssyncadd.s32 $0xFFFFF800  }
0x343: {  	_ =	swait.ge [sflag:s16], $0x800  }
0x344: {  	[sflag:s16] =	ssyncset.done $0x0  }
0x345: {  	[sflag:s16] =	ssyncadd.s32 $0xFFFFF800  }
0x346: {  	_ =	swait.ge [sflag:s5], $0x800  }
0x347: {  	[sflag:s5] =	ssyncset.done $0x0  }
0x348: {  	[sflag:s5] =	ssyncadd.s32 $0xFFFFF800  }
0x349: {  	_ =	swait.ge [sflag:s5], $0x800  }
0x34a: {  	[sflag:s5] =	ssyncset.done $0x0  }
0x34b: {  	[sflag:s5] =	ssyncadd.s32 $0xFFFFF800  }
0x34c: {  	_ =	swait.ge [sflag:s5], $0x800  }
0x34d: {  	[sflag:s5] =	ssyncset.done $0x0  }
0x34e: {  	[sflag:s5] =	ssyncadd.s32 $0xFFFFF800  }
0x34f: {  	_ =	swait.ge [sflag:s5], $0x800  }
0x350: {  	[sflag:s5] =	ssyncset.done $0x0  }
0x351: {  	[sflag:s5] =	ssyncadd.s32 $0xFFFFF800  }
0x352: {  	_ =	swait.ge [sflag:s5], $0x800  }
0x353: {  	[sflag:s5] =	ssyncset.done $0x0  }
0x354: {  	[sflag:s5] =	ssyncadd.s32 $0xFFFFF800  }
0x355: {  	_ =	swait.ge [sflag:s5], $0x800  }
0x356: {  	[sflag:s5] =	ssyncset.done $0x0  }
0x357: {  	[sflag:s5] =	ssyncadd.s32 $0xFFFFF800  }
0x358: {  	_ =	swait.ge [sflag:s5], $0x800  }
0x359: {  	[sflag:s5] =	ssyncset.done $0x0  }
0x35a: {  	[sflag:s5] =	ssyncadd.s32 $0xFFFFF800  }
0x35b: {  	_ =	swait.ge [sflag:s5], $0x800  }
0x35c: {  	[sflag:s5] =	ssyncset.done $0x0  }
0x35d: {  	[sflag:s5] =	ssyncadd.s32 $0xFFFFF800  }
0x35e: {  	_ =	swait.ge [sflag:s5], $0x800  }
0x35f: {  	[sflag:s5] =	ssyncset.done $0x0  }
0x360: {  	[sflag:s5] =	ssyncadd.s32 $0xFFFFF800  }
0x361: {  	_ =	swait.ge [sflag:s5], $0x800  }
0x362: {  	[sflag:s5] =	ssyncset.done $0x0  }
0x363: {  	[sflag:s5] =	ssyncadd.s32 $0xFFFFF800  }
0x364: {  	_ =	swait.ge [sflag:s15], $0x800  }
0x365: {  	[sflag:s15] =	ssyncset.done $0x0  }
0x366: {  	[sflag:s15] =	ssyncadd.s32 $0xFFFFF800  }
0x367: {  	_ =	swait.ge [sflag:s15], $0x800  }
0x368: {  	[sflag:s15] =	ssyncset.done $0x0  }
0x369: {  	[sflag:s15] =	ssyncadd.s32 $0xFFFFF800  }
0x36a: {  	_ =	swait.ge [sflag:s15], $0x800  }
0x36b: {  	[sflag:s15] =	ssyncset.done $0x0  }
0x36c: {  	[sflag:s15] =	ssyncadd.s32 $0xFFFFF800  }
0x36d: {  	_ =	swait.ge [sflag:s15], $0x800  }
0x36e: {  	[sflag:s15] =	ssyncset.done $0x0  }
0x36f: {  	[sflag:s15] =	ssyncadd.s32 $0xFFFFF800  }
0x370: {  	_ =	swait.ge [sflag:s15], $0x800  }
0x371: {  	[sflag:s15] =	ssyncset.done $0x0  }
0x372: {  	[sflag:s15] =	ssyncadd.s32 $0xFFFFF800  }
0x373: {  	_ =	swait.ge [sflag:s15], $0x800  }
0x374: {  	[sflag:s15] =	ssyncset.done $0x0  }
0x375: {  	[sflag:s15] =	ssyncadd.s32 $0xFFFFF800  }
0x376: {  	_ =	swait.ge [sflag:s15], $0x800  }
0x377: {  	[sflag:s15] =	ssyncset.done $0x0  }
0x378: {  	[sflag:s15] =	ssyncadd.s32 $0xFFFFF800  }
0x379: {  	_ =	swait.ge [sflag:s15], $0x800  }
0x37a: {  	[sflag:s15] =	ssyncset.done $0x0  }
0x37b: {  	[sflag:s15] =	ssyncadd.s32 $0xFFFFF800  }
0x37c: {  	_ =	swait.ge [sflag:s15], $0x800  }
0x37d: {  	[sflag:s15] =	ssyncset.done $0x0  }
0x37e: {  	[sflag:s15] =	ssyncadd.s32 $0xFFFFF800  }
0x37f: {  	_ =	swait.ge [sflag:s15], $0x800  }
0x380: {  	[sflag:s15] =	ssyncset.done $0x0  }
0x381: {  	[sflag:s15] =	ssyncadd.s32 $0xFFFFF800  }
0x382: {  	[bflag:$0x0] =	sbarrier.arrive $0xFFFF  }
0x383: {  	s24 =	rddreg [dreg:$0x5]  }
0x384: {  	s28 =	rddreg [dreg:$0xf]  }
0x385: {  	s29 =	rddreg [dreg:$0x12];
	s25 =	sshrl.u32 s24, $0x3  }
0x386: {  	[hbm:s28], [sflag:s29] =	dma.local [spmem:s25], $0x500  }
0x387: {  	_ =	swait.ge [sflag:s18], $0x500  }
0x388: {  	s30 =	rddreg [dreg:$0x13]  }
0x389: {  	s31 =	rddreg [dreg:$0x10];
	s0 =	sadd.s32 $0x1, s30  }
0x38a: {  	p1 =	sne.s32 s0, s31  }
.Ltmp1:
0x38b: {  	_ = 	snop;
	(pc) =	sbr.rel @p1 .LBB2_1-.Ltmp1, $3  }
0x38c: {  	_ =	sdelay $0x1  }
0x38d: {  	[sflag:s18] =	ssyncset.done $0x0  }
0x38e: {  	[sflag:s18] =	ssyncadd.s32 $0xFFFFFB00  }
0x38f: {  	_ =	sfence.sel $0x180000  }
0x390: {  	[bflag:$0x0] =	sbarrier.arrive $0xFFFF  }
0x391: {  	_ =	strace $0x9000004A  }
0x392: {  	s0 =	stileid.u32;
	[bflag:$0x2] =	sbarrier.arrive $0xFFFF  }
0x393: {  	p0 =	sne.s32 s0, $0x0;
	s0 =	rddreg [dreg:$0x4]  }
0x394: {  	s0 =	sadd.s32 @!p0 $0x100000, s0  }
0x395: {  	[sflag:s0] =	ssyncadd.tile.s32 @!p0 $0x1;
	_ =	shalt  }
.Lfunc_end2:
_tile_overlayer_lowered:
.L_overlay_start_2:
0x396: {  	(tag) =	ssettag $0x2  }
0x397: {  	s0 =	rddreg [dreg:$0x0];
	s2 =	stileid.u32  }
0x398: {  	s1 =	rddreg [dreg:$0x1];
	p0 =	sne.s32 s2, $0x0  }
0x399: {  	s3 =	rddreg [dreg:$0x2];
	[bflag:$0x3] =	sbarrier.arrive $0xFFFF;
	s2 =	simm.s32 @!p0 $0x1C07  }
0x39a: {  	[timem:s3], [sflag:s2] =	dma.local @!p0 [hbm:s0], s1  }
0x39b: {  	s0 =	simm.s32 @!p0 $0x7  }
0x39c: {  	_ =	swait.ge @!p0 [sflag:s0], s1  }
0x39d: {  	s1 =	ssub.s32 @!p0 $0x0, s1;
	[sflag:s0] =	ssyncset.done @!p0 $0x0  }
0x39e: {  	[sflag:s0] =	ssyncadd.s32 @!p0 s1  }
0x39f: {  	[bflag:$0x3] =	sbarrier.arrive $0xFFFF  }
0x3a0: {  	_ =	shalt  }

// kernel: kernel.15.cloned.1.call-start
scs
__scs_entry_jumppad:
0x0: {  	(pc) =	sbr.rel $0x88, $3  }
0x1: {  	(tag) =	ssettag $0x0;
	lr =	simm.s32 $0x1  }
0x2: {  	[smem:$0x3F9B] =	sst lr;
	_ =	strace $0xD0000000  }
0x3: {  	_ = 	snop  }
0x4: {  	_ = 	snop  }
0x5: {  	_ = 	snop  }
0x6: {  	_ = 	snop  }
0x7: {  	_ = 	snop  }
__scs_overlays_trampoline_lowered:
0x8: {  	[smem:$0x3FAA] =	sst s0  }
0x9: {  	[smem:$0x3FAB] =	sst s1  }
0xa: {  	[smem:$0x3FAC] =	sst s2  }
0xb: {  	[smem:$0x3FAD] =	sst s3  }
0xc: {  	[smem:$0x3FAE] =	sst s4  }
0xd: {  	[smem:$0x3FAF] =	sst s5  }
0xe: {  	[smem:$0x3FB0] =	sst s6  }
0xf: {  	[smem:$0x3FB1] =	sst s7  }
0x10: {  	[smem:$0x3FB2] =	sst s8  }
0x11: {  	[smem:$0x3FB3] =	sst s9;
	s0 =	simm.s32 @!p0 $0x0  }
0x12: {  	s1 =	sld [smem:$0x3F99];
	s0 =	simm.s32 @p0 $0x1  }
0x13: {  	[smem:$0x3FB4] =	sst s0;
	s0 =	simm.s32 @!p1 $0x0  }
0x14: {  	s2 =	sld [smem:$0x3F98];
	s0 =	simm.s32 @p1 $0x1  }
0x15: {  	[smem:$0x3FB5] =	sst s0;
	s0 =	simm.s32 @!p2 $0x0  }
0x16: {  	s3 =	sld [smem:$0x3FDB];
	s0 =	simm.s32 @p2 $0x1  }
0x17: {  	s4 =	simm.s32 $0x1BF5;
	[smem:$0x3FB7] =	sst s0  }
0x18: {  	s0 =	sld [smem:$0x3F9A];
	_ =	swait.ge [sflag:s4], $0x0  }
0x19: {  	s7 =	sld [smem:$0x3F9B]  }
0x1a: {  	s8 =	sadd.s32 $0xFFFFE003, lr  }
0x1b: {  	s9 =	sadd.s32 $0xFFFFFEF7, lr;
	s5 =	simm.s32 $0xFFFFFFFF;
	p2 =	slt.u32 s8, $0xFFFFF086  }
0x1c: {  	p1 =	slt.u32 s9, $0xF7A;
	s5 =	simm.s32 @!p2 $0x0  }
0x1d: {  	s5 =	simm.s32 @p1 $0x1;
	p0 =	seq.s32 s7, s2  }
0x1e: {  	s7 =	smul.u32 @!p0 $0xF7A, s2;
	p2 =	seq.s32 @!p0 s5, $0x0  }
0x1f: {  	s9 =	smul.u32 $0xF7A, s1;
	s8 =	simm.s32 @!p0 $0x1BF5;
	p2 =	por !p2, p0  }
0x20: {  	[sflag:s8] =	ssyncset.s32 @!p0 $0xFFFFF086;
	s6 =	sadd.s32 @!p0 s3, s7;
	s7 =	simm.s32 @!p0 $0x108  }
0x21: {  	s3 =	sadd.s32 s3, s9;
	s6 =	sadd.s32 @!p0 $0x88, s6;
	s7 =	simm.s32 @p2 $0x1082  }
0x22: {  	[simem:s7], [sflag:s8] =	dma.local @!p0 [hbm:s6], $0xF7A  }
0x23: {  	s9 =	sor.u32 $0xD0000000, s2;
	s6 =	simm.s32 $0x108;
	_ =	swait.ge @!p0 [sflag:s8], $0x0  }
0x24: {  	s3 =	sadd.s32 $0x88, s3;
	s6 =	simm.s32 @!p1 $0x1082;
	[sflag:s4] =	ssyncset.s32 $0xFFFFF086  }
0x25: {  	[simem:s6], [sflag:s4] =	dma.local [hbm:s3], $0xF7A  }
0x26: {  	[smem:$0x3F9B] =	sst s1;
	(tag) =	ssettag s2;
	_ =	strace s9  }
0x27: {  	s1 =	sld [smem:$0x3FAB]  }
0x28: {  	s2 =	sld [smem:$0x3FAC]  }
0x29: {  	s4 =	sld [smem:$0x3FAE]  }
0x2a: {  	p0 =	seq.s32 s5, $0x0;
	s5 =	sld [smem:$0x3FAF]  }
0x2b: {  	s6 =	sld [smem:$0x3FB0]  }
0x2c: {  	s7 =	sld [smem:$0x3FB1]  }
0x2d: {  	s3 =	simm.s32 $0x108;
	s8 =	sld [smem:$0x3FB2]  }
0x2e: {  	s3 =	simm.s32 @!p0 $0x1082;
	s9 =	sld [smem:$0x3FB3]  }
0x2f: {  	lr =	sadd.s32 s0, s3;
	s0 =	sld [smem:$0x3FAA]  }
0x30: {  	s3 =	sld [smem:$0x3FAD]  }
0x31: {  	[smem:$0x3FB6] =	sst s10  }
0x32: {  	s10 =	sld [smem:$0x3FB4];
	_ =	sdelay $0x3  }
0x33: {  	p0 =	seq.s32 s10, $0x1;
	s10 =	sld [smem:$0x3FB6];
	_ =	sdelay $0x3  }
0x34: {  	[smem:$0x3FB6] =	sst s10  }
0x35: {  	s10 =	sld [smem:$0x3FB5];
	_ =	sdelay $0x3  }
0x36: {  	p1 =	seq.s32 s10, $0x1;
	s10 =	sld [smem:$0x3FB6];
	_ =	sdelay $0x3  }
0x37: {  	[smem:$0x3FB6] =	sst s10  }
0x38: {  	s10 =	sld [smem:$0x3FB7]  }
0x39: {  	_ = 	snop;
	(pc) =	sbr.ind lr, $3  }
0x3a: {  	_ = 	snop  }
0x3b: {  	_ = 	snop  }
0x3c: {  	p2 =	seq.s32 s10, $0x1;
	s10 =	sld [smem:$0x3FB6]  }
0x3d: {  	_ =	shalt  }
0x3e: {  	_ =	shalt  }
0x3f: {  	_ =	shalt  }
0x40: {  	_ =	shalt  }
0x41: {  	_ =	shalt  }
0x42: {  	_ =	shalt  }
0x43: {  	_ =	shalt  }
0x44: {  	_ =	shalt  }
0x45: {  	_ =	shalt  }
0x46: {  	_ =	shalt  }
0x47: {  	_ =	shalt  }
0x48: {  	_ =	shalt  }
0x49: {  	_ =	shalt  }
0x4a: {  	_ =	shalt  }
0x4b: {  	_ =	shalt  }
0x4c: {  	_ =	shalt  }
0x4d: {  	_ =	shalt  }
0x4e: {  	_ =	shalt  }
0x4f: {  	_ =	shalt  }
0x50: {  	_ =	shalt  }
0x51: {  	_ =	shalt  }
0x52: {  	_ =	shalt  }
0x53: {  	_ =	shalt  }
0x54: {  	_ =	shalt  }
0x55: {  	_ =	shalt  }
0x56: {  	_ =	shalt  }
0x57: {  	_ =	shalt  }
0x58: {  	_ =	shalt  }
0x59: {  	_ =	shalt  }
0x5a: {  	_ =	shalt  }
0x5b: {  	_ =	shalt  }
0x5c: {  	_ =	shalt  }
0x5d: {  	_ =	shalt  }
0x5e: {  	_ =	shalt  }
0x5f: {  	_ =	shalt  }
0x60: {  	_ =	shalt  }
0x61: {  	_ =	shalt  }
0x62: {  	_ =	shalt  }
0x63: {  	_ =	shalt  }
0x64: {  	_ =	shalt  }
0x65: {  	_ =	shalt  }
0x66: {  	_ =	shalt  }
0x67: {  	_ =	shalt  }
0x68: {  	_ =	shalt  }
0x69: {  	_ =	shalt  }
0x6a: {  	_ =	shalt  }
0x6b: {  	_ =	shalt  }
0x6c: {  	_ =	shalt  }
0x6d: {  	_ =	shalt  }
0x6e: {  	_ =	shalt  }
0x6f: {  	_ =	shalt  }
0x70: {  	_ =	shalt  }
0x71: {  	_ =	shalt  }
0x72: {  	_ =	shalt  }
0x73: {  	_ =	shalt  }
0x74: {  	_ =	shalt  }
0x75: {  	_ =	shalt  }
0x76: {  	_ =	shalt  }
0x77: {  	_ =	shalt  }
0x78: {  	_ =	shalt  }
0x79: {  	_ =	shalt  }
0x7a: {  	_ =	shalt  }
0x7b: {  	_ =	shalt  }
0x7c: {  	_ =	shalt  }
0x7d: {  	_ =	shalt  }
0x7e: {  	_ =	shalt  }
0x7f: {  	_ =	shalt  }
0x80: {  	_ =	shalt  }
0x81: {  	_ =	shalt  }
0x82: {  	_ =	shalt  }
0x83: {  	_ =	shalt  }
0x84: {  	_ =	shalt  }
0x85: {  	_ =	shalt  }
0x86: {  	_ =	shalt  }
0x87: {  	_ =	shalt  }
.Lfunc_end0:
.L_simem_size_0:
called_computation.2_lowered:
.L_overlay_start_0:
0x88: {  	s2 =	sld [smem:$0x3FD9]  }
0x89: {  	s3 =	sld [smem:$0x3FFE];
	_ =	sdelay $0x1  }
0x8a: {  	s1 =	srdreg.scid  }
0x8b: {  	s0 =	sand.u32 $0x1, s1  }
0x8c: {  	s14 =	sshll.u32 s0, $0xA;
	s2 =	sadd.s32 s3, s2  }
0x8d: {  	s2 =	sadd.s32 s2, s14  }
0x8e: {  	[smem:$0x3FC2] =	sst s2  }
0x8f: {  	_ = 	snop  }
0x90: {  	s2 =	sld [smem:$0x3FD0];
	_ =	sdelay $0x2  }
0x91: {  	s15 =	simm.s32 $0xA;
	s4 =	simm.s32 $0x10  }
0x92: {  	[smem:s4], [sflag:s15] =	dma.local [hbm:s2], $0x1  }
0x93: {  	_ =	swait.eq [sflag:s15], $0x1  }
0x94: {  	[sflag:s15] =	ssyncset.done $0x0  }
0x95: {  	[sflag:s15] =	ssyncadd.s32 $0xFFFFFFFF  }
0x96: {  	s16 =	sld [smem:$0x11];
	(tm) =	ssettm $0x1  }
0x97: {  	s17 =	sld [smem:$0x3FFB];
	_ =	sdelay $0x3  }
0x98: {  	_ =	strace s17  }
0x99: {  	s3 =	sld [smem:$0x3FFC];
	_ =	sdelay $0x3  }
0x9a: {  	_ =	strace s3  }
0x9b: {  	s3 =	sld [smem:$0x3FFD];
	_ =	sdelay $0x3  }
0x9c: {  	_ =	strace s3  }
0x9d: {  	_ =	strace $0x8FFFFFFF  }
0x9e: {  	s18 =	sld [smem:$0x3FDB];
	_ =	sdelay $0x1  }
0x9f: {  	s19 =	simm.s32 $_scs_section_size  }
0xa0: {  	s5 =	simm.s32 $_size__tile_overlayer_lowered;
	s6 =	simm.s32 $_tile_overlayer_lowered  }
0xa1: {  	s22 =	simm.s32 $0x1BFF;
	s21 =	sshll.u32 s6, $0x1;
	s3 =	sadd.s32 s19, s18  }
0xa2: {  	s7 =	simm.s32 $0x0;
	s20 =	sshll.u32 s5, $0x1;
	s5 =	sadd.s32 s21, s3  }
0xa3: {  	[timem:s7], [sflag:s22] =	dma.local [hbm:s5], s20  }
0xa4: {  	_ =	swait.ge [sflag:s22], s20  }
0xa5: {  	s4 =	ssub.s32 $0x0, s20;
	[sflag:s22] =	ssyncset.done $0x0  }
0xa6: {  	[sflag:s22] =	ssyncadd.s32 s4;
	_ =	sdelay $0x1  }
0xa7: {  	s23 =	simm.s32 $0x1B8B  }
0xa8: {  	_ =	swait.ge [sflag:s23], $0x1  }
0xa9: {  	[sflag:s23] =	ssyncset.done $0x0  }
0xaa: {  	s25 =	simm.s32 $0x1B8E;
	s24 =	sld [smem:$0x3FFE];
	[sflag:s23] =	ssyncadd.s32 $0xFFFFFFFF  }
0xab: {  	s26 =	simm.s32 $execute0_lowered;
	[smem:$0x3FD2] =	sst s25  }
0xac: {  	s5 =	sshll.u32 s26, $0x1;
	_ =	strace $0x8000004C;
	[dreg:$0x1] =	wrdreg $0xFFFFFFFF  }
0xad: {  	s28 =	simm.s32 $_size_execute0_lowered;
	s3 =	sadd.s32 s3, s5;
	[dreg:$0x0] =	wrdreg $0x0  }
0xae: {  	s5 =	sshll.u32 s28, $0x1;
	[dreg:$0x2] =	wrdreg s3  }
0xaf: {  	[dreg:$0x3] =	wrdreg s5  }
0xb0: {  	[dreg:$0x4] =	wrdreg $0xC0  }
0xb1: {  	_ =	task [dreg:s7], $0x5FFFF  }
0xb2: {  	[dreg:$0x1] =	wrdreg $0xFFFFFFFF  }
0xb3: {  	[dreg:$0x0] =	wrdreg $0x60  }
0xb4: {  	[dreg:$0x2] =	wrdreg s16  }
0xb5: {  	[dreg:$0x3] =	wrdreg s24  }
0xb6: {  	[dreg:$0x4] =	wrdreg $0x0  }
0xb7: {  	[dreg:$0x5] =	wrdreg $0x28000  }
0xb8: {  	[dreg:$0x6] =	wrdreg $0x9  }
0xb9: {  	_ =	task.clear_ibuf [dreg:s7], $0x7FFFF;
	_ =	strace $0x9000004C  }
0xba: {  	s29 =	simm.s32 $0x9;
	_ =	strace $0x8000004E  }
0xbb: {  	_ =	swait.ge [sflag:s29], $0x1  }
0xbc: {  	[sflag:s29] =	ssyncadd.s32 $0xFFFFFFFF  }
0xbd: {  	_ =	strace $0x9000004E  }
0xbe: {  	_ =	sfence  }
0xbf: {  	s30 =	sld [smem:$0x0];
	_ =	sdelay $0x2  }
0xc0: {  	s31 =	sshll.u32 s1, $0xD;
	s1 =	sshrl.u32 s1, $0x2  }
0xc1: {  	s3 =	sand.u32 $0x4000, s31;
	s1 =	sadd.s32 s1, s30  }
0xc2: {  	s0 =	sor.u32 s3, s0;
	s1 =	sshll.u32 s1, $0x11  }
0xc3: {  	s0 =	sor.u32 s1, s0  }
0xc4: {  	s0 =	sadd.s32 $0x8F2B, s0  }
0xc5: {  	[sflag:s0] =	ssyncadd.remote.s32 $0x1  }
0xc6: {  	_ =	sfence.sel $0xFFFF  }
0xc7: {  	[dreg:$0x0] =	wrdreg $0xFFFFFFFF;
	(pc) =	sbr.abs _section_cstart, $3  }
0xc8: {  	[dreg:$0x1] =	wrdreg $0xFFFFFFFF  }
0xc9: {  	_ =	task.clear_ibuf [dreg:s7], $0x2FFFF;
	_ =	strace $0x9FFFFFFF  }
0xca: {  	(tm) =	ssettm $0x7FFFFFFF  }
0xcb: {  	_ =	shalt  }
tec
execute0_lowered:
.L_overlay_start_1:
0x0: {  	(tag) =	ssettag $0x1  }
0x1: {  	s0 =	rddreg [dreg:$0x0]  }
0x2: {  	s1 =	rddreg [dreg:$0x1]  }
0x3: {  	s2 =	rddreg [dreg:$0x2]  }
0x4: {  	s4 =	srdreg.scid;
	s10 =	stileid.u32  }
0x5: {  	s3 =	rddreg [dreg:$0x3];
	s5 =	smul.u32 $0x2800, s10  }
0x6: {  	s7 =	simm.s32 $0x0;
	s13 =	simm.s32 $0x1;
	s8 =	smul.u32 $0xA000, s10  }
0x7: {  	s14 =	simm.s32 $0x3;
	s4 =	sand.u32 $0x1, s4;
	s18 =	smul.u32 $0x2720, s10  }
0x8: {  	[smem:$0x7FF] =	sst s7;
	s9 =	sadd.s32 $0x2800, s1;
	s6 =	smul.u32 $0x28000, s4  }
0x9: {  	_ =	strace $0x8000004D;
	s15 =	ssub.s32 $0x2, s4;
	s4 =	sshll.u32 s4, $0x4  }
0xa: {  	s16 =	sshrl.u32 s15, $0x1;
	s17 =	sshrl.u32 s8, $0x2;
	s4 =	sor.u32 s10, s4  }
0xb: {  	s22 =	sadd.s32 s18, s3;
	s10 =	sshll.u32 s10, $0x4;
	s8 =	sshrl.u32 s18, $0x3  }
0xc: {  	s18 =	simm.s32 $0x7;
	s6 =	sadd.s32 s5, s6;
	s5 =	sadd.s32 s5, s2  }
0xd: {  	s7 =	sadd.s32 s17, s2;
	s0 =	sadd.s32 s0, s8;
	[dreg:$0x5] =	wrdreg s5  }
0xe: {  	s20 =	smul.u32 $0x2700, s4;
	s31 =	sshrl.u32 s22, $0x3;
	[dreg:$0xb] =	wrdreg s0  }
0xf: {  	s24 =	sadd.s32 s10, s9;
	s19 =	sadd.s32 $0x800, s7;
	[dreg:$0x11] =	wrdreg s31  }
0x10: {  	p0 =	sgt.u32 s4, $0x3;
	s11 =	sadd.s32 $0x1000, s7;
	[dreg:$0x6] =	wrdreg s19  }
0x11: {  	s22 =	simm.s32 $0x80;
	s21 =	sadd.s32 $0x1800, s7;
	[dreg:$0x7] =	wrdreg s11  }
0x12: {  	s10 =	simm.s32 $0x2;
	s7 =	sadd.s32 $0x2000, s7;
	[dreg:$0x8] =	wrdreg s21  }
0x13: {  	s6 =	sshrl.u32 s6, $0x3;
	s26 =	sadd.s32 $0x9C00, s24;
	[dreg:$0x9] =	wrdreg s7  }
0x14: {  	s28 =	sadd.s32 $0x13840, s24;
	s5 =	sshrl.u32 s20, $0x3;
	[dreg:$0xd] =	wrdreg s26  }
0x15: {  	s1 =	sadd.s32 s6, s1;
	[dreg:$0xe] =	wrdreg s28;
	s23 =	sadd.s32 s9, s5  }
0x16: {  	s6 =	ssub.s32 s15, s16;
	s29 =	sadd.s32 $0x16200, s1;
	[dreg:$0xa] =	wrdreg s23  }
0x17: {  	s0 =	simm.s32 $0x0;
	s30 =	smax.u32 s6, $0x1;
	[dreg:$0xf] =	wrdreg s29  }
0x18: {  	s15 =	simm.s32 $0x5;
	s25 =	sadd.s32 $0x9C40, s23;
	[dreg:$0x10] =	wrdreg s30  }
0x19: {  	v0 =	vimm.f32 $0.0e+00;
	v1 =	vimm.s32 $0x2710;
	s16 =	simm.s32 $0x6;
	s5 =	simm.s32 $0x4;
	[dreg:$0xc] =	wrdreg s25  }
.LBB2_1:
0x1a: {  	[dreg:$0x13] =	wrdreg s0;
	s24 =	simm.s32 $0x40;
	s26 =	simm.s32 $0x0  }
.LBB2_2:
0x1b: {  	p1 =	sne.s32 s24, $0x1FC0;
	[tilespmem:s26+$0x9F20] =	vst v0;
	s26 =	smov.u32 s24;
	s24 =	sadd.s32 $0x40, s24  }
.Ltmp0:
0x1c: {  	(pc) =	sbr.rel @p1 .LBB2_2-.Ltmp0, $2  }
0x1d: {  	_ =	sdelay $0x2  }
0x1e: {  	s26 =	sshra.s32 s26, $0x2  }
0x1f: {  	[tilespmem:s26+$0x9F20] =	vst v0;
	s1 =	rddreg [dreg:$0x5];
	s23 =	simm.s32 $0x9F20  }
0x20: {  	[spmem:s1] =	stream.linear.scatter [tilespmem:s23], [sflag:$0x7], $0x800, $0x38;
	[tilespmem:$0x18F20] =	vst v63  }
0x21: {  	_ =	swait.ge [sflag:s18], $0x800  }
0x22: {  	[sflag:s18] =	ssyncset.done $0x0  }
0x23: {  	s24 =	rddreg [dreg:$0x6];
	[sflag:s18] =	ssyncadd.s32 $0xFFFFF800  }
0x24: {  	[spmem:s24] =	stream.linear.scatter [tilespmem:s23], [sflag:$0x7], $0x800, $0x38;
	[tilespmem:$0x18F20] =	vst v63  }
0x25: {  	_ =	swait.ge [sflag:s18], $0x800  }
0x26: {  	[sflag:s18] =	ssyncset.done $0x0  }
0x27: {  	s4 =	rddreg [dreg:$0x7];
	[sflag:s18] =	ssyncadd.s32 $0xFFFFF800  }
0x28: {  	[spmem:s4] =	stream.linear.scatter [tilespmem:s23], [sflag:$0x7], $0x800, $0x38;
	[tilespmem:$0x18F20] =	vst v63  }
0x29: {  	_ =	swait.ge [sflag:s18], $0x800  }
0x2a: {  	[sflag:s18] =	ssyncset.done $0x0  }
0x2b: {  	s6 =	rddreg [dreg:$0x8];
	[sflag:s18] =	ssyncadd.s32 $0xFFFFF800  }
0x2c: {  	[spmem:s6] =	stream.linear.scatter [tilespmem:s23], [sflag:$0x7], $0x800, $0x38;
	[tilespmem:$0x18F20] =	vst v63  }
0x2d: {  	s8 =	stileid.u32;
	_ =	swait.ge [sflag:s18], $0x800  }
0x2e: {  	s24 =	sshll.u32 s8, $0x6;
	[sflag:s18] =	ssyncset.done $0x0  }
0x2f: {  	s9 =	sor.u32 $0x1C07, s24;
	s7 =	rddreg [dreg:$0x9];
	[sflag:s18] =	ssyncadd.s32 $0xFFFFF800  }
0x30: {  	[spmem:s7] =	stream.linear.scatter [tilespmem:s23], [sflag:$0x7], $0x800, $0x38;
	[tilespmem:$0x18F20] =	vst v63  }
0x31: {  	_ =	swait.ge [sflag:s18], $0x800;
	[dreg:$0x12] =	wrdreg s9  }
0x32: {  	[sflag:s18] =	ssyncset.done $0x0;
	s11 =	rddreg [dreg:$0xb]  }
0x33: {  	s28 =	rddreg [dreg:$0x11];
	[sflag:s18] =	ssyncadd.s32 $0xFFFFF800  }
0x34: {  	[spmem:s28], [sflag:s9] =	dma.local [hbm:s11], $0x4E4  }
0x35: {  	_ =	swait.ge [sflag:s18], $0x4E4  }
0x36: {  	[sflag:s18] =	ssyncset.done $0x0  }
0x37: {  	[sflag:s18] =	ssyncadd.s32 $0xFFFFFB1C  }
0x38: {  	[tilespmem:$0x7620] =	vst v1  }
0x39: {  	[tilespmem:$0x9E20] =	vst v1  }
0x3a: {  	[tilespmem:$0x7630] =	vst v1  }
0x3b: {  	[tilespmem:$0x9E30] =	vst v1  }
0x3c: {  	[tilespmem:$0x7640] =	vst v1  }
0x3d: {  	[tilespmem:$0x9E40] =	vst v1  }
0x3e: {  	[tilespmem:$0x7650] =	vst v1  }
0x3f: {  	[tilespmem:$0x9E50] =	vst v1  }
0x40: {  	[tilespmem:$0x7660] =	vst v1  }
0x41: {  	[tilespmem:$0x9E60] =	vst v1  }
0x42: {  	[tilespmem:$0x7670] =	vst v1  }
0x43: {  	[tilespmem:$0x9E70] =	vst v1  }
0x44: {  	[tilespmem:$0x7680] =	vst v1  }
0x45: {  	[tilespmem:$0x9E80] =	vst v1  }
0x46: {  	[tilespmem:$0x7690] =	vst v1  }
0x47: {  	[tilespmem:$0x9E90] =	vst v1  }
0x48: {  	[tilespmem:$0x76A0] =	vst v1  }
0x49: {  	[tilespmem:$0x9EA0] =	vst v1  }
0x4a: {  	[tilespmem:$0x76B0] =	vst v1  }
0x4b: {  	[tilespmem:$0x9EB0] =	vst v1  }
0x4c: {  	[tilespmem:$0x76C0] =	vst v1  }
0x4d: {  	[tilespmem:$0x9EC0] =	vst v1  }
0x4e: {  	[tilespmem:$0x76D0] =	vst v1  }
0x4f: {  	[tilespmem:$0x9ED0] =	vst v1  }
0x50: {  	[tilespmem:$0x76E0] =	vst v1  }
0x51: {  	[tilespmem:$0x9EE0] =	vst v1  }
0x52: {  	[tilespmem:$0x76F0] =	vst v1  }
0x53: {  	[tilespmem:$0x9EF0] =	vst v1  }
0x54: {  	[tilespmem:$0x7700] =	vst v1  }
0x55: {  	[tilespmem:$0x9F00] =	vst v1  }
0x56: {  	[tilespmem:$0x7710] =	vst v1  }
0x57: {  	s12 =	simm.s32 $0x0;
	s17 =	simm.s32 $0x4F20;
	s29 =	rddreg [dreg:$0xa];
	[tilespmem:$0x9F10] =	vst v1  }
0x58: {  	[tilespmem:s17], [sflag:$0x7] =	stream.linear.gather [hbm4b:s29+s12], $0x2700, $0x38;
	[tilespmem:$0x18F20] =	vst v63  }
0x59: {  	_ =	swait.ge [sflag:s18], $0x2700  }
0x5a: {  	[sflag:s18] =	ssyncset.done $0x0  }
0x5b: {  	[sflag:s18] =	ssyncadd.s32 $0xFFFFD900  }
0x5c: {  	s30 =	simm.s32 $0x7720;
	s19 =	rddreg [dreg:$0xc]  }
0x5d: {  	[tilespmem:s30], [sflag:$0x7] =	stream.linear.gather [hbm4b:s19+s12], $0x2700, $0x38;
	[tilespmem:$0x18F20] =	vst v63  }
0x5e: {  	_ =	swait.ge [sflag:s18], $0x2700  }
0x5f: {  	s26 =	simm.s32 @!p0 $0x0;
	[sflag:s18] =	ssyncset.done $0x0  }
0x60: {  	s29 =	simm.s32 @!p0 $0x7620;
	s31 =	rddreg [dreg:$0xd];
	[sflag:s18] =	ssyncadd.s32 $0xFFFFD900  }
0x61: {  	[tilespmem:s29], [sflag:$0x7] =	stream.linear.gather @!p0 [hbm4b:s31+s26], $0x80, $0x38;
	[tilespmem:$0x18F20] =	vst v63  }
0x62: {  	s29 =	simm.s32 @!p0 $0x7  }
0x63: {  	_ =	swait.ge @!p0 [sflag:s29], $0x80  }
0x64: {  	[sflag:s29] =	ssyncset.done @!p0 $0x0  }
0x65: {  	s31 =	simm.s32 @!p0 $0x9E20;
	s28 =	rddreg [dreg:$0xe];
	[sflag:s29] =	ssyncadd.s32 @!p0 $0xFFFFFF80  }
0x66: {  	[tilespmem:s31], [sflag:$0x7] =	stream.linear.gather @!p0 [hbm4b:s28+s26], $0x80, $0x38;
	[tilespmem:$0x18F20] =	vst v63  }
0x67: {  	_ =	swait.ge @!p0 [sflag:s29], $0x80  }
0x68: {  	[sflag:s29] =	ssyncset.done @!p0 $0x0  }
0x69: {  	[sflag:s29] =	ssyncadd.s32 @!p0 $0xFFFFFF80  }
0x6a: {  	[bflag:$0x0] =	sbarrier.arrive $0xFFFF  }
0x6b: {  	[tilespmem:s23], [sflag:$0x1] =	stream.indirect.gather [spmem:s3], $0x10, s17, s22, $0xb8;
	[tilespmem:$0x18F20] =	vst v63  }
0x6c: {  	s20 =	simm.s32 $0x4FA0;
	s26 =	simm.s32 $0xA720  }
0x6d: {  	[tilespmem:s26], [sflag:$0x1] =	stream.indirect.gather [spmem:s3], $0x10, s20, s22, $0xb8;
	[tilespmem:$0x18F20] =	vst v63  }
0x6e: {  	s21 =	simm.s32 $0x5020;
	s28 =	simm.s32 $0xAF20  }
0x6f: {  	[tilespmem:s28], [sflag:$0x1] =	stream.indirect.gather [spmem:s3], $0x10, s21, s22, $0xb8;
	[tilespmem:$0x18F20] =	vst v63  }
0x70: {  	s24 =	simm.s32 $0x50A0;
	s29 =	simm.s32 $0xB720  }
0x71: {  	[tilespmem:s29], [sflag:$0x1] =	stream.indirect.gather [spmem:s3], $0x10, s24, s22, $0xb8;
	[tilespmem:$0x18F20] =	vst v63  }
0x72: {  	s25 =	simm.s32 $0x5120;
	s31 =	simm.s32 $0xBF20  }
0x73: {  	[tilespmem:s31], [sflag:$0x1] =	stream.indirect.gather [spmem:s3], $0x10, s25, s22, $0xb8;
	[tilespmem:$0x18F20] =	vst v63  }
0x74: {  	s0 =	simm.s32 $0x51A0;
	s4 =	simm.s32 $0xC720  }
0x75: {  	[tilespmem:s4], [sflag:$0x1] =	stream.indirect.gather [spmem:s3], $0x10, s0, s22, $0xb8;
	[tilespmem:$0x18F20] =	vst v63  }
0x76: {  	s6 =	simm.s32 $0xCF20;
	s4 =	simm.s32 $0x5220  }
0x77: {  	[tilespmem:s6], [sflag:$0x1] =	stream.indirect.gather [spmem:s3], $0x10, s4, s22, $0xb8;
	[tilespmem:$0x18F20] =	vst v63  }
0x78: {  	s8 =	simm.s32 $0x52A0;
	s0 =	simm.s32 $0xD720  }
0x79: {  	[tilespmem:s0], [sflag:$0x1] =	stream.indirect.gather [spmem:s3], $0x10, s8, s22, $0xb8;
	[tilespmem:$0x18F20] =	vst v63  }
0x7a: {  	s9 =	simm.s32 $0x5320;
	s24 =	simm.s32 $0xDF20  }
0x7b: {  	[tilespmem:s24], [sflag:$0x1] =	stream.indirect.gather [spmem:s3], $0x10, s9, s22, $0xb8;
	[tilespmem:$0x18F20] =	vst v63  }
0x7c: {  	s11 =	simm.s32 $0x53A0;
	s12 =	simm.s32 $0xE720  }
0x7d: {  	[tilespmem:s12], [sflag:$0x1] =	stream.indirect.gather [spmem:s3], $0x10, s11, s22, $0xb8;
	[tilespmem:$0x18F20] =	vst v63  }
0x7e: {  	s17 =	simm.s32 $0x5420;
	s9 =	simm.s32 $0xEF20  }
0x7f: {  	[tilespmem:s9], [sflag:$0x2] =	stream.indirect.gather [spmem:s3], $0x10, s17, s22, $0xb8;
	[tilespmem:$0x18F20] =	vst v63  }
0x80: {  	s19 =	simm.s32 $0x54A0;
	s20 =	simm.s32 $0xF720  }
0x81: {  	[tilespmem:s20], [sflag:$0x2] =	stream.indirect.gather [spmem:s3], $0x10, s19, s22, $0xb8;
	[tilespmem:$0x18F20] =	vst v63  }
0x82: {  	s21 =	simm.s32 $0x5520;
	s25 =	simm.s32 $0xFF20  }
0x83: {  	[tilespmem:s25], [sflag:$0x2] =	stream.indirect.gather [spmem:s3], $0x10, s21, s22, $0xb8;
	[tilespmem:$0x18F20] =	vst v63  }
0x84: {  	s4 =	simm.s32 $0x55A0;
	s8 =	simm.s32 $0x10720  }
0x85: {  	[tilespmem:s8], [sflag:$0x2] =	stream.indirect.gather [spmem:s3], $0x10, s4, s22, $0xb8;
	[tilespmem:$0x18F20] =	vst v63  }
0x86: {  	s11 =	simm.s32 $0x10F20;
	s9 =	simm.s32 $0x5620  }
0x87: {  	[tilespmem:s11], [sflag:$0x2] =	stream.indirect.gather [spmem:s3], $0x10, s9, s22, $0xb8;
	[tilespmem:$0x18F20] =	vst v63  }
0x88: {  	s12 =	simm.s32 $0x56A0;
	s17 =	simm.s32 $0x11720  }
0x89: {  	[tilespmem:s17], [sflag:$0x2] =	stream.indirect.gather [spmem:s3], $0x10, s12, s22, $0xb8;
	[tilespmem:$0x18F20] =	vst v63  }
0x8a: {  	s19 =	simm.s32 $0x5720;
	s20 =	simm.s32 $0x11F20  }
0x8b: {  	[tilespmem:s20], [sflag:$0x2] =	stream.indirect.gather [spmem:s3], $0x10, s19, s22, $0xb8;
	[tilespmem:$0x18F20] =	vst v63  }
0x8c: {  	s21 =	simm.s32 $0x57A0;
	s25 =	simm.s32 $0x12720  }
0x8d: {  	[tilespmem:s25], [sflag:$0x2] =	stream.indirect.gather [spmem:s3], $0x10, s21, s22, $0xb8;
	[tilespmem:$0x18F20] =	vst v63  }
0x8e: {  	s4 =	simm.s32 $0x5820;
	s8 =	simm.s32 $0x12F20  }
0x8f: {  	[tilespmem:s8], [sflag:$0x2] =	stream.indirect.gather [spmem:s3], $0x10, s4, s22, $0xb8;
	[tilespmem:$0x18F20] =	vst v63  }
0x90: {  	s9 =	simm.s32 $0x58A0;
	s11 =	simm.s32 $0x13720  }
0x91: {  	[tilespmem:s11], [sflag:$0x2] =	stream.indirect.gather [spmem:s3], $0x10, s9, s22, $0xb8;
	[tilespmem:$0x18F20] =	vst v63  }
0x92: {  	_ =	swait.ge [sflag:s13], $0x800  }
0x93: {  	[sflag:s13] =	ssyncset.done $0x0  }
0x94: {  	[sflag:s13] =	ssyncadd.s32 $0xFFFFF800  }
0x95: {  	_ =	swait.ge [sflag:s13], $0x800  }
0x96: {  	[sflag:s13] =	ssyncset.done $0x0  }
0x97: {  	[sflag:s13] =	ssyncadd.s32 $0xFFFFF800  }
0x98: {  	_ =	swait.ge [sflag:s13], $0x800  }
0x99: {  	[sflag:s13] =	ssyncset.done $0x0  }
0x9a: {  	[sflag:s13] =	ssyncadd.s32 $0xFFFFF800  }
0x9b: {  	_ =	swait.ge [sflag:s13], $0x800  }
0x9c: {  	[sflag:s13] =	ssyncset.done $0x0  }
0x9d: {  	[sflag:s13] =	ssyncadd.s32 $0xFFFFF800  }
0x9e: {  	_ =	swait.ge [sflag:s13], $0x800  }
0x9f: {  	[sflag:s13] =	ssyncset.done $0x0  }
0xa0: {  	[sflag:s13] =	ssyncadd.s32 $0xFFFFF800  }
0xa1: {  	_ =	swait.ge [sflag:s13], $0x800  }
0xa2: {  	[sflag:s13] =	ssyncset.done $0x0  }
0xa3: {  	[sflag:s13] =	ssyncadd.s32 $0xFFFFF800  }
0xa4: {  	_ =	swait.ge [sflag:s13], $0x800  }
0xa5: {  	[sflag:s13] =	ssyncset.done $0x0  }
0xa6: {  	[sflag:s13] =	ssyncadd.s32 $0xFFFFF800  }
0xa7: {  	_ =	swait.ge [sflag:s13], $0x800  }
0xa8: {  	[sflag:s13] =	ssyncset.done $0x0  }
0xa9: {  	[sflag:s13] =	ssyncadd.s32 $0xFFFFF800  }
0xaa: {  	_ =	swait.ge [sflag:s13], $0x800  }
0xab: {  	[sflag:s13] =	ssyncset.done $0x0  }
0xac: {  	[sflag:s13] =	ssyncadd.s32 $0xFFFFF800  }
0xad: {  	_ =	swait.ge [sflag:s13], $0x800  }
0xae: {  	[sflag:s13] =	ssyncset.done $0x0  }
0xaf: {  	s12 =	simm.s32 $0x5920;
	s17 =	simm.s32 $0x13F20;
	[sflag:s13] =	ssyncadd.s32 $0xFFFFF800  }
0xb0: {  	[tilespmem:s17], [sflag:$0x3] =	stream.indirect.gather [spmem:s3], $0x10, s12, s22, $0xb8;
	[tilespmem:$0x18F20] =	vst v63  }
0xb1: {  	s19 =	simm.s32 $0x59A0;
	s20 =	simm.s32 $0x14720  }
0xb2: {  	[tilespmem:s20], [sflag:$0x3] =	stream.indirect.gather [spmem:s3], $0x10, s19, s22, $0xb8;
	[tilespmem:$0x18F20] =	vst v63  }
0xb3: {  	s21 =	simm.s32 $0x5A20;
	s25 =	simm.s32 $0x14F20  }
0xb4: {  	[tilespmem:s25], [sflag:$0x3] =	stream.indirect.gather [spmem:s3], $0x10, s21, s22, $0xb8;
	[tilespmem:$0x18F20] =	vst v63  }
0xb5: {  	s4 =	simm.s32 $0x5AA0;
	s8 =	simm.s32 $0x15720  }
0xb6: {  	[tilespmem:s8], [sflag:$0x3] =	stream.indirect.gather [spmem:s3], $0x10, s4, s22, $0xb8;
	[tilespmem:$0x18F20] =	vst v63  }
0xb7: {  	s9 =	simm.s32 $0x5B20;
	s11 =	simm.s32 $0x15F20  }
0xb8: {  	[tilespmem:s11], [sflag:$0x3] =	stream.indirect.gather [spmem:s3], $0x10, s9, s22, $0xb8;
	[tilespmem:$0x18F20] =	vst v63  }
0xb9: {  	s12 =	simm.s32 $0x5BA0;
	s17 =	simm.s32 $0x16720  }
0xba: {  	[tilespmem:s17], [sflag:$0x3] =	stream.indirect.gather [spmem:s3], $0x10, s12, s22, $0xb8;
	[tilespmem:$0x18F20] =	vst v63  }
0xbb: {  	s19 =	simm.s32 $0x5C20;
	s20 =	simm.s32 $0x16F20  }
0xbc: {  	[tilespmem:s20], [sflag:$0x3] =	stream.indirect.gather [spmem:s3], $0x10, s19, s22, $0xb8;
	[tilespmem:$0x18F20] =	vst v63  }
0xbd: {  	s21 =	simm.s32 $0x5CA0;
	s25 =	simm.s32 $0x17720  }
0xbe: {  	[tilespmem:s25], [sflag:$0x3] =	stream.indirect.gather [spmem:s3], $0x10, s21, s22, $0xb8;
	[tilespmem:$0x18F20] =	vst v63  }
0xbf: {  	s4 =	simm.s32 $0x5D20;
	s8 =	simm.s32 $0x17F20  }
0xc0: {  	[tilespmem:s8], [sflag:$0x3] =	stream.indirect.gather [spmem:s3], $0x10, s4, s22, $0xb8;
	[tilespmem:$0x18F20] =	vst v63  }
0xc1: {  	s9 =	simm.s32 $0x5DA0;
	s11 =	simm.s32 $0x18720  }
0xc2: {  	[tilespmem:s11], [sflag:$0x3] =	stream.indirect.gather [spmem:s3], $0x10, s9, s22, $0xb8;
	[tilespmem:$0x18F20] =	vst v63  }
0xc3: {  	_ = 	snop  }
0xc4: {  	[spmem:s2] =	stream.indirect.scatter.add.f32 [tilespmem:s23], [sflag:$0x4], $0x10, s30, s22, $0xb8;
	[tilespmem:$0x18F20] =	vst v63  }
0xc5: {  	s12 =	simm.s32 $0x77A0  }
0xc6: {  	[spmem:s2] =	stream.indirect.scatter.add.f32 [tilespmem:s26], [sflag:$0x4], $0x10, s12, s22, $0xb8;
	[tilespmem:$0x18F20] =	vst v63  }
0xc7: {  	s17 =	simm.s32 $0x7820  }
0xc8: {  	[spmem:s2] =	stream.indirect.scatter.add.f32 [tilespmem:s28], [sflag:$0x4], $0x10, s17, s22, $0xb8;
	[tilespmem:$0x18F20] =	vst v63  }
0xc9: {  	s19 =	simm.s32 $0x78A0  }
0xca: {  	[spmem:s2] =	stream.indirect.scatter.add.f32 [tilespmem:s29], [sflag:$0x4], $0x10, s19, s22, $0xb8;
	[tilespmem:$0x18F20] =	vst v63  }
0xcb: {  	s20 =	simm.s32 $0x7920  }
0xcc: {  	[spmem:s2] =	stream.indirect.scatter.add.f32 [tilespmem:s31], [sflag:$0x4], $0x10, s20, s22, $0xb8;
	[tilespmem:$0x18F20] =	vst v63  }
0xcd: {  	s7 =	simm.s32 $0xC720;
	s21 =	simm.s32 $0x79A0  }
0xce: {  	[spmem:s2] =	stream.indirect.scatter.add.f32 [tilespmem:s7], [sflag:$0x4], $0x10, s21, s22, $0xb8;
	[tilespmem:$0x18F20] =	vst v63  }
0xcf: {  	s6 =	simm.s32 $0xCF20;
	s25 =	simm.s32 $0x7A20  }
0xd0: {  	[spmem:s2] =	stream.indirect.scatter.add.f32 [tilespmem:s6], [sflag:$0x4], $0x10, s25, s22, $0xb8;
	[tilespmem:$0x18F20] =	vst v63  }
0xd1: {  	s0 =	simm.s32 $0xD720;
	s30 =	simm.s32 $0x7AA0  }
0xd2: {  	[spmem:s2] =	stream.indirect.scatter.add.f32 [tilespmem:s0], [sflag:$0x4], $0x10, s30, s22, $0xb8;
	[tilespmem:$0x18F20] =	vst v63  }
0xd3: {  	s4 =	simm.s32 $0x7B20  }
0xd4: {  	[spmem:s2] =	stream.indirect.scatter.add.f32 [tilespmem:s24], [sflag:$0x4], $0x10, s4, s22, $0xb8;
	[tilespmem:$0x18F20] =	vst v63  }
0xd5: {  	s8 =	simm.s32 $0x7BA0;
	s9 =	simm.s32 $0xE720  }
0xd6: {  	[spmem:s2] =	stream.indirect.scatter.add.f32 [tilespmem:s9], [sflag:$0x4], $0x10, s8, s22, $0xb8;
	[tilespmem:$0x18F20] =	vst v63  }
0xd7: {  	_ =	swait.ge [sflag:s10], $0x800  }
0xd8: {  	[sflag:s10] =	ssyncset.done $0x0  }
0xd9: {  	[sflag:s10] =	ssyncadd.s32 $0xFFFFF800  }
0xda: {  	_ =	swait.ge [sflag:s10], $0x800  }
0xdb: {  	[sflag:s10] =	ssyncset.done $0x0  }
0xdc: {  	[sflag:s10] =	ssyncadd.s32 $0xFFFFF800  }
0xdd: {  	_ =	swait.ge [sflag:s10], $0x800  }
0xde: {  	[sflag:s10] =	ssyncset.done $0x0  }
0xdf: {  	[sflag:s10] =	ssyncadd.s32 $0xFFFFF800  }
0xe0: {  	_ =	swait.ge [sflag:s10], $0x800  }
0xe1: {  	[sflag:s10] =	ssyncset.done $0x0  }
0xe2: {  	[sflag:s10] =	ssyncadd.s32 $0xFFFFF800  }
0xe3: {  	_ =	swait.ge [sflag:s10], $0x800  }
0xe4: {  	[sflag:s10] =	ssyncset.done $0x0  }
0xe5: {  	[sflag:s10] =	ssyncadd.s32 $0xFFFFF800  }
0xe6: {  	_ =	swait.ge [sflag:s10], $0x800  }
0xe7: {  	[sflag:s10] =	ssyncset.done $0x0  }
0xe8: {  	[sflag:s10] =	ssyncadd.s32 $0xFFFFF800  }
0xe9: {  	_ =	swait.ge [sflag:s10], $0x800  }
0xea: {  	[sflag:s10] =	ssyncset.done $0x0  }
0xeb: {  	[sflag:s10] =	ssyncadd.s32 $0xFFFFF800  }
0xec: {  	_ =	swait.ge [sflag:s10], $0x800  }
0xed: {  	[sflag:s10] =	ssyncset.done $0x0  }
0xee: {  	[sflag:s10] =	ssyncadd.s32 $0xFFFFF800  }
0xef: {  	_ =	swait.ge [sflag:s10], $0x800  }
0xf0: {  	[sflag:s10] =	ssyncset.done $0x0  }
0xf1: {  	[sflag:s10] =	ssyncadd.s32 $0xFFFFF800  }
0xf2: {  	_ =	swait.ge [sflag:s10], $0x800  }
0xf3: {  	[sflag:s10] =	ssyncset.done $0x0  }
0xf4: {  	[sflag:s10] =	ssyncadd.s32 $0xFFFFF800  }
0xf5: {  	_ =	swait.ge [sflag:s5], $0x800  }
0xf6: {  	[sflag:s5] =	ssyncset.done $0x0  }
0xf7: {  	[sflag:s5] =	ssyncadd.s32 $0xFFFFF800  }
0xf8: {  	_ =	swait.ge [sflag:s5], $0x800  }
0xf9: {  	[sflag:s5] =	ssyncset.done $0x0  }
0xfa: {  	[sflag:s5] =	ssyncadd.s32 $0xFFFFF800  }
0xfb: {  	_ =	swait.ge [sflag:s5], $0x800  }
0xfc: {  	[sflag:s5] =	ssyncset.done $0x0  }
0xfd: {  	[sflag:s5] =	ssyncadd.s32 $0xFFFFF800  }
0xfe: {  	_ =	swait.ge [sflag:s5], $0x800  }
0xff: {  	[sflag:s5] =	ssyncset.done $0x0  }
0x100: {  	[sflag:s5] =	ssyncadd.s32 $0xFFFFF800  }
0x101: {  	_ =	swait.ge [sflag:s5], $0x800  }
0x102: {  	[sflag:s5] =	ssyncset.done $0x0  }
0x103: {  	[sflag:s5] =	ssyncadd.s32 $0xFFFFF800  }
0x104: {  	_ =	swait.ge [sflag:s5], $0x800  }
0x105: {  	[sflag:s5] =	ssyncset.done $0x0  }
0x106: {  	[sflag:s5] =	ssyncadd.s32 $0xFFFFF800  }
0x107: {  	_ =	swait.ge [sflag:s5], $0x800  }
0x108: {  	[sflag:s5] =	ssyncset.done $0x0  }
0x109: {  	[sflag:s5] =	ssyncadd.s32 $0xFFFFF800  }
0x10a: {  	_ =	swait.ge [sflag:s5], $0x800  }
0x10b: {  	[sflag:s5] =	ssyncset.done $0x0  }
0x10c: {  	[sflag:s5] =	ssyncadd.s32 $0xFFFFF800  }
0x10d: {  	_ =	swait.ge [sflag:s5], $0x800  }
0x10e: {  	[sflag:s5] =	ssyncset.done $0x0  }
0x10f: {  	[sflag:s5] =	ssyncadd.s32 $0xFFFFF800  }
0x110: {  	_ =	swait.ge [sflag:s5], $0x800  }
0x111: {  	[sflag:s5] =	ssyncset.done $0x0  }
0x112: {  	s11 =	simm.s32 $0x5E20;
	[sflag:s5] =	ssyncadd.s32 $0xFFFFF800  }
0x113: {  	[tilespmem:s23], [sflag:$0x1] =	stream.indirect.gather [spmem:s3], $0x10, s11, s22, $0xb8;
	[tilespmem:$0x18F20] =	vst v63  }
0x114: {  	s12 =	simm.s32 $0x5EA0  }
0x115: {  	[tilespmem:s26], [sflag:$0x1] =	stream.indirect.gather [spmem:s3], $0x10, s12, s22, $0xb8;
	[tilespmem:$0x18F20] =	vst v63  }
0x116: {  	s17 =	simm.s32 $0x5F20  }
0x117: {  	[tilespmem:s28], [sflag:$0x1] =	stream.indirect.gather [spmem:s3], $0x10, s17, s22, $0xb8;
	[tilespmem:$0x18F20] =	vst v63  }
0x118: {  	s19 =	simm.s32 $0x5FA0  }
0x119: {  	[tilespmem:s29], [sflag:$0x1] =	stream.indirect.gather [spmem:s3], $0x10, s19, s22, $0xb8;
	[tilespmem:$0x18F20] =	vst v63  }
0x11a: {  	s20 =	simm.s32 $0x6020  }
0x11b: {  	[tilespmem:s31], [sflag:$0x1] =	stream.indirect.gather [spmem:s3], $0x10, s20, s22, $0xb8;
	[tilespmem:$0x18F20] =	vst v63  }
0x11c: {  	s7 =	simm.s32 $0xC720;
	s21 =	simm.s32 $0x60A0  }
0x11d: {  	[tilespmem:s7], [sflag:$0x1] =	stream.indirect.gather [spmem:s3], $0x10, s21, s22, $0xb8;
	[tilespmem:$0x18F20] =	vst v63  }
0x11e: {  	s6 =	simm.s32 $0xCF20;
	s25 =	simm.s32 $0x6120  }
0x11f: {  	[tilespmem:s6], [sflag:$0x1] =	stream.indirect.gather [spmem:s3], $0x10, s25, s22, $0xb8;
	[tilespmem:$0x18F20] =	vst v63  }
0x120: {  	s0 =	simm.s32 $0xD720;
	s30 =	simm.s32 $0x61A0  }
0x121: {  	[tilespmem:s0], [sflag:$0x1] =	stream.indirect.gather [spmem:s3], $0x10, s30, s22, $0xb8;
	[tilespmem:$0x18F20] =	vst v63  }
0x122: {  	s0 =	simm.s32 $0x6220  }
0x123: {  	[tilespmem:s24], [sflag:$0x1] =	stream.indirect.gather [spmem:s3], $0x10, s0, s22, $0xb8;
	[tilespmem:$0x18F20] =	vst v63  }
0x124: {  	s6 =	simm.s32 $0x62A0  }
0x125: {  	[tilespmem:s9], [sflag:$0x1] =	stream.indirect.gather [spmem:s3], $0x10, s6, s22, $0xb8;
	[tilespmem:$0x18F20] =	vst v63  }
0x126: {  	s4 =	simm.s32 $0xEF20;
	s7 =	simm.s32 $0x7C20  }
0x127: {  	[spmem:s2] =	stream.indirect.scatter.add.f32 [tilespmem:s4], [sflag:$0x5], $0x10, s7, s22, $0xb8;
	[tilespmem:$0x18F20] =	vst v63  }
0x128: {  	s8 =	simm.s32 $0x7CA0;
	s19 =	simm.s32 $0xF720  }
0x129: {  	[spmem:s2] =	stream.indirect.scatter.add.f32 [tilespmem:s19], [sflag:$0x5], $0x10, s8, s22, $0xb8;
	[tilespmem:$0x18F20] =	vst v63  }
0x12a: {  	s20 =	simm.s32 $0xFF20;
	s9 =	simm.s32 $0x7D20  }
0x12b: {  	[spmem:s2] =	stream.indirect.scatter.add.f32 [tilespmem:s20], [sflag:$0x5], $0x10, s9, s22, $0xb8;
	[tilespmem:$0x18F20] =	vst v63  }
0x12c: {  	s11 =	simm.s32 $0x7DA0;
	s21 =	simm.s32 $0x10720  }
0x12d: {  	[spmem:s2] =	stream.indirect.scatter.add.f32 [tilespmem:s21], [sflag:$0x5], $0x10, s11, s22, $0xb8;
	[tilespmem:$0x18F20] =	vst v63  }
0x12e: {  	s12 =	simm.s32 $0x7E20;
	s11 =	simm.s32 $0x10F20  }
0x12f: {  	[spmem:s2] =	stream.indirect.scatter.add.f32 [tilespmem:s11], [sflag:$0x5], $0x10, s12, s22, $0xb8;
	[tilespmem:$0x18F20] =	vst v63  }
0x130: {  	s17 =	simm.s32 $0x7EA0;
	s12 =	simm.s32 $0x11720  }
0x131: {  	[spmem:s2] =	stream.indirect.scatter.add.f32 [tilespmem:s12], [sflag:$0x5], $0x10, s17, s22, $0xb8;
	[tilespmem:$0x18F20] =	vst v63  }
0x132: {  	s25 =	simm.s32 $0x7F20;
	s17 =	simm.s32 $0x11F20  }
0x133: {  	[spmem:s2] =	stream.indirect.scatter.add.f32 [tilespmem:s17], [sflag:$0x5], $0x10, s25, s22, $0xb8;
	[tilespmem:$0x18F20] =	vst v63  }
0x134: {  	s30 =	simm.s32 $0x7FA0;
	s6 =	simm.s32 $0x12720  }
0x135: {  	[spmem:s2] =	stream.indirect.scatter.add.f32 [tilespmem:s6], [sflag:$0x5], $0x10, s30, s22, $0xb8;
	[tilespmem:$0x18F20] =	vst v63  }
0x136: {  	s0 =	simm.s32 $0x8020;
	s30 =	simm.s32 $0x12F20  }
0x137: {  	[spmem:s2] =	stream.indirect.scatter.add.f32 [tilespmem:s30], [sflag:$0x5], $0x10, s0, s22, $0xb8;
	[tilespmem:$0x18F20] =	vst v63  }
0x138: {  	s7 =	simm.s32 $0x80A0;
	s0 =	simm.s32 $0x13720  }
0x139: {  	[spmem:s2] =	stream.indirect.scatter.add.f32 [tilespmem:s0], [sflag:$0x5], $0x10, s7, s22, $0xb8;
	[tilespmem:$0x18F20] =	vst v63  }
0x13a: {  	_ =	swait.ge [sflag:s14], $0x800  }
0x13b: {  	[sflag:s14] =	ssyncset.done $0x0  }
0x13c: {  	[sflag:s14] =	ssyncadd.s32 $0xFFFFF800  }
0x13d: {  	_ =	swait.ge [sflag:s14], $0x800  }
0x13e: {  	[sflag:s14] =	ssyncset.done $0x0  }
0x13f: {  	[sflag:s14] =	ssyncadd.s32 $0xFFFFF800  }
0x140: {  	_ =	swait.ge [sflag:s14], $0x800  }
0x141: {  	[sflag:s14] =	ssyncset.done $0x0  }
0x142: {  	[sflag:s14] =	ssyncadd.s32 $0xFFFFF800  }
0x143: {  	_ =	swait.ge [sflag:s14], $0x800  }
0x144: {  	[sflag:s14] =	ssyncset.done $0x0  }
0x145: {  	[sflag:s14] =	ssyncadd.s32 $0xFFFFF800  }
0x146: {  	_ =	swait.ge [sflag:s14], $0x800  }
0x147: {  	[sflag:s14] =	ssyncset.done $0x0  }
0x148: {  	[sflag:s14] =	ssyncadd.s32 $0xFFFFF800  }
0x149: {  	_ =	swait.ge [sflag:s14], $0x800  }
0x14a: {  	[sflag:s14] =	ssyncset.done $0x0  }
0x14b: {  	[sflag:s14] =	ssyncadd.s32 $0xFFFFF800  }
0x14c: {  	_ =	swait.ge [sflag:s14], $0x800  }
0x14d: {  	[sflag:s14] =	ssyncset.done $0x0  }
0x14e: {  	[sflag:s14] =	ssyncadd.s32 $0xFFFFF800  }
0x14f: {  	_ =	swait.ge [sflag:s14], $0x800  }
0x150: {  	[sflag:s14] =	ssyncset.done $0x0  }
0x151: {  	[sflag:s14] =	ssyncadd.s32 $0xFFFFF800  }
0x152: {  	_ =	swait.ge [sflag:s14], $0x800  }
0x153: {  	[sflag:s14] =	ssyncset.done $0x0  }
0x154: {  	[sflag:s14] =	ssyncadd.s32 $0xFFFFF800  }
0x155: {  	_ =	swait.ge [sflag:s14], $0x800  }
0x156: {  	[sflag:s14] =	ssyncset.done $0x0  }
0x157: {  	[sflag:s14] =	ssyncadd.s32 $0xFFFFF800  }
0x158: {  	_ =	swait.ge [sflag:s15], $0x800  }
0x159: {  	[sflag:s15] =	ssyncset.done $0x0  }
0x15a: {  	[sflag:s15] =	ssyncadd.s32 $0xFFFFF800  }
0x15b: {  	_ =	swait.ge [sflag:s15], $0x800  }
0x15c: {  	[sflag:s15] =	ssyncset.done $0x0  }
0x15d: {  	[sflag:s15] =	ssyncadd.s32 $0xFFFFF800  }
0x15e: {  	_ =	swait.ge [sflag:s15], $0x800  }
0x15f: {  	[sflag:s15] =	ssyncset.done $0x0  }
0x160: {  	[sflag:s15] =	ssyncadd.s32 $0xFFFFF800  }
0x161: {  	_ =	swait.ge [sflag:s15], $0x800  }
0x162: {  	[sflag:s15] =	ssyncset.done $0x0  }
0x163: {  	[sflag:s15] =	ssyncadd.s32 $0xFFFFF800  }
0x164: {  	_ =	swait.ge [sflag:s15], $0x800  }
0x165: {  	[sflag:s15] =	ssyncset.done $0x0  }
0x166: {  	[sflag:s15] =	ssyncadd.s32 $0xFFFFF800  }
0x167: {  	_ =	swait.ge [sflag:s15], $0x800  }
0x168: {  	[sflag:s15] =	ssyncset.done $0x0  }
0x169: {  	[sflag:s15] =	ssyncadd.s32 $0xFFFFF800  }
0x16a: {  	_ =	swait.ge [sflag:s15], $0x800  }
0x16b: {  	[sflag:s15] =	ssyncset.done $0x0  }
0x16c: {  	[sflag:s15] =	ssyncadd.s32 $0xFFFFF800  }
0x16d: {  	_ =	swait.ge [sflag:s15], $0x800  }
0x16e: {  	[sflag:s15] =	ssyncset.done $0x0  }
0x16f: {  	[sflag:s15] =	ssyncadd.s32 $0xFFFFF800  }
0x170: {  	_ =	swait.ge [sflag:s15], $0x800  }
0x171: {  	[sflag:s15] =	ssyncset.done $0x0  }
0x172: {  	[sflag:s15] =	ssyncadd.s32 $0xFFFFF800  }
0x173: {  	_ =	swait.ge [sflag:s15], $0x800  }
0x174: {  	[sflag:s15] =	ssyncset.done $0x0  }
0x175: {  	s8 =	simm.s32 $0x6320;
	[sflag:s15] =	ssyncadd.s32 $0xFFFFF800  }
0x176: {  	[tilespmem:s4], [sflag:$0x2] =	stream.indirect.gather [spmem:s3], $0x10, s8, s22, $0xb8;
	[tilespmem:$0x18F20] =	vst v63  }
0x177: {  	s9 =	simm.s32 $0x63A0  }
0x178: {  	[tilespmem:s19], [sflag:$0x2] =	stream.indirect.gather [spmem:s3], $0x10, s9, s22, $0xb8;
	[tilespmem:$0x18F20] =	vst v63  }
0x179: {  	s19 =	simm.s32 $0x6420  }
0x17a: {  	[tilespmem:s20], [sflag:$0x2] =	stream.indirect.gather [spmem:s3], $0x10, s19, s22, $0xb8;
	[tilespmem:$0x18F20] =	vst v63  }
0x17b: {  	s25 =	simm.s32 $0x64A0  }
0x17c: {  	[tilespmem:s21], [sflag:$0x2] =	stream.indirect.gather [spmem:s3], $0x10, s25, s22, $0xb8;
	[tilespmem:$0x18F20] =	vst v63  }
0x17d: {  	s4 =	simm.s32 $0x6520  }
0x17e: {  	[tilespmem:s11], [sflag:$0x2] =	stream.indirect.gather [spmem:s3], $0x10, s4, s22, $0xb8;
	[tilespmem:$0x18F20] =	vst v63  }
0x17f: {  	s7 =	simm.s32 $0x65A0  }
0x180: {  	[tilespmem:s12], [sflag:$0x2] =	stream.indirect.gather [spmem:s3], $0x10, s7, s22, $0xb8;
	[tilespmem:$0x18F20] =	vst v63  }
0x181: {  	s8 =	simm.s32 $0x6620  }
0x182: {  	[tilespmem:s17], [sflag:$0x2] =	stream.indirect.gather [spmem:s3], $0x10, s8, s22, $0xb8;
	[tilespmem:$0x18F20] =	vst v63  }
0x183: {  	s9 =	simm.s32 $0x66A0  }
0x184: {  	[tilespmem:s6], [sflag:$0x2] =	stream.indirect.gather [spmem:s3], $0x10, s9, s22, $0xb8;
	[tilespmem:$0x18F20] =	vst v63  }
0x185: {  	s11 =	simm.s32 $0x6720  }
0x186: {  	[tilespmem:s30], [sflag:$0x2] =	stream.indirect.gather [spmem:s3], $0x10, s11, s22, $0xb8;
	[tilespmem:$0x18F20] =	vst v63  }
0x187: {  	s12 =	simm.s32 $0x67A0  }
0x188: {  	[tilespmem:s0], [sflag:$0x2] =	stream.indirect.gather [spmem:s3], $0x10, s12, s22, $0xb8;
	[tilespmem:$0x18F20] =	vst v63  }
0x189: {  	s17 =	simm.s32 $0x8120;
	s6 =	simm.s32 $0x13F20  }
0x18a: {  	[spmem:s2] =	stream.indirect.scatter.add.f32 [tilespmem:s6], [sflag:$0x6], $0x10, s17, s22, $0xb8;
	[tilespmem:$0x18F20] =	vst v63  }
0x18b: {  	s19 =	simm.s32 $0x81A0;
	s17 =	simm.s32 $0x14720  }
0x18c: {  	[spmem:s2] =	stream.indirect.scatter.add.f32 [tilespmem:s17], [sflag:$0x6], $0x10, s19, s22, $0xb8;
	[tilespmem:$0x18F20] =	vst v63  }
0x18d: {  	s20 =	simm.s32 $0x8220;
	s21 =	simm.s32 $0x14F20  }
0x18e: {  	[spmem:s2] =	stream.indirect.scatter.add.f32 [tilespmem:s21], [sflag:$0x6], $0x10, s20, s22, $0xb8;
	[tilespmem:$0x18F20] =	vst v63  }
0x18f: {  	s25 =	simm.s32 $0x82A0;
	s7 =	simm.s32 $0x15720  }
0x190: {  	[spmem:s2] =	stream.indirect.scatter.add.f32 [tilespmem:s7], [sflag:$0x6], $0x10, s25, s22, $0xb8;
	[tilespmem:$0x18F20] =	vst v63  }
0x191: {  	s8 =	simm.s32 $0x15F20;
	s0 =	simm.s32 $0x8320  }
0x192: {  	[spmem:s2] =	stream.indirect.scatter.add.f32 [tilespmem:s8], [sflag:$0x6], $0x10, s0, s22, $0xb8;
	[tilespmem:$0x18F20] =	vst v63  }
0x193: {  	s4 =	simm.s32 $0x83A0;
	s25 =	simm.s32 $0x16720  }
0x194: {  	[spmem:s2] =	stream.indirect.scatter.add.f32 [tilespmem:s25], [sflag:$0x6], $0x10, s4, s22, $0xb8;
	[tilespmem:$0x18F20] =	vst v63  }
0x195: {  	s9 =	simm.s32 $0x8420;
	s0 =	simm.s32 $0x16F20  }
0x196: {  	[spmem:s2] =	stream.indirect.scatter.add.f32 [tilespmem:s0], [sflag:$0x6], $0x10, s9, s22, $0xb8;
	[tilespmem:$0x18F20] =	vst v63  }
0x197: {  	s11 =	simm.s32 $0x84A0;
	s4 =	simm.s32 $0x17720  }
0x198: {  	[spmem:s2] =	stream.indirect.scatter.add.f32 [tilespmem:s4], [sflag:$0x6], $0x10, s11, s22, $0xb8;
	[tilespmem:$0x18F20] =	vst v63  }
0x199: {  	s12 =	simm.s32 $0x8520;
	s9 =	simm.s32 $0x17F20  }
0x19a: {  	[spmem:s2] =	stream.indirect.scatter.add.f32 [tilespmem:s9], [sflag:$0x6], $0x10, s12, s22, $0xb8;
	[tilespmem:$0x18F20] =	vst v63  }
0x19b: {  	s19 =	simm.s32 $0x85A0;
	s11 =	simm.s32 $0x18720  }
0x19c: {  	[spmem:s2] =	stream.indirect.scatter.add.f32 [tilespmem:s11], [sflag:$0x6], $0x10, s19, s22, $0xb8;
	[tilespmem:$0x18F20] =	vst v63  }
0x19d: {  	_ =	swait.ge [sflag:s13], $0x800  }
0x19e: {  	[sflag:s13] =	ssyncset.done $0x0  }
0x19f: {  	[sflag:s13] =	ssyncadd.s32 $0xFFFFF800  }
0x1a0: {  	_ =	swait.ge [sflag:s13], $0x800  }
0x1a1: {  	[sflag:s13] =	ssyncset.done $0x0  }
0x1a2: {  	[sflag:s13] =	ssyncadd.s32 $0xFFFFF800  }
0x1a3: {  	_ =	swait.ge [sflag:s13], $0x800  }
0x1a4: {  	[sflag:s13] =	ssyncset.done $0x0  }
0x1a5: {  	[sflag:s13] =	ssyncadd.s32 $0xFFFFF800  }
0x1a6: {  	_ =	swait.ge [sflag:s13], $0x800  }
0x1a7: {  	[sflag:s13] =	ssyncset.done $0x0  }
0x1a8: {  	[sflag:s13] =	ssyncadd.s32 $0xFFFFF800  }
0x1a9: {  	_ =	swait.ge [sflag:s13], $0x800  }
0x1aa: {  	[sflag:s13] =	ssyncset.done $0x0  }
0x1ab: {  	[sflag:s13] =	ssyncadd.s32 $0xFFFFF800  }
0x1ac: {  	_ =	swait.ge [sflag:s13], $0x800  }
0x1ad: {  	[sflag:s13] =	ssyncset.done $0x0  }
0x1ae: {  	[sflag:s13] =	ssyncadd.s32 $0xFFFFF800  }
0x1af: {  	_ =	swait.ge [sflag:s13], $0x800  }
0x1b0: {  	[sflag:s13] =	ssyncset.done $0x0  }
0x1b1: {  	[sflag:s13] =	ssyncadd.s32 $0xFFFFF800  }
0x1b2: {  	_ =	swait.ge [sflag:s13], $0x800  }
0x1b3: {  	[sflag:s13] =	ssyncset.done $0x0  }
0x1b4: {  	[sflag:s13] =	ssyncadd.s32 $0xFFFFF800  }
0x1b5: {  	_ =	swait.ge [sflag:s13], $0x800  }
0x1b6: {  	[sflag:s13] =	ssyncset.done $0x0  }
0x1b7: {  	[sflag:s13] =	ssyncadd.s32 $0xFFFFF800  }
0x1b8: {  	_ =	swait.ge [sflag:s13], $0x800  }
0x1b9: {  	[sflag:s13] =	ssyncset.done $0x0  }
0x1ba: {  	[sflag:s13] =	ssyncadd.s32 $0xFFFFF800  }
0x1bb: {  	_ =	swait.ge [sflag:s16], $0x800  }
0x1bc: {  	[sflag:s16] =	ssyncset.done $0x0  }
0x1bd: {  	[sflag:s16] =	ssyncadd.s32 $0xFFFFF800  }
0x1be: {  	_ =	swait.ge [sflag:s16], $0x800  }
0x1bf: {  	[sflag:s16] =	ssyncset.done $0x0  }
0x1c0: {  	[sflag:s16] =	ssyncadd.s32 $0xFFFFF800  }
0x1c1: {  	_ =	swait.ge [sflag:s16], $0x800  }
0x1c2: {  	[sflag:s16] =	ssyncset.done $0x0  }
0x1c3: {  	[sflag:s16] =	ssyncadd.s32 $0xFFFFF800  }
0x1c4: {  	_ =	swait.ge [sflag:s16], $0x800  }
0x1c5: {  	[sflag:s16] =	ssyncset.done $0x0  }
0x1c6: {  	[sflag:s16] =	ssyncadd.s32 $0xFFFFF800  }
0x1c7: {  	_ =	swait.ge [sflag:s16], $0x800  }
0x1c8: {  	[sflag:s16] =	ssyncset.done $0x0  }
0x1c9: {  	[sflag:s16] =	ssyncadd.s32 $0xFFFFF800  }
0x1ca: {  	_ =	swait.ge [sflag:s16], $0x800  }
0x1cb: {  	[sflag:s16] =	ssyncset.done $0x0  }
0x1cc: {  	[sflag:s16] =	ssyncadd.s32 $0xFFFFF800  }
0x1cd: {  	_ =	swait.ge [sflag:s16], $0x800  }
0x1ce: {  	[sflag:s16] =	ssyncset.done $0x0  }
0x1cf: {  	[sflag:s16] =	ssyncadd.s32 $0xFFFFF800  }
0x1d0: {  	_ =	swait.ge [sflag:s16], $0x800  }
0x1d1: {  	[sflag:s16] =	ssyncset.done $0x0  }
0x1d2: {  	[sflag:s16] =	ssyncadd.s32 $0xFFFFF800  }
0x1d3: {  	_ =	swait.ge [sflag:s16], $0x800  }
0x1d4: {  	[sflag:s16] =	ssyncset.done $0x0  }
0x1d5: {  	[sflag:s16] =	ssyncadd.s32 $0xFFFFF800  }
0x1d6: {  	_ =	swait.ge [sflag:s16], $0x800  }
0x1d7: {  	[sflag:s16] =	ssyncset.done $0x0  }
0x1d8: {  	s20 =	simm.s32 $0x6820;
	[sflag:s16] =	ssyncadd.s32 $0xFFFFF800  }
0x1d9: {  	[tilespmem:s6], [sflag:$0x3] =	stream.indirect.gather [spmem:s3], $0x10, s20, s22, $0xb8;
	[tilespmem:$0x18F20] =	vst v63  }
0x1da: {  	s12 =	simm.s32 $0x68A0  }
0x1db: {  	[tilespmem:s17], [sflag:$0x3] =	stream.indirect.gather [spmem:s3], $0x10, s12, s22, $0xb8;
	[tilespmem:$0x18F20] =	vst v63  }
0x1dc: {  	s17 =	simm.s32 $0x6920  }
0x1dd: {  	[tilespmem:s21], [sflag:$0x3] =	stream.indirect.gather [spmem:s3], $0x10, s17, s22, $0xb8;
	[tilespmem:$0x18F20] =	vst v63  }
0x1de: {  	s19 =	simm.s32 $0x69A0  }
0x1df: {  	[tilespmem:s7], [sflag:$0x3] =	stream.indirect.gather [spmem:s3], $0x10, s19, s22, $0xb8;
	[tilespmem:$0x18F20] =	vst v63  }
0x1e0: {  	s20 =	simm.s32 $0x6A20  }
0x1e1: {  	[tilespmem:s8], [sflag:$0x3] =	stream.indirect.gather [spmem:s3], $0x10, s20, s22, $0xb8;
	[tilespmem:$0x18F20] =	vst v63  }
0x1e2: {  	s21 =	simm.s32 $0x6AA0  }
0x1e3: {  	[tilespmem:s25], [sflag:$0x3] =	stream.indirect.gather [spmem:s3], $0x10, s21, s22, $0xb8;
	[tilespmem:$0x18F20] =	vst v63  }
0x1e4: {  	s6 =	simm.s32 $0x6B20  }
0x1e5: {  	[tilespmem:s0], [sflag:$0x3] =	stream.indirect.gather [spmem:s3], $0x10, s6, s22, $0xb8;
	[tilespmem:$0x18F20] =	vst v63  }
0x1e6: {  	s7 =	simm.s32 $0x6BA0  }
0x1e7: {  	[tilespmem:s4], [sflag:$0x3] =	stream.indirect.gather [spmem:s3], $0x10, s7, s22, $0xb8;
	[tilespmem:$0x18F20] =	vst v63  }
0x1e8: {  	s8 =	simm.s32 $0x6C20  }
0x1e9: {  	[tilespmem:s9], [sflag:$0x3] =	stream.indirect.gather [spmem:s3], $0x10, s8, s22, $0xb8;
	[tilespmem:$0x18F20] =	vst v63  }
0x1ea: {  	s9 =	simm.s32 $0x6CA0  }
0x1eb: {  	[tilespmem:s11], [sflag:$0x3] =	stream.indirect.gather [spmem:s3], $0x10, s9, s22, $0xb8;
	[tilespmem:$0x18F20] =	vst v63  }
0x1ec: {  	s11 =	simm.s32 $0x8620  }
0x1ed: {  	[spmem:s2] =	stream.indirect.scatter.add.f32 [tilespmem:s23], [sflag:$0x4], $0x10, s11, s22, $0xb8;
	[tilespmem:$0x18F20] =	vst v63  }
0x1ee: {  	s12 =	simm.s32 $0x86A0  }
0x1ef: {  	[spmem:s2] =	stream.indirect.scatter.add.f32 [tilespmem:s26], [sflag:$0x4], $0x10, s12, s22, $0xb8;
	[tilespmem:$0x18F20] =	vst v63  }
0x1f0: {  	s17 =	simm.s32 $0x8720  }
0x1f1: {  	[spmem:s2] =	stream.indirect.scatter.add.f32 [tilespmem:s28], [sflag:$0x4], $0x10, s17, s22, $0xb8;
	[tilespmem:$0x18F20] =	vst v63  }
0x1f2: {  	s19 =	simm.s32 $0x87A0  }
0x1f3: {  	[spmem:s2] =	stream.indirect.scatter.add.f32 [tilespmem:s29], [sflag:$0x4], $0x10, s19, s22, $0xb8;
	[tilespmem:$0x18F20] =	vst v63  }
0x1f4: {  	s20 =	simm.s32 $0x8820  }
0x1f5: {  	[spmem:s2] =	stream.indirect.scatter.add.f32 [tilespmem:s31], [sflag:$0x4], $0x10, s20, s22, $0xb8;
	[tilespmem:$0x18F20] =	vst v63  }
0x1f6: {  	s21 =	simm.s32 $0x88A0;
	s6 =	simm.s32 $0xC720  }
0x1f7: {  	[spmem:s2] =	stream.indirect.scatter.add.f32 [tilespmem:s6], [sflag:$0x4], $0x10, s21, s22, $0xb8;
	[tilespmem:$0x18F20] =	vst v63  }
0x1f8: {  	s25 =	simm.s32 $0x8920;
	s4 =	simm.s32 $0xCF20  }
0x1f9: {  	[spmem:s2] =	stream.indirect.scatter.add.f32 [tilespmem:s4], [sflag:$0x4], $0x10, s25, s22, $0xb8;
	[tilespmem:$0x18F20] =	vst v63  }
0x1fa: {  	s0 =	simm.s32 $0x89A0;
	s7 =	simm.s32 $0xD720  }
0x1fb: {  	[spmem:s2] =	stream.indirect.scatter.add.f32 [tilespmem:s7], [sflag:$0x4], $0x10, s0, s22, $0xb8;
	[tilespmem:$0x18F20] =	vst v63  }
0x1fc: {  	s8 =	simm.s32 $0x8A20  }
0x1fd: {  	[spmem:s2] =	stream.indirect.scatter.add.f32 [tilespmem:s24], [sflag:$0x4], $0x10, s8, s22, $0xb8;
	[tilespmem:$0x18F20] =	vst v63  }
0x1fe: {  	s9 =	simm.s32 $0x8AA0;
	s11 =	simm.s32 $0xE720  }
0x1ff: {  	[spmem:s2] =	stream.indirect.scatter.add.f32 [tilespmem:s11], [sflag:$0x4], $0x10, s9, s22, $0xb8;
	[tilespmem:$0x18F20] =	vst v63  }
0x200: {  	_ =	swait.ge [sflag:s10], $0x800  }
0x201: {  	[sflag:s10] =	ssyncset.done $0x0  }
0x202: {  	[sflag:s10] =	ssyncadd.s32 $0xFFFFF800  }
0x203: {  	_ =	swait.ge [sflag:s10], $0x800  }
0x204: {  	[sflag:s10] =	ssyncset.done $0x0  }
0x205: {  	[sflag:s10] =	ssyncadd.s32 $0xFFFFF800  }
0x206: {  	_ =	swait.ge [sflag:s10], $0x800  }
0x207: {  	[sflag:s10] =	ssyncset.done $0x0  }
0x208: {  	[sflag:s10] =	ssyncadd.s32 $0xFFFFF800  }
0x209: {  	_ =	swait.ge [sflag:s10], $0x800  }
0x20a: {  	[sflag:s10] =	ssyncset.done $0x0  }
0x20b: {  	[sflag:s10] =	ssyncadd.s32 $0xFFFFF800  }
0x20c: {  	_ =	swait.ge [sflag:s10], $0x800  }
0x20d: {  	[sflag:s10] =	ssyncset.done $0x0  }
0x20e: {  	[sflag:s10] =	ssyncadd.s32 $0xFFFFF800  }
0x20f: {  	_ =	swait.ge [sflag:s10], $0x800  }
0x210: {  	[sflag:s10] =	ssyncset.done $0x0  }
0x211: {  	[sflag:s10] =	ssyncadd.s32 $0xFFFFF800  }
0x212: {  	_ =	swait.ge [sflag:s10], $0x800  }
0x213: {  	[sflag:s10] =	ssyncset.done $0x0  }
0x214: {  	[sflag:s10] =	ssyncadd.s32 $0xFFFFF800  }
0x215: {  	_ =	swait.ge [sflag:s10], $0x800  }
0x216: {  	[sflag:s10] =	ssyncset.done $0x0  }
0x217: {  	[sflag:s10] =	ssyncadd.s32 $0xFFFFF800  }
0x218: {  	_ =	swait.ge [sflag:s10], $0x800  }
0x219: {  	[sflag:s10] =	ssyncset.done $0x0  }
0x21a: {  	[sflag:s10] =	ssyncadd.s32 $0xFFFFF800  }
0x21b: {  	_ =	swait.ge [sflag:s10], $0x800  }
0x21c: {  	[sflag:s10] =	ssyncset.done $0x0  }
0x21d: {  	[sflag:s10] =	ssyncadd.s32 $0xFFFFF800  }
0x21e: {  	_ =	swait.ge [sflag:s5], $0x800  }
0x21f: {  	[sflag:s5] =	ssyncset.done $0x0  }
0x220: {  	[sflag:s5] =	ssyncadd.s32 $0xFFFFF800  }
0x221: {  	_ =	swait.ge [sflag:s5], $0x800  }
0x222: {  	[sflag:s5] =	ssyncset.done $0x0  }
0x223: {  	[sflag:s5] =	ssyncadd.s32 $0xFFFFF800  }
0x224: {  	_ =	swait.ge [sflag:s5], $0x800  }
0x225: {  	[sflag:s5] =	ssyncset.done $0x0  }
0x226: {  	[sflag:s5] =	ssyncadd.s32 $0xFFFFF800  }
0x227: {  	_ =	swait.ge [sflag:s5], $0x800  }
0x228: {  	[sflag:s5] =	ssyncset.done $0x0  }
0x229: {  	[sflag:s5] =	ssyncadd.s32 $0xFFFFF800  }
0x22a: {  	_ =	swait.ge [sflag:s5], $0x800  }
0x22b: {  	[sflag:s5] =	ssyncset.done $0x0  }
0x22c: {  	[sflag:s5] =	ssyncadd.s32 $0xFFFFF800  }
0x22d: {  	_ =	swait.ge [sflag:s5], $0x800  }
0x22e: {  	[sflag:s5] =	ssyncset.done $0x0  }
0x22f: {  	[sflag:s5] =	ssyncadd.s32 $0xFFFFF800  }
0x230: {  	_ =	swait.ge [sflag:s5], $0x800  }
0x231: {  	[sflag:s5] =	ssyncset.done $0x0  }
0x232: {  	[sflag:s5] =	ssyncadd.s32 $0xFFFFF800  }
0x233: {  	_ =	swait.ge [sflag:s5], $0x800  }
0x234: {  	[sflag:s5] =	ssyncset.done $0x0  }
0x235: {  	[sflag:s5] =	ssyncadd.s32 $0xFFFFF800  }
0x236: {  	_ =	swait.ge [sflag:s5], $0x800  }
0x237: {  	[sflag:s5] =	ssyncset.done $0x0  }
0x238: {  	[sflag:s5] =	ssyncadd.s32 $0xFFFFF800  }
0x239: {  	_ =	swait.ge [sflag:s5], $0x800  }
0x23a: {  	[sflag:s5] =	ssyncset.done $0x0  }
0x23b: {  	s12 =	simm.s32 $0x6D20;
	[sflag:s5] =	ssyncadd.s32 $0xFFFFF800  }
0x23c: {  	[tilespmem:s23], [sflag:$0x1] =	stream.indirect.gather [spmem:s3], $0x10, s12, s22, $0xb8;
	[tilespmem:$0x18F20] =	vst v63  }
0x23d: {  	s17 =	simm.s32 $0x6DA0  }
0x23e: {  	[tilespmem:s26], [sflag:$0x1] =	stream.indirect.gather [spmem:s3], $0x10, s17, s22, $0xb8;
	[tilespmem:$0x18F20] =	vst v63  }
0x23f: {  	s19 =	simm.s32 $0x6E20  }
0x240: {  	[tilespmem:s28], [sflag:$0x1] =	stream.indirect.gather [spmem:s3], $0x10, s19, s22, $0xb8;
	[tilespmem:$0x18F20] =	vst v63  }
0x241: {  	s20 =	simm.s32 $0x6EA0  }
0x242: {  	[tilespmem:s29], [sflag:$0x1] =	stream.indirect.gather [spmem:s3], $0x10, s20, s22, $0xb8;
	[tilespmem:$0x18F20] =	vst v63  }
0x243: {  	s21 =	simm.s32 $0x6F20  }
0x244: {  	[tilespmem:s31], [sflag:$0x1] =	stream.indirect.gather [spmem:s3], $0x10, s21, s22, $0xb8;
	[tilespmem:$0x18F20] =	vst v63  }
0x245: {  	s25 =	simm.s32 $0x6FA0  }
0x246: {  	[tilespmem:s6], [sflag:$0x1] =	stream.indirect.gather [spmem:s3], $0x10, s25, s22, $0xb8;
	[tilespmem:$0x18F20] =	vst v63  }
0x247: {  	s0 =	simm.s32 $0x7020  }
0x248: {  	[tilespmem:s4], [sflag:$0x1] =	stream.indirect.gather [spmem:s3], $0x10, s0, s22, $0xb8;
	[tilespmem:$0x18F20] =	vst v63  }
0x249: {  	s6 =	simm.s32 $0x70A0  }
0x24a: {  	[tilespmem:s7], [sflag:$0x1] =	stream.indirect.gather [spmem:s3], $0x10, s6, s22, $0xb8;
	[tilespmem:$0x18F20] =	vst v63  }
0x24b: {  	s8 =	simm.s32 $0x7120  }
0x24c: {  	[tilespmem:s24], [sflag:$0x1] =	stream.indirect.gather [spmem:s3], $0x10, s8, s22, $0xb8;
	[tilespmem:$0x18F20] =	vst v63  }
0x24d: {  	s9 =	simm.s32 $0x71A0  }
0x24e: {  	[tilespmem:s11], [sflag:$0x1] =	stream.indirect.gather [spmem:s3], $0x10, s9, s22, $0xb8;
	[tilespmem:$0x18F20] =	vst v63  }
0x24f: {  	s12 =	simm.s32 $0x8B20;
	s9 =	simm.s32 $0xEF20  }
0x250: {  	[spmem:s2] =	stream.indirect.scatter.add.f32 [tilespmem:s9], [sflag:$0x5], $0x10, s12, s22, $0xb8;
	[tilespmem:$0x18F20] =	vst v63  }
0x251: {  	s17 =	simm.s32 $0x8BA0;
	s4 =	simm.s32 $0xF720  }
0x252: {  	[spmem:s2] =	stream.indirect.scatter.add.f32 [tilespmem:s4], [sflag:$0x5], $0x10, s17, s22, $0xb8;
	[tilespmem:$0x18F20] =	vst v63  }
0x253: {  	s19 =	simm.s32 $0x8C20;
	s7 =	simm.s32 $0xFF20  }
0x254: {  	[spmem:s2] =	stream.indirect.scatter.add.f32 [tilespmem:s7], [sflag:$0x5], $0x10, s19, s22, $0xb8;
	[tilespmem:$0x18F20] =	vst v63  }
0x255: {  	s0 =	simm.s32 $0x8CA0;
	s12 =	simm.s32 $0x10720  }
0x256: {  	[spmem:s2] =	stream.indirect.scatter.add.f32 [tilespmem:s12], [sflag:$0x5], $0x10, s0, s22, $0xb8;
	[tilespmem:$0x18F20] =	vst v63  }
0x257: {  	s6 =	simm.s32 $0x8D20;
	s11 =	simm.s32 $0x10F20  }
0x258: {  	[spmem:s2] =	stream.indirect.scatter.add.f32 [tilespmem:s11], [sflag:$0x5], $0x10, s6, s22, $0xb8;
	[tilespmem:$0x18F20] =	vst v63  }
0x259: {  	s8 =	simm.s32 $0x8DA0;
	s6 =	simm.s32 $0x11720  }
0x25a: {  	[spmem:s2] =	stream.indirect.scatter.add.f32 [tilespmem:s6], [sflag:$0x5], $0x10, s8, s22, $0xb8;
	[tilespmem:$0x18F20] =	vst v63  }
0x25b: {  	s17 =	simm.s32 $0x8E20;
	s8 =	simm.s32 $0x11F20  }
0x25c: {  	[spmem:s2] =	stream.indirect.scatter.add.f32 [tilespmem:s8], [sflag:$0x5], $0x10, s17, s22, $0xb8;
	[tilespmem:$0x18F20] =	vst v63  }
0x25d: {  	s19 =	simm.s32 $0x8EA0;
	s17 =	simm.s32 $0x12720  }
0x25e: {  	[spmem:s2] =	stream.indirect.scatter.add.f32 [tilespmem:s17], [sflag:$0x5], $0x10, s19, s22, $0xb8;
	[tilespmem:$0x18F20] =	vst v63  }
0x25f: {  	s0 =	simm.s32 $0x8F20  }
0x260: {  	[spmem:s2] =	stream.indirect.scatter.add.f32 [tilespmem:s30], [sflag:$0x5], $0x10, s0, s22, $0xb8;
	[tilespmem:$0x18F20] =	vst v63  }
0x261: {  	s19 =	simm.s32 $0x8FA0;
	s0 =	simm.s32 $0x13720  }
0x262: {  	[spmem:s2] =	stream.indirect.scatter.add.f32 [tilespmem:s0], [sflag:$0x5], $0x10, s19, s22, $0xb8;
	[tilespmem:$0x18F20] =	vst v63  }
0x263: {  	_ =	swait.ge [sflag:s14], $0x800  }
0x264: {  	[sflag:s14] =	ssyncset.done $0x0  }
0x265: {  	[sflag:s14] =	ssyncadd.s32 $0xFFFFF800  }
0x266: {  	_ =	swait.ge [sflag:s14], $0x800  }
0x267: {  	[sflag:s14] =	ssyncset.done $0x0  }
0x268: {  	[sflag:s14] =	ssyncadd.s32 $0xFFFFF800  }
0x269: {  	_ =	swait.ge [sflag:s14], $0x800  }
0x26a: {  	[sflag:s14] =	ssyncset.done $0x0  }
0x26b: {  	[sflag:s14] =	ssyncadd.s32 $0xFFFFF800  }
0x26c: {  	_ =	swait.ge [sflag:s14], $0x800  }
0x26d: {  	[sflag:s14] =	ssyncset.done $0x0  }
0x26e: {  	[sflag:s14] =	ssyncadd.s32 $0xFFFFF800  }
0x26f: {  	_ =	swait.ge [sflag:s14], $0x800  }
0x270: {  	[sflag:s14] =	ssyncset.done $0x0  }
0x271: {  	[sflag:s14] =	ssyncadd.s32 $0xFFFFF800  }
0x272: {  	_ =	swait.ge [sflag:s14], $0x800  }
0x273: {  	[sflag:s14] =	ssyncset.done $0x0  }
0x274: {  	[sflag:s14] =	ssyncadd.s32 $0xFFFFF800  }
0x275: {  	_ =	swait.ge [sflag:s14], $0x800  }
0x276: {  	[sflag:s14] =	ssyncset.done $0x0  }
0x277: {  	[sflag:s14] =	ssyncadd.s32 $0xFFFFF800  }
0x278: {  	_ =	swait.ge [sflag:s14], $0x800  }
0x279: {  	[sflag:s14] =	ssyncset.done $0x0  }
0x27a: {  	[sflag:s14] =	ssyncadd.s32 $0xFFFFF800  }
0x27b: {  	_ =	swait.ge [sflag:s14], $0x800  }
0x27c: {  	[sflag:s14] =	ssyncset.done $0x0  }
0x27d: {  	[sflag:s14] =	ssyncadd.s32 $0xFFFFF800  }
0x27e: {  	_ =	swait.ge [sflag:s14], $0x800  }
0x27f: {  	[sflag:s14] =	ssyncset.done $0x0  }
0x280: {  	[sflag:s14] =	ssyncadd.s32 $0xFFFFF800  }
0x281: {  	_ =	swait.ge [sflag:s15], $0x800  }
0x282: {  	[sflag:s15] =	ssyncset.done $0x0  }
0x283: {  	[sflag:s15] =	ssyncadd.s32 $0xFFFFF800  }
0x284: {  	_ =	swait.ge [sflag:s15], $0x800  }
0x285: {  	[sflag:s15] =	ssyncset.done $0x0  }
0x286: {  	[sflag:s15] =	ssyncadd.s32 $0xFFFFF800  }
0x287: {  	_ =	swait.ge [sflag:s15], $0x800  }
0x288: {  	[sflag:s15] =	ssyncset.done $0x0  }
0x289: {  	[sflag:s15] =	ssyncadd.s32 $0xFFFFF800  }
0x28a: {  	_ =	swait.ge [sflag:s15], $0x800  }
0x28b: {  	[sflag:s15] =	ssyncset.done $0x0  }
0x28c: {  	[sflag:s15] =	ssyncadd.s32 $0xFFFFF800  }
0x28d: {  	_ =	swait.ge [sflag:s15], $0x800  }
0x28e: {  	[sflag:s15] =	ssyncset.done $0x0  }
0x28f: {  	[sflag:s15] =	ssyncadd.s32 $0xFFFFF800  }
0x290: {  	_ =	swait.ge [sflag:s15], $0x800  }
0x291: {  	[sflag:s15] =	ssyncset.done $0x0  }
0x292: {  	[sflag:s15] =	ssyncadd.s32 $0xFFFFF800  }
0x293: {  	_ =	swait.ge [sflag:s15], $0x800  }
0x294: {  	[sflag:s15] =	ssyncset.done $0x0  }
0x295: {  	[sflag:s15] =	ssyncadd.s32 $0xFFFFF800  }
0x296: {  	_ =	swait.ge [sflag:s15], $0x800  }
0x297: {  	[sflag:s15] =	ssyncset.done $0x0  }
0x298: {  	[sflag:s15] =	ssyncadd.s32 $0xFFFFF800  }
0x299: {  	_ =	swait.ge [sflag:s15], $0x800  }
0x29a: {  	[sflag:s15] =	ssyncset.done $0x0  }
0x29b: {  	[sflag:s15] =	ssyncadd.s32 $0xFFFFF800  }
0x29c: {  	_ =	swait.ge [sflag:s15], $0x800  }
0x29d: {  	[sflag:s15] =	ssyncset.done $0x0  }
0x29e: {  	s19 =	simm.s32 $0x7220;
	[sflag:s15] =	ssyncadd.s32 $0xFFFFF800  }
0x29f: {  	[tilespmem:s9], [sflag:$0x2] =	stream.indirect.gather [spmem:s3], $0x10, s19, s22, $0xb8;
	[tilespmem:$0x18F20] =	vst v63  }
0x2a0: {  	s19 =	simm.s32 $0x72A0  }
0x2a1: {  	[tilespmem:s4], [sflag:$0x2] =	stream.indirect.gather [spmem:s3], $0x10, s19, s22, $0xb8;
	[tilespmem:$0x18F20] =	vst v63  }
0x2a2: {  	s4 =	simm.s32 $0x7320  }
0x2a3: {  	[tilespmem:s7], [sflag:$0x2] =	stream.indirect.gather [spmem:s3], $0x10, s4, s22, $0xb8;
	[tilespmem:$0x18F20] =	vst v63  }
0x2a4: {  	s4 =	simm.s32 $0x73A0  }
0x2a5: {  	[tilespmem:s12], [sflag:$0x2] =	stream.indirect.gather [spmem:s3], $0x10, s4, s22, $0xb8;
	[tilespmem:$0x18F20] =	vst v63  }
0x2a6: {  	s4 =	simm.s32 $0x7420  }
0x2a7: {  	[tilespmem:s11], [sflag:$0x2] =	stream.indirect.gather [spmem:s3], $0x10, s4, s22, $0xb8;
	[tilespmem:$0x18F20] =	vst v63  }
0x2a8: {  	s4 =	simm.s32 $0x74A0  }
0x2a9: {  	[tilespmem:s6], [sflag:$0x2] =	stream.indirect.gather [spmem:s3], $0x10, s4, s22, $0xb8;
	[tilespmem:$0x18F20] =	vst v63  }
0x2aa: {  	s4 =	simm.s32 $0x7520  }
0x2ab: {  	[tilespmem:s8], [sflag:$0x2] =	stream.indirect.gather [spmem:s3], $0x10, s4, s22, $0xb8;
	[tilespmem:$0x18F20] =	vst v63  }
0x2ac: {  	s4 =	simm.s32 $0x75A0  }
0x2ad: {  	[tilespmem:s17], [sflag:$0x2] =	stream.indirect.gather [spmem:s3], $0x10, s4, s22, $0xb8;
	[tilespmem:$0x18F20] =	vst v63  }
0x2ae: {  	s30 =	simm.s32 $0x12F20;
	s4 =	simm.s32 $0x7620  }
0x2af: {  	[tilespmem:s30], [sflag:$0x2] =	stream.indirect.gather [spmem:s3], $0x10, s4, s22, $0xb8;
	[tilespmem:$0x18F20] =	vst v63  }
0x2b0: {  	s4 =	simm.s32 $0x76A0  }
0x2b1: {  	[tilespmem:s0], [sflag:$0x2] =	stream.indirect.gather [spmem:s3], $0x10, s4, s22, $0xb8;
	[tilespmem:$0x18F20] =	vst v63  }
0x2b2: {  	s1 =	simm.s32 $0x9020;
	s0 =	simm.s32 $0x13F20  }
0x2b3: {  	[spmem:s2] =	stream.indirect.scatter.add.f32 [tilespmem:s0], [sflag:$0x6], $0x10, s1, s22, $0xb8;
	[tilespmem:$0x18F20] =	vst v63  }
0x2b4: {  	s1 =	simm.s32 $0x90A0;
	s0 =	simm.s32 $0x14720  }
0x2b5: {  	[spmem:s2] =	stream.indirect.scatter.add.f32 [tilespmem:s0], [sflag:$0x6], $0x10, s1, s22, $0xb8;
	[tilespmem:$0x18F20] =	vst v63  }
0x2b6: {  	s1 =	simm.s32 $0x9120;
	s0 =	simm.s32 $0x14F20  }
0x2b7: {  	[spmem:s2] =	stream.indirect.scatter.add.f32 [tilespmem:s0], [sflag:$0x6], $0x10, s1, s22, $0xb8;
	[tilespmem:$0x18F20] =	vst v63  }
0x2b8: {  	s1 =	simm.s32 $0x91A0;
	s0 =	simm.s32 $0x15720  }
0x2b9: {  	[spmem:s2] =	stream.indirect.scatter.add.f32 [tilespmem:s0], [sflag:$0x6], $0x10, s1, s22, $0xb8;
	[tilespmem:$0x18F20] =	vst v63  }
0x2ba: {  	s1 =	simm.s32 $0x9220;
	s0 =	simm.s32 $0x15F20  }
0x2bb: {  	[spmem:s2] =	stream.indirect.scatter.add.f32 [tilespmem:s0], [sflag:$0x6], $0x10, s1, s22, $0xb8;
	[tilespmem:$0x18F20] =	vst v63  }
0x2bc: {  	s1 =	simm.s32 $0x92A0;
	s0 =	simm.s32 $0x16720  }
0x2bd: {  	[spmem:s2] =	stream.indirect.scatter.add.f32 [tilespmem:s0], [sflag:$0x6], $0x10, s1, s22, $0xb8;
	[tilespmem:$0x18F20] =	vst v63  }
0x2be: {  	s1 =	simm.s32 $0x9320;
	s0 =	simm.s32 $0x16F20  }
0x2bf: {  	[spmem:s2] =	stream.indirect.scatter.add.f32 [tilespmem:s0], [sflag:$0x6], $0x10, s1, s22, $0xb8;
	[tilespmem:$0x18F20] =	vst v63  }
0x2c0: {  	s1 =	simm.s32 $0x93A0;
	s0 =	simm.s32 $0x17720  }
0x2c1: {  	[spmem:s2] =	stream.indirect.scatter.add.f32 [tilespmem:s0], [sflag:$0x6], $0x10, s1, s22, $0xb8;
	[tilespmem:$0x18F20] =	vst v63  }
0x2c2: {  	s1 =	simm.s32 $0x9420;
	s0 =	simm.s32 $0x17F20  }
0x2c3: {  	[spmem:s2] =	stream.indirect.scatter.add.f32 [tilespmem:s0], [sflag:$0x6], $0x10, s1, s22, $0xb8;
	[tilespmem:$0x18F20] =	vst v63  }
0x2c4: {  	s1 =	simm.s32 $0x94A0;
	s0 =	simm.s32 $0x18720  }
0x2c5: {  	[spmem:s2] =	stream.indirect.scatter.add.f32 [tilespmem:s0], [sflag:$0x6], $0x10, s1, s22, $0xb8;
	[tilespmem:$0x18F20] =	vst v63  }
0x2c6: {  	_ =	swait.ge [sflag:s13], $0x800  }
0x2c7: {  	[sflag:s13] =	ssyncset.done $0x0  }
0x2c8: {  	[sflag:s13] =	ssyncadd.s32 $0xFFFFF800  }
0x2c9: {  	_ =	swait.ge [sflag:s13], $0x800  }
0x2ca: {  	[sflag:s13] =	ssyncset.done $0x0  }
0x2cb: {  	[sflag:s13] =	ssyncadd.s32 $0xFFFFF800  }
0x2cc: {  	_ =	swait.ge [sflag:s13], $0x800  }
0x2cd: {  	[sflag:s13] =	ssyncset.done $0x0  }
0x2ce: {  	[sflag:s13] =	ssyncadd.s32 $0xFFFFF800  }
0x2cf: {  	_ =	swait.ge [sflag:s13], $0x800  }
0x2d0: {  	[sflag:s13] =	ssyncset.done $0x0  }
0x2d1: {  	[sflag:s13] =	ssyncadd.s32 $0xFFFFF800  }
0x2d2: {  	_ =	swait.ge [sflag:s13], $0x800  }
0x2d3: {  	[sflag:s13] =	ssyncset.done $0x0  }
0x2d4: {  	[sflag:s13] =	ssyncadd.s32 $0xFFFFF800  }
0x2d5: {  	_ =	swait.ge [sflag:s13], $0x800  }
0x2d6: {  	[sflag:s13] =	ssyncset.done $0x0  }
0x2d7: {  	[sflag:s13] =	ssyncadd.s32 $0xFFFFF800  }
0x2d8: {  	_ =	swait.ge [sflag:s13], $0x800  }
0x2d9: {  	[sflag:s13] =	ssyncset.done $0x0  }
0x2da: {  	[sflag:s13] =	ssyncadd.s32 $0xFFFFF800  }
0x2db: {  	_ =	swait.ge [sflag:s13], $0x800  }
0x2dc: {  	[sflag:s13] =	ssyncset.done $0x0  }
0x2dd: {  	[sflag:s13] =	ssyncadd.s32 $0xFFFFF800  }
0x2de: {  	_ =	swait.ge [sflag:s13], $0x800  }
0x2df: {  	[sflag:s13] =	ssyncset.done $0x0  }
0x2e0: {  	[sflag:s13] =	ssyncadd.s32 $0xFFFFF800  }
0x2e1: {  	_ =	swait.ge [sflag:s13], $0x800  }
0x2e2: {  	[sflag:s13] =	ssyncset.done $0x0  }
0x2e3: {  	s0 =	simm.s32 $0x9520;
	[sflag:s13] =	ssyncadd.s32 $0xFFFFF800  }
0x2e4: {  	[spmem:s2] =	stream.indirect.scatter.add.f32 [tilespmem:s23], [sflag:$0x4], $0x10, s0, s22, $0xb8;
	[tilespmem:$0x18F20] =	vst v63  }
0x2e5: {  	s1 =	simm.s32 $0x95A0  }
0x2e6: {  	[spmem:s2] =	stream.indirect.scatter.add.f32 [tilespmem:s26], [sflag:$0x4], $0x10, s1, s22, $0xb8;
	[tilespmem:$0x18F20] =	vst v63  }
0x2e7: {  	s23 =	simm.s32 $0x9620  }
0x2e8: {  	[spmem:s2] =	stream.indirect.scatter.add.f32 [tilespmem:s28], [sflag:$0x4], $0x10, s23, s22, $0xb8;
	[tilespmem:$0x18F20] =	vst v63  }
0x2e9: {  	s26 =	simm.s32 $0x96A0  }
0x2ea: {  	[spmem:s2] =	stream.indirect.scatter.add.f32 [tilespmem:s29], [sflag:$0x4], $0x10, s26, s22, $0xb8;
	[tilespmem:$0x18F20] =	vst v63  }
0x2eb: {  	s28 =	simm.s32 $0x9720  }
0x2ec: {  	[spmem:s2] =	stream.indirect.scatter.add.f32 [tilespmem:s31], [sflag:$0x4], $0x10, s28, s22, $0xb8;
	[tilespmem:$0x18F20] =	vst v63  }
0x2ed: {  	s29 =	simm.s32 $0x97A0;
	s31 =	simm.s32 $0xC720  }
0x2ee: {  	[spmem:s2] =	stream.indirect.scatter.add.f32 [tilespmem:s31], [sflag:$0x4], $0x10, s29, s22, $0xb8;
	[tilespmem:$0x18F20] =	vst v63  }
0x2ef: {  	s25 =	simm.s32 $0xCF20;
	s23 =	simm.s32 $0x9820  }
0x2f0: {  	[spmem:s2] =	stream.indirect.scatter.add.f32 [tilespmem:s25], [sflag:$0x4], $0x10, s23, s22, $0xb8;
	[tilespmem:$0x18F20] =	vst v63  }
0x2f1: {  	s21 =	simm.s32 $0xD720;
	s25 =	simm.s32 $0x98A0  }
0x2f2: {  	[spmem:s2] =	stream.indirect.scatter.add.f32 [tilespmem:s21], [sflag:$0x4], $0x10, s25, s22, $0xb8;
	[tilespmem:$0x18F20] =	vst v63  }
0x2f3: {  	s26 =	simm.s32 $0x9920  }
0x2f4: {  	[spmem:s2] =	stream.indirect.scatter.add.f32 [tilespmem:s24], [sflag:$0x4], $0x10, s26, s22, $0xb8;
	[tilespmem:$0x18F20] =	vst v63  }
0x2f5: {  	s20 =	simm.s32 $0xE720;
	s28 =	simm.s32 $0x99A0  }
0x2f6: {  	[spmem:s2] =	stream.indirect.scatter.add.f32 [tilespmem:s20], [sflag:$0x4], $0x10, s28, s22, $0xb8;
	[tilespmem:$0x18F20] =	vst v63  }
0x2f7: {  	_ =	swait.ge [sflag:s10], $0x800  }
0x2f8: {  	[sflag:s10] =	ssyncset.done $0x0  }
0x2f9: {  	[sflag:s10] =	ssyncadd.s32 $0xFFFFF800  }
0x2fa: {  	_ =	swait.ge [sflag:s10], $0x800  }
0x2fb: {  	[sflag:s10] =	ssyncset.done $0x0  }
0x2fc: {  	[sflag:s10] =	ssyncadd.s32 $0xFFFFF800  }
0x2fd: {  	_ =	swait.ge [sflag:s10], $0x800  }
0x2fe: {  	[sflag:s10] =	ssyncset.done $0x0  }
0x2ff: {  	[sflag:s10] =	ssyncadd.s32 $0xFFFFF800  }
0x300: {  	_ =	swait.ge [sflag:s10], $0x800  }
0x301: {  	[sflag:s10] =	ssyncset.done $0x0  }
0x302: {  	[sflag:s10] =	ssyncadd.s32 $0xFFFFF800  }
0x303: {  	_ =	swait.ge [sflag:s10], $0x800  }
0x304: {  	[sflag:s10] =	ssyncset.done $0x0  }
0x305: {  	[sflag:s10] =	ssyncadd.s32 $0xFFFFF800  }
0x306: {  	_ =	swait.ge [sflag:s10], $0x800  }
0x307: {  	[sflag:s10] =	ssyncset.done $0x0  }
0x308: {  	[sflag:s10] =	ssyncadd.s32 $0xFFFFF800  }
0x309: {  	_ =	swait.ge [sflag:s10], $0x800  }
0x30a: {  	[sflag:s10] =	ssyncset.done $0x0  }
0x30b: {  	[sflag:s10] =	ssyncadd.s32 $0xFFFFF800  }
0x30c: {  	_ =	swait.ge [sflag:s10], $0x800  }
0x30d: {  	[sflag:s10] =	ssyncset.done $0x0  }
0x30e: {  	[sflag:s10] =	ssyncadd.s32 $0xFFFFF800  }
0x30f: {  	_ =	swait.ge [sflag:s10], $0x800  }
0x310: {  	[sflag:s10] =	ssyncset.done $0x0  }
0x311: {  	[sflag:s10] =	ssyncadd.s32 $0xFFFFF800  }
0x312: {  	_ =	swait.ge [sflag:s10], $0x800  }
0x313: {  	[sflag:s10] =	ssyncset.done $0x0  }
0x314: {  	s9 =	simm.s32 $0xEF20;
	s29 =	simm.s32 $0x9A20;
	[sflag:s10] =	ssyncadd.s32 $0xFFFFF800  }
0x315: {  	[spmem:s2] =	stream.indirect.scatter.add.f32 [tilespmem:s9], [sflag:$0x5], $0x10, s29, s22, $0xb8;
	[tilespmem:$0x18F20] =	vst v63  }
0x316: {  	s19 =	simm.s32 $0xF720;
	s31 =	simm.s32 $0x9AA0  }
0x317: {  	[spmem:s2] =	stream.indirect.scatter.add.f32 [tilespmem:s19], [sflag:$0x5], $0x10, s31, s22, $0xb8;
	[tilespmem:$0x18F20] =	vst v63  }
0x318: {  	s7 =	simm.s32 $0xFF20;
	s1 =	simm.s32 $0x9B20  }
0x319: {  	[spmem:s2] =	stream.indirect.scatter.add.f32 [tilespmem:s7], [sflag:$0x5], $0x10, s1, s22, $0xb8;
	[tilespmem:$0x18F20] =	vst v63  }
0x31a: {  	s12 =	simm.s32 $0x10720;
	s7 =	simm.s32 $0x9BA0  }
0x31b: {  	[spmem:s2] =	stream.indirect.scatter.add.f32 [tilespmem:s12], [sflag:$0x5], $0x10, s7, s22, $0xb8;
	[tilespmem:$0x18F20] =	vst v63  }
0x31c: {  	s11 =	simm.s32 $0x10F20;
	s9 =	simm.s32 $0x9C20  }
0x31d: {  	[spmem:s2] =	stream.indirect.scatter.add.f32 [tilespmem:s11], [sflag:$0x5], $0x10, s9, s22, $0xb8;
	[tilespmem:$0x18F20] =	vst v63  }
0x31e: {  	s6 =	simm.s32 $0x11720;
	s12 =	simm.s32 $0x9CA0  }
0x31f: {  	[spmem:s2] =	stream.indirect.scatter.add.f32 [tilespmem:s6], [sflag:$0x5], $0x10, s12, s22, $0xb8;
	[tilespmem:$0x18F20] =	vst v63  }
0x320: {  	s8 =	simm.s32 $0x11F20;
	s19 =	simm.s32 $0x9D20  }
0x321: {  	[spmem:s2] =	stream.indirect.scatter.add.f32 [tilespmem:s8], [sflag:$0x5], $0x10, s19, s22, $0xb8;
	[tilespmem:$0x18F20] =	vst v63  }
0x322: {  	s17 =	simm.s32 $0x12720;
	s20 =	simm.s32 $0x9DA0  }
0x323: {  	[spmem:s2] =	stream.indirect.scatter.add.f32 [tilespmem:s17], [sflag:$0x5], $0x10, s20, s22, $0xb8;
	[tilespmem:$0x18F20] =	vst v63  }
0x324: {  	s21 =	simm.s32 $0x9E20  }
0x325: {  	[spmem:s2] =	stream.indirect.scatter.add.f32 [tilespmem:s30], [sflag:$0x5], $0x10, s21, s22, $0xb8;
	[tilespmem:$0x18F20] =	vst v63  }
0x326: {  	s4 =	simm.s32 $0x13720;
	s23 =	simm.s32 $0x9EA0  }
0x327: {  	[spmem:s2] =	stream.indirect.scatter.add.f32 [tilespmem:s4], [sflag:$0x5], $0x10, s23, s22, $0xb8;
	[tilespmem:$0x18F20] =	vst v63  }
0x328: {  	_ =	swait.ge [sflag:s16], $0x800  }
0x329: {  	[sflag:s16] =	ssyncset.done $0x0  }
0x32a: {  	[sflag:s16] =	ssyncadd.s32 $0xFFFFF800  }
0x32b: {  	_ =	swait.ge [sflag:s16], $0x800  }
0x32c: {  	[sflag:s16] =	ssyncset.done $0x0  }
0x32d: {  	[sflag:s16] =	ssyncadd.s32 $0xFFFFF800  }
0x32e: {  	_ =	swait.ge [sflag:s16], $0x800  }
0x32f: {  	[sflag:s16] =	ssyncset.done $0x0  }
0x330: {  	[sflag:s16] =	ssyncadd.s32 $0xFFFFF800  }
0x331: {  	_ =	swait.ge [sflag:s16], $0x800  }
0x332: {  	[sflag:s16] =	ssyncset.done $0x0  }
0x333: {  	[sflag:s16] =	ssyncadd.s32 $0xFFFFF800  }
0x334: {  	_ =	swait.ge [sflag:s16], $0x800  }
0x335: {  	[sflag:s16] =	ssyncset.done $0x0  }
0x336: {  	[sflag:s16] =	ssyncadd.s32 $0xFFFFF800  }
0x337: {  	_ =	swait.ge [sflag:s16], $0x800  }
0x338: {  	[sflag:s16] =	ssyncset.done $0x0  }
0x339: {  	[sflag:s16] =	ssyncadd.s32 $0xFFFFF800  }
0x33a: {  	_ =	swait.ge [sflag:s16], $0x800  }
0x33b: {  	[sflag:s16] =	ssyncset.done $0x0  }
0x33c: {  	[sflag:s16] =	ssyncadd.s32 $0xFFFFF800  }
0x33d: {  	_ =	swait.ge [sflag:s16], $0x800  }
0x33e: {  	[sflag:s16] =	ssyncset.done $0x0  }
0x33f: {  	[sflag:s16] =	ssyncadd.s32 $0xFFFFF800  }
0x340: {  	_ =	swait.ge [sflag:s16], $0x800  }
0x341: {  	[sflag:s16] =	ssyncset.done $0x0  }
0x342: {  	[sflag:s16] =	ssyncadd.s32 $0xFFFFF800  }
0x343: {  	_ =	swait.ge [sflag:s16], $0x800  }
0x344: {  	[sflag:s16] =	ssyncset.done $0x0  }
0x345: {  	[sflag:s16] =	ssyncadd.s32 $0xFFFFF800  }
0x346: {  	_ =	swait.ge [sflag:s5], $0x800  }
0x347: {  	[sflag:s5] =	ssyncset.done $0x0  }
0x348: {  	[sflag:s5] =	ssyncadd.s32 $0xFFFFF800  }
0x349: {  	_ =	swait.ge [sflag:s5], $0x800  }
0x34a: {  	[sflag:s5] =	ssyncset.done $0x0  }
0x34b: {  	[sflag:s5] =	ssyncadd.s32 $0xFFFFF800  }
0x34c: {  	_ =	swait.ge [sflag:s5], $0x800  }
0x34d: {  	[sflag:s5] =	ssyncset.done $0x0  }
0x34e: {  	[sflag:s5] =	ssyncadd.s32 $0xFFFFF800  }
0x34f: {  	_ =	swait.ge [sflag:s5], $0x800  }
0x350: {  	[sflag:s5] =	ssyncset.done $0x0  }
0x351: {  	[sflag:s5] =	ssyncadd.s32 $0xFFFFF800  }
0x352: {  	_ =	swait.ge [sflag:s5], $0x800  }
0x353: {  	[sflag:s5] =	ssyncset.done $0x0  }
0x354: {  	[sflag:s5] =	ssyncadd.s32 $0xFFFFF800  }
0x355: {  	_ =	swait.ge [sflag:s5], $0x800  }
0x356: {  	[sflag:s5] =	ssyncset.done $0x0  }
0x357: {  	[sflag:s5] =	ssyncadd.s32 $0xFFFFF800  }
0x358: {  	_ =	swait.ge [sflag:s5], $0x800  }
0x359: {  	[sflag:s5] =	ssyncset.done $0x0  }
0x35a: {  	[sflag:s5] =	ssyncadd.s32 $0xFFFFF800  }
0x35b: {  	_ =	swait.ge [sflag:s5], $0x800  }
0x35c: {  	[sflag:s5] =	ssyncset.done $0x0  }
0x35d: {  	[sflag:s5] =	ssyncadd.s32 $0xFFFFF800  }
0x35e: {  	_ =	swait.ge [sflag:s5], $0x800  }
0x35f: {  	[sflag:s5] =	ssyncset.done $0x0  }
0x360: {  	[sflag:s5] =	ssyncadd.s32 $0xFFFFF800  }
0x361: {  	_ =	swait.ge [sflag:s5], $0x800  }
0x362: {  	[sflag:s5] =	ssyncset.done $0x0  }
0x363: {  	[sflag:s5] =	ssyncadd.s32 $0xFFFFF800  }
0x364: {  	_ =	swait.ge [sflag:s15], $0x800  }
0x365: {  	[sflag:s15] =	ssyncset.done $0x0  }
0x366: {  	[sflag:s15] =	ssyncadd.s32 $0xFFFFF800  }
0x367: {  	_ =	swait.ge [sflag:s15], $0x800  }
0x368: {  	[sflag:s15] =	ssyncset.done $0x0  }
0x369: {  	[sflag:s15] =	ssyncadd.s32 $0xFFFFF800  }
0x36a: {  	_ =	swait.ge [sflag:s15], $0x800  }
0x36b: {  	[sflag:s15] =	ssyncset.done $0x0  }
0x36c: {  	[sflag:s15] =	ssyncadd.s32 $0xFFFFF800  }
0x36d: {  	_ =	swait.ge [sflag:s15], $0x800  }
0x36e: {  	[sflag:s15] =	ssyncset.done $0x0  }
0x36f: {  	[sflag:s15] =	ssyncadd.s32 $0xFFFFF800  }
0x370: {  	_ =	swait.ge [sflag:s15], $0x800  }
0x371: {  	[sflag:s15] =	ssyncset.done $0x0  }
0x372: {  	[sflag:s15] =	ssyncadd.s32 $0xFFFFF800  }
0x373: {  	_ =	swait.ge [sflag:s15], $0x800  }
0x374: {  	[sflag:s15] =	ssyncset.done $0x0  }
0x375: {  	[sflag:s15] =	ssyncadd.s32 $0xFFFFF800  }
0x376: {  	_ =	swait.ge [sflag:s15], $0x800  }
0x377: {  	[sflag:s15] =	ssyncset.done $0x0  }
0x378: {  	[sflag:s15] =	ssyncadd.s32 $0xFFFFF800  }
0x379: {  	_ =	swait.ge [sflag:s15], $0x800  }
0x37a: {  	[sflag:s15] =	ssyncset.done $0x0  }
0x37b: {  	[sflag:s15] =	ssyncadd.s32 $0xFFFFF800  }
0x37c: {  	_ =	swait.ge [sflag:s15], $0x800  }
0x37d: {  	[sflag:s15] =	ssyncset.done $0x0  }
0x37e: {  	[sflag:s15] =	ssyncadd.s32 $0xFFFFF800  }
0x37f: {  	_ =	swait.ge [sflag:s15], $0x800  }
0x380: {  	[sflag:s15] =	ssyncset.done $0x0  }
0x381: {  	[sflag:s15] =	ssyncadd.s32 $0xFFFFF800  }
0x382: {  	[bflag:$0x0] =	sbarrier.arrive $0xFFFF  }
0x383: {  	s24 =	rddreg [dreg:$0x5]  }
0x384: {  	s28 =	rddreg [dreg:$0xf]  }
0x385: {  	s29 =	rddreg [dreg:$0x12];
	s25 =	sshrl.u32 s24, $0x3  }
0x386: {  	[hbm:s28], [sflag:s29] =	dma.local [spmem:s25], $0x500  }
0x387: {  	_ =	swait.ge [sflag:s18], $0x500  }
0x388: {  	s30 =	rddreg [dreg:$0x13]  }
0x389: {  	s31 =	rddreg [dreg:$0x10];
	s0 =	sadd.s32 $0x1, s30  }
0x38a: {  	p1 =	sne.s32 s0, s31  }
.Ltmp1:
0x38b: {  	_ = 	snop;
	(pc) =	sbr.rel @p1 .LBB2_1-.Ltmp1, $3  }
0x38c: {  	_ =	sdelay $0x1  }
0x38d: {  	[sflag:s18] =	ssyncset.done $0x0  }
0x38e: {  	[sflag:s18] =	ssyncadd.s32 $0xFFFFFB00  }
0x38f: {  	_ =	sfence.sel $0x180000  }
0x390: {  	[bflag:$0x0] =	sbarrier.arrive $0xFFFF  }
0x391: {  	_ =	strace $0x9000004D  }
0x392: {  	s0 =	stileid.u32;
	[bflag:$0x2] =	sbarrier.arrive $0xFFFF  }
0x393: {  	p0 =	sne.s32 s0, $0x0;
	s0 =	rddreg [dreg:$0x4]  }
0x394: {  	s0 =	sadd.s32 @!p0 $0x100000, s0  }
0x395: {  	[sflag:s0] =	ssyncadd.tile.s32 @!p0 $0x1;
	_ =	shalt  }
.Lfunc_end2:
_tile_overlayer_lowered:
.L_overlay_start_2:
0x396: {  	(tag) =	ssettag $0x2  }
0x397: {  	s0 =	rddreg [dreg:$0x0];
	s2 =	stileid.u32  }
0x398: {  	s1 =	rddreg [dreg:$0x1];
	p0 =	sne.s32 s2, $0x0  }
0x399: {  	s3 =	rddreg [dreg:$0x2];
	[bflag:$0x3] =	sbarrier.arrive $0xFFFF;
	s2 =	simm.s32 @!p0 $0x1C07  }
0x39a: {  	[timem:s3], [sflag:s2] =	dma.local @!p0 [hbm:s0], s1  }
0x39b: {  	s0 =	simm.s32 @!p0 $0x7  }
0x39c: {  	_ =	swait.ge @!p0 [sflag:s0], s1  }
0x39d: {  	s1 =	ssub.s32 @!p0 $0x0, s1;
	[sflag:s0] =	ssyncset.done @!p0 $0x0  }
0x39e: {  	[sflag:s0] =	ssyncadd.s32 @!p0 s1  }
0x39f: {  	[bflag:$0x3] =	sbarrier.arrive $0xFFFF  }
0x3a0: {  	_ =	shalt  }

// kernel: kernel.9.cloned.1.call-start
scs
__scs_entry_jumppad:
0x0: {  	(pc) =	sbr.rel $0x88, $3  }
0x1: {  	(tag) =	ssettag $0x0;
	lr =	simm.s32 $0x1  }
0x2: {  	[smem:$0x3F9B] =	sst lr;
	_ =	strace $0xD0000000  }
0x3: {  	_ = 	snop  }
0x4: {  	_ = 	snop  }
0x5: {  	_ = 	snop  }
0x6: {  	_ = 	snop  }
0x7: {  	_ = 	snop  }
__scs_overlays_trampoline_lowered:
0x8: {  	[smem:$0x3FAA] =	sst s0  }
0x9: {  	[smem:$0x3FAB] =	sst s1  }
0xa: {  	[smem:$0x3FAC] =	sst s2  }
0xb: {  	[smem:$0x3FAD] =	sst s3  }
0xc: {  	[smem:$0x3FAE] =	sst s4  }
0xd: {  	[smem:$0x3FAF] =	sst s5  }
0xe: {  	[smem:$0x3FB0] =	sst s6  }
0xf: {  	[smem:$0x3FB1] =	sst s7  }
0x10: {  	[smem:$0x3FB2] =	sst s8  }
0x11: {  	[smem:$0x3FB3] =	sst s9;
	s0 =	simm.s32 @!p0 $0x0  }
0x12: {  	s1 =	sld [smem:$0x3F99];
	s0 =	simm.s32 @p0 $0x1  }
0x13: {  	[smem:$0x3FB4] =	sst s0;
	s0 =	simm.s32 @!p1 $0x0  }
0x14: {  	s2 =	sld [smem:$0x3F98];
	s0 =	simm.s32 @p1 $0x1  }
0x15: {  	[smem:$0x3FB5] =	sst s0;
	s0 =	simm.s32 @!p2 $0x0  }
0x16: {  	s3 =	sld [smem:$0x3FDB];
	s0 =	simm.s32 @p2 $0x1  }
0x17: {  	s4 =	simm.s32 $0x1BF5;
	[smem:$0x3FB7] =	sst s0  }
0x18: {  	s0 =	sld [smem:$0x3F9A];
	_ =	swait.ge [sflag:s4], $0x0  }
0x19: {  	s7 =	sld [smem:$0x3F9B]  }
0x1a: {  	s8 =	sadd.s32 $0xFFFFE003, lr  }
0x1b: {  	s9 =	sadd.s32 $0xFFFFFEF7, lr;
	s5 =	simm.s32 $0xFFFFFFFF;
	p2 =	slt.u32 s8, $0xFFFFF086  }
0x1c: {  	p1 =	slt.u32 s9, $0xF7A;
	s5 =	simm.s32 @!p2 $0x0  }
0x1d: {  	s5 =	simm.s32 @p1 $0x1;
	p0 =	seq.s32 s7, s2  }
0x1e: {  	s7 =	smul.u32 @!p0 $0xF7A, s2;
	p2 =	seq.s32 @!p0 s5, $0x0  }
0x1f: {  	s9 =	smul.u32 $0xF7A, s1;
	s8 =	simm.s32 @!p0 $0x1BF5;
	p2 =	por !p2, p0  }
0x20: {  	[sflag:s8] =	ssyncset.s32 @!p0 $0xFFFFF086;
	s6 =	sadd.s32 @!p0 s3, s7;
	s7 =	simm.s32 @!p0 $0x108  }
0x21: {  	s3 =	sadd.s32 s3, s9;
	s6 =	sadd.s32 @!p0 $0x88, s6;
	s7 =	simm.s32 @p2 $0x1082  }
0x22: {  	[simem:s7], [sflag:s8] =	dma.local @!p0 [hbm:s6], $0xF7A  }
0x23: {  	s9 =	sor.u32 $0xD0000000, s2;
	s6 =	simm.s32 $0x108;
	_ =	swait.ge @!p0 [sflag:s8], $0x0  }
0x24: {  	s3 =	sadd.s32 $0x88, s3;
	s6 =	simm.s32 @!p1 $0x1082;
	[sflag:s4] =	ssyncset.s32 $0xFFFFF086  }
0x25: {  	[simem:s6], [sflag:s4] =	dma.local [hbm:s3], $0xF7A  }
0x26: {  	[smem:$0x3F9B] =	sst s1;
	(tag) =	ssettag s2;
	_ =	strace s9  }
0x27: {  	s1 =	sld [smem:$0x3FAB]  }
0x28: {  	s2 =	sld [smem:$0x3FAC]  }
0x29: {  	s4 =	sld [smem:$0x3FAE]  }
0x2a: {  	p0 =	seq.s32 s5, $0x0;
	s5 =	sld [smem:$0x3FAF]  }
0x2b: {  	s6 =	sld [smem:$0x3FB0]  }
0x2c: {  	s7 =	sld [smem:$0x3FB1]  }
0x2d: {  	s3 =	simm.s32 $0x108;
	s8 =	sld [smem:$0x3FB2]  }
0x2e: {  	s3 =	simm.s32 @!p0 $0x1082;
	s9 =	sld [smem:$0x3FB3]  }
0x2f: {  	lr =	sadd.s32 s0, s3;
	s0 =	sld [smem:$0x3FAA]  }
0x30: {  	s3 =	sld [smem:$0x3FAD]  }
0x31: {  	[smem:$0x3FB6] =	sst s10  }
0x32: {  	s10 =	sld [smem:$0x3FB4];
	_ =	sdelay $0x3  }
0x33: {  	p0 =	seq.s32 s10, $0x1;
	s10 =	sld [smem:$0x3FB6];
	_ =	sdelay $0x3  }
0x34: {  	[smem:$0x3FB6] =	sst s10  }
0x35: {  	s10 =	sld [smem:$0x3FB5];
	_ =	sdelay $0x3  }
0x36: {  	p1 =	seq.s32 s10, $0x1;
	s10 =	sld [smem:$0x3FB6];
	_ =	sdelay $0x3  }
0x37: {  	[smem:$0x3FB6] =	sst s10  }
0x38: {  	s10 =	sld [smem:$0x3FB7]  }
0x39: {  	_ = 	snop;
	(pc) =	sbr.ind lr, $3  }
0x3a: {  	_ = 	snop  }
0x3b: {  	_ = 	snop  }
0x3c: {  	p2 =	seq.s32 s10, $0x1;
	s10 =	sld [smem:$0x3FB6]  }
0x3d: {  	_ =	shalt  }
0x3e: {  	_ =	shalt  }
0x3f: {  	_ =	shalt  }
0x40: {  	_ =	shalt  }
0x41: {  	_ =	shalt  }
0x42: {  	_ =	shalt  }
0x43: {  	_ =	shalt  }
0x44: {  	_ =	shalt  }
0x45: {  	_ =	shalt  }
0x46: {  	_ =	shalt  }
0x47: {  	_ =	shalt  }
0x48: {  	_ =	shalt  }
0x49: {  	_ =	shalt  }
0x4a: {  	_ =	shalt  }
0x4b: {  	_ =	shalt  }
0x4c: {  	_ =	shalt  }
0x4d: {  	_ =	shalt  }
0x4e: {  	_ =	shalt  }
0x4f: {  	_ =	shalt  }
0x50: {  	_ =	shalt  }
0x51: {  	_ =	shalt  }
0x52: {  	_ =	shalt  }
0x53: {  	_ =	shalt  }
0x54: {  	_ =	shalt  }
0x55: {  	_ =	shalt  }
0x56: {  	_ =	shalt  }
0x57: {  	_ =	shalt  }
0x58: {  	_ =	shalt  }
0x59: {  	_ =	shalt  }
0x5a: {  	_ =	shalt  }
0x5b: {  	_ =	shalt  }
0x5c: {  	_ =	shalt  }
0x5d: {  	_ =	shalt  }
0x5e: {  	_ =	shalt  }
0x5f: {  	_ =	shalt  }
0x60: {  	_ =	shalt  }
0x61: {  	_ =	shalt  }
0x62: {  	_ =	shalt  }
0x63: {  	_ =	shalt  }
0x64: {  	_ =	shalt  }
0x65: {  	_ =	shalt  }
0x66: {  	_ =	shalt  }
0x67: {  	_ =	shalt  }
0x68: {  	_ =	shalt  }
0x69: {  	_ =	shalt  }
0x6a: {  	_ =	shalt  }
0x6b: {  	_ =	shalt  }
0x6c: {  	_ =	shalt  }
0x6d: {  	_ =	shalt  }
0x6e: {  	_ =	shalt  }
0x6f: {  	_ =	shalt  }
0x70: {  	_ =	shalt  }
0x71: {  	_ =	shalt  }
0x72: {  	_ =	shalt  }
0x73: {  	_ =	shalt  }
0x74: {  	_ =	shalt  }
0x75: {  	_ =	shalt  }
0x76: {  	_ =	shalt  }
0x77: {  	_ =	shalt  }
0x78: {  	_ =	shalt  }
0x79: {  	_ =	shalt  }
0x7a: {  	_ =	shalt  }
0x7b: {  	_ =	shalt  }
0x7c: {  	_ =	shalt  }
0x7d: {  	_ =	shalt  }
0x7e: {  	_ =	shalt  }
0x7f: {  	_ =	shalt  }
0x80: {  	_ =	shalt  }
0x81: {  	_ =	shalt  }
0x82: {  	_ =	shalt  }
0x83: {  	_ =	shalt  }
0x84: {  	_ =	shalt  }
0x85: {  	_ =	shalt  }
0x86: {  	_ =	shalt  }
0x87: {  	_ =	shalt  }
.Lfunc_end0:
.L_simem_size_0:
called_computation_lowered:
.L_overlay_start_0:
0x88: {  	s2 =	sld [smem:$0x3FD9]  }
0x89: {  	s3 =	sld [smem:$0x3FFE];
	_ =	sdelay $0x1  }
0x8a: {  	s1 =	srdreg.scid  }
0x8b: {  	s0 =	sand.u32 $0x1, s1  }
0x8c: {  	s14 =	sshll.u32 s0, $0xA;
	s2 =	sadd.s32 s3, s2  }
0x8d: {  	s2 =	sadd.s32 s2, s14  }
0x8e: {  	[smem:$0x3FC2] =	sst s2  }
0x8f: {  	_ = 	snop  }
0x90: {  	s2 =	sld [smem:$0x3FD0];
	_ =	sdelay $0x2  }
0x91: {  	s15 =	simm.s32 $0xA;
	s4 =	simm.s32 $0x10  }
0x92: {  	[smem:s4], [sflag:s15] =	dma.local [hbm:s2], $0x1  }
0x93: {  	_ =	swait.eq [sflag:s15], $0x1  }
0x94: {  	[sflag:s15] =	ssyncset.done $0x0  }
0x95: {  	[sflag:s15] =	ssyncadd.s32 $0xFFFFFFFF  }
0x96: {  	s16 =	sld [smem:$0x11];
	(tm) =	ssettm $0x1  }
0x97: {  	s17 =	sld [smem:$0x3FFB];
	_ =	sdelay $0x3  }
0x98: {  	_ =	strace s17  }
0x99: {  	s3 =	sld [smem:$0x3FFC];
	_ =	sdelay $0x3  }
0x9a: {  	_ =	strace s3  }
0x9b: {  	s3 =	sld [smem:$0x3FFD];
	_ =	sdelay $0x3  }
0x9c: {  	_ =	strace s3  }
0x9d: {  	_ =	strace $0x8FFFFFFF  }
0x9e: {  	s18 =	sld [smem:$0x3FDB];
	_ =	sdelay $0x1  }
0x9f: {  	s19 =	simm.s32 $_scs_section_size  }
0xa0: {  	s5 =	simm.s32 $_size__tile_overlayer_lowered;
	s6 =	simm.s32 $_tile_overlayer_lowered  }
0xa1: {  	s22 =	simm.s32 $0x1BFF;
	s21 =	sshll.u32 s6, $0x1;
	s3 =	sadd.s32 s19, s18  }
0xa2: {  	s7 =	simm.s32 $0x0;
	s20 =	sshll.u32 s5, $0x1;
	s5 =	sadd.s32 s21, s3  }
0xa3: {  	[timem:s7], [sflag:s22] =	dma.local [hbm:s5], s20  }
0xa4: {  	_ =	swait.ge [sflag:s22], s20  }
0xa5: {  	s4 =	ssub.s32 $0x0, s20;
	[sflag:s22] =	ssyncset.done $0x0  }
0xa6: {  	[sflag:s22] =	ssyncadd.s32 s4;
	_ =	sdelay $0x1  }
0xa7: {  	s23 =	simm.s32 $0x1B8B  }
0xa8: {  	_ =	swait.ge [sflag:s23], $0x1  }
0xa9: {  	[sflag:s23] =	ssyncset.done $0x0  }
0xaa: {  	s25 =	simm.s32 $0x1B8E;
	s24 =	sld [smem:$0x3FFE];
	[sflag:s23] =	ssyncadd.s32 $0xFFFFFFFF  }
0xab: {  	s26 =	simm.s32 $execute0_lowered;
	[smem:$0x3FD2] =	sst s25  }
0xac: {  	s5 =	sshll.u32 s26, $0x1;
	_ =	strace $0x80000046;
	[dreg:$0x1] =	wrdreg $0xFFFFFFFF  }
0xad: {  	s28 =	simm.s32 $_size_execute0_lowered;
	s3 =	sadd.s32 s3, s5;
	[dreg:$0x0] =	wrdreg $0x0  }
0xae: {  	s5 =	sshll.u32 s28, $0x1;
	[dreg:$0x2] =	wrdreg s3  }
0xaf: {  	[dreg:$0x3] =	wrdreg s5  }
0xb0: {  	[dreg:$0x4] =	wrdreg $0xC0  }
0xb1: {  	_ =	task [dreg:s7], $0x5FFFF  }
0xb2: {  	[dreg:$0x1] =	wrdreg $0xFFFFFFFF  }
0xb3: {  	[dreg:$0x0] =	wrdreg $0x60  }
0xb4: {  	[dreg:$0x2] =	wrdreg s24  }
0xb5: {  	[dreg:$0x3] =	wrdreg s16  }
0xb6: {  	[dreg:$0x4] =	wrdreg $0x0  }
0xb7: {  	[dreg:$0x5] =	wrdreg $0x2800  }
0xb8: {  	[dreg:$0x6] =	wrdreg $0x9  }
0xb9: {  	_ =	task.clear_ibuf [dreg:s7], $0x7FFFF;
	_ =	strace $0x90000046  }
0xba: {  	s29 =	simm.s32 $0x9;
	_ =	strace $0x80000048  }
0xbb: {  	_ =	swait.ge [sflag:s29], $0x1  }
0xbc: {  	[sflag:s29] =	ssyncadd.s32 $0xFFFFFFFF  }
0xbd: {  	_ =	strace $0x90000048  }
0xbe: {  	_ =	sfence  }
0xbf: {  	s30 =	sld [smem:$0x0];
	_ =	sdelay $0x2  }
0xc0: {  	s31 =	sshll.u32 s1, $0xD;
	s1 =	sshrl.u32 s1, $0x2  }
0xc1: {  	s3 =	sand.u32 $0x4000, s31;
	s1 =	sadd.s32 s1, s30  }
0xc2: {  	s0 =	sor.u32 s3, s0;
	s1 =	sshll.u32 s1, $0x11  }
0xc3: {  	s0 =	sor.u32 s1, s0  }
0xc4: {  	s0 =	sadd.s32 $0x8F2B, s0  }
0xc5: {  	[sflag:s0] =	ssyncadd.remote.s32 $0x1  }
0xc6: {  	_ =	sfence.sel $0xFFFF  }
0xc7: {  	[dreg:$0x0] =	wrdreg $0xFFFFFFFF;
	(pc) =	sbr.abs _section_cstart, $3  }
0xc8: {  	[dreg:$0x1] =	wrdreg $0xFFFFFFFF  }
0xc9: {  	_ =	task.clear_ibuf [dreg:s7], $0x2FFFF;
	_ =	strace $0x9FFFFFFF  }
0xca: {  	(tm) =	ssettm $0x7FFFFFFF  }
0xcb: {  	_ =	shalt  }
tec
execute0_lowered:
.L_overlay_start_1:
0x0: {  	(tag) =	ssettag $0x1  }
0x1: {  	s5 =	rddreg [dreg:$0x0]  }
0x2: {  	s11 =	rddreg [dreg:$0x1]  }
0x3: {  	s1 =	rddreg [dreg:$0x2]  }
0x4: {  	s2 =	rddreg [dreg:$0x3];
	s3 =	srdreg.scid  }
0x5: {  	s0 =	rddreg [dreg:$0x4];
	s4 =	simm.s32 $0x0;
	s15 =	simm.s32 $0x3  }
0x6: {  	s16 =	simm.s32 $0x500;
	s17 =	simm.s32 $0x2D00;
	s18 =	simm.s32 $0x80  }
0x7: {  	s19 =	simm.s32 $0x5500;
	s20 =	simm.s32 $0x1;
	s21 =	simm.s32 $0x2  }
0x8: {  	s22 =	simm.s32 $0x0;
	s6 =	sand.u32 $0x1, s3;
	[smem:$0x7FF] =	sst s4  }
0x9: {  	s3 =	stileid.u32;
	s12 =	sadd.s32 $0x2800, s5;
	s7 =	sshll.u32 s6, $0x4  }
0xa: {  	s8 =	ssub.s32 $0x2, s6;
	s9 =	smul.u32 $0x280, s3;
	_ =	strace $0x80000047  }
0xb: {  	s28 =	smul.u32 $0x5000, s6;
	s14 =	sor.u32 s3, s7;
	s26 =	sshrl.u32 s8, $0x1  }
0xc: {  	s30 =	sshll.u32 s3, $0x4;
	s10 =	smul.u32 $0x2700, s14;
	s13 =	ssub.s32 s8, s26  }
0xd: {  	s5 =	sadd.s32 s9, s1;
	s6 =	sadd.s32 s9, s2;
	s9 =	sadd.s32 s9, s28  }
0xe: {  	p0 =	sgt.u32 s14, $0x3;
	s14 =	simm.s32 $0x5580;
	s31 =	sshrl.u32 s9, $0x3  }
0xf: {  	s13 =	smax.u32 s13, $0x1;
	s29 =	sshrl.u32 s10, $0x3;
	s10 =	sadd.s32 s30, s12  }
0x10: {  	s11 =	sadd.s32 s11, s31;
	s7 =	sadd.s32 s12, s29;
	s9 =	sadd.s32 $0x9C00, s10  }
0x11: {  	v0 =	vimm.f32 $1.000000000e+00;
	v1 =	vimm.f32 $0.0e+00;
	v2 =	vimm.s32 $0x2710;
	s10 =	sadd.s32 $0x13840, s10;
	s12 =	sadd.s32 $0x500, s11;
	s8 =	sadd.s32 $0x9C40, s7  }
.LBB2_1:
0x12: {  	[tilespmem:$0x5500] =	vst v0  }
0x13: {  	[tilespmem:$0x5510] =	vst v0  }
0x14: {  	[tilespmem:$0x5520] =	vst v0  }
0x15: {  	[tilespmem:$0x5530] =	vst v0  }
0x16: {  	[tilespmem:$0x5540] =	vst v0  }
0x17: {  	[tilespmem:$0x5550] =	vst v0  }
0x18: {  	[tilespmem:$0x5560] =	vst v0  }
0x19: {  	[tilespmem:$0x5570] =	vst v0  }
0x1a: {  	[tilespmem:$0x5580] =	vst v1  }
0x1b: {  	[tilespmem:$0x5590] =	vst v1  }
0x1c: {  	[tilespmem:$0x55A0] =	vst v1  }
0x1d: {  	[tilespmem:$0x55B0] =	vst v1  }
0x1e: {  	[tilespmem:$0x55C0] =	vst v1  }
0x1f: {  	[tilespmem:$0x55D0] =	vst v1  }
0x20: {  	[tilespmem:$0x55E0] =	vst v1  }
0x21: {  	[tilespmem:$0x55F0] =	vst v1  }
0x22: {  	[tilespmem:$0x5600] =	vst v1  }
0x23: {  	[tilespmem:$0x5610] =	vst v1  }
0x24: {  	[tilespmem:$0x5620] =	vst v1  }
0x25: {  	[tilespmem:$0x5630] =	vst v1  }
0x26: {  	[tilespmem:$0x5640] =	vst v1  }
0x27: {  	[tilespmem:$0x5650] =	vst v1  }
0x28: {  	[tilespmem:$0x5660] =	vst v1  }
0x29: {  	[tilespmem:$0x5670] =	vst v1  }
0x2a: {  	[tilespmem:$0x5680] =	vst v1  }
0x2b: {  	[tilespmem:$0x5690] =	vst v1  }
0x2c: {  	[tilespmem:$0x56A0] =	vst v1  }
0x2d: {  	[tilespmem:$0x56B0] =	vst v1  }
0x2e: {  	[tilespmem:$0x56C0] =	vst v1  }
0x2f: {  	[tilespmem:$0x56D0] =	vst v1  }
0x30: {  	[tilespmem:$0x56E0] =	vst v1  }
0x31: {  	[tilespmem:$0x56F0] =	vst v1  }
0x32: {  	[tilespmem:$0x5700] =	vst v1  }
0x33: {  	[tilespmem:$0x5710] =	vst v1  }
0x34: {  	[tilespmem:$0x5720] =	vst v1  }
0x35: {  	[tilespmem:$0x5730] =	vst v1  }
0x36: {  	[tilespmem:$0x5740] =	vst v1  }
0x37: {  	[tilespmem:$0x5750] =	vst v1  }
0x38: {  	[tilespmem:$0x5760] =	vst v1  }
0x39: {  	[tilespmem:$0x5770] =	vst v1  }
0x3a: {  	[tilespmem:$0x5780] =	vst v1  }
0x3b: {  	[tilespmem:$0x5790] =	vst v1  }
0x3c: {  	[tilespmem:$0x57A0] =	vst v1  }
0x3d: {  	[tilespmem:$0x57B0] =	vst v1  }
0x3e: {  	[tilespmem:$0x57C0] =	vst v1  }
0x3f: {  	[tilespmem:$0x57D0] =	vst v1  }
0x40: {  	[tilespmem:$0x57E0] =	vst v1  }
0x41: {  	[tilespmem:$0x57F0] =	vst v1  }
0x42: {  	[spmem:s5] =	stream.linear.scatter [tilespmem:s14], [sflag:$0x3], $0x280, $0x38;
	[tilespmem:$0x5800] =	vst v63  }
0x43: {  	_ =	swait.ge [sflag:s15], $0x280  }
0x44: {  	[sflag:s15] =	ssyncset.done $0x0  }
0x45: {  	[sflag:s15] =	ssyncadd.s32 $0xFFFFFD80  }
0x46: {  	[spmem:s6] =	stream.linear.scatter [tilespmem:s14], [sflag:$0x3], $0x280, $0x38;
	[tilespmem:$0x5800] =	vst v63  }
0x47: {  	_ =	swait.ge [sflag:s15], $0x280  }
0x48: {  	[sflag:s15] =	ssyncset.done $0x0  }
0x49: {  	[sflag:s15] =	ssyncadd.s32 $0xFFFFFD80  }
0x4a: {  	[tilespmem:$0x2C00] =	vst v2  }
0x4b: {  	[tilespmem:$0x5400] =	vst v2  }
0x4c: {  	[tilespmem:$0x2C10] =	vst v2  }
0x4d: {  	[tilespmem:$0x5410] =	vst v2  }
0x4e: {  	[tilespmem:$0x2C20] =	vst v2  }
0x4f: {  	[tilespmem:$0x5420] =	vst v2  }
0x50: {  	[tilespmem:$0x2C30] =	vst v2  }
0x51: {  	[tilespmem:$0x5430] =	vst v2  }
0x52: {  	[tilespmem:$0x2C40] =	vst v2  }
0x53: {  	[tilespmem:$0x5440] =	vst v2  }
0x54: {  	[tilespmem:$0x2C50] =	vst v2  }
0x55: {  	[tilespmem:$0x5450] =	vst v2  }
0x56: {  	[tilespmem:$0x2C60] =	vst v2  }
0x57: {  	[tilespmem:$0x5460] =	vst v2  }
0x58: {  	[tilespmem:$0x2C70] =	vst v2  }
0x59: {  	[tilespmem:$0x5470] =	vst v2  }
0x5a: {  	[tilespmem:$0x2C80] =	vst v2  }
0x5b: {  	[tilespmem:$0x5480] =	vst v2  }
0x5c: {  	[tilespmem:$0x2C90] =	vst v2  }
0x5d: {  	[tilespmem:$0x5490] =	vst v2  }
0x5e: {  	[tilespmem:$0x2CA0] =	vst v2  }
0x5f: {  	[tilespmem:$0x54A0] =	vst v2  }
0x60: {  	[tilespmem:$0x2CB0] =	vst v2  }
0x61: {  	[tilespmem:$0x54B0] =	vst v2  }
0x62: {  	[tilespmem:$0x2CC0] =	vst v2  }
0x63: {  	[tilespmem:$0x54C0] =	vst v2  }
0x64: {  	[tilespmem:$0x2CD0] =	vst v2  }
0x65: {  	[tilespmem:$0x54D0] =	vst v2  }
0x66: {  	[tilespmem:$0x2CE0] =	vst v2  }
0x67: {  	[tilespmem:$0x54E0] =	vst v2  }
0x68: {  	[tilespmem:$0x2CF0] =	vst v2  }
0x69: {  	[tilespmem:$0x54F0] =	vst v2  }
0x6a: {  	[tilespmem:s16], [sflag:$0x3] =	stream.linear.gather [hbm4b:s7+s4], $0x2700, $0x38;
	[tilespmem:$0x5800] =	vst v63  }
0x6b: {  	_ =	swait.ge [sflag:s15], $0x2700  }
0x6c: {  	[sflag:s15] =	ssyncset.done $0x0  }
0x6d: {  	[sflag:s15] =	ssyncadd.s32 $0xFFFFD900  }
0x6e: {  	[tilespmem:s17], [sflag:$0x3] =	stream.linear.gather [hbm4b:s8+s4], $0x2700, $0x38;
	[tilespmem:$0x5800] =	vst v63  }
0x6f: {  	_ =	swait.ge [sflag:s15], $0x2700  }
0x70: {  	[sflag:s15] =	ssyncset.done $0x0  }
0x71: {  	s23 =	simm.s32 @!p0 $0x0;
	s24 =	simm.s32 @!p0 $0x2C00;
	[sflag:s15] =	ssyncadd.s32 $0xFFFFD900  }
0x72: {  	[tilespmem:s24], [sflag:$0x3] =	stream.linear.gather @!p0 [hbm4b:s9+s23], $0x80, $0x38;
	[tilespmem:$0x5800] =	vst v63  }
0x73: {  	s24 =	simm.s32 @!p0 $0x3  }
0x74: {  	_ =	swait.ge @!p0 [sflag:s24], $0x80  }
0x75: {  	[sflag:s24] =	ssyncset.done @!p0 $0x0  }
0x76: {  	s25 =	simm.s32 @!p0 $0x5400;
	[sflag:s24] =	ssyncadd.s32 @!p0 $0xFFFFFF80  }
0x77: {  	[tilespmem:s25], [sflag:$0x3] =	stream.linear.gather @!p0 [hbm4b:s10+s23], $0x80, $0x38;
	[tilespmem:$0x5800] =	vst v63  }
0x78: {  	_ =	swait.ge @!p0 [sflag:s24], $0x80  }
0x79: {  	[sflag:s24] =	ssyncset.done @!p0 $0x0  }
0x7a: {  	[sflag:s24] =	ssyncadd.s32 @!p0 $0xFFFFFF80  }
0x7b: {  	s23 =	simm.s32 $0x0;
	[bflag:$0x0] =	sbarrier.arrive $0xFFFF  }
.LBB2_2:
0x7c: {  	p1 =	sne.s32 s23, $0x9E00  }
.Ltmp0:
0x7d: {  	_ = 	snop;
	(pc) =	sbr.rel @p1 .LBB2_2-.Ltmp0, $4  }
0x7e: {  	_ = 	snop  }
0x7f: {  	s24 =	sshra.s32 s23, $0x2  }
0x80: {  	s23 =	sadd.s32 $0x200, s23;
	s24 =	sadd.s32 $0x500, s24  }
0x81: {  	[spmem:s1] =	stream.indirect.scatter.add.f32 [tilespmem:s19], [sflag:$0x1], $0x1, s24, s18, $0xb8;
	[tilespmem:$0x5800] =	vst v63  }
0x82: {  	s23 =	simm.s32 $0x200;
	s24 =	simm.s32 $0x2D00  }
.LBB2_4:
0x83: {  	[spmem:s2] =	stream.indirect.scatter.add.f32 [tilespmem:s19], [sflag:$0x2], $0x1, s24, s18, $0xb8;
	[tilespmem:$0x5800] =	vst v63  }
0x84: {  	s24 =	smov.u32 s23;
	p1 =	sne.s32 s23, $0x9E00  }
.Ltmp1:
0x85: {  	s23 =	sadd.s32 $0x200, s23;
	(pc) =	sbr.rel @p1 .LBB2_4-.Ltmp1, $3  }
0x86: {  	_ =	sdelay $0x1  }
0x87: {  	s24 =	sshra.s32 s24, $0x2  }
0x88: {  	s24 =	sadd.s32 $0x2D00, s24  }
0x89: {  	[spmem:s2] =	stream.indirect.scatter.add.f32 [tilespmem:s19], [sflag:$0x2], $0x1, s24, s18, $0xb8;
	[tilespmem:$0x5800] =	vst v63  }
0x8a: {  	_ =	swait.ge [sflag:s20], $0x80  }
0x8b: {  	s23 =	simm.s32 $0x4F;
	[sflag:s20] =	ssyncset.done $0x0  }
.LBB2_6:
0x8c: {  	p1 =	sne.s32 s23, $0x1;
	s23 =	sadd.s32 $0xFFFFFFFF, s23;
	[sflag:s20] =	ssyncadd.s32 $0xFFFFFF80  }
.Ltmp2:
0x8d: {  	(pc) =	sbr.rel @p1 .LBB2_6-.Ltmp2, $3  }
0x8e: {  	_ =	sdelay $0x1  }
0x8f: {  	_ =	swait.ge [sflag:s20], $0x80  }
0x90: {  	[sflag:s20] =	ssyncset.done $0x0  }
0x91: {  	[sflag:s20] =	ssyncadd.s32 $0xFFFFFF80  }
0x92: {  	_ =	swait.ge [sflag:s21], $0x80  }
0x93: {  	s23 =	simm.s32 $0x4F;
	[sflag:s21] =	ssyncset.done $0x0  }
.LBB2_8:
0x94: {  	p1 =	sne.s32 s23, $0x1;
	s23 =	sadd.s32 $0xFFFFFFFF, s23;
	[sflag:s21] =	ssyncadd.s32 $0xFFFFFF80  }
.Ltmp3:
0x95: {  	(pc) =	sbr.rel @p1 .LBB2_8-.Ltmp3, $3  }
0x96: {  	_ =	sdelay $0x1  }
0x97: {  	_ =	swait.ge [sflag:s21], $0x80  }
0x98: {  	[sflag:s21] =	ssyncset.done $0x0  }
0x99: {  	[sflag:s21] =	ssyncadd.s32 $0xFFFFFF80;
	s23 =	sshll.u32 s3, $0x6  }
0x9a: {  	s24 =	sshrl.u32 s5, $0x3;
	[bflag:$0x0] =	sbarrier.arrive $0xFFFF;
	s23 =	sor.u32 $0x1C03, s23  }
0x9b: {  	[hbm:s11], [sflag:s23] =	dma.local [spmem:s24], $0x50  }
0x9c: {  	s22 =	sadd.s32 $0x1, s22;
	_ =	swait.ge [sflag:s15], $0x50  }
0x9d: {  	p1 =	sne.s32 s22, s13;
	[sflag:s15] =	ssyncset.done $0x0  }
.Ltmp4:
0x9e: {  	s31 =	sshrl.u32 s6, $0x3;
	[sflag:s15] =	ssyncadd.s32 $0xFFFFFFB0;
	(pc) =	sbr.rel @p1 .LBB2_1-.Ltmp4, $4  }
0x9f: {  	[hbm:s12], [sflag:s23] =	dma.local [spmem:s31], $0x50  }
0xa0: {  	_ =	swait.ge [sflag:s15], $0x50  }
0xa1: {  	[sflag:s15] =	ssyncset.done $0x0  }
0xa2: {  	[sflag:s15] =	ssyncadd.s32 $0xFFFFFFB0  }
0xa3: {  	_ =	sfence.sel $0x180000  }
0xa4: {  	[bflag:$0x0] =	sbarrier.arrive $0xFFFF  }
0xa5: {  	p0 =	sne.s32 s3, $0x0;
	_ =	strace $0x90000047  }
0xa6: {  	s0 =	sadd.s32 @!p0 $0x100000, s0;
	[bflag:$0x2] =	sbarrier.arrive $0xFFFF  }
0xa7: {  	[sflag:s0] =	ssyncadd.tile.s32 @!p0 $0x1;
	_ =	shalt  }
.Lfunc_end2:
_tile_overlayer_lowered:
.L_overlay_start_2:
0xa8: {  	(tag) =	ssettag $0x2  }
0xa9: {  	s0 =	rddreg [dreg:$0x0];
	s2 =	stileid.u32  }
0xaa: {  	s1 =	rddreg [dreg:$0x1];
	p0 =	sne.s32 s2, $0x0  }
0xab: {  	s3 =	rddreg [dreg:$0x2];
	[bflag:$0x3] =	sbarrier.arrive $0xFFFF;
	s2 =	simm.s32 @!p0 $0x1C03  }
0xac: {  	[timem:s3], [sflag:s2] =	dma.local @!p0 [hbm:s0], s1  }
0xad: {  	s0 =	simm.s32 @!p0 $0x3  }
0xae: {  	_ =	swait.ge @!p0 [sflag:s0], s1  }
0xaf: {  	s1 =	ssub.s32 @!p0 $0x0, s1;
	[sflag:s0] =	ssyncset.done @!p0 $0x0  }
0xb0: {  	[sflag:s0] =	ssyncadd.s32 @!p0 s1  }
0xb1: {  	[bflag:$0x3] =	sbarrier.arrive $0xFFFF  }
0xb2: {  	_ =	shalt  }

</sc_bundles>
